<compile_context>
chip_gen: v7x
topology: tpu7x:2x2x1
jax: 0.10.2.dev20260603
libtpu: 0.0.44.dev20260713+nightly
codegen_flags: <defaults>
</compile_context>

<pallas_src>
import functools

import jax
import jax.numpy as jnp
from jax import lax
from jax.experimental import pallas as pl
from jax.experimental.pallas import tpu as pltpu
from jax.experimental.pallas import tpu_sc as plsc

N_NODES = 10000
N_EDGES = 320000
D = 128
NUM_GRAPHS = 128

NC = 2
NS = 16
CHUNK = 40
EDGES_PER_TILE = N_EDGES // (NC * NS)
CHUNKS_PER_TILE = EDGES_PER_TILE // CHUNK
ROW_CHUNKS = N_NODES // CHUNK
NBUF = 5
_MAIN_ITERS = CHUNKS_PER_TILE // NBUF
_EPI = list(range(_MAIN_ITERS * NBUF, CHUNKS_PER_TILE))
WSTRIPE = 640


def _sc_aggregate_body(x_hbm, src_hbm, dst_hbm, out_hbm,
                       accum, srcv, dstv,
                       r0, r1, r2, r3, r4, t0, t1, t2, t3, t4,
                       g0, g1, g2, g3, g4, s0, s1, s2, s3, s4, sz):
  bufs = (r0, r1, r2, r3, r4)
  stg = (t0, t1, t2, t3, t4)
  sg = (g0, g1, g2, g3, g4)
  ss = (s0, s1, s2, s3, s4)
  c = lax.axis_index("c")
  s = lax.axis_index("s")
  wid = c * NS + s

  pltpu.sync_copy(src_hbm.at[pl.ds(wid * EDGES_PER_TILE, EDGES_PER_TILE)], srcv)
  pltpu.sync_copy(dst_hbm.at[pl.ds(wid * EDGES_PER_TILE, EDGES_PER_TILE)],
                  dstv.at[pl.ds(0, EDGES_PER_TILE)])

  def gather(k, b):
    return pltpu.async_copy(
        x_hbm.at[srcv.at[pl.ds(k * CHUNK, CHUNK)]], bufs[b], sg[b])

  def wait_gather(k, b):
    pltpu.make_async_copy(
        x_hbm.at[srcv.at[pl.ds(k * CHUNK, CHUNK)]], bufs[b], sg[b]).wait()

  def scatter(k, b):
    for j in range((CHUNK + 15) // 16):
      stg[b][0, pl.ds(j * 16, 16)] = dstv[pl.ds(k * CHUNK + j * 16, 16)]
    return pltpu.async_copy(
        bufs[b], accum.at[stg[b].at[0, pl.ds(0, CHUNK)]], ss[b], add=True)

  def wait_scatter(k, b):
    pltpu.make_async_copy(
        bufs[b], accum.at[stg[b].at[0, pl.ds(0, CHUNK)]], ss[b]).wait()

  def zrow(i, _):
    for j in range(D // 16):
      r0[i, pl.ds(j * 16, 16)] = jnp.zeros((16,), jnp.float32)
    return 0
  lax.fori_loop(0, CHUNK, zrow, 0)

  n_z = (ROW_CHUNKS + NS - 1) // NS

  def zissue(t, _):
    k = s + t * NS
    @pl.when(k < ROW_CHUNKS)
    def _():
      pltpu.async_copy(r0, accum.at[pl.ds(k * CHUNK, CHUNK)], sz)
    return 0
  lax.fori_loop(0, n_z, zissue, 0)

  def zwait(t, _):
    k = s + t * NS
    @pl.when(k < ROW_CHUNKS)
    def _():
      pltpu.make_async_copy(r0, accum.at[pl.ds(k * CHUNK, CHUNK)], sz).wait()
    return 0
  lax.fori_loop(0, n_z, zwait, 0)
  plsc.subcore_barrier()

  GL = NBUF - 2
  for b in range(GL):
    gather(b, b)

  def step(k, b):
    b2 = (b + GL) % NBUF
    @pl.when(k >= NBUF - GL)
    def _():
      wait_scatter(k - (NBUF - GL), b2)
    @pl.when(k + GL < CHUNKS_PER_TILE)
    def _():
      gather(k + GL, b2)
    wait_gather(k, b)
    scatter(k, b)

  def body(t, _):
    for b in range(NBUF):
      step(t * NBUF + b, b)
    return 0
  lax.fori_loop(0, _MAIN_ITERS, body, 0)

  for k in _EPI:
    step(k, k % NBUF)
  for k in range(CHUNKS_PER_TILE - (NBUF - GL), CHUNKS_PER_TILE):
    wait_scatter(k, k % NBUF)
  plsc.subcore_barrier()

  w0 = s * WSTRIPE
  @pl.when(s < NS - 1)
  def _():
    pltpu.sync_copy(accum.at[pl.ds(w0, WSTRIPE)],
                    out_hbm.at[pl.ds(c * N_NODES + w0, WSTRIPE)])
  @pl.when(s == NS - 1)
  def _():
    tail0 = (NS - 1) * WSTRIPE
    tail = N_NODES - tail0
    pltpu.sync_copy(accum.at[pl.ds(tail0, tail)],
                    out_hbm.at[pl.ds(c * N_NODES + tail0, tail)])


@functools.cache
def _sc_aggregate():
  return pl.kernel(
      _sc_aggregate_body,
      out_type=jax.ShapeDtypeStruct((NC * N_NODES, D), jnp.float32),
      mesh=plsc.VectorSubcoreMesh(core_axis_name="c", subcore_axis_name="s",
                                  num_cores=NC, num_subcores=NS),
      scratch_types=(
          [pltpu.VMEM_SHARED((N_NODES, D), jnp.float32),
           pltpu.VMEM((EDGES_PER_TILE,), jnp.int32),
           pltpu.VMEM((EDGES_PER_TILE + 16,), jnp.int32)]
          + [pltpu.VMEM((CHUNK, D), jnp.float32)] * NBUF
          + [pltpu.VMEM((1, 128), jnp.int32)] * NBUF
          + [pltpu.SemaphoreType.DMA] * (2 * NBUF + 1)
      ),
  )


def _mlp_tc_body(x_ref, parts_ref, w1_ref, b1_ref, g_ref, be_ref,
                 w2_ref, b2_ref, o_ref):
  h0 = x_ref[...] + parts_ref[0:N_NODES, :] + parts_ref[N_NODES:2 * N_NODES, :]
  h = jnp.dot(h0, w1_ref[...], preferred_element_type=jnp.float32) + b1_ref[...]
  mean = jnp.mean(h, axis=0, keepdims=True)
  var = jnp.mean((h - mean) * (h - mean), axis=0, keepdims=True)
  hn = (h - mean) * lax.rsqrt(var + 1e-5) * g_ref[...] + be_ref[...]
  hr = jnp.maximum(hn, 0.0)
  h2 = jnp.dot(hr, w2_ref[...], preferred_element_type=jnp.float32) + b2_ref[...]
  o_ref[...] = jnp.maximum(h2, 0.0)


def _mlp_tc(x, parts, p):
  return pl.pallas_call(
      _mlp_tc_body,
      out_shape=jax.ShapeDtypeStruct((N_NODES, D), jnp.float32),
  )(x, parts,
    p['W1'], p['b1'].reshape(1, D), p['gamma'].reshape(1, D),
    p['beta'].reshape(1, D), p['W2'], p['b2'].reshape(1, D))


def _mlp_head_tc_body(x_ref, parts_ref, w1_ref, b1_ref, g_ref, be_ref,
                      w2_ref, b2_ref, batch_ref, hw1_ref, hb1_ref,
                      hw2_ref, hb2_ref, o_ref):
  h0 = x_ref[...] + parts_ref[0:N_NODES, :] + parts_ref[N_NODES:2 * N_NODES, :]
  h = jnp.dot(h0, w1_ref[...], preferred_element_type=jnp.float32) + b1_ref[...]
  mean = jnp.mean(h, axis=0, keepdims=True)
  var = jnp.mean((h - mean) * (h - mean), axis=0, keepdims=True)
  hn = (h - mean) * lax.rsqrt(var + 1e-5) * g_ref[...] + be_ref[...]
  hr = jnp.maximum(hn, 0.0)
  h2 = jnp.dot(hr, w2_ref[...], preferred_element_type=jnp.float32) + b2_ref[...]
  x3 = jnp.maximum(h2, 0.0)
  onehot = (batch_ref[...] == lax.broadcasted_iota(jnp.int32, (1, NUM_GRAPHS), 1)
            ).astype(jnp.float32)
  pooled = lax.dot_general(onehot, x3, (((0,), (0,)), ((), ())),
                           preferred_element_type=jnp.float32)
  hh = jnp.maximum(
      jnp.dot(pooled, hw1_ref[...], preferred_element_type=jnp.float32)
      + hb1_ref[...], 0.0)
  logits = (jnp.dot(hh, hw2_ref[...], preferred_element_type=jnp.float32)
            + hb2_ref[...])
  m = jnp.max(logits, axis=1, keepdims=True)
  e = jnp.exp(logits - m)
  o_ref[...] = e / jnp.sum(e, axis=1, keepdims=True)


def _mlp_head_tc(x, parts, p, batch, hp):
  out_dim = hp['b2'].shape[0]
  return pl.pallas_call(
      _mlp_head_tc_body,
      out_shape=jax.ShapeDtypeStruct((NUM_GRAPHS, out_dim), jnp.float32),
  )(x, parts,
    p['W1'], p['b1'].reshape(1, D), p['gamma'].reshape(1, D),
    p['beta'].reshape(1, D), p['W2'], p['b2'].reshape(1, D),
    batch.reshape(N_NODES, 1), hp['W1'], hp['b1'].reshape(1, D),
    hp['W2'], hp['b2'].reshape(1, out_dim))


def kernel(x, edge_index, batch, params):
  src = edge_index[0]
  dst = edge_index[1]
  for l in range(2):
    parts = _sc_aggregate()(x, src, dst)
    x = _mlp_tc(x, parts, params['conv%d' % l])
  parts = _sc_aggregate()(x, src, dst)
  return _mlp_head_tc(x, parts, params['conv2'], batch, params['head'])

# --- scband reference (transcript-rebuilt; emitter-appended) ---
"""Pipeline reference for scband-ginconv-classifier-26302379720855 (READ-ONLY COPY).

The authoritative reference and input builder live on the scoring server;
editing this copy changes nothing except your own understanding.
"""

import jax, jax.numpy as jnp
import numpy as np

N_NODES = 10000
N_EDGES = 320000
D_IN = 128
HIDDEN = 128
OUT = 2
NUM_LAYERS = 3
NUM_GRAPHS = 128


def setup_inputs(seed: int = 0) -> dict:
    key = jax.random.key(seed)
    ks = jax.random.split(key, 32)
    x = jax.random.normal(ks[0], (N_NODES, D_IN), dtype=jnp.float32)
    edge_index = jax.random.randint(ks[1], (2, N_EDGES), 0, N_NODES, dtype=jnp.int64 if jax.config.jax_enable_x64 else jnp.int32).astype(jnp.int32)
    batch = jnp.sort(jax.random.randint(ks[2], (N_NODES,), 0, NUM_GRAPHS, dtype=jnp.int32))
    params = {}
    in_ch = D_IN
    ki = 3
    for l in range(NUM_LAYERS):
        params['conv%d' % l] = {
            'W1': jax.random.normal(ks[ki + 0], (in_ch, HIDDEN), dtype=jnp.float32) * (1.0 / np.sqrt(in_ch)),
            'b1': jnp.zeros((HIDDEN,), dtype=jnp.float32),
            'gamma': jnp.ones((HIDDEN,), dtype=jnp.float32),
            'beta': jnp.zeros((HIDDEN,), dtype=jnp.float32),
            'W2': jax.random.normal(ks[ki + 1], (HIDDEN, HIDDEN), dtype=jnp.float32) * (1.0 / np.sqrt(HIDDEN)),
            'b2': jnp.zeros((HIDDEN,), dtype=jnp.float32),
        }
        in_ch = HIDDEN
        ki += 2
    params['head'] = {
        'W1': jax.random.normal(ks[ki + 0], (HIDDEN, HIDDEN), dtype=jnp.float32) * (1.0 / np.sqrt(HIDDEN)),
        'b1': jnp.zeros((HIDDEN,), dtype=jnp.float32),
        'W2': jax.random.normal(ks[ki + 1], (HIDDEN, OUT), dtype=jnp.float32) * (1.0 / np.sqrt(HIDDEN)),
        'b2': jnp.zeros((OUT,), dtype=jnp.float32),
    }
    return {'x': x, 'edge_index': edge_index, 'batch': batch, 'params': params}


def _mlp_bn(h, p):
    # PyG MLP([in, h, h]) default: Linear -> BatchNorm -> ReLU -> Linear (plain_last=True)
    h = h @ p['W1'] + p['b1']
    mean = jnp.mean(h, axis=0, keepdims=True)
    var = jnp.var(h, axis=0, keepdims=True)
    h = (h - mean) / jnp.sqrt(var + 1e-5)
    h = h * p['gamma'] + p['beta']
    h = jax.nn.relu(h)
    return h @ p['W2'] + p['b2']


def reference(x, edge_index, batch, params):
    src = edge_index[0]
    dst = edge_index[1]
    for l in range(NUM_LAYERS):
        p = params['conv%d' % l]
        # GINConv, train_eps=False (eps = 0): out = MLP((1+eps)*x + sum_{j->i} x_j)
        aggr = jax.ops.segment_sum(x[src], dst, num_segments=N_NODES)
        x = _mlp_bn(x + aggr, p)
        x = jax.nn.relu(x)
    # global_add_pool
    g = jax.ops.segment_sum(x, batch, num_segments=NUM_GRAPHS)
    # MLP([h, h, out], norm=None, dropout=0.5) -> eval mode: Linear -> ReLU -> (Dropout=id) -> Linear
    hp = params['head']
    h = jax.nn.relu(g @ hp['W1'] + hp['b1'])
    logits = h @ hp['W2'] + hp['b2']
    return jax.nn.softmax(logits, axis=1)

if __name__ == "__main__":
    import jax
    _d = setup_inputs()
    print(jax.jit(kernel)(*tuple(_d.values())))

</pallas_src>

<mosaic_0001>
#map = affine_map<(d0, d1) -> (0, 0)>
#map1 = affine_map<(d0, d1) -> (0)>
module attributes {stable_mosaic.version = 14 : i64} {
  func.func @_sc_aggregate_body(%arg0: i32, %arg1: i32, %arg2: memref<10000x128xf32, #tpu.memory_space<hbm>>, %arg3: memref<320000xi32, #tpu.memory_space<hbm>>, %arg4: memref<320000xi32, #tpu.memory_space<hbm>>, %arg5: memref<20000x128xf32, #tpu.memory_space<hbm>>, %arg6: memref<10000x128xf32, #tpu.memory_space<vmem_shared>>, %arg7: memref<10000xi32, #tpu.memory_space<vmem>>, %arg8: memref<10016xi32, #tpu.memory_space<vmem>>, %arg9: memref<40x128xf32, #tpu.memory_space<vmem>>, %arg10: memref<40x128xf32, #tpu.memory_space<vmem>>, %arg11: memref<40x128xf32, #tpu.memory_space<vmem>>, %arg12: memref<40x128xf32, #tpu.memory_space<vmem>>, %arg13: memref<40x128xf32, #tpu.memory_space<vmem>>, %arg14: memref<1x128xi32, #tpu.memory_space<vmem>>, %arg15: memref<1x128xi32, #tpu.memory_space<vmem>>, %arg16: memref<1x128xi32, #tpu.memory_space<vmem>>, %arg17: memref<1x128xi32, #tpu.memory_space<vmem>>, %arg18: memref<1x128xi32, #tpu.memory_space<vmem>>, %arg19: memref<!tpu.dma_semaphore, #tpu.memory_space<semaphore_mem>>, %arg20: memref<!tpu.dma_semaphore, #tpu.memory_space<semaphore_mem>>, %arg21: memref<!tpu.dma_semaphore, #tpu.memory_space<semaphore_mem>>, %arg22: memref<!tpu.dma_semaphore, #tpu.memory_space<semaphore_mem>>, %arg23: memref<!tpu.dma_semaphore, #tpu.memory_space<semaphore_mem>>, %arg24: memref<!tpu.dma_semaphore, #tpu.memory_space<semaphore_mem>>, %arg25: memref<!tpu.dma_semaphore, #tpu.memory_space<semaphore_mem>>, %arg26: memref<!tpu.dma_semaphore, #tpu.memory_space<semaphore_mem>>, %arg27: memref<!tpu.dma_semaphore, #tpu.memory_space<semaphore_mem>>, %arg28: memref<!tpu.dma_semaphore, #tpu.memory_space<semaphore_mem>>, %arg29: memref<!tpu.dma_semaphore, #tpu.memory_space<semaphore_mem>>) attributes {dimension_semantics = [#tpu.dimension_semantics<core_parallel>, #tpu.dimension_semantics<subcore_parallel>], iteration_bounds = array<i64: 2, 16>, scalar_prefetch = 0 : i64, scratch_operands = 24 : i64, tpu.core_type = #tpu.core_type<sc_vector_subcore>, window_params = [{transform_indices = #map}, {transform_indices = #map1}, {transform_indices = #map1}, {transform_indices = #map}]} {
    %mul3A = arith.constant 16 : i32
    %mul3A_0 = arith.muli %arg0, %mul3A : i32
    %add3A = arith.addi %mul3A_0, %arg1 : i32
    %mul3A_1 = arith.constant 10000 : i32
    %mul3A_2 = arith.muli %add3A, %mul3A_1 : i32
    "tpu.region"() ({
      %run_scoped3A = tpu.sem_alloc : memref<!tpu.dma_semaphore, #tpu.memory_space<semaphore_mem>>
      %dma_start3A_68 = tpu.memref_slice %arg3[%mul3A_2] : memref<320000xi32, #tpu.memory_space<hbm>> -> memref<10000xi32, #tpu.memory_space<hbm>>
      %dma_start3A_69 = tpu.memref_slice %arg3[%mul3A_2] : memref<320000xi32, #tpu.memory_space<hbm>> -> memref<10000xi32, #tpu.memory_space<hbm>>
      tpu.enqueue_dma source(%dma_start3A_69 : memref<10000xi32, #tpu.memory_space<hbm>>) target(%arg7 : memref<10000xi32, #tpu.memory_space<vmem>>) target_semaphore(%run_scoped3A : memref<!tpu.dma_semaphore, #tpu.memory_space<semaphore_mem>>)
      %dma_wait3A_70 = tpu.memref_slice %arg3[%mul3A_2] : memref<320000xi32, #tpu.memory_space<hbm>> -> memref<10000xi32, #tpu.memory_space<hbm>>
      %dma_wait3A_71 = tpu.memref_slice %arg3[%mul3A_2] : memref<320000xi32, #tpu.memory_space<hbm>> -> memref<10000xi32, #tpu.memory_space<hbm>>
      tpu.wait_dma2 semaphore(%run_scoped3A : memref<!tpu.dma_semaphore, #tpu.memory_space<semaphore_mem>>) src(%dma_wait3A_71 : memref<10000xi32, #tpu.memory_space<hbm>>) dst(%arg7 : memref<10000xi32, #tpu.memory_space<vmem>>)
      tpu.yield
    }) : () -> ()
    %mul3A_3 = arith.constant 10000 : i32
    %mul3A_4 = arith.muli %add3A, %mul3A_3 : i32
    "tpu.region"() ({
      %run_scoped3A = tpu.sem_alloc : memref<!tpu.dma_semaphore, #tpu.memory_space<semaphore_mem>>
      %dma_start3A_68 = arith.constant 0 : i32
      %dma_start3A_69 = tpu.memref_slice %arg8[%dma_start3A_68] : memref<10016xi32, #tpu.memory_space<vmem>> -> memref<10000xi32, #tpu.memory_space<vmem>>
      %dma_start3A_70 = tpu.memref_slice %arg4[%mul3A_4] : memref<320000xi32, #tpu.memory_space<hbm>> -> memref<10000xi32, #tpu.memory_space<hbm>>
      %dma_start3A_71 = arith.constant 0 : i32
      %dma_start3A_72 = tpu.memref_slice %arg8[%dma_start3A_71] : memref<10016xi32, #tpu.memory_space<vmem>> -> memref<10000xi32, #tpu.memory_space<vmem>>
      %dma_start3A_73 = tpu.memref_slice %arg4[%mul3A_4] : memref<320000xi32, #tpu.memory_space<hbm>> -> memref<10000xi32, #tpu.memory_space<hbm>>
      tpu.enqueue_dma source(%dma_start3A_73 : memref<10000xi32, #tpu.memory_space<hbm>>) target(%dma_start3A_72 : memref<10000xi32, #tpu.memory_space<vmem>>) target_semaphore(%run_scoped3A : memref<!tpu.dma_semaphore, #tpu.memory_space<semaphore_mem>>)
      %dma_wait3A_74 = arith.constant 0 : i32
      %dma_wait3A_75 = tpu.memref_slice %arg8[%dma_wait3A_74] : memref<10016xi32, #tpu.memory_space<vmem>> -> memref<10000xi32, #tpu.memory_space<vmem>>
      %dma_wait3A_76 = tpu.memref_slice %arg4[%mul3A_4] : memref<320000xi32, #tpu.memory_space<hbm>> -> memref<10000xi32, #tpu.memory_space<hbm>>
      %dma_wait3A_77 = arith.constant 0 : i32
      %dma_wait3A_78 = tpu.memref_slice %arg8[%dma_wait3A_77] : memref<10016xi32, #tpu.memory_space<vmem>> -> memref<10000xi32, #tpu.memory_space<vmem>>
      %dma_wait3A_79 = tpu.memref_slice %arg4[%mul3A_4] : memref<320000xi32, #tpu.memory_space<hbm>> -> memref<10000xi32, #tpu.memory_space<hbm>>
      tpu.wait_dma2 semaphore(%run_scoped3A : memref<!tpu.dma_semaphore, #tpu.memory_space<semaphore_mem>>) src(%dma_wait3A_79 : memref<10000xi32, #tpu.memory_space<hbm>>) dst(%dma_wait3A_78 : memref<10000xi32, #tpu.memory_space<vmem>>)
      tpu.yield
    }) : () -> ()
    %scan3A = arith.constant 0 : i32
    %scan3A_5 = arith.constant 0 : i32
    %scan3A_6 = arith.constant 40 : i32
    %scan3A_7 = arith.addi %scan3A_5, %scan3A_6 : i32
    %scan3A_8 = arith.constant 1 : i32
    %scan3A_9 = scf.for %scan3A_68 = %scan3A_5 to %scan3A_7 step %scan3A_8 iter_args(%scan3A_69 = %scan3A) -> (i32)  : i32 {
      %broadcast_in_dim3A = arith.constant 0.000000e+00 : f32
      %broadcast_in_dim3A_70 = vector.broadcast %broadcast_in_dim3A : f32 to vector<16xf32>
      %swap3A = arith.index_cast %scan3A_68 : i32 to index
      %swap3A_71 = arith.constant 0 : index
      %swap3A_72 = tpu.vector_load %arg9[%swap3A, %swap3A_71] {strides = array<i32>} : memref<40x128xf32, #tpu.memory_space<vmem>>, vector<1x16xf32>,
      %swap3A_73 = vector.shape_cast %swap3A_72 : vector<1x16xf32> to vector<16xf32>
      %swap3A_74 = vector.shape_cast %broadcast_in_dim3A_70 : vector<16xf32> to vector<1x16xf32>
      tpu.vector_store %arg9[%swap3A, %swap3A_71], %swap3A_74 {strides = array<i32>} : memref<40x128xf32, #tpu.memory_space<vmem>>, vector<1x16xf32>,
      %broadcast_in_dim3A_75 = arith.constant 0.000000e+00 : f32
      %broadcast_in_dim3A_76 = vector.broadcast %broadcast_in_dim3A_75 : f32 to vector<16xf32>
      %swap3A_77 = arith.index_cast %scan3A_68 : i32 to index
      %swap3A_78 = arith.constant 16 : index
      %swap3A_79 = tpu.vector_load %arg9[%swap3A_77, %swap3A_78] {strides = array<i32>} : memref<40x128xf32, #tpu.memory_space<vmem>>, vector<1x16xf32>,
      %swap3A_80 = vector.shape_cast %swap3A_79 : vector<1x16xf32> to vector<16xf32>
      %swap3A_81 = vector.shape_cast %broadcast_in_dim3A_76 : vector<16xf32> to vector<1x16xf32>
      tpu.vector_store %arg9[%swap3A_77, %swap3A_78], %swap3A_81 {strides = array<i32>} : memref<40x128xf32, #tpu.memory_space<vmem>>, vector<1x16xf32>,
      %broadcast_in_dim3A_82 = arith.constant 0.000000e+00 : f32
      %broadcast_in_dim3A_83 = vector.broadcast %broadcast_in_dim3A_82 : f32 to vector<16xf32>
      %swap3A_84 = arith.index_cast %scan3A_68 : i32 to index
      %swap3A_85 = arith.constant 32 : index
      %swap3A_86 = tpu.vector_load %arg9[%swap3A_84, %swap3A_85] {strides = array<i32>} : memref<40x128xf32, #tpu.memory_space<vmem>>, vector<1x16xf32>,
      %swap3A_87 = vector.shape_cast %swap3A_86 : vector<1x16xf32> to vector<16xf32>
      %swap3A_88 = vector.shape_cast %broadcast_in_dim3A_83 : vector<16xf32> to vector<1x16xf32>
      tpu.vector_store %arg9[%swap3A_84, %swap3A_85], %swap3A_88 {strides = array<i32>} : memref<40x128xf32, #tpu.memory_space<vmem>>, vector<1x16xf32>,
      %broadcast_in_dim3A_89 = arith.constant 0.000000e+00 : f32
      %broadcast_in_dim3A_90 = vector.broadcast %broadcast_in_dim3A_89 : f32 to vector<16xf32>
      %swap3A_91 = arith.index_cast %scan3A_68 : i32 to index
      %swap3A_92 = arith.constant 48 : index
      %swap3A_93 = tpu.vector_load %arg9[%swap3A_91, %swap3A_92] {strides = array<i32>} : memref<40x128xf32, #tpu.memory_space<vmem>>, vector<1x16xf32>,
      %swap3A_94 = vector.shape_cast %swap3A_93 : vector<1x16xf32> to vector<16xf32>
      %swap3A_95 = vector.shape_cast %broadcast_in_dim3A_90 : vector<16xf32> to vector<1x16xf32>
      tpu.vector_store %arg9[%swap3A_91, %swap3A_92], %swap3A_95 {strides = array<i32>} : memref<40x128xf32, #tpu.memory_space<vmem>>, vector<1x16xf32>,
      %broadcast_in_dim3A_96 = arith.constant 0.000000e+00 : f32
      %broadcast_in_dim3A_97 = vector.broadcast %broadcast_in_dim3A_96 : f32 to vector<16xf32>
      %swap3A_98 = arith.index_cast %scan3A_68 : i32 to index
      %swap3A_99 = arith.constant 64 : index
      %swap3A_100 = tpu.vector_load %arg9[%swap3A_98, %swap3A_99] {strides = array<i32>} : memref<40x128xf32, #tpu.memory_space<vmem>>, vector<1x16xf32>,
      %swap3A_101 = vector.shape_cast %swap3A_100 : vector<1x16xf32> to vector<16xf32>
      %swap3A_102 = vector.shape_cast %broadcast_in_dim3A_97 : vector<16xf32> to vector<1x16xf32>
      tpu.vector_store %arg9[%swap3A_98, %swap3A_99], %swap3A_102 {strides = array<i32>} : memref<40x128xf32, #tpu.memory_space<vmem>>, vector<1x16xf32>,
      %broadcast_in_dim3A_103 = arith.constant 0.000000e+00 : f32
      %broadcast_in_dim3A_104 = vector.broadcast %broadcast_in_dim3A_103 : f32 to vector<16xf32>
      %swap3A_105 = arith.index_cast %scan3A_68 : i32 to index
      %swap3A_106 = arith.constant 80 : index
      %swap3A_107 = tpu.vector_load %arg9[%swap3A_105, %swap3A_106] {strides = array<i32>} : memref<40x128xf32, #tpu.memory_space<vmem>>, vector<1x16xf32>,
      %swap3A_108 = vector.shape_cast %swap3A_107 : vector<1x16xf32> to vector<16xf32>
      %swap3A_109 = vector.shape_cast %broadcast_in_dim3A_104 : vector<16xf32> to vector<1x16xf32>
      tpu.vector_store %arg9[%swap3A_105, %swap3A_106], %swap3A_109 {strides = array<i32>} : memref<40x128xf32, #tpu.memory_space<vmem>>, vector<1x16xf32>,
      %broadcast_in_dim3A_110 = arith.constant 0.000000e+00 : f32
      %broadcast_in_dim3A_111 = vector.broadcast %broadcast_in_dim3A_110 : f32 to vector<16xf32>
      %swap3A_112 = arith.index_cast %scan3A_68 : i32 to index
      %swap3A_113 = arith.constant 96 : index
      %swap3A_114 = tpu.vector_load %arg9[%swap3A_112, %swap3A_113] {strides = array<i32>} : memref<40x128xf32, #tpu.memory_space<vmem>>, vector<1x16xf32>,
      %swap3A_115 = vector.shape_cast %swap3A_114 : vector<1x16xf32> to vector<16xf32>
      %swap3A_116 = vector.shape_cast %broadcast_in_dim3A_111 : vector<16xf32> to vector<1x16xf32>
      tpu.vector_store %arg9[%swap3A_112, %swap3A_113], %swap3A_116 {strides = array<i32>} : memref<40x128xf32, #tpu.memory_space<vmem>>, vector<1x16xf32>,
      %broadcast_in_dim3A_117 = arith.constant 0.000000e+00 : f32
      %broadcast_in_dim3A_118 = vector.broadcast %broadcast_in_dim3A_117 : f32 to vector<16xf32>
      %swap3A_119 = arith.index_cast %scan3A_68 : i32 to index
      %swap3A_120 = arith.constant 112 : index
      %swap3A_121 = tpu.vector_load %arg9[%swap3A_119, %swap3A_120] {strides = array<i32>} : memref<40x128xf32, #tpu.memory_space<vmem>>, vector<1x16xf32>,
      %swap3A_122 = vector.shape_cast %swap3A_121 : vector<1x16xf32> to vector<16xf32>
      %swap3A_123 = vector.shape_cast %broadcast_in_dim3A_118 : vector<16xf32> to vector<1x16xf32>
      tpu.vector_store %arg9[%swap3A_119, %swap3A_120], %swap3A_123 {strides = array<i32>} : memref<40x128xf32, #tpu.memory_space<vmem>>, vector<1x16xf32>,
      %scan3A_124 = arith.constant 0 : i32
      scf.yield %scan3A_124 : i32
    }
    %scan3A_10 = arith.constant 40 : i32
    %scan3A_11 = arith.constant 0 : i32
    %scan3A_12 = arith.constant 0 : i32
    %scan3A_13 = arith.constant 16 : i32
    %scan3A_14 = arith.addi %scan3A_12, %scan3A_13 : i32
    %scan3A_15 = arith.constant 1 : i32
    %scan3A_16 = scf.for %scan3A_68 = %scan3A_12 to %scan3A_14 step %scan3A_15 iter_args(%scan3A_69 = %scan3A_11) -> (i32)  : i32 {
      %mul3A_70 = arith.constant 16 : i32
      %mul3A_71 = arith.muli %scan3A_68, %mul3A_70 : i32
      %add3A_72 = arith.addi %arg1, %mul3A_71 : i32
      %lt3A_73 = arith.constant 250 : i32
      %lt3A_74 = arith.cmpi slt, %add3A_72, %lt3A_73 : i32
      %convert_element_type3A_75 = arith.extui %lt3A_74 : i1 to i32
      %cond3A_76 = arith.constant 0 : i32
      %cond3A_77 = arith.cmpi ne, %convert_element_type3A_75, %cond3A_76 : i32
      scf.if %cond3A_77 {
        %mul3A_79 = arith.constant 40 : i32
        %mul3A_80 = arith.muli %add3A_72, %mul3A_79 : i32
        %dma_start3A_81 = arith.constant 0 : i32
        %dma_start3A_82 = tpu.memref_slice %arg6[%mul3A_80, %dma_start3A_81] : memref<10000x128xf32, #tpu.memory_space<vmem_shared>> -> memref<40x128xf32, #tpu.memory_space<vmem_shared>>
        %dma_start3A_83 = arith.constant 0 : i32
        %dma_start3A_84 = tpu.memref_slice %arg6[%mul3A_80, %dma_start3A_83] : memref<10000x128xf32, #tpu.memory_space<vmem_shared>> -> memref<40x128xf32, #tpu.memory_space<vmem_shared>>
        tpu.enqueue_dma source(%arg9 : memref<40x128xf32, #tpu.memory_space<vmem>>) target(%dma_start3A_84 : memref<40x128xf32, #tpu.memory_space<vmem_shared>>) target_semaphore(%arg29 : memref<!tpu.dma_semaphore, #tpu.memory_space<semaphore_mem>>)
      } else {
      }
      %scan3A_78 = arith.constant 0 : i32
      scf.yield %scan3A_78 : i32
    }
    %scan3A_17 = arith.constant 16 : i32
    %scan3A_18 = arith.constant 0 : i32
    %scan3A_19 = arith.constant 0 : i32
    %scan3A_20 = arith.constant 16 : i32
    %scan3A_21 = arith.addi %scan3A_19, %scan3A_20 : i32
    %scan3A_22 = arith.constant 1 : i32
    %scan3A_23 = scf.for %scan3A_68 = %scan3A_19 to %scan3A_21 step %scan3A_22 iter_args(%scan3A_69 = %scan3A_18) -> (i32)  : i32 {
      %mul3A_70 = arith.constant 16 : i32
      %mul3A_71 = arith.muli %scan3A_68, %mul3A_70 : i32
      %add3A_72 = arith.addi %arg1, %mul3A_71 : i32
      %lt3A_73 = arith.constant 250 : i32
      %lt3A_74 = arith.cmpi slt, %add3A_72, %lt3A_73 : i32
      %convert_element_type3A_75 = arith.extui %lt3A_74 : i1 to i32
      %cond3A_76 = arith.constant 0 : i32
      %cond3A_77 = arith.cmpi ne, %convert_element_type3A_75, %cond3A_76 : i32
      scf.if %cond3A_77 {
        %mul3A_79 = arith.constant 40 : i32
        %mul3A_80 = arith.muli %add3A_72, %mul3A_79 : i32
        %dma_wait3A_81 = arith.constant 0 : i32
        %dma_wait3A_82 = tpu.memref_slice %arg6[%mul3A_80, %dma_wait3A_81] : memref<10000x128xf32, #tpu.memory_space<vmem_shared>> -> memref<40x128xf32, #tpu.memory_space<vmem_shared>>
        %dma_wait3A_83 = arith.constant 0 : i32
        %dma_wait3A_84 = tpu.memref_slice %arg6[%mul3A_80, %dma_wait3A_83] : memref<10000x128xf32, #tpu.memory_space<vmem_shared>> -> memref<40x128xf32, #tpu.memory_space<vmem_shared>>
        tpu.wait_dma2 semaphore(%arg29 : memref<!tpu.dma_semaphore, #tpu.memory_space<semaphore_mem>>) src(%arg9 : memref<40x128xf32, #tpu.memory_space<vmem>>) dst(%dma_wait3A_84 : memref<40x128xf32, #tpu.memory_space<vmem_shared>>)
      } else {
      }
      %scan3A_78 = arith.constant 0 : i32
      scf.yield %scan3A_78 : i32
    }
    %scan3A_24 = arith.constant 16 : i32
    %barrier3A = arith.constant 0 : index
    tpu.barrier barrier_id(%barrier3A)
    %dma_start3A = arith.constant 0 : i32
    %dma_start3A_25 = tpu.memref_slice %arg7[%dma_start3A] : memref<10000xi32, #tpu.memory_space<vmem>> -> memref<40xi32, #tpu.memory_space<vmem>>
    %dma_start3A_26 = arith.constant 0 : i32
    %dma_start3A_27 = arith.constant 0 : i32
    %dma_start3A_28 = tpu.memref_slice %arg2[%dma_start3A_26, %dma_start3A_27] : memref<10000x128xf32, #tpu.memory_space<hbm>> -> memref<10000x128xf32, #tpu.memory_space<hbm>>
    tpu.enqueue_indirect_dma source(%dma_start3A_28 : memref<10000x128xf32, #tpu.memory_space<hbm>>) target(%arg9 : memref<40x128xf32, #tpu.memory_space<vmem>>) offsets(%dma_start3A_25 : memref<40xi32, #tpu.memory_space<vmem>>) semaphore(%arg19 : memref<!tpu.dma_semaphore, #tpu.memory_space<semaphore_mem>>)
    %dma_start3A_29 = arith.constant 40 : i32
    %dma_start3A_30 = tpu.memref_slice %arg7[%dma_start3A_29] : memref<10000xi32, #tpu.memory_space<vmem>> -> memref<40xi32, #tpu.memory_space<vmem>>
    %dma_start3A_31 = arith.constant 0 : i32
    %dma_start3A_32 = arith.constant 0 : i32
    %dma_start3A_33 = tpu.memref_slice %arg2[%dma_start3A_31, %dma_start3A_32] : memref<10000x128xf32, #tpu.memory_space<hbm>> -> memref<10000x128xf32, #tpu.memory_space<hbm>>
    tpu.enqueue_indirect_dma source(%dma_start3A_33 : memref<10000x128xf32, #tpu.memory_space<hbm>>) target(%arg10 : memref<40x128xf32, #tpu.memory_space<vmem>>) offsets(%dma_start3A_30 : memref<40xi32, #tpu.memory_space<vmem>>) semaphore(%arg20 : memref<!tpu.dma_semaphore, #tpu.memory_space<semaphore_mem>>)
    %dma_start3A_34 = arith.constant 80 : i32
    %dma_start3A_35 = tpu.memref_slice %arg7[%dma_start3A_34] : memref<10000xi32, #tpu.memory_space<vmem>> -> memref<40xi32, #tpu.memory_space<vmem>>
    %dma_start3A_36 = arith.constant 0 : i32
    %dma_start3A_37 = arith.constant 0 : i32
    %dma_start3A_38 = tpu.memref_slice %arg2[%dma_start3A_36, %dma_start3A_37] : memref<10000x128xf32, #tpu.memory_space<hbm>> -> memref<10000x128xf32, #tpu.memory_space<hbm>>
    tpu.enqueue_indirect_dma source(%dma_start3A_38 : memref<10000x128xf32, #tpu.memory_space<hbm>>) target(%arg11 : memref<40x128xf32, #tpu.memory_space<vmem>>) offsets(%dma_start3A_35 : memref<40xi32, #tpu.memory_space<vmem>>) semaphore(%arg21 : memref<!tpu.dma_semaphore, #tpu.memory_space<semaphore_mem>>)
    %scan3A_39 = arith.constant 0 : i32
    %scan3A_40 = arith.constant 0 : i32
    %scan3A_41 = arith.constant 50 : i32
    %scan3A_42 = arith.addi %scan3A_40, %scan3A_41 : i32
    %scan3A_43 = arith.constant 1 : i32
    %scan3A_44 = scf.for %scan3A_68 = %scan3A_40 to %scan3A_42 step %scan3A_43 iter_args(%scan3A_69 = %scan3A_39) -> (i32)  : i32 {
      %mul3A_70 = arith.constant 5 : i32
      %mul3A_71 = arith.muli %scan3A_68, %mul3A_70 : i32
      %add3A_72 = arith.constant 0 : i32
      %add3A_73 = arith.addi %mul3A_71, %add3A_72 : i32
      %ge3A = arith.constant 2 : i32
      %ge3A_74 = arith.cmpi sge, %add3A_73, %ge3A : i32
      %convert_element_type3A_75 = arith.extui %ge3A_74 : i1 to i32
      %cond3A_76 = arith.constant 0 : i32
      %cond3A_77 = arith.cmpi ne, %convert_element_type3A_75, %cond3A_76 : i32
      scf.if %cond3A_77 {
        %sub3A = arith.constant 2 : i32
        %sub3A_408 = arith.subi %add3A_73, %sub3A : i32
        %dma_wait3A_409 = arith.constant 0 : i32
        %dma_wait3A_410 = arith.constant 0 : i32
        %dma_wait3A_411 = tpu.memref_slice %arg17[%dma_wait3A_409, %dma_wait3A_410] : memref<1x128xi32, #tpu.memory_space<vmem>> -> memref<1x40xi32, #tpu.memory_space<vmem>>
        %dma_wait3A_412 = tpu.memref_squeeze %dma_wait3A_411 : memref<1x40xi32, #tpu.memory_space<vmem>> -> memref<40xi32, #tpu.memory_space<vmem>>
        %dma_wait3A_413 = arith.constant 0 : i32
        %dma_wait3A_414 = arith.constant 0 : i32
        %dma_wait3A_415 = tpu.memref_slice %arg6[%dma_wait3A_413, %dma_wait3A_414] : memref<10000x128xf32, #tpu.memory_space<vmem_shared>> -> memref<10000x128xf32, #tpu.memory_space<vmem_shared>>
        tpu.wait_indirect_dma semaphore(%arg27 : memref<!tpu.dma_semaphore, #tpu.memory_space<semaphore_mem>>) src(%arg12 : memref<40x128xf32, #tpu.memory_space<vmem>>) dst(%dma_wait3A_415 : memref<10000x128xf32, #tpu.memory_space<vmem_shared>>)
      } else {
      }
      %add3A_78 = arith.constant 3 : i32
      %add3A_79 = arith.addi %add3A_73, %add3A_78 : i32
      %lt3A_80 = arith.constant 250 : i32
      %lt3A_81 = arith.cmpi slt, %add3A_79, %lt3A_80 : i32
      %convert_element_type3A_82 = arith.extui %lt3A_81 : i1 to i32
      %cond3A_83 = arith.constant 0 : i32
      %cond3A_84 = arith.cmpi ne, %convert_element_type3A_82, %cond3A_83 : i32
      scf.if %cond3A_84 {
        %add3A_408 = arith.constant 3 : i32
        %add3A_409 = arith.addi %add3A_73, %add3A_408 : i32
        %mul3A_410 = arith.constant 40 : i32
        %mul3A_411 = arith.muli %add3A_409, %mul3A_410 : i32
        %dma_start3A_412 = tpu.memref_slice %arg7[%mul3A_411] : memref<10000xi32, #tpu.memory_space<vmem>> -> memref<40xi32, #tpu.memory_space<vmem>>
        %dma_start3A_413 = arith.constant 0 : i32
        %dma_start3A_414 = arith.constant 0 : i32
        %dma_start3A_415 = tpu.memref_slice %arg2[%dma_start3A_413, %dma_start3A_414] : memref<10000x128xf32, #tpu.memory_space<hbm>> -> memref<10000x128xf32, #tpu.memory_space<hbm>>
        tpu.enqueue_indirect_dma source(%dma_start3A_415 : memref<10000x128xf32, #tpu.memory_space<hbm>>) target(%arg12 : memref<40x128xf32, #tpu.memory_space<vmem>>) offsets(%dma_start3A_412 : memref<40xi32, #tpu.memory_space<vmem>>) semaphore(%arg22 : memref<!tpu.dma_semaphore, #tpu.memory_space<semaphore_mem>>)
      } else {
      }
      %mul3A_85 = arith.constant 40 : i32
      %mul3A_86 = arith.muli %add3A_73, %mul3A_85 : i32
      %dma_wait3A_87 = tpu.memref_slice %arg7[%mul3A_86] : memref<10000xi32, #tpu.memory_space<vmem>> -> memref<40xi32, #tpu.memory_space<vmem>>
      %dma_wait3A_88 = arith.constant 0 : i32
      %dma_wait3A_89 = arith.constant 0 : i32
      %dma_wait3A_90 = tpu.memref_slice %arg2[%dma_wait3A_88, %dma_wait3A_89] : memref<10000x128xf32, #tpu.memory_space<hbm>> -> memref<10000x128xf32, #tpu.memory_space<hbm>>
      tpu.wait_indirect_dma semaphore(%arg19 : memref<!tpu.dma_semaphore, #tpu.memory_space<semaphore_mem>>) src(%dma_wait3A_90 : memref<10000x128xf32, #tpu.memory_space<hbm>>) dst(%arg9 : memref<40x128xf32, #tpu.memory_space<vmem>>)
      %mul3A_91 = arith.constant 40 : i32
      %mul3A_92 = arith.muli %add3A_73, %mul3A_91 : i32
      %add3A_93 = arith.constant 0 : i32
      %add3A_94 = arith.addi %mul3A_92, %add3A_93 : i32
      %get3A = arith.index_cast %add3A_94 : i32 to index
      %get3A_95 = tpu.vector_load %arg8[%get3A] {strides = array<i32>} : memref<10016xi32, #tpu.memory_space<vmem>>, vector<16xi32>,
      %get3A_96 = vector.shape_cast %get3A_95 : vector<16xi32> to vector<16xi32>
      %swap3A = arith.constant 0 : i32
      %swap3A_97 = arith.index_cast %swap3A : i32 to index
      %swap3A_98 = arith.constant 0 : index
      %swap3A_99 = tpu.vector_load %arg14[%swap3A_97, %swap3A_98] {strides = array<i32>} : memref<1x128xi32, #tpu.memory_space<vmem>>, vector<1x16xi32>,
      %swap3A_100 = vector.shape_cast %swap3A_99 : vector<1x16xi32> to vector<16xi32>
      %swap3A_101 = vector.shape_cast %get3A_96 : vector<16xi32> to vector<1x16xi32>
      tpu.vector_store %arg14[%swap3A_97, %swap3A_98], %swap3A_101 {strides = array<i32>} : memref<1x128xi32, #tpu.memory_space<vmem>>, vector<1x16xi32>,
      %mul3A_102 = arith.constant 40 : i32
      %mul3A_103 = arith.muli %add3A_73, %mul3A_102 : i32
      %add3A_104 = arith.constant 16 : i32
      %add3A_105 = arith.addi %mul3A_103, %add3A_104 : i32
      %get3A_106 = arith.index_cast %add3A_105 : i32 to index
      %get3A_107 = tpu.vector_load %arg8[%get3A_106] {strides = array<i32>} : memref<10016xi32, #tpu.memory_space<vmem>>, vector<16xi32>,
      %get3A_108 = vector.shape_cast %get3A_107 : vector<16xi32> to vector<16xi32>
      %swap3A_109 = arith.constant 0 : i32
      %swap3A_110 = arith.index_cast %swap3A_109 : i32 to index
      %swap3A_111 = arith.constant 16 : index
      %swap3A_112 = tpu.vector_load %arg14[%swap3A_110, %swap3A_111] {strides = array<i32>} : memref<1x128xi32, #tpu.memory_space<vmem>>, vector<1x16xi32>,
      %swap3A_113 = vector.shape_cast %swap3A_112 : vector<1x16xi32> to vector<16xi32>
      %swap3A_114 = vector.shape_cast %get3A_108 : vector<16xi32> to vector<1x16xi32>
      tpu.vector_store %arg14[%swap3A_110, %swap3A_111], %swap3A_114 {strides = array<i32>} : memref<1x128xi32, #tpu.memory_space<vmem>>, vector<1x16xi32>,
      %mul3A_115 = arith.constant 40 : i32
      %mul3A_116 = arith.muli %add3A_73, %mul3A_115 : i32
      %add3A_117 = arith.constant 32 : i32
      %add3A_118 = arith.addi %mul3A_116, %add3A_117 : i32
      %get3A_119 = arith.index_cast %add3A_118 : i32 to index
      %get3A_120 = tpu.vector_load %arg8[%get3A_119] {strides = array<i32>} : memref<10016xi32, #tpu.memory_space<vmem>>, vector<16xi32>,
      %get3A_121 = vector.shape_cast %get3A_120 : vector<16xi32> to vector<16xi32>
      %swap3A_122 = arith.constant 0 : i32
      %swap3A_123 = arith.index_cast %swap3A_122 : i32 to index
      %swap3A_124 = arith.constant 32 : index
      %swap3A_125 = tpu.vector_load %arg14[%swap3A_123, %swap3A_124] {strides = array<i32>} : memref<1x128xi32, #tpu.memory_space<vmem>>, vector<1x16xi32>,
      %swap3A_126 = vector.shape_cast %swap3A_125 : vector<1x16xi32> to vector<16xi32>
      %swap3A_127 = vector.shape_cast %get3A_121 : vector<16xi32> to vector<1x16xi32>
      tpu.vector_store %arg14[%swap3A_123, %swap3A_124], %swap3A_127 {strides = array<i32>} : memref<1x128xi32, #tpu.memory_space<vmem>>, vector<1x16xi32>,
      %dma_start3A_128 = arith.constant 0 : i32
      %dma_start3A_129 = arith.constant 0 : i32
      %dma_start3A_130 = tpu.memref_slice %arg14[%dma_start3A_128, %dma_start3A_129] : memref<1x128xi32, #tpu.memory_space<vmem>> -> memref<1x40xi32, #tpu.memory_space<vmem>>
      %dma_start3A_131 = tpu.memref_squeeze %dma_start3A_130 : memref<1x40xi32, #tpu.memory_space<vmem>> -> memref<40xi32, #tpu.memory_space<vmem>>
      %dma_start3A_132 = arith.constant 0 : i32
      %dma_start3A_133 = arith.constant 0 : i32
      %dma_start3A_134 = tpu.memref_slice %arg6[%dma_start3A_132, %dma_start3A_133] : memref<10000x128xf32, #tpu.memory_space<vmem_shared>> -> memref<10000x128xf32, #tpu.memory_space<vmem_shared>>
      tpu.enqueue_indirect_dma source(%arg9 : memref<40x128xf32, #tpu.memory_space<vmem>>) target(%dma_start3A_134 : memref<10000x128xf32, #tpu.memory_space<vmem_shared>>) offsets(%dma_start3A_131 : memref<40xi32, #tpu.memory_space<vmem>>) semaphore(%arg24 : memref<!tpu.dma_semaphore, #tpu.memory_space<semaphore_mem>>) {add = true}
      %mul3A_135 = arith.constant 5 : i32
      %mul3A_136 = arith.muli %scan3A_68, %mul3A_135 : i32
      %add3A_137 = arith.constant 1 : i32
      %add3A_138 = arith.addi %mul3A_136, %add3A_137 : i32
      %ge3A_139 = arith.constant 2 : i32
      %ge3A_140 = arith.cmpi sge, %add3A_138, %ge3A_139 : i32
      %convert_element_type3A_141 = arith.extui %ge3A_140 : i1 to i32
      %cond3A_142 = arith.constant 0 : i32
      %cond3A_143 = arith.cmpi ne, %convert_element_type3A_141, %cond3A_142 : i32
      scf.if %cond3A_143 {
        %sub3A = arith.constant 2 : i32
        %sub3A_408 = arith.subi %add3A_138, %sub3A : i32
        %dma_wait3A_409 = arith.constant 0 : i32
        %dma_wait3A_410 = arith.constant 0 : i32
        %dma_wait3A_411 = tpu.memref_slice %arg18[%dma_wait3A_409, %dma_wait3A_410] : memref<1x128xi32, #tpu.memory_space<vmem>> -> memref<1x40xi32, #tpu.memory_space<vmem>>
        %dma_wait3A_412 = tpu.memref_squeeze %dma_wait3A_411 : memref<1x40xi32, #tpu.memory_space<vmem>> -> memref<40xi32, #tpu.memory_space<vmem>>
        %dma_wait3A_413 = arith.constant 0 : i32
        %dma_wait3A_414 = arith.constant 0 : i32
        %dma_wait3A_415 = tpu.memref_slice %arg6[%dma_wait3A_413, %dma_wait3A_414] : memref<10000x128xf32, #tpu.memory_space<vmem_shared>> -> memref<10000x128xf32, #tpu.memory_space<vmem_shared>>
        tpu.wait_indirect_dma semaphore(%arg28 : memref<!tpu.dma_semaphore, #tpu.memory_space<semaphore_mem>>) src(%arg13 : memref<40x128xf32, #tpu.memory_space<vmem>>) dst(%dma_wait3A_415 : memref<10000x128xf32, #tpu.memory_space<vmem_shared>>)
      } else {
      }
      %add3A_144 = arith.constant 3 : i32
      %add3A_145 = arith.addi %add3A_138, %add3A_144 : i32
      %lt3A_146 = arith.constant 250 : i32
      %lt3A_147 = arith.cmpi slt, %add3A_145, %lt3A_146 : i32
      %convert_element_type3A_148 = arith.extui %lt3A_147 : i1 to i32
      %cond3A_149 = arith.constant 0 : i32
      %cond3A_150 = arith.cmpi ne, %convert_element_type3A_148, %cond3A_149 : i32
      scf.if %cond3A_150 {
        %add3A_408 = arith.constant 3 : i32
        %add3A_409 = arith.addi %add3A_138, %add3A_408 : i32
        %mul3A_410 = arith.constant 40 : i32
        %mul3A_411 = arith.muli %add3A_409, %mul3A_410 : i32
        %dma_start3A_412 = tpu.memref_slice %arg7[%mul3A_411] : memref<10000xi32, #tpu.memory_space<vmem>> -> memref<40xi32, #tpu.memory_space<vmem>>
        %dma_start3A_413 = arith.constant 0 : i32
        %dma_start3A_414 = arith.constant 0 : i32
        %dma_start3A_415 = tpu.memref_slice %arg2[%dma_start3A_413, %dma_start3A_414] : memref<10000x128xf32, #tpu.memory_space<hbm>> -> memref<10000x128xf32, #tpu.memory_space<hbm>>
        tpu.enqueue_indirect_dma source(%dma_start3A_415 : memref<10000x128xf32, #tpu.memory_space<hbm>>) target(%arg13 : memref<40x128xf32, #tpu.memory_space<vmem>>) offsets(%dma_start3A_412 : memref<40xi32, #tpu.memory_space<vmem>>) semaphore(%arg23 : memref<!tpu.dma_semaphore, #tpu.memory_space<semaphore_mem>>)
      } else {
      }
      %mul3A_151 = arith.constant 40 : i32
      %mul3A_152 = arith.muli %add3A_138, %mul3A_151 : i32
      %dma_wait3A_153 = tpu.memref_slice %arg7[%mul3A_152] : memref<10000xi32, #tpu.memory_space<vmem>> -> memref<40xi32, #tpu.memory_space<vmem>>
      %dma_wait3A_154 = arith.constant 0 : i32
      %dma_wait3A_155 = arith.constant 0 : i32
      %dma_wait3A_156 = tpu.memref_slice %arg2[%dma_wait3A_154, %dma_wait3A_155] : memref<10000x128xf32, #tpu.memory_space<hbm>> -> memref<10000x128xf32, #tpu.memory_space<hbm>>
      tpu.wait_indirect_dma semaphore(%arg20 : memref<!tpu.dma_semaphore, #tpu.memory_space<semaphore_mem>>) src(%dma_wait3A_156 : memref<10000x128xf32, #tpu.memory_space<hbm>>) dst(%arg10 : memref<40x128xf32, #tpu.memory_space<vmem>>)
      %mul3A_157 = arith.constant 40 : i32
      %mul3A_158 = arith.muli %add3A_138, %mul3A_157 : i32
      %add3A_159 = arith.constant 0 : i32
      %add3A_160 = arith.addi %mul3A_158, %add3A_159 : i32
      %get3A_161 = arith.index_cast %add3A_160 : i32 to index
      %get3A_162 = tpu.vector_load %arg8[%get3A_161] {strides = array<i32>} : memref<10016xi32, #tpu.memory_space<vmem>>, vector<16xi32>,
      %get3A_163 = vector.shape_cast %get3A_162 : vector<16xi32> to vector<16xi32>
      %swap3A_164 = arith.constant 0 : i32
      %swap3A_165 = arith.index_cast %swap3A_164 : i32 to index
      %swap3A_166 = arith.constant 0 : index
      %swap3A_167 = tpu.vector_load %arg15[%swap3A_165, %swap3A_166] {strides = array<i32>} : memref<1x128xi32, #tpu.memory_space<vmem>>, vector<1x16xi32>,
      %swap3A_168 = vector.shape_cast %swap3A_167 : vector<1x16xi32> to vector<16xi32>
      %swap3A_169 = vector.shape_cast %get3A_163 : vector<16xi32> to vector<1x16xi32>
      tpu.vector_store %arg15[%swap3A_165, %swap3A_166], %swap3A_169 {strides = array<i32>} : memref<1x128xi32, #tpu.memory_space<vmem>>, vector<1x16xi32>,
      %mul3A_170 = arith.constant 40 : i32
      %mul3A_171 = arith.muli %add3A_138, %mul3A_170 : i32
      %add3A_172 = arith.constant 16 : i32
      %add3A_173 = arith.addi %mul3A_171, %add3A_172 : i32
      %get3A_174 = arith.index_cast %add3A_173 : i32 to index
      %get3A_175 = tpu.vector_load %arg8[%get3A_174] {strides = array<i32>} : memref<10016xi32, #tpu.memory_space<vmem>>, vector<16xi32>,
      %get3A_176 = vector.shape_cast %get3A_175 : vector<16xi32> to vector<16xi32>
      %swap3A_177 = arith.constant 0 : i32
      %swap3A_178 = arith.index_cast %swap3A_177 : i32 to index
      %swap3A_179 = arith.constant 16 : index
      %swap3A_180 = tpu.vector_load %arg15[%swap3A_178, %swap3A_179] {strides = array<i32>} : memref<1x128xi32, #tpu.memory_space<vmem>>, vector<1x16xi32>,
      %swap3A_181 = vector.shape_cast %swap3A_180 : vector<1x16xi32> to vector<16xi32>
      %swap3A_182 = vector.shape_cast %get3A_176 : vector<16xi32> to vector<1x16xi32>
      tpu.vector_store %arg15[%swap3A_178, %swap3A_179], %swap3A_182 {strides = array<i32>} : memref<1x128xi32, #tpu.memory_space<vmem>>, vector<1x16xi32>,
      %mul3A_183 = arith.constant 40 : i32
      %mul3A_184 = arith.muli %add3A_138, %mul3A_183 : i32
      %add3A_185 = arith.constant 32 : i32
      %add3A_186 = arith.addi %mul3A_184, %add3A_185 : i32
      %get3A_187 = arith.index_cast %add3A_186 : i32 to index
      %get3A_188 = tpu.vector_load %arg8[%get3A_187] {strides = array<i32>} : memref<10016xi32, #tpu.memory_space<vmem>>, vector<16xi32>,
      %get3A_189 = vector.shape_cast %get3A_188 : vector<16xi32> to vector<16xi32>
      %swap3A_190 = arith.constant 0 : i32
      %swap3A_191 = arith.index_cast %swap3A_190 : i32 to index
      %swap3A_192 = arith.constant 32 : index
      %swap3A_193 = tpu.vector_load %arg15[%swap3A_191, %swap3A_192] {strides = array<i32>} : memref<1x128xi32, #tpu.memory_space<vmem>>, vector<1x16xi32>,
      %swap3A_194 = vector.shape_cast %swap3A_193 : vector<1x16xi32> to vector<16xi32>
      %swap3A_195 = vector.shape_cast %get3A_189 : vector<16xi32> to vector<1x16xi32>
      tpu.vector_store %arg15[%swap3A_191, %swap3A_192], %swap3A_195 {strides = array<i32>} : memref<1x128xi32, #tpu.memory_space<vmem>>, vector<1x16xi32>,
      %dma_start3A_196 = arith.constant 0 : i32
      %dma_start3A_197 = arith.constant 0 : i32
      %dma_start3A_198 = tpu.memref_slice %arg15[%dma_start3A_196, %dma_start3A_197] : memref<1x128xi32, #tpu.memory_space<vmem>> -> memref<1x40xi32, #tpu.memory_space<vmem>>
      %dma_start3A_199 = tpu.memref_squeeze %dma_start3A_198 : memref<1x40xi32, #tpu.memory_space<vmem>> -> memref<40xi32, #tpu.memory_space<vmem>>
      %dma_start3A_200 = arith.constant 0 : i32
      %dma_start3A_201 = arith.constant 0 : i32
      %dma_start3A_202 = tpu.memref_slice %arg6[%dma_start3A_200, %dma_start3A_201] : memref<10000x128xf32, #tpu.memory_space<vmem_shared>> -> memref<10000x128xf32, #tpu.memory_space<vmem_shared>>
      tpu.enqueue_indirect_dma source(%arg10 : memref<40x128xf32, #tpu.memory_space<vmem>>) target(%dma_start3A_202 : memref<10000x128xf32, #tpu.memory_space<vmem_shared>>) offsets(%dma_start3A_199 : memref<40xi32, #tpu.memory_space<vmem>>) semaphore(%arg25 : memref<!tpu.dma_semaphore, #tpu.memory_space<semaphore_mem>>) {add = true}
      %mul3A_203 = arith.constant 5 : i32
      %mul3A_204 = arith.muli %scan3A_68, %mul3A_203 : i32
      %add3A_205 = arith.constant 2 : i32
      %add3A_206 = arith.addi %mul3A_204, %add3A_205 : i32
      %ge3A_207 = arith.constant 2 : i32
      %ge3A_208 = arith.cmpi sge, %add3A_206, %ge3A_207 : i32
      %convert_element_type3A_209 = arith.extui %ge3A_208 : i1 to i32
      %cond3A_210 = arith.constant 0 : i32
      %cond3A_211 = arith.cmpi ne, %convert_element_type3A_209, %cond3A_210 : i32
      scf.if %cond3A_211 {
        %sub3A = arith.constant 2 : i32
        %sub3A_408 = arith.subi %add3A_206, %sub3A : i32
        %dma_wait3A_409 = arith.constant 0 : i32
        %dma_wait3A_410 = arith.constant 0 : i32
        %dma_wait3A_411 = tpu.memref_slice %arg14[%dma_wait3A_409, %dma_wait3A_410] : memref<1x128xi32, #tpu.memory_space<vmem>> -> memref<1x40xi32, #tpu.memory_space<vmem>>
        %dma_wait3A_412 = tpu.memref_squeeze %dma_wait3A_411 : memref<1x40xi32, #tpu.memory_space<vmem>> -> memref<40xi32, #tpu.memory_space<vmem>>
        %dma_wait3A_413 = arith.constant 0 : i32
        %dma_wait3A_414 = arith.constant 0 : i32
        %dma_wait3A_415 = tpu.memref_slice %arg6[%dma_wait3A_413, %dma_wait3A_414] : memref<10000x128xf32, #tpu.memory_space<vmem_shared>> -> memref<10000x128xf32, #tpu.memory_space<vmem_shared>>
        tpu.wait_indirect_dma semaphore(%arg24 : memref<!tpu.dma_semaphore, #tpu.memory_space<semaphore_mem>>) src(%arg9 : memref<40x128xf32, #tpu.memory_space<vmem>>) dst(%dma_wait3A_415 : memref<10000x128xf32, #tpu.memory_space<vmem_shared>>)
      } else {
      }
      %add3A_212 = arith.constant 3 : i32
      %add3A_213 = arith.addi %add3A_206, %add3A_212 : i32
      %lt3A_214 = arith.constant 250 : i32
      %lt3A_215 = arith.cmpi slt, %add3A_213, %lt3A_214 : i32
      %convert_element_type3A_216 = arith.extui %lt3A_215 : i1 to i32
      %cond3A_217 = arith.constant 0 : i32
      %cond3A_218 = arith.cmpi ne, %convert_element_type3A_216, %cond3A_217 : i32
      scf.if %cond3A_218 {
        %add3A_408 = arith.constant 3 : i32
        %add3A_409 = arith.addi %add3A_206, %add3A_408 : i32
        %mul3A_410 = arith.constant 40 : i32
        %mul3A_411 = arith.muli %add3A_409, %mul3A_410 : i32
        %dma_start3A_412 = tpu.memref_slice %arg7[%mul3A_411] : memref<10000xi32, #tpu.memory_space<vmem>> -> memref<40xi32, #tpu.memory_space<vmem>>
        %dma_start3A_413 = arith.constant 0 : i32
        %dma_start3A_414 = arith.constant 0 : i32
        %dma_start3A_415 = tpu.memref_slice %arg2[%dma_start3A_413, %dma_start3A_414] : memref<10000x128xf32, #tpu.memory_space<hbm>> -> memref<10000x128xf32, #tpu.memory_space<hbm>>
        tpu.enqueue_indirect_dma source(%dma_start3A_415 : memref<10000x128xf32, #tpu.memory_space<hbm>>) target(%arg9 : memref<40x128xf32, #tpu.memory_space<vmem>>) offsets(%dma_start3A_412 : memref<40xi32, #tpu.memory_space<vmem>>) semaphore(%arg19 : memref<!tpu.dma_semaphore, #tpu.memory_space<semaphore_mem>>)
      } else {
      }
      %mul3A_219 = arith.constant 40 : i32
      %mul3A_220 = arith.muli %add3A_206, %mul3A_219 : i32
      %dma_wait3A_221 = tpu.memref_slice %arg7[%mul3A_220] : memref<10000xi32, #tpu.memory_space<vmem>> -> memref<40xi32, #tpu.memory_space<vmem>>
      %dma_wait3A_222 = arith.constant 0 : i32
      %dma_wait3A_223 = arith.constant 0 : i32
      %dma_wait3A_224 = tpu.memref_slice %arg2[%dma_wait3A_222, %dma_wait3A_223] : memref<10000x128xf32, #tpu.memory_space<hbm>> -> memref<10000x128xf32, #tpu.memory_space<hbm>>
      tpu.wait_indirect_dma semaphore(%arg21 : memref<!tpu.dma_semaphore, #tpu.memory_space<semaphore_mem>>) src(%dma_wait3A_224 : memref<10000x128xf32, #tpu.memory_space<hbm>>) dst(%arg11 : memref<40x128xf32, #tpu.memory_space<vmem>>)
      %mul3A_225 = arith.constant 40 : i32
      %mul3A_226 = arith.muli %add3A_206, %mul3A_225 : i32
      %add3A_227 = arith.constant 0 : i32
      %add3A_228 = arith.addi %mul3A_226, %add3A_227 : i32
      %get3A_229 = arith.index_cast %add3A_228 : i32 to index
      %get3A_230 = tpu.vector_load %arg8[%get3A_229] {strides = array<i32>} : memref<10016xi32, #tpu.memory_space<vmem>>, vector<16xi32>,
      %get3A_231 = vector.shape_cast %get3A_230 : vector<16xi32> to vector<16xi32>
      %swap3A_232 = arith.constant 0 : i32
      %swap3A_233 = arith.index_cast %swap3A_232 : i32 to index
      %swap3A_234 = arith.constant 0 : index
      %swap3A_235 = tpu.vector_load %arg16[%swap3A_233, %swap3A_234] {strides = array<i32>} : memref<1x128xi32, #tpu.memory_space<vmem>>, vector<1x16xi32>,
      %swap3A_236 = vector.shape_cast %swap3A_235 : vector<1x16xi32> to vector<16xi32>
      %swap3A_237 = vector.shape_cast %get3A_231 : vector<16xi32> to vector<1x16xi32>
      tpu.vector_store %arg16[%swap3A_233, %swap3A_234], %swap3A_237 {strides = array<i32>} : memref<1x128xi32, #tpu.memory_space<vmem>>, vector<1x16xi32>,
      %mul3A_238 = arith.constant 40 : i32
      %mul3A_239 = arith.muli %add3A_206, %mul3A_238 : i32
      %add3A_240 = arith.constant 16 : i32
      %add3A_241 = arith.addi %mul3A_239, %add3A_240 : i32
      %get3A_242 = arith.index_cast %add3A_241 : i32 to index
      %get3A_243 = tpu.vector_load %arg8[%get3A_242] {strides = array<i32>} : memref<10016xi32, #tpu.memory_space<vmem>>, vector<16xi32>,
      %get3A_244 = vector.shape_cast %get3A_243 : vector<16xi32> to vector<16xi32>
      %swap3A_245 = arith.constant 0 : i32
      %swap3A_246 = arith.index_cast %swap3A_245 : i32 to index
      %swap3A_247 = arith.constant 16 : index
      %swap3A_248 = tpu.vector_load %arg16[%swap3A_246, %swap3A_247] {strides = array<i32>} : memref<1x128xi32, #tpu.memory_space<vmem>>, vector<1x16xi32>,
      %swap3A_249 = vector.shape_cast %swap3A_248 : vector<1x16xi32> to vector<16xi32>
      %swap3A_250 = vector.shape_cast %get3A_244 : vector<16xi32> to vector<1x16xi32>
      tpu.vector_store %arg16[%swap3A_246, %swap3A_247], %swap3A_250 {strides = array<i32>} : memref<1x128xi32, #tpu.memory_space<vmem>>, vector<1x16xi32>,
      %mul3A_251 = arith.constant 40 : i32
      %mul3A_252 = arith.muli %add3A_206, %mul3A_251 : i32
      %add3A_253 = arith.constant 32 : i32
      %add3A_254 = arith.addi %mul3A_252, %add3A_253 : i32
      %get3A_255 = arith.index_cast %add3A_254 : i32 to index
      %get3A_256 = tpu.vector_load %arg8[%get3A_255] {strides = array<i32>} : memref<10016xi32, #tpu.memory_space<vmem>>, vector<16xi32>,
      %get3A_257 = vector.shape_cast %get3A_256 : vector<16xi32> to vector<16xi32>
      %swap3A_258 = arith.constant 0 : i32
      %swap3A_259 = arith.index_cast %swap3A_258 : i32 to index
      %swap3A_260 = arith.constant 32 : index
      %swap3A_261 = tpu.vector_load %arg16[%swap3A_259, %swap3A_260] {strides = array<i32>} : memref<1x128xi32, #tpu.memory_space<vmem>>, vector<1x16xi32>,
      %swap3A_262 = vector.shape_cast %swap3A_261 : vector<1x16xi32> to vector<16xi32>
      %swap3A_263 = vector.shape_cast %get3A_257 : vector<16xi32> to vector<1x16xi32>
      tpu.vector_store %arg16[%swap3A_259, %swap3A_260], %swap3A_263 {strides = array<i32>} : memref<1x128xi32, #tpu.memory_space<vmem>>, vector<1x16xi32>,
      %dma_start3A_264 = arith.constant 0 : i32
      %dma_start3A_265 = arith.constant 0 : i32
      %dma_start3A_266 = tpu.memref_slice %arg16[%dma_start3A_264, %dma_start3A_265] : memref<1x128xi32, #tpu.memory_space<vmem>> -> memref<1x40xi32, #tpu.memory_space<vmem>>
      %dma_start3A_267 = tpu.memref_squeeze %dma_start3A_266 : memref<1x40xi32, #tpu.memory_space<vmem>> -> memref<40xi32, #tpu.memory_space<vmem>>
      %dma_start3A_268 = arith.constant 0 : i32
      %dma_start3A_269 = arith.constant 0 : i32
      %dma_start3A_270 = tpu.memref_slice %arg6[%dma_start3A_268, %dma_start3A_269] : memref<10000x128xf32, #tpu.memory_space<vmem_shared>> -> memref<10000x128xf32, #tpu.memory_space<vmem_shared>>
      tpu.enqueue_indirect_dma source(%arg11 : memref<40x128xf32, #tpu.memory_space<vmem>>) target(%dma_start3A_270 : memref<10000x128xf32, #tpu.memory_space<vmem_shared>>) offsets(%dma_start3A_267 : memref<40xi32, #tpu.memory_space<vmem>>) semaphore(%arg26 : memref<!tpu.dma_semaphore, #tpu.memory_space<semaphore_mem>>) {add = true}
      %mul3A_271 = arith.constant 5 : i32
      %mul3A_272 = arith.muli %scan3A_68, %mul3A_271 : i32
      %add3A_273 = arith.constant 3 : i32
      %add3A_274 = arith.addi %mul3A_272, %add3A_273 : i32
      %ge3A_275 = arith.constant 2 : i32
      %ge3A_276 = arith.cmpi sge, %add3A_274, %ge3A_275 : i32
      %convert_element_type3A_277 = arith.extui %ge3A_276 : i1 to i32
      %cond3A_278 = arith.constant 0 : i32
      %cond3A_279 = arith.cmpi ne, %convert_element_type3A_277, %cond3A_278 : i32
      scf.if %cond3A_279 {
        %sub3A = arith.constant 2 : i32
        %sub3A_408 = arith.subi %add3A_274, %sub3A : i32
        %dma_wait3A_409 = arith.constant 0 : i32
        %dma_wait3A_410 = arith.constant 0 : i32
        %dma_wait3A_411 = tpu.memref_slice %arg15[%dma_wait3A_409, %dma_wait3A_410] : memref<1x128xi32, #tpu.memory_space<vmem>> -> memref<1x40xi32, #tpu.memory_space<vmem>>
        %dma_wait3A_412 = tpu.memref_squeeze %dma_wait3A_411 : memref<1x40xi32, #tpu.memory_space<vmem>> -> memref<40xi32, #tpu.memory_space<vmem>>
        %dma_wait3A_413 = arith.constant 0 : i32
        %dma_wait3A_414 = arith.constant 0 : i32
        %dma_wait3A_415 = tpu.memref_slice %arg6[%dma_wait3A_413, %dma_wait3A_414] : memref<10000x128xf32, #tpu.memory_space<vmem_shared>> -> memref<10000x128xf32, #tpu.memory_space<vmem_shared>>
        tpu.wait_indirect_dma semaphore(%arg25 : memref<!tpu.dma_semaphore, #tpu.memory_space<semaphore_mem>>) src(%arg10 : memref<40x128xf32, #tpu.memory_space<vmem>>) dst(%dma_wait3A_415 : memref<10000x128xf32, #tpu.memory_space<vmem_shared>>)
      } else {
      }
      %add3A_280 = arith.constant 3 : i32
      %add3A_281 = arith.addi %add3A_274, %add3A_280 : i32
      %lt3A_282 = arith.constant 250 : i32
      %lt3A_283 = arith.cmpi slt, %add3A_281, %lt3A_282 : i32
      %convert_element_type3A_284 = arith.extui %lt3A_283 : i1 to i32
      %cond3A_285 = arith.constant 0 : i32
      %cond3A_286 = arith.cmpi ne, %convert_element_type3A_284, %cond3A_285 : i32
      scf.if %cond3A_286 {
        %add3A_408 = arith.constant 3 : i32
        %add3A_409 = arith.addi %add3A_274, %add3A_408 : i32
        %mul3A_410 = arith.constant 40 : i32
        %mul3A_411 = arith.muli %add3A_409, %mul3A_410 : i32
        %dma_start3A_412 = tpu.memref_slice %arg7[%mul3A_411] : memref<10000xi32, #tpu.memory_space<vmem>> -> memref<40xi32, #tpu.memory_space<vmem>>
        %dma_start3A_413 = arith.constant 0 : i32
        %dma_start3A_414 = arith.constant 0 : i32
        %dma_start3A_415 = tpu.memref_slice %arg2[%dma_start3A_413, %dma_start3A_414] : memref<10000x128xf32, #tpu.memory_space<hbm>> -> memref<10000x128xf32, #tpu.memory_space<hbm>>
        tpu.enqueue_indirect_dma source(%dma_start3A_415 : memref<10000x128xf32, #tpu.memory_space<hbm>>) target(%arg10 : memref<40x128xf32, #tpu.memory_space<vmem>>) offsets(%dma_start3A_412 : memref<40xi32, #tpu.memory_space<vmem>>) semaphore(%arg20 : memref<!tpu.dma_semaphore, #tpu.memory_space<semaphore_mem>>)
      } else {
      }
      %mul3A_287 = arith.constant 40 : i32
      %mul3A_288 = arith.muli %add3A_274, %mul3A_287 : i32
      %dma_wait3A_289 = tpu.memref_slice %arg7[%mul3A_288] : memref<10000xi32, #tpu.memory_space<vmem>> -> memref<40xi32, #tpu.memory_space<vmem>>
      %dma_wait3A_290 = arith.constant 0 : i32
      %dma_wait3A_291 = arith.constant 0 : i32
      %dma_wait3A_292 = tpu.memref_slice %arg2[%dma_wait3A_290, %dma_wait3A_291] : memref<10000x128xf32, #tpu.memory_space<hbm>> -> memref<10000x128xf32, #tpu.memory_space<hbm>>
      tpu.wait_indirect_dma semaphore(%arg22 : memref<!tpu.dma_semaphore, #tpu.memory_space<semaphore_mem>>) src(%dma_wait3A_292 : memref<10000x128xf32, #tpu.memory_space<hbm>>) dst(%arg12 : memref<40x128xf32, #tpu.memory_space<vmem>>)
      %mul3A_293 = arith.constant 40 : i32
      %mul3A_294 = arith.muli %add3A_274, %mul3A_293 : i32
      %add3A_295 = arith.constant 0 : i32
      %add3A_296 = arith.addi %mul3A_294, %add3A_295 : i32
      %get3A_297 = arith.index_cast %add3A_296 : i32 to index
      %get3A_298 = tpu.vector_load %arg8[%get3A_297] {strides = array<i32>} : memref<10016xi32, #tpu.memory_space<vmem>>, vector<16xi32>,
      %get3A_299 = vector.shape_cast %get3A_298 : vector<16xi32> to vector<16xi32>
      %swap3A_300 = arith.constant 0 : i32
      %swap3A_301 = arith.index_cast %swap3A_300 : i32 to index
      %swap3A_302 = arith.constant 0 : index
      %swap3A_303 = tpu.vector_load %arg17[%swap3A_301, %swap3A_302] {strides = array<i32>} : memref<1x128xi32, #tpu.memory_space<vmem>>, vector<1x16xi32>,
      %swap3A_304 = vector.shape_cast %swap3A_303 : vector<1x16xi32> to vector<16xi32>
      %swap3A_305 = vector.shape_cast %get3A_299 : vector<16xi32> to vector<1x16xi32>
      tpu.vector_store %arg17[%swap3A_301, %swap3A_302], %swap3A_305 {strides = array<i32>} : memref<1x128xi32, #tpu.memory_space<vmem>>, vector<1x16xi32>,
      %mul3A_306 = arith.constant 40 : i32
      %mul3A_307 = arith.muli %add3A_274, %mul3A_306 : i32
      %add3A_308 = arith.constant 16 : i32
      %add3A_309 = arith.addi %mul3A_307, %add3A_308 : i32
      %get3A_310 = arith.index_cast %add3A_309 : i32 to index
      %get3A_311 = tpu.vector_load %arg8[%get3A_310] {strides = array<i32>} : memref<10016xi32, #tpu.memory_space<vmem>>, vector<16xi32>,
      %get3A_312 = vector.shape_cast %get3A_311 : vector<16xi32> to vector<16xi32>
      %swap3A_313 = arith.constant 0 : i32
      %swap3A_314 = arith.index_cast %swap3A_313 : i32 to index
      %swap3A_315 = arith.constant 16 : index
      %swap3A_316 = tpu.vector_load %arg17[%swap3A_314, %swap3A_315] {strides = array<i32>} : memref<1x128xi32, #tpu.memory_space<vmem>>, vector<1x16xi32>,
      %swap3A_317 = vector.shape_cast %swap3A_316 : vector<1x16xi32> to vector<16xi32>
      %swap3A_318 = vector.shape_cast %get3A_312 : vector<16xi32> to vector<1x16xi32>
      tpu.vector_store %arg17[%swap3A_314, %swap3A_315], %swap3A_318 {strides = array<i32>} : memref<1x128xi32, #tpu.memory_space<vmem>>, vector<1x16xi32>,
      %mul3A_319 = arith.constant 40 : i32
      %mul3A_320 = arith.muli %add3A_274, %mul3A_319 : i32
      %add3A_321 = arith.constant 32 : i32
      %add3A_322 = arith.addi %mul3A_320, %add3A_321 : i32
      %get3A_323 = arith.index_cast %add3A_322 : i32 to index
      %get3A_324 = tpu.vector_load %arg8[%get3A_323] {strides = array<i32>} : memref<10016xi32, #tpu.memory_space<vmem>>, vector<16xi32>,
      %get3A_325 = vector.shape_cast %get3A_324 : vector<16xi32> to vector<16xi32>
      %swap3A_326 = arith.constant 0 : i32
      %swap3A_327 = arith.index_cast %swap3A_326 : i32 to index
      %swap3A_328 = arith.constant 32 : index
      %swap3A_329 = tpu.vector_load %arg17[%swap3A_327, %swap3A_328] {strides = array<i32>} : memref<1x128xi32, #tpu.memory_space<vmem>>, vector<1x16xi32>,
      %swap3A_330 = vector.shape_cast %swap3A_329 : vector<1x16xi32> to vector<16xi32>
      %swap3A_331 = vector.shape_cast %get3A_325 : vector<16xi32> to vector<1x16xi32>
      tpu.vector_store %arg17[%swap3A_327, %swap3A_328], %swap3A_331 {strides = array<i32>} : memref<1x128xi32, #tpu.memory_space<vmem>>, vector<1x16xi32>,
      %dma_start3A_332 = arith.constant 0 : i32
      %dma_start3A_333 = arith.constant 0 : i32
      %dma_start3A_334 = tpu.memref_slice %arg17[%dma_start3A_332, %dma_start3A_333] : memref<1x128xi32, #tpu.memory_space<vmem>> -> memref<1x40xi32, #tpu.memory_space<vmem>>
      %dma_start3A_335 = tpu.memref_squeeze %dma_start3A_334 : memref<1x40xi32, #tpu.memory_space<vmem>> -> memref<40xi32, #tpu.memory_space<vmem>>
      %dma_start3A_336 = arith.constant 0 : i32
      %dma_start3A_337 = arith.constant 0 : i32
      %dma_start3A_338 = tpu.memref_slice %arg6[%dma_start3A_336, %dma_start3A_337] : memref<10000x128xf32, #tpu.memory_space<vmem_shared>> -> memref<10000x128xf32, #tpu.memory_space<vmem_shared>>
      tpu.enqueue_indirect_dma source(%arg12 : memref<40x128xf32, #tpu.memory_space<vmem>>) target(%dma_start3A_338 : memref<10000x128xf32, #tpu.memory_space<vmem_shared>>) offsets(%dma_start3A_335 : memref<40xi32, #tpu.memory_space<vmem>>) semaphore(%arg27 : memref<!tpu.dma_semaphore, #tpu.memory_space<semaphore_mem>>) {add = true}
      %mul3A_339 = arith.constant 5 : i32
      %mul3A_340 = arith.muli %scan3A_68, %mul3A_339 : i32
      %add3A_341 = arith.constant 4 : i32
      %add3A_342 = arith.addi %mul3A_340, %add3A_341 : i32
      %ge3A_343 = arith.constant 2 : i32
      %ge3A_344 = arith.cmpi sge, %add3A_342, %ge3A_343 : i32
      %convert_element_type3A_345 = arith.extui %ge3A_344 : i1 to i32
      %cond3A_346 = arith.constant 0 : i32
      %cond3A_347 = arith.cmpi ne, %convert_element_type3A_345, %cond3A_346 : i32
      scf.if %cond3A_347 {
        %sub3A = arith.constant 2 : i32
        %sub3A_408 = arith.subi %add3A_342, %sub3A : i32
        %dma_wait3A_409 = arith.constant 0 : i32
        %dma_wait3A_410 = arith.constant 0 : i32
        %dma_wait3A_411 = tpu.memref_slice %arg16[%dma_wait3A_409, %dma_wait3A_410] : memref<1x128xi32, #tpu.memory_space<vmem>> -> memref<1x40xi32, #tpu.memory_space<vmem>>
        %dma_wait3A_412 = tpu.memref_squeeze %dma_wait3A_411 : memref<1x40xi32, #tpu.memory_space<vmem>> -> memref<40xi32, #tpu.memory_space<vmem>>
        %dma_wait3A_413 = arith.constant 0 : i32
        %dma_wait3A_414 = arith.constant 0 : i32
        %dma_wait3A_415 = tpu.memref_slice %arg6[%dma_wait3A_413, %dma_wait3A_414] : memref<10000x128xf32, #tpu.memory_space<vmem_shared>> -> memref<10000x128xf32, #tpu.memory_space<vmem_shared>>
        tpu.wait_indirect_dma semaphore(%arg26 : memref<!tpu.dma_semaphore, #tpu.memory_space<semaphore_mem>>) src(%arg11 : memref<40x128xf32, #tpu.memory_space<vmem>>) dst(%dma_wait3A_415 : memref<10000x128xf32, #tpu.memory_space<vmem_shared>>)
      } else {
      }
      %add3A_348 = arith.constant 3 : i32
      %add3A_349 = arith.addi %add3A_342, %add3A_348 : i32
      %lt3A_350 = arith.constant 250 : i32
      %lt3A_351 = arith.cmpi slt, %add3A_349, %lt3A_350 : i32
      %convert_element_type3A_352 = arith.extui %lt3A_351 : i1 to i32
      %cond3A_353 = arith.constant 0 : i32
      %cond3A_354 = arith.cmpi ne, %convert_element_type3A_352, %cond3A_353 : i32
      scf.if %cond3A_354 {
        %add3A_408 = arith.constant 3 : i32
        %add3A_409 = arith.addi %add3A_342, %add3A_408 : i32
        %mul3A_410 = arith.constant 40 : i32
        %mul3A_411 = arith.muli %add3A_409, %mul3A_410 : i32
        %dma_start3A_412 = tpu.memref_slice %arg7[%mul3A_411] : memref<10000xi32, #tpu.memory_space<vmem>> -> memref<40xi32, #tpu.memory_space<vmem>>
        %dma_start3A_413 = arith.constant 0 : i32
        %dma_start3A_414 = arith.constant 0 : i32
        %dma_start3A_415 = tpu.memref_slice %arg2[%dma_start3A_413, %dma_start3A_414] : memref<10000x128xf32, #tpu.memory_space<hbm>> -> memref<10000x128xf32, #tpu.memory_space<hbm>>
        tpu.enqueue_indirect_dma source(%dma_start3A_415 : memref<10000x128xf32, #tpu.memory_space<hbm>>) target(%arg11 : memref<40x128xf32, #tpu.memory_space<vmem>>) offsets(%dma_start3A_412 : memref<40xi32, #tpu.memory_space<vmem>>) semaphore(%arg21 : memref<!tpu.dma_semaphore, #tpu.memory_space<semaphore_mem>>)
      } else {
      }
      %mul3A_355 = arith.constant 40 : i32
      %mul3A_356 = arith.muli %add3A_342, %mul3A_355 : i32
      %dma_wait3A_357 = tpu.memref_slice %arg7[%mul3A_356] : memref<10000xi32, #tpu.memory_space<vmem>> -> memref<40xi32, #tpu.memory_space<vmem>>
      %dma_wait3A_358 = arith.constant 0 : i32
      %dma_wait3A_359 = arith.constant 0 : i32
      %dma_wait3A_360 = tpu.memref_slice %arg2[%dma_wait3A_358, %dma_wait3A_359] : memref<10000x128xf32, #tpu.memory_space<hbm>> -> memref<10000x128xf32, #tpu.memory_space<hbm>>
      tpu.wait_indirect_dma semaphore(%arg23 : memref<!tpu.dma_semaphore, #tpu.memory_space<semaphore_mem>>) src(%dma_wait3A_360 : memref<10000x128xf32, #tpu.memory_space<hbm>>) dst(%arg13 : memref<40x128xf32, #tpu.memory_space<vmem>>)
      %mul3A_361 = arith.constant 40 : i32
      %mul3A_362 = arith.muli %add3A_342, %mul3A_361 : i32
      %add3A_363 = arith.constant 0 : i32
      %add3A_364 = arith.addi %mul3A_362, %add3A_363 : i32
      %get3A_365 = arith.index_cast %add3A_364 : i32 to index
      %get3A_366 = tpu.vector_load %arg8[%get3A_365] {strides = array<i32>} : memref<10016xi32, #tpu.memory_space<vmem>>, vector<16xi32>,
      %get3A_367 = vector.shape_cast %get3A_366 : vector<16xi32> to vector<16xi32>
      %swap3A_368 = arith.constant 0 : i32
      %swap3A_369 = arith.index_cast %swap3A_368 : i32 to index
      %swap3A_370 = arith.constant 0 : index
      %swap3A_371 = tpu.vector_load %arg18[%swap3A_369, %swap3A_370] {strides = array<i32>} : memref<1x128xi32, #tpu.memory_space<vmem>>, vector<1x16xi32>,
      %swap3A_372 = vector.shape_cast %swap3A_371 : vector<1x16xi32> to vector<16xi32>
      %swap3A_373 = vector.shape_cast %get3A_367 : vector<16xi32> to vector<1x16xi32>
      tpu.vector_store %arg18[%swap3A_369, %swap3A_370], %swap3A_373 {strides = array<i32>} : memref<1x128xi32, #tpu.memory_space<vmem>>, vector<1x16xi32>,
      %mul3A_374 = arith.constant 40 : i32
      %mul3A_375 = arith.muli %add3A_342, %mul3A_374 : i32
      %add3A_376 = arith.constant 16 : i32
      %add3A_377 = arith.addi %mul3A_375, %add3A_376 : i32
      %get3A_378 = arith.index_cast %add3A_377 : i32 to index
      %get3A_379 = tpu.vector_load %arg8[%get3A_378] {strides = array<i32>} : memref<10016xi32, #tpu.memory_space<vmem>>, vector<16xi32>,
      %get3A_380 = vector.shape_cast %get3A_379 : vector<16xi32> to vector<16xi32>
      %swap3A_381 = arith.constant 0 : i32
      %swap3A_382 = arith.index_cast %swap3A_381 : i32 to index
      %swap3A_383 = arith.constant 16 : index
      %swap3A_384 = tpu.vector_load %arg18[%swap3A_382, %swap3A_383] {strides = array<i32>} : memref<1x128xi32, #tpu.memory_space<vmem>>, vector<1x16xi32>,
      %swap3A_385 = vector.shape_cast %swap3A_384 : vector<1x16xi32> to vector<16xi32>
      %swap3A_386 = vector.shape_cast %get3A_380 : vector<16xi32> to vector<1x16xi32>
      tpu.vector_store %arg18[%swap3A_382, %swap3A_383], %swap3A_386 {strides = array<i32>} : memref<1x128xi32, #tpu.memory_space<vmem>>, vector<1x16xi32>,
      %mul3A_387 = arith.constant 40 : i32
      %mul3A_388 = arith.muli %add3A_342, %mul3A_387 : i32
      %add3A_389 = arith.constant 32 : i32
      %add3A_390 = arith.addi %mul3A_388, %add3A_389 : i32
      %get3A_391 = arith.index_cast %add3A_390 : i32 to index
      %get3A_392 = tpu.vector_load %arg8[%get3A_391] {strides = array<i32>} : memref<10016xi32, #tpu.memory_space<vmem>>, vector<16xi32>,
      %get3A_393 = vector.shape_cast %get3A_392 : vector<16xi32> to vector<16xi32>
      %swap3A_394 = arith.constant 0 : i32
      %swap3A_395 = arith.index_cast %swap3A_394 : i32 to index
      %swap3A_396 = arith.constant 32 : index
      %swap3A_397 = tpu.vector_load %arg18[%swap3A_395, %swap3A_396] {strides = array<i32>} : memref<1x128xi32, #tpu.memory_space<vmem>>, vector<1x16xi32>,
      %swap3A_398 = vector.shape_cast %swap3A_397 : vector<1x16xi32> to vector<16xi32>
      %swap3A_399 = vector.shape_cast %get3A_393 : vector<16xi32> to vector<1x16xi32>
      tpu.vector_store %arg18[%swap3A_395, %swap3A_396], %swap3A_399 {strides = array<i32>} : memref<1x128xi32, #tpu.memory_space<vmem>>, vector<1x16xi32>,
      %dma_start3A_400 = arith.constant 0 : i32
      %dma_start3A_401 = arith.constant 0 : i32
      %dma_start3A_402 = tpu.memref_slice %arg18[%dma_start3A_400, %dma_start3A_401] : memref<1x128xi32, #tpu.memory_space<vmem>> -> memref<1x40xi32, #tpu.memory_space<vmem>>
      %dma_start3A_403 = tpu.memref_squeeze %dma_start3A_402 : memref<1x40xi32, #tpu.memory_space<vmem>> -> memref<40xi32, #tpu.memory_space<vmem>>
      %dma_start3A_404 = arith.constant 0 : i32
      %dma_start3A_405 = arith.constant 0 : i32
      %dma_start3A_406 = tpu.memref_slice %arg6[%dma_start3A_404, %dma_start3A_405] : memref<10000x128xf32, #tpu.memory_space<vmem_shared>> -> memref<10000x128xf32, #tpu.memory_space<vmem_shared>>
      tpu.enqueue_indirect_dma source(%arg13 : memref<40x128xf32, #tpu.memory_space<vmem>>) target(%dma_start3A_406 : memref<10000x128xf32, #tpu.memory_space<vmem_shared>>) offsets(%dma_start3A_403 : memref<40xi32, #tpu.memory_space<vmem>>) semaphore(%arg28 : memref<!tpu.dma_semaphore, #tpu.memory_space<semaphore_mem>>) {add = true}
      %scan3A_407 = arith.constant 0 : i32
      scf.yield %scan3A_407 : i32
    }
    %scan3A_45 = arith.constant 50 : i32
    %dma_wait3A = arith.constant 0 : i32
    %dma_wait3A_46 = arith.constant 0 : i32
    %dma_wait3A_47 = tpu.memref_slice %arg17[%dma_wait3A, %dma_wait3A_46] : memref<1x128xi32, #tpu.memory_space<vmem>> -> memref<1x40xi32, #tpu.memory_space<vmem>>
    %dma_wait3A_48 = tpu.memref_squeeze %dma_wait3A_47 : memref<1x40xi32, #tpu.memory_space<vmem>> -> memref<40xi32, #tpu.memory_space<vmem>>
    %dma_wait3A_49 = arith.constant 0 : i32
    %dma_wait3A_50 = arith.constant 0 : i32
    %dma_wait3A_51 = tpu.memref_slice %arg6[%dma_wait3A_49, %dma_wait3A_50] : memref<10000x128xf32, #tpu.memory_space<vmem_shared>> -> memref<10000x128xf32, #tpu.memory_space<vmem_shared>>
    tpu.wait_indirect_dma semaphore(%arg27 : memref<!tpu.dma_semaphore, #tpu.memory_space<semaphore_mem>>) src(%arg12 : memref<40x128xf32, #tpu.memory_space<vmem>>) dst(%dma_wait3A_51 : memref<10000x128xf32, #tpu.memory_space<vmem_shared>>)
    %dma_wait3A_52 = arith.constant 0 : i32
    %dma_wait3A_53 = arith.constant 0 : i32
    %dma_wait3A_54 = tpu.memref_slice %arg18[%dma_wait3A_52, %dma_wait3A_53] : memref<1x128xi32, #tpu.memory_space<vmem>> -> memref<1x40xi32, #tpu.memory_space<vmem>>
    %dma_wait3A_55 = tpu.memref_squeeze %dma_wait3A_54 : memref<1x40xi32, #tpu.memory_space<vmem>> -> memref<40xi32, #tpu.memory_space<vmem>>
    %dma_wait3A_56 = arith.constant 0 : i32
    %dma_wait3A_57 = arith.constant 0 : i32
    %dma_wait3A_58 = tpu.memref_slice %arg6[%dma_wait3A_56, %dma_wait3A_57] : memref<10000x128xf32, #tpu.memory_space<vmem_shared>> -> memref<10000x128xf32, #tpu.memory_space<vmem_shared>>
    tpu.wait_indirect_dma semaphore(%arg28 : memref<!tpu.dma_semaphore, #tpu.memory_space<semaphore_mem>>) src(%arg13 : memref<40x128xf32, #tpu.memory_space<vmem>>) dst(%dma_wait3A_58 : memref<10000x128xf32, #tpu.memory_space<vmem_shared>>)
    %barrier3A_59 = arith.constant 0 : index
    tpu.barrier barrier_id(%barrier3A_59)
    %mul3A_60 = arith.constant 640 : i32
    %mul3A_61 = arith.muli %arg1, %mul3A_60 : i32
    %lt3A = arith.constant 15 : i32
    %lt3A_62 = arith.cmpi slt, %arg1, %lt3A : i32
    %convert_element_type3A = arith.extui %lt3A_62 : i1 to i32
    %cond3A = arith.constant 0 : i32
    %cond3A_63 = arith.cmpi ne, %convert_element_type3A, %cond3A : i32
    scf.if %cond3A_63 {
      %mul3A_68 = arith.constant 10000 : i32
      %mul3A_69 = arith.muli %arg0, %mul3A_68 : i32
      %add3A_70 = arith.addi %mul3A_69, %mul3A_61 : i32
      "tpu.region"() ({
        %run_scoped3A = tpu.sem_alloc : memref<!tpu.dma_semaphore, #tpu.memory_space<semaphore_mem>>
        %dma_start3A_71 = arith.constant 0 : i32
        %dma_start3A_72 = tpu.memref_slice %arg5[%add3A_70, %dma_start3A_71] : memref<20000x128xf32, #tpu.memory_space<hbm>> -> memref<640x128xf32, #tpu.memory_space<hbm>>
        %dma_start3A_73 = arith.constant 0 : i32
        %dma_start3A_74 = tpu.memref_slice %arg6[%mul3A_61, %dma_start3A_73] : memref<10000x128xf32, #tpu.memory_space<vmem_shared>> -> memref<640x128xf32, #tpu.memory_space<vmem_shared>>
        tpu.enqueue_dma source(%dma_start3A_74 : memref<640x128xf32, #tpu.memory_space<vmem_shared>>) target(%dma_start3A_72 : memref<640x128xf32, #tpu.memory_space<hbm>>) target_semaphore(%run_scoped3A : memref<!tpu.dma_semaphore, #tpu.memory_space<semaphore_mem>>)
        %dma_wait3A_75 = arith.constant 0 : i32
        %dma_wait3A_76 = tpu.memref_slice %arg5[%add3A_70, %dma_wait3A_75] : memref<20000x128xf32, #tpu.memory_space<hbm>> -> memref<640x128xf32, #tpu.memory_space<hbm>>
        %dma_wait3A_77 = arith.constant 0 : i32
        %dma_wait3A_78 = tpu.memref_slice %arg6[%mul3A_61, %dma_wait3A_77] : memref<10000x128xf32, #tpu.memory_space<vmem_shared>> -> memref<640x128xf32, #tpu.memory_space<vmem_shared>>
        tpu.wait_dma2 semaphore(%run_scoped3A : memref<!tpu.dma_semaphore, #tpu.memory_space<semaphore_mem>>) src(%dma_wait3A_78 : memref<640x128xf32, #tpu.memory_space<vmem_shared>>) dst(%dma_wait3A_76 : memref<640x128xf32, #tpu.memory_space<hbm>>)
        tpu.yield
      }) : () -> ()
    } else {
    }
    %eq3A = arith.constant 15 : i32
    %eq3A_64 = arith.cmpi eq, %arg1, %eq3A : i32
    %convert_element_type3A_65 = arith.extui %eq3A_64 : i1 to i32
    %cond3A_66 = arith.constant 0 : i32
    %cond3A_67 = arith.cmpi ne, %convert_element_type3A_65, %cond3A_66 : i32
    scf.if %cond3A_67 {
      %mul3A_68 = arith.constant 10000 : i32
      %mul3A_69 = arith.muli %arg0, %mul3A_68 : i32
      %add3A_70 = arith.constant 9600 : i32
      %add3A_71 = arith.addi %mul3A_69, %add3A_70 : i32
      "tpu.region"() ({
        %run_scoped3A = tpu.sem_alloc : memref<!tpu.dma_semaphore, #tpu.memory_space<semaphore_mem>>
        %dma_start3A_72 = arith.constant 0 : i32
        %dma_start3A_73 = tpu.memref_slice %arg5[%add3A_71, %dma_start3A_72] : memref<20000x128xf32, #tpu.memory_space<hbm>> -> memref<400x128xf32, #tpu.memory_space<hbm>>
        %dma_start3A_74 = arith.constant 9600 : i32
        %dma_start3A_75 = arith.constant 0 : i32
        %dma_start3A_76 = tpu.memref_slice %arg6[%dma_start3A_74, %dma_start3A_75] : memref<10000x128xf32, #tpu.memory_space<vmem_shared>> -> memref<400x128xf32, #tpu.memory_space<vmem_shared>>
        tpu.enqueue_dma source(%dma_start3A_76 : memref<400x128xf32, #tpu.memory_space<vmem_shared>>) target(%dma_start3A_73 : memref<400x128xf32, #tpu.memory_space<hbm>>) target_semaphore(%run_scoped3A : memref<!tpu.dma_semaphore, #tpu.memory_space<semaphore_mem>>)
        %dma_wait3A_77 = arith.constant 0 : i32
        %dma_wait3A_78 = tpu.memref_slice %arg5[%add3A_71, %dma_wait3A_77] : memref<20000x128xf32, #tpu.memory_space<hbm>> -> memref<400x128xf32, #tpu.memory_space<hbm>>
        %dma_wait3A_79 = arith.constant 9600 : i32
        %dma_wait3A_80 = arith.constant 0 : i32
        %dma_wait3A_81 = tpu.memref_slice %arg6[%dma_wait3A_79, %dma_wait3A_80] : memref<10000x128xf32, #tpu.memory_space<vmem_shared>> -> memref<400x128xf32, #tpu.memory_space<vmem_shared>>
        tpu.wait_dma2 semaphore(%run_scoped3A : memref<!tpu.dma_semaphore, #tpu.memory_space<semaphore_mem>>) src(%dma_wait3A_81 : memref<400x128xf32, #tpu.memory_space<vmem_shared>>) dst(%dma_wait3A_78 : memref<400x128xf32, #tpu.memory_space<hbm>>)
        tpu.yield
      }) : () -> ()
    } else {
    }
    return
  }
}

#map = affine_map<(d0, d1) -> (0, 0)>
#map1 = affine_map<(d0, d1) -> (0)>
module attributes {stable_mosaic.version = 14 : i64} {
  func.func @_sc_aggregate_body(%arg0: i32, %arg1: i32, %arg2: memref<10000x128xf32, #tpu.memory_space<hbm>>, %arg3: memref<320000xi32, #tpu.memory_space<hbm>>, %arg4: memref<320000xi32, #tpu.memory_space<hbm>>, %arg5: memref<20000x128xf32, #tpu.memory_space<hbm>>, %arg6: memref<10000x128xf32, #tpu.memory_space<vmem_shared>>, %arg7: memref<10000xi32, #tpu.memory_space<vmem>>, %arg8: memref<10016xi32, #tpu.memory_space<vmem>>, %arg9: memref<40x128xf32, #tpu.memory_space<vmem>>, %arg10: memref<40x128xf32, #tpu.memory_space<vmem>>, %arg11: memref<40x128xf32, #tpu.memory_space<vmem>>, %arg12: memref<40x128xf32, #tpu.memory_space<vmem>>, %arg13: memref<40x128xf32, #tpu.memory_space<vmem>>, %arg14: memref<1x128xi32, #tpu.memory_space<vmem>>, %arg15: memref<1x128xi32, #tpu.memory_space<vmem>>, %arg16: memref<1x128xi32, #tpu.memory_space<vmem>>, %arg17: memref<1x128xi32, #tpu.memory_space<vmem>>, %arg18: memref<1x128xi32, #tpu.memory_space<vmem>>, %arg19: memref<!tpu.dma_semaphore, #tpu.memory_space<semaphore_mem>>, %arg20: memref<!tpu.dma_semaphore, #tpu.memory_space<semaphore_mem>>, %arg21: memref<!tpu.dma_semaphore, #tpu.memory_space<semaphore_mem>>, %arg22: memref<!tpu.dma_semaphore, #tpu.memory_space<semaphore_mem>>, %arg23: memref<!tpu.dma_semaphore, #tpu.memory_space<semaphore_mem>>, %arg24: memref<!tpu.dma_semaphore, #tpu.memory_space<semaphore_mem>>, %arg25: memref<!tpu.dma_semaphore, #tpu.memory_space<semaphore_mem>>, %arg26: memref<!tpu.dma_semaphore, #tpu.memory_space<semaphore_mem>>, %arg27: memref<!tpu.dma_semaphore, #tpu.memory_space<semaphore_mem>>, %arg28: memref<!tpu.dma_semaphore, #tpu.memory_space<semaphore_mem>>, %arg29: memref<!tpu.dma_semaphore, #tpu.memory_space<semaphore_mem>>) attributes {dimension_semantics = [#tpu.dimension_semantics<core_parallel>, #tpu.dimension_semantics<subcore_parallel>], iteration_bounds = array<i64: 2, 16>, scalar_prefetch = 0 : i64, scratch_operands = 24 : i64, tpu.core_type = #tpu.core_type<sc_vector_subcore>, window_params = [{transform_indices = #map}, {transform_indices = #map1}, {transform_indices = #map1}, {transform_indices = #map}]} {
    %mul3A = arith.constant 16 : i32
    %mul3A_0 = arith.muli %arg0, %mul3A : i32
    %add3A = arith.addi %mul3A_0, %arg1 : i32
    %mul3A_1 = arith.constant 10000 : i32
    %mul3A_2 = arith.muli %add3A, %mul3A_1 : i32
    "tpu.region"() ({
      %run_scoped3A = tpu.sem_alloc : memref<!tpu.dma_semaphore, #tpu.memory_space<semaphore_mem>>
      %dma_start3A_68 = tpu.memref_slice %arg3[%mul3A_2] : memref<320000xi32, #tpu.memory_space<hbm>> -> memref<10000xi32, #tpu.memory_space<hbm>>
      %dma_start3A_69 = tpu.memref_slice %arg3[%mul3A_2] : memref<320000xi32, #tpu.memory_space<hbm>> -> memref<10000xi32, #tpu.memory_space<hbm>>
      tpu.enqueue_dma source(%dma_start3A_69 : memref<10000xi32, #tpu.memory_space<hbm>>) target(%arg7 : memref<10000xi32, #tpu.memory_space<vmem>>) target_semaphore(%run_scoped3A : memref<!tpu.dma_semaphore, #tpu.memory_space<semaphore_mem>>)
      %dma_wait3A_70 = tpu.memref_slice %arg3[%mul3A_2] : memref<320000xi32, #tpu.memory_space<hbm>> -> memref<10000xi32, #tpu.memory_space<hbm>>
      %dma_wait3A_71 = tpu.memref_slice %arg3[%mul3A_2] : memref<320000xi32, #tpu.memory_space<hbm>> -> memref<10000xi32, #tpu.memory_space<hbm>>
      tpu.wait_dma2 semaphore(%run_scoped3A : memref<!tpu.dma_semaphore, #tpu.memory_space<semaphore_mem>>) src(%dma_wait3A_71 : memref<10000xi32, #tpu.memory_space<hbm>>) dst(%arg7 : memref<10000xi32, #tpu.memory_space<vmem>>)
      tpu.yield
    }) : () -> ()
    %mul3A_3 = arith.constant 10000 : i32
    %mul3A_4 = arith.muli %add3A, %mul3A_3 : i32
    "tpu.region"() ({
      %run_scoped3A = tpu.sem_alloc : memref<!tpu.dma_semaphore, #tpu.memory_space<semaphore_mem>>
      %dma_start3A_68 = arith.constant 0 : i32
      %dma_start3A_69 = tpu.memref_slice %arg8[%dma_start3A_68] : memref<10016xi32, #tpu.memory_space<vmem>> -> memref<10000xi32, #tpu.memory_space<vmem>>
      %dma_start3A_70 = tpu.memref_slice %arg4[%mul3A_4] : memref<320000xi32, #tpu.memory_space<hbm>> -> memref<10000xi32, #tpu.memory_space<hbm>>
      %dma_start3A_71 = arith.constant 0 : i32
      %dma_start3A_72 = tpu.memref_slice %arg8[%dma_start3A_71] : memref<10016xi32, #tpu.memory_space<vmem>> -> memref<10000xi32, #tpu.memory_space<vmem>>
      %dma_start3A_73 = tpu.memref_slice %arg4[%mul3A_4] : memref<320000xi32, #tpu.memory_space<hbm>> -> memref<10000xi32, #tpu.memory_space<hbm>>
      tpu.enqueue_dma source(%dma_start3A_73 : memref<10000xi32, #tpu.memory_space<hbm>>) target(%dma_start3A_72 : memref<10000xi32, #tpu.memory_space<vmem>>) target_semaphore(%run_scoped3A : memref<!tpu.dma_semaphore, #tpu.memory_space<semaphore_mem>>)
      %dma_wait3A_74 = arith.constant 0 : i32
      %dma_wait3A_75 = tpu.memref_slice %arg8[%dma_wait3A_74] : memref<10016xi32, #tpu.memory_space<vmem>> -> memref<10000xi32, #tpu.memory_space<vmem>>
      %dma_wait3A_76 = tpu.memref_slice %arg4[%mul3A_4] : memref<320000xi32, #tpu.memory_space<hbm>> -> memref<10000xi32, #tpu.memory_space<hbm>>
      %dma_wait3A_77 = arith.constant 0 : i32
      %dma_wait3A_78 = tpu.memref_slice %arg8[%dma_wait3A_77] : memref<10016xi32, #tpu.memory_space<vmem>> -> memref<10000xi32, #tpu.memory_space<vmem>>
      %dma_wait3A_79 = tpu.memref_slice %arg4[%mul3A_4] : memref<320000xi32, #tpu.memory_space<hbm>> -> memref<10000xi32, #tpu.memory_space<hbm>>
      tpu.wait_dma2 semaphore(%run_scoped3A : memref<!tpu.dma_semaphore, #tpu.memory_space<semaphore_mem>>) src(%dma_wait3A_79 : memref<10000xi32, #tpu.memory_space<hbm>>) dst(%dma_wait3A_78 : memref<10000xi32, #tpu.memory_space<vmem>>)
      tpu.yield
    }) : () -> ()
    %scan3A = arith.constant 0 : i32
    %scan3A_5 = arith.constant 0 : i32
    %scan3A_6 = arith.constant 40 : i32
    %scan3A_7 = arith.addi %scan3A_5, %scan3A_6 : i32
    %scan3A_8 = arith.constant 1 : i32
    %scan3A_9 = scf.for %scan3A_68 = %scan3A_5 to %scan3A_7 step %scan3A_8 iter_args(%scan3A_69 = %scan3A) -> (i32)  : i32 {
      %broadcast_in_dim3A = arith.constant 0.000000e+00 : f32
      %broadcast_in_dim3A_70 = vector.broadcast %broadcast_in_dim3A : f32 to vector<16xf32>
      %swap3A = arith.index_cast %scan3A_68 : i32 to index
      %swap3A_71 = arith.constant 0 : index
      %swap3A_72 = tpu.vector_load %arg9[%swap3A, %swap3A_71] {strides = array<i32>} : memref<40x128xf32, #tpu.memory_space<vmem>>, vector<1x16xf32>,
      %swap3A_73 = vector.shape_cast %swap3A_72 : vector<1x16xf32> to vector<16xf32>
      %swap3A_74 = vector.shape_cast %broadcast_in_dim3A_70 : vector<16xf32> to vector<1x16xf32>
      tpu.vector_store %arg9[%swap3A, %swap3A_71], %swap3A_74 {strides = array<i32>} : memref<40x128xf32, #tpu.memory_space<vmem>>, vector<1x16xf32>,
      %broadcast_in_dim3A_75 = arith.constant 0.000000e+00 : f32
      %broadcast_in_dim3A_76 = vector.broadcast %broadcast_in_dim3A_75 : f32 to vector<16xf32>
      %swap3A_77 = arith.index_cast %scan3A_68 : i32 to index
      %swap3A_78 = arith.constant 16 : index
      %swap3A_79 = tpu.vector_load %arg9[%swap3A_77, %swap3A_78] {strides = array<i32>} : memref<40x128xf32, #tpu.memory_space<vmem>>, vector<1x16xf32>,
      %swap3A_80 = vector.shape_cast %swap3A_79 : vector<1x16xf32> to vector<16xf32>
      %swap3A_81 = vector.shape_cast %broadcast_in_dim3A_76 : vector<16xf32> to vector<1x16xf32>
      tpu.vector_store %arg9[%swap3A_77, %swap3A_78], %swap3A_81 {strides = array<i32>} : memref<40x128xf32, #tpu.memory_space<vmem>>, vector<1x16xf32>,
      %broadcast_in_dim3A_82 = arith.constant 0.000000e+00 : f32
      %broadcast_in_dim3A_83 = vector.broadcast %broadcast_in_dim3A_82 : f32 to vector<16xf32>
      %swap3A_84 = arith.index_cast %scan3A_68 : i32 to index
      %swap3A_85 = arith.constant 32 : index
      %swap3A_86 = tpu.vector_load %arg9[%swap3A_84, %swap3A_85] {strides = array<i32>} : memref<40x128xf32, #tpu.memory_space<vmem>>, vector<1x16xf32>,
      %swap3A_87 = vector.shape_cast %swap3A_86 : vector<1x16xf32> to vector<16xf32>
      %swap3A_88 = vector.shape_cast %broadcast_in_dim3A_83 : vector<16xf32> to vector<1x16xf32>
      tpu.vector_store %arg9[%swap3A_84, %swap3A_85], %swap3A_88 {strides = array<i32>} : memref<40x128xf32, #tpu.memory_space<vmem>>, vector<1x16xf32>,
      %broadcast_in_dim3A_89 = arith.constant 0.000000e+00 : f32
      %broadcast_in_dim3A_90 = vector.broadcast %broadcast_in_dim3A_89 : f32 to vector<16xf32>
      %swap3A_91 = arith.index_cast %scan3A_68 : i32 to index
      %swap3A_92 = arith.constant 48 : index
      %swap3A_93 = tpu.vector_load %arg9[%swap3A_91, %swap3A_92] {strides = array<i32>} : memref<40x128xf32, #tpu.memory_space<vmem>>, vector<1x16xf32>,
      %swap3A_94 = vector.shape_cast %swap3A_93 : vector<1x16xf32> to vector<16xf32>
      %swap3A_95 = vector.shape_cast %broadcast_in_dim3A_90 : vector<16xf32> to vector<1x16xf32>
      tpu.vector_store %arg9[%swap3A_91, %swap3A_92], %swap3A_95 {strides = array<i32>} : memref<40x128xf32, #tpu.memory_space<vmem>>, vector<1x16xf32>,
      %broadcast_in_dim3A_96 = arith.constant 0.000000e+00 : f32
      %broadcast_in_dim3A_97 = vector.broadcast %broadcast_in_dim3A_96 : f32 to vector<16xf32>
      %swap3A_98 = arith.index_cast %scan3A_68 : i32 to index
      %swap3A_99 = arith.constant 64 : index
      %swap3A_100 = tpu.vector_load %arg9[%swap3A_98, %swap3A_99] {strides = array<i32>} : memref<40x128xf32, #tpu.memory_space<vmem>>, vector<1x16xf32>,
      %swap3A_101 = vector.shape_cast %swap3A_100 : vector<1x16xf32> to vector<16xf32>
      %swap3A_102 = vector.shape_cast %broadcast_in_dim3A_97 : vector<16xf32> to vector<1x16xf32>
      tpu.vector_store %arg9[%swap3A_98, %swap3A_99], %swap3A_102 {strides = array<i32>} : memref<40x128xf32, #tpu.memory_space<vmem>>, vector<1x16xf32>,
      %broadcast_in_dim3A_103 = arith.constant 0.000000e+00 : f32
      %broadcast_in_dim3A_104 = vector.broadcast %broadcast_in_dim3A_103 : f32 to vector<16xf32>
      %swap3A_105 = arith.index_cast %scan3A_68 : i32 to index
      %swap3A_106 = arith.constant 80 : index
      %swap3A_107 = tpu.vector_load %arg9[%swap3A_105, %swap3A_106] {strides = array<i32>} : memref<40x128xf32, #tpu.memory_space<vmem>>, vector<1x16xf32>,
      %swap3A_108 = vector.shape_cast %swap3A_107 : vector<1x16xf32> to vector<16xf32>
      %swap3A_109 = vector.shape_cast %broadcast_in_dim3A_104 : vector<16xf32> to vector<1x16xf32>
      tpu.vector_store %arg9[%swap3A_105, %swap3A_106], %swap3A_109 {strides = array<i32>} : memref<40x128xf32, #tpu.memory_space<vmem>>, vector<1x16xf32>,
      %broadcast_in_dim3A_110 = arith.constant 0.000000e+00 : f32
      %broadcast_in_dim3A_111 = vector.broadcast %broadcast_in_dim3A_110 : f32 to vector<16xf32>
      %swap3A_112 = arith.index_cast %scan3A_68 : i32 to index
      %swap3A_113 = arith.constant 96 : index
      %swap3A_114 = tpu.vector_load %arg9[%swap3A_112, %swap3A_113] {strides = array<i32>} : memref<40x128xf32, #tpu.memory_space<vmem>>, vector<1x16xf32>,
      %swap3A_115 = vector.shape_cast %swap3A_114 : vector<1x16xf32> to vector<16xf32>
      %swap3A_116 = vector.shape_cast %broadcast_in_dim3A_111 : vector<16xf32> to vector<1x16xf32>
      tpu.vector_store %arg9[%swap3A_112, %swap3A_113], %swap3A_116 {strides = array<i32>} : memref<40x128xf32, #tpu.memory_space<vmem>>, vector<1x16xf32>,
      %broadcast_in_dim3A_117 = arith.constant 0.000000e+00 : f32
      %broadcast_in_dim3A_118 = vector.broadcast %broadcast_in_dim3A_117 : f32 to vector<16xf32>
      %swap3A_119 = arith.index_cast %scan3A_68 : i32 to index
      %swap3A_120 = arith.constant 112 : index
      %swap3A_121 = tpu.vector_load %arg9[%swap3A_119, %swap3A_120] {strides = array<i32>} : memref<40x128xf32, #tpu.memory_space<vmem>>, vector<1x16xf32>,
      %swap3A_122 = vector.shape_cast %swap3A_121 : vector<1x16xf32> to vector<16xf32>
      %swap3A_123 = vector.shape_cast %broadcast_in_dim3A_118 : vector<16xf32> to vector<1x16xf32>
      tpu.vector_store %arg9[%swap3A_119, %swap3A_120], %swap3A_123 {strides = array<i32>} : memref<40x128xf32, #tpu.memory_space<vmem>>, vector<1x16xf32>,
      %scan3A_124 = arith.constant 0 : i32
      scf.yield %scan3A_124 : i32
    }
    %scan3A_10 = arith.constant 40 : i32
    %scan3A_11 = arith.constant 0 : i32
    %scan3A_12 = arith.constant 0 : i32
    %scan3A_13 = arith.constant 16 : i32
    %scan3A_14 = arith.addi %scan3A_12, %scan3A_13 : i32
    %scan3A_15 = arith.constant 1 : i32
    %scan3A_16 = scf.for %scan3A_68 = %scan3A_12 to %scan3A_14 step %scan3A_15 iter_args(%scan3A_69 = %scan3A_11) -> (i32)  : i32 {
      %mul3A_70 = arith.constant 16 : i32
      %mul3A_71 = arith.muli %scan3A_68, %mul3A_70 : i32
      %add3A_72 = arith.addi %arg1, %mul3A_71 : i32
      %lt3A_73 = arith.constant 250 : i32
      %lt3A_74 = arith.cmpi slt, %add3A_72, %lt3A_73 : i32
      %convert_element_type3A_75 = arith.extui %lt3A_74 : i1 to i32
      %cond3A_76 = arith.constant 0 : i32
      %cond3A_77 = arith.cmpi ne, %convert_element_type3A_75, %cond3A_76 : i32
      scf.if %cond3A_77 {
        %mul3A_79 = arith.constant 40 : i32
        %mul3A_80 = arith.muli %add3A_72, %mul3A_79 : i32
        %dma_start3A_81 = arith.constant 0 : i32
        %dma_start3A_82 = tpu.memref_slice %arg6[%mul3A_80, %dma_start3A_81] : memref<10000x128xf32, #tpu.memory_space<vmem_shared>> -> memref<40x128xf32, #tpu.memory_space<vmem_shared>>
        %dma_start3A_83 = arith.constant 0 : i32
        %dma_start3A_84 = tpu.memref_slice %arg6[%mul3A_80, %dma_start3A_83] : memref<10000x128xf32, #tpu.memory_space<vmem_shared>> -> memref<40x128xf32, #tpu.memory_space<vmem_shared>>
        tpu.enqueue_dma source(%arg9 : memref<40x128xf32, #tpu.memory_space<vmem>>) target(%dma_start3A_84 : memref<40x128xf32, #tpu.memory_space<vmem_shared>>) target_semaphore(%arg29 : memref<!tpu.dma_semaphore, #tpu.memory_space<semaphore_mem>>)
      } else {
      }
      %scan3A_78 = arith.constant 0 : i32
      scf.yield %scan3A_78 : i32
    }
    %scan3A_17 = arith.constant 16 : i32
    %scan3A_18 = arith.constant 0 : i32
    %scan3A_19 = arith.constant 0 : i32
    %scan3A_20 = arith.constant 16 : i32
    %scan3A_21 = arith.addi %scan3A_19, %scan3A_20 : i32
    %scan3A_22 = arith.constant 1 : i32
    %scan3A_23 = scf.for %scan3A_68 = %scan3A_19 to %scan3A_21 step %scan3A_22 iter_args(%scan3A_69 = %scan3A_18) -> (i32)  : i32 {
      %mul3A_70 = arith.constant 16 : i32
      %mul3A_71 = arith.muli %scan3A_68, %mul3A_70 : i32
      %add3A_72 = arith.addi %arg1, %mul3A_71 : i32
      %lt3A_73 = arith.constant 250 : i32
      %lt3A_74 = arith.cmpi slt, %add3A_72, %lt3A_73 : i32
      %convert_element_type3A_75 = arith.extui %lt3A_74 : i1 to i32
      %cond3A_76 = arith.constant 0 : i32
      %cond3A_77 = arith.cmpi ne, %convert_element_type3A_75, %cond3A_76 : i32
      scf.if %cond3A_77 {
        %mul3A_79 = arith.constant 40 : i32
        %mul3A_80 = arith.muli %add3A_72, %mul3A_79 : i32
        %dma_wait3A_81 = arith.constant 0 : i32
        %dma_wait3A_82 = tpu.memref_slice %arg6[%mul3A_80, %dma_wait3A_81] : memref<10000x128xf32, #tpu.memory_space<vmem_shared>> -> memref<40x128xf32, #tpu.memory_space<vmem_shared>>
        %dma_wait3A_83 = arith.constant 0 : i32
        %dma_wait3A_84 = tpu.memref_slice %arg6[%mul3A_80, %dma_wait3A_83] : memref<10000x128xf32, #tpu.memory_space<vmem_shared>> -> memref<40x128xf32, #tpu.memory_space<vmem_shared>>
        tpu.wait_dma2 semaphore(%arg29 : memref<!tpu.dma_semaphore, #tpu.memory_space<semaphore_mem>>) src(%arg9 : memref<40x128xf32, #tpu.memory_space<vmem>>) dst(%dma_wait3A_84 : memref<40x128xf32, #tpu.memory_space<vmem_shared>>)
      } else {
      }
      %scan3A_78 = arith.constant 0 : i32
      scf.yield %scan3A_78 : i32
    }
    %scan3A_24 = arith.constant 16 : i32
    %barrier3A = arith.constant 0 : index
    tpu.barrier barrier_id(%barrier3A)
    %dma_start3A = arith.constant 0 : i32
    %dma_start3A_25 = tpu.memref_slice %arg7[%dma_start3A] : memref<10000xi32, #tpu.memory_space<vmem>> -> memref<40xi32, #tpu.memory_space<vmem>>
    %dma_start3A_26 = arith.constant 0 : i32
    %dma_start3A_27 = arith.constant 0 : i32
    %dma_start3A_28 = tpu.memref_slice %arg2[%dma_start3A_26, %dma_start3A_27] : memref<10000x128xf32, #tpu.memory_space<hbm>> -> memref<10000x128xf32, #tpu.memory_space<hbm>>
    tpu.enqueue_indirect_dma source(%dma_start3A_28 : memref<10000x128xf32, #tpu.memory_space<hbm>>) target(%arg9 : memref<40x128xf32, #tpu.memory_space<vmem>>) offsets(%dma_start3A_25 : memref<40xi32, #tpu.memory_space<vmem>>) semaphore(%arg19 : memref<!tpu.dma_semaphore, #tpu.memory_space<semaphore_mem>>)
    %dma_start3A_29 = arith.constant 40 : i32
    %dma_start3A_30 = tpu.memref_slice %arg7[%dma_start3A_29] : memref<10000xi32, #tpu.memory_space<vmem>> -> memref<40xi32, #tpu.memory_space<vmem>>
    %dma_start3A_31 = arith.constant 0 : i32
    %dma_start3A_32 = arith.constant 0 : i32
    %dma_start3A_33 = tpu.memref_slice %arg2[%dma_start3A_31, %dma_start3A_32] : memref<10000x128xf32, #tpu.memory_space<hbm>> -> memref<10000x128xf32, #tpu.memory_space<hbm>>
    tpu.enqueue_indirect_dma source(%dma_start3A_33 : memref<10000x128xf32, #tpu.memory_space<hbm>>) target(%arg10 : memref<40x128xf32, #tpu.memory_space<vmem>>) offsets(%dma_start3A_30 : memref<40xi32, #tpu.memory_space<vmem>>) semaphore(%arg20 : memref<!tpu.dma_semaphore, #tpu.memory_space<semaphore_mem>>)
    %dma_start3A_34 = arith.constant 80 : i32
    %dma_start3A_35 = tpu.memref_slice %arg7[%dma_start3A_34] : memref<10000xi32, #tpu.memory_space<vmem>> -> memref<40xi32, #tpu.memory_space<vmem>>
    %dma_start3A_36 = arith.constant 0 : i32
    %dma_start3A_37 = arith.constant 0 : i32
    %dma_start3A_38 = tpu.memref_slice %arg2[%dma_start3A_36, %dma_start3A_37] : memref<10000x128xf32, #tpu.memory_space<hbm>> -> memref<10000x128xf32, #tpu.memory_space<hbm>>
    tpu.enqueue_indirect_dma source(%dma_start3A_38 : memref<10000x128xf32, #tpu.memory_space<hbm>>) target(%arg11 : memref<40x128xf32, #tpu.memory_space<vmem>>) offsets(%dma_start3A_35 : memref<40xi32, #tpu.memory_space<vmem>>) semaphore(%arg21 : memref<!tpu.dma_semaphore, #tpu.memory_space<semaphore_mem>>)
    %scan3A_39 = arith.constant 0 : i32
    %scan3A_40 = arith.constant 0 : i32
    %scan3A_41 = arith.constant 50 : i32
    %scan3A_42 = arith.addi %scan3A_40, %scan3A_41 : i32
    %scan3A_43 = arith.constant 1 : i32
    %scan3A_44 = scf.for %scan3A_68 = %scan3A_40 to %scan3A_42 step %scan3A_43 iter_args(%scan3A_69 = %scan3A_39) -> (i32)  : i32 {
      %mul3A_70 = arith.constant 5 : i32
      %mul3A_71 = arith.muli %scan3A_68, %mul3A_70 : i32
      %add3A_72 = arith.constant 0 : i32
      %add3A_73 = arith.addi %mul3A_71, %add3A_72 : i32
      %ge3A = arith.constant 2 : i32
      %ge3A_74 = arith.cmpi sge, %add3A_73, %ge3A : i32
      %convert_element_type3A_75 = arith.extui %ge3A_74 : i1 to i32
      %cond3A_76 = arith.constant 0 : i32
      %cond3A_77 = arith.cmpi ne, %convert_element_type3A_75, %cond3A_76 : i32
      scf.if %cond3A_77 {
        %sub3A = arith.constant 2 : i32
        %sub3A_408 = arith.subi %add3A_73, %sub3A : i32
        %dma_wait3A_409 = arith.constant 0 : i32
        %dma_wait3A_410 = arith.constant 0 : i32
        %dma_wait3A_411 = tpu.memref_slice %arg17[%dma_wait3A_409, %dma_wait3A_410] : memref<1x128xi32, #tpu.memory_space<vmem>> -> memref<1x40xi32, #tpu.memory_space<vmem>>
        %dma_wait3A_412 = tpu.memref_squeeze %dma_wait3A_411 : memref<1x40xi32, #tpu.memory_space<vmem>> -> memref<40xi32, #tpu.memory_space<vmem>>
        %dma_wait3A_413 = arith.constant 0 : i32
        %dma_wait3A_414 = arith.constant 0 : i32
        %dma_wait3A_415 = tpu.memref_slice %arg6[%dma_wait3A_413, %dma_wait3A_414] : memref<10000x128xf32, #tpu.memory_space<vmem_shared>> -> memref<10000x128xf32, #tpu.memory_space<vmem_shared>>
        tpu.wait_indirect_dma semaphore(%arg27 : memref<!tpu.dma_semaphore, #tpu.memory_space<semaphore_mem>>) src(%arg12 : memref<40x128xf32, #tpu.memory_space<vmem>>) dst(%dma_wait3A_415 : memref<10000x128xf32, #tpu.memory_space<vmem_shared>>)
      } else {
      }
      %add3A_78 = arith.constant 3 : i32
      %add3A_79 = arith.addi %add3A_73, %add3A_78 : i32
      %lt3A_80 = arith.constant 250 : i32
      %lt3A_81 = arith.cmpi slt, %add3A_79, %lt3A_80 : i32
      %convert_element_type3A_82 = arith.extui %lt3A_81 : i1 to i32
      %cond3A_83 = arith.constant 0 : i32
      %cond3A_84 = arith.cmpi ne, %convert_element_type3A_82, %cond3A_83 : i32
      scf.if %cond3A_84 {
        %add3A_408 = arith.constant 3 : i32
        %add3A_409 = arith.addi %add3A_73, %add3A_408 : i32
        %mul3A_410 = arith.constant 40 : i32
        %mul3A_411 = arith.muli %add3A_409, %mul3A_410 : i32
        %dma_start3A_412 = tpu.memref_slice %arg7[%mul3A_411] : memref<10000xi32, #tpu.memory_space<vmem>> -> memref<40xi32, #tpu.memory_space<vmem>>
        %dma_start3A_413 = arith.constant 0 : i32
        %dma_start3A_414 = arith.constant 0 : i32
        %dma_start3A_415 = tpu.memref_slice %arg2[%dma_start3A_413, %dma_start3A_414] : memref<10000x128xf32, #tpu.memory_space<hbm>> -> memref<10000x128xf32, #tpu.memory_space<hbm>>
        tpu.enqueue_indirect_dma source(%dma_start3A_415 : memref<10000x128xf32, #tpu.memory_space<hbm>>) target(%arg12 : memref<40x128xf32, #tpu.memory_space<vmem>>) offsets(%dma_start3A_412 : memref<40xi32, #tpu.memory_space<vmem>>) semaphore(%arg22 : memref<!tpu.dma_semaphore, #tpu.memory_space<semaphore_mem>>)
      } else {
      }
      %mul3A_85 = arith.constant 40 : i32
      %mul3A_86 = arith.muli %add3A_73, %mul3A_85 : i32
      %dma_wait3A_87 = tpu.memref_slice %arg7[%mul3A_86] : memref<10000xi32, #tpu.memory_space<vmem>> -> memref<40xi32, #tpu.memory_space<vmem>>
      %dma_wait3A_88 = arith.constant 0 : i32
      %dma_wait3A_89 = arith.constant 0 : i32
      %dma_wait3A_90 = tpu.memref_slice %arg2[%dma_wait3A_88, %dma_wait3A_89] : memref<10000x128xf32, #tpu.memory_space<hbm>> -> memref<10000x128xf32, #tpu.memory_space<hbm>>
      tpu.wait_indirect_dma semaphore(%arg19 : memref<!tpu.dma_semaphore, #tpu.memory_space<semaphore_mem>>) src(%dma_wait3A_90 : memref<10000x128xf32, #tpu.memory_space<hbm>>) dst(%arg9 : memref<40x128xf32, #tpu.memory_space<vmem>>)
      %mul3A_91 = arith.constant 40 : i32
      %mul3A_92 = arith.muli %add3A_73, %mul3A_91 : i32
      %add3A_93 = arith.constant 0 : i32
      %add3A_94 = arith.addi %mul3A_92, %add3A_93 : i32
      %get3A = arith.index_cast %add3A_94 : i32 to index
      %get3A_95 = tpu.vector_load %arg8[%get3A] {strides = array<i32>} : memref<10016xi32, #tpu.memory_space<vmem>>, vector<16xi32>,
      %get3A_96 = vector.shape_cast %get3A_95 : vector<16xi32> to vector<16xi32>
      %swap3A = arith.constant 0 : i32
      %swap3A_97 = arith.index_cast %swap3A : i32 to index
      %swap3A_98 = arith.constant 0 : index
      %swap3A_99 = tpu.vector_load %arg14[%swap3A_97, %swap3A_98] {strides = array<i32>} : memref<1x128xi32, #tpu.memory_space<vmem>>, vector<1x16xi32>,
      %swap3A_100 = vector.shape_cast %swap3A_99 : vector<1x16xi32> to vector<16xi32>
      %swap3A_101 = vector.shape_cast %get3A_96 : vector<16xi32> to vector<1x16xi32>
      tpu.vector_store %arg14[%swap3A_97, %swap3A_98], %swap3A_101 {strides = array<i32>} : memref<1x128xi32, #tpu.memory_space<vmem>>, vector<1x16xi32>,
      %mul3A_102 = arith.constant 40 : i32
      %mul3A_103 = arith.muli %add3A_73, %mul3A_102 : i32
      %add3A_104 = arith.constant 16 : i32
      %add3A_105 = arith.addi %mul3A_103, %add3A_104 : i32
      %get3A_106 = arith.index_cast %add3A_105 : i32 to index
      %get3A_107 = tpu.vector_load %arg8[%get3A_106] {strides = array<i32>} : memref<10016xi32, #tpu.memory_space<vmem>>, vector<16xi32>,
      %get3A_108 = vector.shape_cast %get3A_107 : vector<16xi32> to vector<16xi32>
      %swap3A_109 = arith.constant 0 : i32
      %swap3A_110 = arith.index_cast %swap3A_109 : i32 to index
      %swap3A_111 = arith.constant 16 : index
      %swap3A_112 = tpu.vector_load %arg14[%swap3A_110, %swap3A_111] {strides = array<i32>} : memref<1x128xi32, #tpu.memory_space<vmem>>, vector<1x16xi32>,
      %swap3A_113 = vector.shape_cast %swap3A_112 : vector<1x16xi32> to vector<16xi32>
      %swap3A_114 = vector.shape_cast %get3A_108 : vector<16xi32> to vector<1x16xi32>
      tpu.vector_store %arg14[%swap3A_110, %swap3A_111], %swap3A_114 {strides = array<i32>} : memref<1x128xi32, #tpu.memory_space<vmem>>, vector<1x16xi32>,
      %mul3A_115 = arith.constant 40 : i32
      %mul3A_116 = arith.muli %add3A_73, %mul3A_115 : i32
      %add3A_117 = arith.constant 32 : i32
      %add3A_118 = arith.addi %mul3A_116, %add3A_117 : i32
      %get3A_119 = arith.index_cast %add3A_118 : i32 to index
      %get3A_120 = tpu.vector_load %arg8[%get3A_119] {strides = array<i32>} : memref<10016xi32, #tpu.memory_space<vmem>>, vector<16xi32>,
      %get3A_121 = vector.shape_cast %get3A_120 : vector<16xi32> to vector<16xi32>
      %swap3A_122 = arith.constant 0 : i32
      %swap3A_123 = arith.index_cast %swap3A_122 : i32 to index
      %swap3A_124 = arith.constant 32 : index
      %swap3A_125 = tpu.vector_load %arg14[%swap3A_123, %swap3A_124] {strides = array<i32>} : memref<1x128xi32, #tpu.memory_space<vmem>>, vector<1x16xi32>,
      %swap3A_126 = vector.shape_cast %swap3A_125 : vector<1x16xi32> to vector<16xi32>
      %swap3A_127 = vector.shape_cast %get3A_121 : vector<16xi32> to vector<1x16xi32>
      tpu.vector_store %arg14[%swap3A_123, %swap3A_124], %swap3A_127 {strides = array<i32>} : memref<1x128xi32, #tpu.memory_space<vmem>>, vector<1x16xi32>,
      %dma_start3A_128 = arith.constant 0 : i32
      %dma_start3A_129 = arith.constant 0 : i32
      %dma_start3A_130 = tpu.memref_slice %arg14[%dma_start3A_128, %dma_start3A_129] : memref<1x128xi32, #tpu.memory_space<vmem>> -> memref<1x40xi32, #tpu.memory_space<vmem>>
      %dma_start3A_131 = tpu.memref_squeeze %dma_start3A_130 : memref<1x40xi32, #tpu.memory_space<vmem>> -> memref<40xi32, #tpu.memory_space<vmem>>
      %dma_start3A_132 = arith.constant 0 : i32
      %dma_start3A_133 = arith.constant 0 : i32
      %dma_start3A_134 = tpu.memref_slice %arg6[%dma_start3A_132, %dma_start3A_133] : memref<10000x128xf32, #tpu.memory_space<vmem_shared>> -> memref<10000x128xf32, #tpu.memory_space<vmem_shared>>
      tpu.enqueue_indirect_dma source(%arg9 : memref<40x128xf32, #tpu.memory_space<vmem>>) target(%dma_start3A_134 : memref<10000x128xf32, #tpu.memory_space<vmem_shared>>) offsets(%dma_start3A_131 : memref<40xi32, #tpu.memory_space<vmem>>) semaphore(%arg24 : memref<!tpu.dma_semaphore, #tpu.memory_space<semaphore_mem>>) {add = true}
      %mul3A_135 = arith.constant 5 : i32
      %mul3A_136 = arith.muli %scan3A_68, %mul3A_135 : i32
      %add3A_137 = arith.constant 1 : i32
      %add3A_138 = arith.addi %mul3A_136, %add3A_137 : i32
      %ge3A_139 = arith.constant 2 : i32
      %ge3A_140 = arith.cmpi sge, %add3A_138, %ge3A_139 : i32
      %convert_element_type3A_141 = arith.extui %ge3A_140 : i1 to i32
      %cond3A_142 = arith.constant 0 : i32
      %cond3A_143 = arith.cmpi ne, %convert_element_type3A_141, %cond3A_142 : i32
      scf.if %cond3A_143 {
        %sub3A = arith.constant 2 : i32
        %sub3A_408 = arith.subi %add3A_138, %sub3A : i32
        %dma_wait3A_409 = arith.constant 0 : i32
        %dma_wait3A_410 = arith.constant 0 : i32
        %dma_wait3A_411 = tpu.memref_slice %arg18[%dma_wait3A_409, %dma_wait3A_410] : memref<1x128xi32, #tpu.memory_space<vmem>> -> memref<1x40xi32, #tpu.memory_space<vmem>>
        %dma_wait3A_412 = tpu.memref_squeeze %dma_wait3A_411 : memref<1x40xi32, #tpu.memory_space<vmem>> -> memref<40xi32, #tpu.memory_space<vmem>>
        %dma_wait3A_413 = arith.constant 0 : i32
        %dma_wait3A_414 = arith.constant 0 : i32
        %dma_wait3A_415 = tpu.memref_slice %arg6[%dma_wait3A_413, %dma_wait3A_414] : memref<10000x128xf32, #tpu.memory_space<vmem_shared>> -> memref<10000x128xf32, #tpu.memory_space<vmem_shared>>
        tpu.wait_indirect_dma semaphore(%arg28 : memref<!tpu.dma_semaphore, #tpu.memory_space<semaphore_mem>>) src(%arg13 : memref<40x128xf32, #tpu.memory_space<vmem>>) dst(%dma_wait3A_415 : memref<10000x128xf32, #tpu.memory_space<vmem_shared>>)
      } else {
      }
      %add3A_144 = arith.constant 3 : i32
      %add3A_145 = arith.addi %add3A_138, %add3A_144 : i32
      %lt3A_146 = arith.constant 250 : i32
      %lt3A_147 = arith.cmpi slt, %add3A_145, %lt3A_146 : i32
      %convert_element_type3A_148 = arith.extui %lt3A_147 : i1 to i32
      %cond3A_149 = arith.constant 0 : i32
      %cond3A_150 = arith.cmpi ne, %convert_element_type3A_148, %cond3A_149 : i32
      scf.if %cond3A_150 {
        %add3A_408 = arith.constant 3 : i32
        %add3A_409 = arith.addi %add3A_138, %add3A_408 : i32
        %mul3A_410 = arith.constant 40 : i32
        %mul3A_411 = arith.muli %add3A_409, %mul3A_410 : i32
        %dma_start3A_412 = tpu.memref_slice %arg7[%mul3A_411] : memref<10000xi32, #tpu.memory_space<vmem>> -> memref<40xi32, #tpu.memory_space<vmem>>
        %dma_start3A_413 = arith.constant 0 : i32
        %dma_start3A_414 = arith.constant 0 : i32
        %dma_start3A_415 = tpu.memref_slice %arg2[%dma_start3A_413, %dma_start3A_414] : memref<10000x128xf32, #tpu.memory_space<hbm>> -> memref<10000x128xf32, #tpu.memory_space<hbm>>
        tpu.enqueue_indirect_dma source(%dma_start3A_415 : memref<10000x128xf32, #tpu.memory_space<hbm>>) target(%arg13 : memref<40x128xf32, #tpu.memory_space<vmem>>) offsets(%dma_start3A_412 : memref<40xi32, #tpu.memory_space<vmem>>) semaphore(%arg23 : memref<!tpu.dma_semaphore, #tpu.memory_space<semaphore_mem>>)
      } else {
      }
      %mul3A_151 = arith.constant 40 : i32
      %mul3A_152 = arith.muli %add3A_138, %mul3A_151 : i32
      %dma_wait3A_153 = tpu.memref_slice %arg7[%mul3A_152] : memref<10000xi32, #tpu.memory_space<vmem>> -> memref<40xi32, #tpu.memory_space<vmem>>
      %dma_wait3A_154 = arith.constant 0 : i32
      %dma_wait3A_155 = arith.constant 0 : i32
      %dma_wait3A_156 = tpu.memref_slice %arg2[%dma_wait3A_154, %dma_wait3A_155] : memref<10000x128xf32, #tpu.memory_space<hbm>> -> memref<10000x128xf32, #tpu.memory_space<hbm>>
      tpu.wait_indirect_dma semaphore(%arg20 : memref<!tpu.dma_semaphore, #tpu.memory_space<semaphore_mem>>) src(%dma_wait3A_156 : memref<10000x128xf32, #tpu.memory_space<hbm>>) dst(%arg10 : memref<40x128xf32, #tpu.memory_space<vmem>>)
      %mul3A_157 = arith.constant 40 : i32
      %mul3A_158 = arith.muli %add3A_138, %mul3A_157 : i32
      %add3A_159 = arith.constant 0 : i32
      %add3A_160 = arith.addi %mul3A_158, %add3A_159 : i32
      %get3A_161 = arith.index_cast %add3A_160 : i32 to index
      %get3A_162 = tpu.vector_load %arg8[%get3A_161] {strides = array<i32>} : memref<10016xi32, #tpu.memory_space<vmem>>, vector<16xi32>,
      %get3A_163 = vector.shape_cast %get3A_162 : vector<16xi32> to vector<16xi32>
      %swap3A_164 = arith.constant 0 : i32
      %swap3A_165 = arith.index_cast %swap3A_164 : i32 to index
      %swap3A_166 = arith.constant 0 : index
      %swap3A_167 = tpu.vector_load %arg15[%swap3A_165, %swap3A_166] {strides = array<i32>} : memref<1x128xi32, #tpu.memory_space<vmem>>, vector<1x16xi32>,
      %swap3A_168 = vector.shape_cast %swap3A_167 : vector<1x16xi32> to vector<16xi32>
      %swap3A_169 = vector.shape_cast %get3A_163 : vector<16xi32> to vector<1x16xi32>
      tpu.vector_store %arg15[%swap3A_165, %swap3A_166], %swap3A_169 {strides = array<i32>} : memref<1x128xi32, #tpu.memory_space<vmem>>, vector<1x16xi32>,
      %mul3A_170 = arith.constant 40 : i32
      %mul3A_171 = arith.muli %add3A_138, %mul3A_170 : i32
      %add3A_172 = arith.constant 16 : i32
      %add3A_173 = arith.addi %mul3A_171, %add3A_172 : i32
      %get3A_174 = arith.index_cast %add3A_173 : i32 to index
      %get3A_175 = tpu.vector_load %arg8[%get3A_174] {strides = array<i32>} : memref<10016xi32, #tpu.memory_space<vmem>>, vector<16xi32>,
      %get3A_176 = vector.shape_cast %get3A_175 : vector<16xi32> to vector<16xi32>
      %swap3A_177 = arith.constant 0 : i32
      %swap3A_178 = arith.index_cast %swap3A_177 : i32 to index
      %swap3A_179 = arith.constant 16 : index
      %swap3A_180 = tpu.vector_load %arg15[%swap3A_178, %swap3A_179] {strides = array<i32>} : memref<1x128xi32, #tpu.memory_space<vmem>>, vector<1x16xi32>,
      %swap3A_181 = vector.shape_cast %swap3A_180 : vector<1x16xi32> to vector<16xi32>
      %swap3A_182 = vector.shape_cast %get3A_176 : vector<16xi32> to vector<1x16xi32>
      tpu.vector_store %arg15[%swap3A_178, %swap3A_179], %swap3A_182 {strides = array<i32>} : memref<1x128xi32, #tpu.memory_space<vmem>>, vector<1x16xi32>,
      %mul3A_183 = arith.constant 40 : i32
      %mul3A_184 = arith.muli %add3A_138, %mul3A_183 : i32
      %add3A_185 = arith.constant 32 : i32
      %add3A_186 = arith.addi %mul3A_184, %add3A_185 : i32
      %get3A_187 = arith.index_cast %add3A_186 : i32 to index
      %get3A_188 = tpu.vector_load %arg8[%get3A_187] {strides = array<i32>} : memref<10016xi32, #tpu.memory_space<vmem>>, vector<16xi32>,
      %get3A_189 = vector.shape_cast %get3A_188 : vector<16xi32> to vector<16xi32>
      %swap3A_190 = arith.constant 0 : i32
      %swap3A_191 = arith.index_cast %swap3A_190 : i32 to index
      %swap3A_192 = arith.constant 32 : index
      %swap3A_193 = tpu.vector_load %arg15[%swap3A_191, %swap3A_192] {strides = array<i32>} : memref<1x128xi32, #tpu.memory_space<vmem>>, vector<1x16xi32>,
      %swap3A_194 = vector.shape_cast %swap3A_193 : vector<1x16xi32> to vector<16xi32>
      %swap3A_195 = vector.shape_cast %get3A_189 : vector<16xi32> to vector<1x16xi32>
      tpu.vector_store %arg15[%swap3A_191, %swap3A_192], %swap3A_195 {strides = array<i32>} : memref<1x128xi32, #tpu.memory_space<vmem>>, vector<1x16xi32>,
      %dma_start3A_196 = arith.constant 0 : i32
      %dma_start3A_197 = arith.constant 0 : i32
      %dma_start3A_198 = tpu.memref_slice %arg15[%dma_start3A_196, %dma_start3A_197] : memref<1x128xi32, #tpu.memory_space<vmem>> -> memref<1x40xi32, #tpu.memory_space<vmem>>
      %dma_start3A_199 = tpu.memref_squeeze %dma_start3A_198 : memref<1x40xi32, #tpu.memory_space<vmem>> -> memref<40xi32, #tpu.memory_space<vmem>>
      %dma_start3A_200 = arith.constant 0 : i32
      %dma_start3A_201 = arith.constant 0 : i32
      %dma_start3A_202 = tpu.memref_slice %arg6[%dma_start3A_200, %dma_start3A_201] : memref<10000x128xf32, #tpu.memory_space<vmem_shared>> -> memref<10000x128xf32, #tpu.memory_space<vmem_shared>>
      tpu.enqueue_indirect_dma source(%arg10 : memref<40x128xf32, #tpu.memory_space<vmem>>) target(%dma_start3A_202 : memref<10000x128xf32, #tpu.memory_space<vmem_shared>>) offsets(%dma_start3A_199 : memref<40xi32, #tpu.memory_space<vmem>>) semaphore(%arg25 : memref<!tpu.dma_semaphore, #tpu.memory_space<semaphore_mem>>) {add = true}
      %mul3A_203 = arith.constant 5 : i32
      %mul3A_204 = arith.muli %scan3A_68, %mul3A_203 : i32
      %add3A_205 = arith.constant 2 : i32
      %add3A_206 = arith.addi %mul3A_204, %add3A_205 : i32
      %ge3A_207 = arith.constant 2 : i32
      %ge3A_208 = arith.cmpi sge, %add3A_206, %ge3A_207 : i32
      %convert_element_type3A_209 = arith.extui %ge3A_208 : i1 to i32
      %cond3A_210 = arith.constant 0 : i32
      %cond3A_211 = arith.cmpi ne, %convert_element_type3A_209, %cond3A_210 : i32
      scf.if %cond3A_211 {
        %sub3A = arith.constant 2 : i32
        %sub3A_408 = arith.subi %add3A_206, %sub3A : i32
        %dma_wait3A_409 = arith.constant 0 : i32
        %dma_wait3A_410 = arith.constant 0 : i32
        %dma_wait3A_411 = tpu.memref_slice %arg14[%dma_wait3A_409, %dma_wait3A_410] : memref<1x128xi32, #tpu.memory_space<vmem>> -> memref<1x40xi32, #tpu.memory_space<vmem>>
        %dma_wait3A_412 = tpu.memref_squeeze %dma_wait3A_411 : memref<1x40xi32, #tpu.memory_space<vmem>> -> memref<40xi32, #tpu.memory_space<vmem>>
        %dma_wait3A_413 = arith.constant 0 : i32
        %dma_wait3A_414 = arith.constant 0 : i32
        %dma_wait3A_415 = tpu.memref_slice %arg6[%dma_wait3A_413, %dma_wait3A_414] : memref<10000x128xf32, #tpu.memory_space<vmem_shared>> -> memref<10000x128xf32, #tpu.memory_space<vmem_shared>>
        tpu.wait_indirect_dma semaphore(%arg24 : memref<!tpu.dma_semaphore, #tpu.memory_space<semaphore_mem>>) src(%arg9 : memref<40x128xf32, #tpu.memory_space<vmem>>) dst(%dma_wait3A_415 : memref<10000x128xf32, #tpu.memory_space<vmem_shared>>)
      } else {
      }
      %add3A_212 = arith.constant 3 : i32
      %add3A_213 = arith.addi %add3A_206, %add3A_212 : i32
      %lt3A_214 = arith.constant 250 : i32
      %lt3A_215 = arith.cmpi slt, %add3A_213, %lt3A_214 : i32
      %convert_element_type3A_216 = arith.extui %lt3A_215 : i1 to i32
      %cond3A_217 = arith.constant 0 : i32
      %cond3A_218 = arith.cmpi ne, %convert_element_type3A_216, %cond3A_217 : i32
      scf.if %cond3A_218 {
        %add3A_408 = arith.constant 3 : i32
        %add3A_409 = arith.addi %add3A_206, %add3A_408 : i32
        %mul3A_410 = arith.constant 40 : i32
        %mul3A_411 = arith.muli %add3A_409, %mul3A_410 : i32
        %dma_start3A_412 = tpu.memref_slice %arg7[%mul3A_411] : memref<10000xi32, #tpu.memory_space<vmem>> -> memref<40xi32, #tpu.memory_space<vmem>>
        %dma_start3A_413 = arith.constant 0 : i32
        %dma_start3A_414 = arith.constant 0 : i32
        %dma_start3A_415 = tpu.memref_slice %arg2[%dma_start3A_413, %dma_start3A_414] : memref<10000x128xf32, #tpu.memory_space<hbm>> -> memref<10000x128xf32, #tpu.memory_space<hbm>>
        tpu.enqueue_indirect_dma source(%dma_start3A_415 : memref<10000x128xf32, #tpu.memory_space<hbm>>) target(%arg9 : memref<40x128xf32, #tpu.memory_space<vmem>>) offsets(%dma_start3A_412 : memref<40xi32, #tpu.memory_space<vmem>>) semaphore(%arg19 : memref<!tpu.dma_semaphore, #tpu.memory_space<semaphore_mem>>)
      } else {
      }
      %mul3A_219 = arith.constant 40 : i32
      %mul3A_220 = arith.muli %add3A_206, %mul3A_219 : i32
      %dma_wait3A_221 = tpu.memref_slice %arg7[%mul3A_220] : memref<10000xi32, #tpu.memory_space<vmem>> -> memref<40xi32, #tpu.memory_space<vmem>>
      %dma_wait3A_222 = arith.constant 0 : i32
      %dma_wait3A_223 = arith.constant 0 : i32
      %dma_wait3A_224 = tpu.memref_slice %arg2[%dma_wait3A_222, %dma_wait3A_223] : memref<10000x128xf32, #tpu.memory_space<hbm>> -> memref<10000x128xf32, #tpu.memory_space<hbm>>
      tpu.wait_indirect_dma semaphore(%arg21 : memref<!tpu.dma_semaphore, #tpu.memory_space<semaphore_mem>>) src(%dma_wait3A_224 : memref<10000x128xf32, #tpu.memory_space<hbm>>) dst(%arg11 : memref<40x128xf32, #tpu.memory_space<vmem>>)
      %mul3A_225 = arith.constant 40 : i32
      %mul3A_226 = arith.muli %add3A_206, %mul3A_225 : i32
      %add3A_227 = arith.constant 0 : i32
      %add3A_228 = arith.addi %mul3A_226, %add3A_227 : i32
      %get3A_229 = arith.index_cast %add3A_228 : i32 to index
      %get3A_230 = tpu.vector_load %arg8[%get3A_229] {strides = array<i32>} : memref<10016xi32, #tpu.memory_space<vmem>>, vector<16xi32>,
      %get3A_231 = vector.shape_cast %get3A_230 : vector<16xi32> to vector<16xi32>
      %swap3A_232 = arith.constant 0 : i32
      %swap3A_233 = arith.index_cast %swap3A_232 : i32 to index
      %swap3A_234 = arith.constant 0 : index
      %swap3A_235 = tpu.vector_load %arg16[%swap3A_233, %swap3A_234] {strides = array<i32>} : memref<1x128xi32, #tpu.memory_space<vmem>>, vector<1x16xi32>,
      %swap3A_236 = vector.shape_cast %swap3A_235 : vector<1x16xi32> to vector<16xi32>
      %swap3A_237 = vector.shape_cast %get3A_231 : vector<16xi32> to vector<1x16xi32>
      tpu.vector_store %arg16[%swap3A_233, %swap3A_234], %swap3A_237 {strides = array<i32>} : memref<1x128xi32, #tpu.memory_space<vmem>>, vector<1x16xi32>,
      %mul3A_238 = arith.constant 40 : i32
      %mul3A_239 = arith.muli %add3A_206, %mul3A_238 : i32
      %add3A_240 = arith.constant 16 : i32
      %add3A_241 = arith.addi %mul3A_239, %add3A_240 : i32
      %get3A_242 = arith.index_cast %add3A_241 : i32 to index
      %get3A_243 = tpu.vector_load %arg8[%get3A_242] {strides = array<i32>} : memref<10016xi32, #tpu.memory_space<vmem>>, vector<16xi32>,
      %get3A_244 = vector.shape_cast %get3A_243 : vector<16xi32> to vector<16xi32>
      %swap3A_245 = arith.constant 0 : i32
      %swap3A_246 = arith.index_cast %swap3A_245 : i32 to index
      %swap3A_247 = arith.constant 16 : index
      %swap3A_248 = tpu.vector_load %arg16[%swap3A_246, %swap3A_247] {strides = array<i32>} : memref<1x128xi32, #tpu.memory_space<vmem>>, vector<1x16xi32>,
      %swap3A_249 = vector.shape_cast %swap3A_248 : vector<1x16xi32> to vector<16xi32>
      %swap3A_250 = vector.shape_cast %get3A_244 : vector<16xi32> to vector<1x16xi32>
      tpu.vector_store %arg16[%swap3A_246, %swap3A_247], %swap3A_250 {strides = array<i32>} : memref<1x128xi32, #tpu.memory_space<vmem>>, vector<1x16xi32>,
      %mul3A_251 = arith.constant 40 : i32
      %mul3A_252 = arith.muli %add3A_206, %mul3A_251 : i32
      %add3A_253 = arith.constant 32 : i32
      %add3A_254 = arith.addi %mul3A_252, %add3A_253 : i32
      %get3A_255 = arith.index_cast %add3A_254 : i32 to index
      %get3A_256 = tpu.vector_load %arg8[%get3A_255] {strides = array<i32>} : memref<10016xi32, #tpu.memory_space<vmem>>, vector<16xi32>,
      %get3A_257 = vector.shape_cast %get3A_256 : vector<16xi32> to vector<16xi32>
      %swap3A_258 = arith.constant 0 : i32
      %swap3A_259 = arith.index_cast %swap3A_258 : i32 to index
      %swap3A_260 = arith.constant 32 : index
      %swap3A_261 = tpu.vector_load %arg16[%swap3A_259, %swap3A_260] {strides = array<i32>} : memref<1x128xi32, #tpu.memory_space<vmem>>, vector<1x16xi32>,
      %swap3A_262 = vector.shape_cast %swap3A_261 : vector<1x16xi32> to vector<16xi32>
      %swap3A_263 = vector.shape_cast %get3A_257 : vector<16xi32> to vector<1x16xi32>
      tpu.vector_store %arg16[%swap3A_259, %swap3A_260], %swap3A_263 {strides = array<i32>} : memref<1x128xi32, #tpu.memory_space<vmem>>, vector<1x16xi32>,
      %dma_start3A_264 = arith.constant 0 : i32
      %dma_start3A_265 = arith.constant 0 : i32
      %dma_start3A_266 = tpu.memref_slice %arg16[%dma_start3A_264, %dma_start3A_265] : memref<1x128xi32, #tpu.memory_space<vmem>> -> memref<1x40xi32, #tpu.memory_space<vmem>>
      %dma_start3A_267 = tpu.memref_squeeze %dma_start3A_266 : memref<1x40xi32, #tpu.memory_space<vmem>> -> memref<40xi32, #tpu.memory_space<vmem>>
      %dma_start3A_268 = arith.constant 0 : i32
      %dma_start3A_269 = arith.constant 0 : i32
      %dma_start3A_270 = tpu.memref_slice %arg6[%dma_start3A_268, %dma_start3A_269] : memref<10000x128xf32, #tpu.memory_space<vmem_shared>> -> memref<10000x128xf32, #tpu.memory_space<vmem_shared>>
      tpu.enqueue_indirect_dma source(%arg11 : memref<40x128xf32, #tpu.memory_space<vmem>>) target(%dma_start3A_270 : memref<10000x128xf32, #tpu.memory_space<vmem_shared>>) offsets(%dma_start3A_267 : memref<40xi32, #tpu.memory_space<vmem>>) semaphore(%arg26 : memref<!tpu.dma_semaphore, #tpu.memory_space<semaphore_mem>>) {add = true}
      %mul3A_271 = arith.constant 5 : i32
      %mul3A_272 = arith.muli %scan3A_68, %mul3A_271 : i32
      %add3A_273 = arith.constant 3 : i32
      %add3A_274 = arith.addi %mul3A_272, %add3A_273 : i32
      %ge3A_275 = arith.constant 2 : i32
      %ge3A_276 = arith.cmpi sge, %add3A_274, %ge3A_275 : i32
      %convert_element_type3A_277 = arith.extui %ge3A_276 : i1 to i32
      %cond3A_278 = arith.constant 0 : i32
      %cond3A_279 = arith.cmpi ne, %convert_element_type3A_277, %cond3A_278 : i32
      scf.if %cond3A_279 {
        %sub3A = arith.constant 2 : i32
        %sub3A_408 = arith.subi %add3A_274, %sub3A : i32
        %dma_wait3A_409 = arith.constant 0 : i32
        %dma_wait3A_410 = arith.constant 0 : i32
        %dma_wait3A_411 = tpu.memref_slice %arg15[%dma_wait3A_409, %dma_wait3A_410] : memref<1x128xi32, #tpu.memory_space<vmem>> -> memref<1x40xi32, #tpu.memory_space<vmem>>
        %dma_wait3A_412 = tpu.memref_squeeze %dma_wait3A_411 : memref<1x40xi32, #tpu.memory_space<vmem>> -> memref<40xi32, #tpu.memory_space<vmem>>
        %dma_wait3A_413 = arith.constant 0 : i32
        %dma_wait3A_414 = arith.constant 0 : i32
        %dma_wait3A_415 = tpu.memref_slice %arg6[%dma_wait3A_413, %dma_wait3A_414] : memref<10000x128xf32, #tpu.memory_space<vmem_shared>> -> memref<10000x128xf32, #tpu.memory_space<vmem_shared>>
        tpu.wait_indirect_dma semaphore(%arg25 : memref<!tpu.dma_semaphore, #tpu.memory_space<semaphore_mem>>) src(%arg10 : memref<40x128xf32, #tpu.memory_space<vmem>>) dst(%dma_wait3A_415 : memref<10000x128xf32, #tpu.memory_space<vmem_shared>>)
      } else {
      }
      %add3A_280 = arith.constant 3 : i32
      %add3A_281 = arith.addi %add3A_274, %add3A_280 : i32
      %lt3A_282 = arith.constant 250 : i32
      %lt3A_283 = arith.cmpi slt, %add3A_281, %lt3A_282 : i32
      %convert_element_type3A_284 = arith.extui %lt3A_283 : i1 to i32
      %cond3A_285 = arith.constant 0 : i32
      %cond3A_286 = arith.cmpi ne, %convert_element_type3A_284, %cond3A_285 : i32
      scf.if %cond3A_286 {
        %add3A_408 = arith.constant 3 : i32
        %add3A_409 = arith.addi %add3A_274, %add3A_408 : i32
        %mul3A_410 = arith.constant 40 : i32
        %mul3A_411 = arith.muli %add3A_409, %mul3A_410 : i32
        %dma_start3A_412 = tpu.memref_slice %arg7[%mul3A_411] : memref<10000xi32, #tpu.memory_space<vmem>> -> memref<40xi32, #tpu.memory_space<vmem>>
        %dma_start3A_413 = arith.constant 0 : i32
        %dma_start3A_414 = arith.constant 0 : i32
        %dma_start3A_415 = tpu.memref_slice %arg2[%dma_start3A_413, %dma_start3A_414] : memref<10000x128xf32, #tpu.memory_space<hbm>> -> memref<10000x128xf32, #tpu.memory_space<hbm>>
        tpu.enqueue_indirect_dma source(%dma_start3A_415 : memref<10000x128xf32, #tpu.memory_space<hbm>>) target(%arg10 : memref<40x128xf32, #tpu.memory_space<vmem>>) offsets(%dma_start3A_412 : memref<40xi32, #tpu.memory_space<vmem>>) semaphore(%arg20 : memref<!tpu.dma_semaphore, #tpu.memory_space<semaphore_mem>>)
      } else {
      }
      %mul3A_287 = arith.constant 40 : i32
      %mul3A_288 = arith.muli %add3A_274, %mul3A_287 : i32
      %dma_wait3A_289 = tpu.memref_slice %arg7[%mul3A_288] : memref<10000xi32, #tpu.memory_space<vmem>> -> memref<40xi32, #tpu.memory_space<vmem>>
      %dma_wait3A_290 = arith.constant 0 : i32
      %dma_wait3A_291 = arith.constant 0 : i32
      %dma_wait3A_292 = tpu.memref_slice %arg2[%dma_wait3A_290, %dma_wait3A_291] : memref<10000x128xf32, #tpu.memory_space<hbm>> -> memref<10000x128xf32, #tpu.memory_space<hbm>>
      tpu.wait_indirect_dma semaphore(%arg22 : memref<!tpu.dma_semaphore, #tpu.memory_space<semaphore_mem>>) src(%dma_wait3A_292 : memref<10000x128xf32, #tpu.memory_space<hbm>>) dst(%arg12 : memref<40x128xf32, #tpu.memory_space<vmem>>)
      %mul3A_293 = arith.constant 40 : i32
      %mul3A_294 = arith.muli %add3A_274, %mul3A_293 : i32
      %add3A_295 = arith.constant 0 : i32
      %add3A_296 = arith.addi %mul3A_294, %add3A_295 : i32
      %get3A_297 = arith.index_cast %add3A_296 : i32 to index
      %get3A_298 = tpu.vector_load %arg8[%get3A_297] {strides = array<i32>} : memref<10016xi32, #tpu.memory_space<vmem>>, vector<16xi32>,
      %get3A_299 = vector.shape_cast %get3A_298 : vector<16xi32> to vector<16xi32>
      %swap3A_300 = arith.constant 0 : i32
      %swap3A_301 = arith.index_cast %swap3A_300 : i32 to index
      %swap3A_302 = arith.constant 0 : index
      %swap3A_303 = tpu.vector_load %arg17[%swap3A_301, %swap3A_302] {strides = array<i32>} : memref<1x128xi32, #tpu.memory_space<vmem>>, vector<1x16xi32>,
      %swap3A_304 = vector.shape_cast %swap3A_303 : vector<1x16xi32> to vector<16xi32>
      %swap3A_305 = vector.shape_cast %get3A_299 : vector<16xi32> to vector<1x16xi32>
      tpu.vector_store %arg17[%swap3A_301, %swap3A_302], %swap3A_305 {strides = array<i32>} : memref<1x128xi32, #tpu.memory_space<vmem>>, vector<1x16xi32>,
      %mul3A_306 = arith.constant 40 : i32
      %mul3A_307 = arith.muli %add3A_274, %mul3A_306 : i32
      %add3A_308 = arith.constant 16 : i32
      %add3A_309 = arith.addi %mul3A_307, %add3A_308 : i32
      %get3A_310 = arith.index_cast %add3A_309 : i32 to index
      %get3A_311 = tpu.vector_load %arg8[%get3A_310] {strides = array<i32>} : memref<10016xi32, #tpu.memory_space<vmem>>, vector<16xi32>,
      %get3A_312 = vector.shape_cast %get3A_311 : vector<16xi32> to vector<16xi32>
      %swap3A_313 = arith.constant 0 : i32
      %swap3A_314 = arith.index_cast %swap3A_313 : i32 to index
      %swap3A_315 = arith.constant 16 : index
      %swap3A_316 = tpu.vector_load %arg17[%swap3A_314, %swap3A_315] {strides = array<i32>} : memref<1x128xi32, #tpu.memory_space<vmem>>, vector<1x16xi32>,
      %swap3A_317 = vector.shape_cast %swap3A_316 : vector<1x16xi32> to vector<16xi32>
      %swap3A_318 = vector.shape_cast %get3A_312 : vector<16xi32> to vector<1x16xi32>
      tpu.vector_store %arg17[%swap3A_314, %swap3A_315], %swap3A_318 {strides = array<i32>} : memref<1x128xi32, #tpu.memory_space<vmem>>, vector<1x16xi32>,
      %mul3A_319 = arith.constant 40 : i32
      %mul3A_320 = arith.muli %add3A_274, %mul3A_319 : i32
      %add3A_321 = arith.constant 32 : i32
      %add3A_322 = arith.addi %mul3A_320, %add3A_321 : i32
      %get3A_323 = arith.index_cast %add3A_322 : i32 to index
      %get3A_324 = tpu.vector_load %arg8[%get3A_323] {strides = array<i32>} : memref<10016xi32, #tpu.memory_space<vmem>>, vector<16xi32>,
      %get3A_325 = vector.shape_cast %get3A_324 : vector<16xi32> to vector<16xi32>
      %swap3A_326 = arith.constant 0 : i32
      %swap3A_327 = arith.index_cast %swap3A_326 : i32 to index
      %swap3A_328 = arith.constant 32 : index
      %swap3A_329 = tpu.vector_load %arg17[%swap3A_327, %swap3A_328] {strides = array<i32>} : memref<1x128xi32, #tpu.memory_space<vmem>>, vector<1x16xi32>,
      %swap3A_330 = vector.shape_cast %swap3A_329 : vector<1x16xi32> to vector<16xi32>
      %swap3A_331 = vector.shape_cast %get3A_325 : vector<16xi32> to vector<1x16xi32>
      tpu.vector_store %arg17[%swap3A_327, %swap3A_328], %swap3A_331 {strides = array<i32>} : memref<1x128xi32, #tpu.memory_space<vmem>>, vector<1x16xi32>,
      %dma_start3A_332 = arith.constant 0 : i32
      %dma_start3A_333 = arith.constant 0 : i32
      %dma_start3A_334 = tpu.memref_slice %arg17[%dma_start3A_332, %dma_start3A_333] : memref<1x128xi32, #tpu.memory_space<vmem>> -> memref<1x40xi32, #tpu.memory_space<vmem>>
      %dma_start3A_335 = tpu.memref_squeeze %dma_start3A_334 : memref<1x40xi32, #tpu.memory_space<vmem>> -> memref<40xi32, #tpu.memory_space<vmem>>
      %dma_start3A_336 = arith.constant 0 : i32
      %dma_start3A_337 = arith.constant 0 : i32
      %dma_start3A_338 = tpu.memref_slice %arg6[%dma_start3A_336, %dma_start3A_337] : memref<10000x128xf32, #tpu.memory_space<vmem_shared>> -> memref<10000x128xf32, #tpu.memory_space<vmem_shared>>
      tpu.enqueue_indirect_dma source(%arg12 : memref<40x128xf32, #tpu.memory_space<vmem>>) target(%dma_start3A_338 : memref<10000x128xf32, #tpu.memory_space<vmem_shared>>) offsets(%dma_start3A_335 : memref<40xi32, #tpu.memory_space<vmem>>) semaphore(%arg27 : memref<!tpu.dma_semaphore, #tpu.memory_space<semaphore_mem>>) {add = true}
      %mul3A_339 = arith.constant 5 : i32
      %mul3A_340 = arith.muli %scan3A_68, %mul3A_339 : i32
      %add3A_341 = arith.constant 4 : i32
      %add3A_342 = arith.addi %mul3A_340, %add3A_341 : i32
      %ge3A_343 = arith.constant 2 : i32
      %ge3A_344 = arith.cmpi sge, %add3A_342, %ge3A_343 : i32
      %convert_element_type3A_345 = arith.extui %ge3A_344 : i1 to i32
      %cond3A_346 = arith.constant 0 : i32
      %cond3A_347 = arith.cmpi ne, %convert_element_type3A_345, %cond3A_346 : i32
      scf.if %cond3A_347 {
        %sub3A = arith.constant 2 : i32
        %sub3A_408 = arith.subi %add3A_342, %sub3A : i32
        %dma_wait3A_409 = arith.constant 0 : i32
        %dma_wait3A_410 = arith.constant 0 : i32
        %dma_wait3A_411 = tpu.memref_slice %arg16[%dma_wait3A_409, %dma_wait3A_410] : memref<1x128xi32, #tpu.memory_space<vmem>> -> memref<1x40xi32, #tpu.memory_space<vmem>>
        %dma_wait3A_412 = tpu.memref_squeeze %dma_wait3A_411 : memref<1x40xi32, #tpu.memory_space<vmem>> -> memref<40xi32, #tpu.memory_space<vmem>>
        %dma_wait3A_413 = arith.constant 0 : i32
        %dma_wait3A_414 = arith.constant 0 : i32
        %dma_wait3A_415 = tpu.memref_slice %arg6[%dma_wait3A_413, %dma_wait3A_414] : memref<10000x128xf32, #tpu.memory_space<vmem_shared>> -> memref<10000x128xf32, #tpu.memory_space<vmem_shared>>
        tpu.wait_indirect_dma semaphore(%arg26 : memref<!tpu.dma_semaphore, #tpu.memory_space<semaphore_mem>>) src(%arg11 : memref<40x128xf32, #tpu.memory_space<vmem>>) dst(%dma_wait3A_415 : memref<10000x128xf32, #tpu.memory_space<vmem_shared>>)
      } else {
      }
      %add3A_348 = arith.constant 3 : i32
      %add3A_349 = arith.addi %add3A_342, %add3A_348 : i32
      %lt3A_350 = arith.constant 250 : i32
      %lt3A_351 = arith.cmpi slt, %add3A_349, %lt3A_350 : i32
      %convert_element_type3A_352 = arith.extui %lt3A_351 : i1 to i32
      %cond3A_353 = arith.constant 0 : i32
      %cond3A_354 = arith.cmpi ne, %convert_element_type3A_352, %cond3A_353 : i32
      scf.if %cond3A_354 {
        %add3A_408 = arith.constant 3 : i32
        %add3A_409 = arith.addi %add3A_342, %add3A_408 : i32
        %mul3A_410 = arith.constant 40 : i32
        %mul3A_411 = arith.muli %add3A_409, %mul3A_410 : i32
        %dma_start3A_412 = tpu.memref_slice %arg7[%mul3A_411] : memref<10000xi32, #tpu.memory_space<vmem>> -> memref<40xi32, #tpu.memory_space<vmem>>
        %dma_start3A_413 = arith.constant 0 : i32
        %dma_start3A_414 = arith.constant 0 : i32
        %dma_start3A_415 = tpu.memref_slice %arg2[%dma_start3A_413, %dma_start3A_414] : memref<10000x128xf32, #tpu.memory_space<hbm>> -> memref<10000x128xf32, #tpu.memory_space<hbm>>
        tpu.enqueue_indirect_dma source(%dma_start3A_415 : memref<10000x128xf32, #tpu.memory_space<hbm>>) target(%arg11 : memref<40x128xf32, #tpu.memory_space<vmem>>) offsets(%dma_start3A_412 : memref<40xi32, #tpu.memory_space<vmem>>) semaphore(%arg21 : memref<!tpu.dma_semaphore, #tpu.memory_space<semaphore_mem>>)
      } else {
      }
      %mul3A_355 = arith.constant 40 : i32
      %mul3A_356 = arith.muli %add3A_342, %mul3A_355 : i32
      %dma_wait3A_357 = tpu.memref_slice %arg7[%mul3A_356] : memref<10000xi32, #tpu.memory_space<vmem>> -> memref<40xi32, #tpu.memory_space<vmem>>
      %dma_wait3A_358 = arith.constant 0 : i32
      %dma_wait3A_359 = arith.constant 0 : i32
      %dma_wait3A_360 = tpu.memref_slice %arg2[%dma_wait3A_358, %dma_wait3A_359] : memref<10000x128xf32, #tpu.memory_space<hbm>> -> memref<10000x128xf32, #tpu.memory_space<hbm>>
      tpu.wait_indirect_dma semaphore(%arg23 : memref<!tpu.dma_semaphore, #tpu.memory_space<semaphore_mem>>) src(%dma_wait3A_360 : memref<10000x128xf32, #tpu.memory_space<hbm>>) dst(%arg13 : memref<40x128xf32, #tpu.memory_space<vmem>>)
      %mul3A_361 = arith.constant 40 : i32
      %mul3A_362 = arith.muli %add3A_342, %mul3A_361 : i32
      %add3A_363 = arith.constant 0 : i32
      %add3A_364 = arith.addi %mul3A_362, %add3A_363 : i32
      %get3A_365 = arith.index_cast %add3A_364 : i32 to index
      %get3A_366 = tpu.vector_load %arg8[%get3A_365] {strides = array<i32>} : memref<10016xi32, #tpu.memory_space<vmem>>, vector<16xi32>,
      %get3A_367 = vector.shape_cast %get3A_366 : vector<16xi32> to vector<16xi32>
      %swap3A_368 = arith.constant 0 : i32
      %swap3A_369 = arith.index_cast %swap3A_368 : i32 to index
      %swap3A_370 = arith.constant 0 : index
      %swap3A_371 = tpu.vector_load %arg18[%swap3A_369, %swap3A_370] {strides = array<i32>} : memref<1x128xi32, #tpu.memory_space<vmem>>, vector<1x16xi32>,
      %swap3A_372 = vector.shape_cast %swap3A_371 : vector<1x16xi32> to vector<16xi32>
      %swap3A_373 = vector.shape_cast %get3A_367 : vector<16xi32> to vector<1x16xi32>
      tpu.vector_store %arg18[%swap3A_369, %swap3A_370], %swap3A_373 {strides = array<i32>} : memref<1x128xi32, #tpu.memory_space<vmem>>, vector<1x16xi32>,
      %mul3A_374 = arith.constant 40 : i32
      %mul3A_375 = arith.muli %add3A_342, %mul3A_374 : i32
      %add3A_376 = arith.constant 16 : i32
      %add3A_377 = arith.addi %mul3A_375, %add3A_376 : i32
      %get3A_378 = arith.index_cast %add3A_377 : i32 to index
      %get3A_379 = tpu.vector_load %arg8[%get3A_378] {strides = array<i32>} : memref<10016xi32, #tpu.memory_space<vmem>>, vector<16xi32>,
      %get3A_380 = vector.shape_cast %get3A_379 : vector<16xi32> to vector<16xi32>
      %swap3A_381 = arith.constant 0 : i32
      %swap3A_382 = arith.index_cast %swap3A_381 : i32 to index
      %swap3A_383 = arith.constant 16 : index
      %swap3A_384 = tpu.vector_load %arg18[%swap3A_382, %swap3A_383] {strides = array<i32>} : memref<1x128xi32, #tpu.memory_space<vmem>>, vector<1x16xi32>,
      %swap3A_385 = vector.shape_cast %swap3A_384 : vector<1x16xi32> to vector<16xi32>
      %swap3A_386 = vector.shape_cast %get3A_380 : vector<16xi32> to vector<1x16xi32>
      tpu.vector_store %arg18[%swap3A_382, %swap3A_383], %swap3A_386 {strides = array<i32>} : memref<1x128xi32, #tpu.memory_space<vmem>>, vector<1x16xi32>,
      %mul3A_387 = arith.constant 40 : i32
      %mul3A_388 = arith.muli %add3A_342, %mul3A_387 : i32
      %add3A_389 = arith.constant 32 : i32
      %add3A_390 = arith.addi %mul3A_388, %add3A_389 : i32
      %get3A_391 = arith.index_cast %add3A_390 : i32 to index
      %get3A_392 = tpu.vector_load %arg8[%get3A_391] {strides = array<i32>} : memref<10016xi32, #tpu.memory_space<vmem>>, vector<16xi32>,
      %get3A_393 = vector.shape_cast %get3A_392 : vector<16xi32> to vector<16xi32>
      %swap3A_394 = arith.constant 0 : i32
      %swap3A_395 = arith.index_cast %swap3A_394 : i32 to index
      %swap3A_396 = arith.constant 32 : index
      %swap3A_397 = tpu.vector_load %arg18[%swap3A_395, %swap3A_396] {strides = array<i32>} : memref<1x128xi32, #tpu.memory_space<vmem>>, vector<1x16xi32>,
      %swap3A_398 = vector.shape_cast %swap3A_397 : vector<1x16xi32> to vector<16xi32>
      %swap3A_399 = vector.shape_cast %get3A_393 : vector<16xi32> to vector<1x16xi32>
      tpu.vector_store %arg18[%swap3A_395, %swap3A_396], %swap3A_399 {strides = array<i32>} : memref<1x128xi32, #tpu.memory_space<vmem>>, vector<1x16xi32>,
      %dma_start3A_400 = arith.constant 0 : i32
      %dma_start3A_401 = arith.constant 0 : i32
      %dma_start3A_402 = tpu.memref_slice %arg18[%dma_start3A_400, %dma_start3A_401] : memref<1x128xi32, #tpu.memory_space<vmem>> -> memref<1x40xi32, #tpu.memory_space<vmem>>
      %dma_start3A_403 = tpu.memref_squeeze %dma_start3A_402 : memref<1x40xi32, #tpu.memory_space<vmem>> -> memref<40xi32, #tpu.memory_space<vmem>>
      %dma_start3A_404 = arith.constant 0 : i32
      %dma_start3A_405 = arith.constant 0 : i32
      %dma_start3A_406 = tpu.memref_slice %arg6[%dma_start3A_404, %dma_start3A_405] : memref<10000x128xf32, #tpu.memory_space<vmem_shared>> -> memref<10000x128xf32, #tpu.memory_space<vmem_shared>>
      tpu.enqueue_indirect_dma source(%arg13 : memref<40x128xf32, #tpu.memory_space<vmem>>) target(%dma_start3A_406 : memref<10000x128xf32, #tpu.memory_space<vmem_shared>>) offsets(%dma_start3A_403 : memref<40xi32, #tpu.memory_space<vmem>>) semaphore(%arg28 : memref<!tpu.dma_semaphore, #tpu.memory_space<semaphore_mem>>) {add = true}
      %scan3A_407 = arith.constant 0 : i32
      scf.yield %scan3A_407 : i32
    }
    %scan3A_45 = arith.constant 50 : i32
    %dma_wait3A = arith.constant 0 : i32
    %dma_wait3A_46 = arith.constant 0 : i32
    %dma_wait3A_47 = tpu.memref_slice %arg17[%dma_wait3A, %dma_wait3A_46] : memref<1x128xi32, #tpu.memory_space<vmem>> -> memref<1x40xi32, #tpu.memory_space<vmem>>
    %dma_wait3A_48 = tpu.memref_squeeze %dma_wait3A_47 : memref<1x40xi32, #tpu.memory_space<vmem>> -> memref<40xi32, #tpu.memory_space<vmem>>
    %dma_wait3A_49 = arith.constant 0 : i32
    %dma_wait3A_50 = arith.constant 0 : i32
    %dma_wait3A_51 = tpu.memref_slice %arg6[%dma_wait3A_49, %dma_wait3A_50] : memref<10000x128xf32, #tpu.memory_space<vmem_shared>> -> memref<10000x128xf32, #tpu.memory_space<vmem_shared>>
    tpu.wait_indirect_dma semaphore(%arg27 : memref<!tpu.dma_semaphore, #tpu.memory_space<semaphore_mem>>) src(%arg12 : memref<40x128xf32, #tpu.memory_space<vmem>>) dst(%dma_wait3A_51 : memref<10000x128xf32, #tpu.memory_space<vmem_shared>>)
    %dma_wait3A_52 = arith.constant 0 : i32
    %dma_wait3A_53 = arith.constant 0 : i32
    %dma_wait3A_54 = tpu.memref_slice %arg18[%dma_wait3A_52, %dma_wait3A_53] : memref<1x128xi32, #tpu.memory_space<vmem>> -> memref<1x40xi32, #tpu.memory_space<vmem>>
    %dma_wait3A_55 = tpu.memref_squeeze %dma_wait3A_54 : memref<1x40xi32, #tpu.memory_space<vmem>> -> memref<40xi32, #tpu.memory_space<vmem>>
    %dma_wait3A_56 = arith.constant 0 : i32
    %dma_wait3A_57 = arith.constant 0 : i32
    %dma_wait3A_58 = tpu.memref_slice %arg6[%dma_wait3A_56, %dma_wait3A_57] : memref<10000x128xf32, #tpu.memory_space<vmem_shared>> -> memref<10000x128xf32, #tpu.memory_space<vmem_shared>>
    tpu.wait_indirect_dma semaphore(%arg28 : memref<!tpu.dma_semaphore, #tpu.memory_space<semaphore_mem>>) src(%arg13 : memref<40x128xf32, #tpu.memory_space<vmem>>) dst(%dma_wait3A_58 : memref<10000x128xf32, #tpu.memory_space<vmem_shared>>)
    %barrier3A_59 = arith.constant 0 : index
    tpu.barrier barrier_id(%barrier3A_59)
    %mul3A_60 = arith.constant 640 : i32
    %mul3A_61 = arith.muli %arg1, %mul3A_60 : i32
    %lt3A = arith.constant 15 : i32
    %lt3A_62 = arith.cmpi slt, %arg1, %lt3A : i32
    %convert_element_type3A = arith.extui %lt3A_62 : i1 to i32
    %cond3A = arith.constant 0 : i32
    %cond3A_63 = arith.cmpi ne, %convert_element_type3A, %cond3A : i32
    scf.if %cond3A_63 {
      %mul3A_68 = arith.constant 10000 : i32
      %mul3A_69 = arith.muli %arg0, %mul3A_68 : i32
      %add3A_70 = arith.addi %mul3A_69, %mul3A_61 : i32
      "tpu.region"() ({
        %run_scoped3A = tpu.sem_alloc : memref<!tpu.dma_semaphore, #tpu.memory_space<semaphore_mem>>
        %dma_start3A_71 = arith.constant 0 : i32
        %dma_start3A_72 = tpu.memref_slice %arg5[%add3A_70, %dma_start3A_71] : memref<20000x128xf32, #tpu.memory_space<hbm>> -> memref<640x128xf32, #tpu.memory_space<hbm>>
        %dma_start3A_73 = arith.constant 0 : i32
        %dma_start3A_74 = tpu.memref_slice %arg6[%mul3A_61, %dma_start3A_73] : memref<10000x128xf32, #tpu.memory_space<vmem_shared>> -> memref<640x128xf32, #tpu.memory_space<vmem_shared>>
        tpu.enqueue_dma source(%dma_start3A_74 : memref<640x128xf32, #tpu.memory_space<vmem_shared>>) target(%dma_start3A_72 : memref<640x128xf32, #tpu.memory_space<hbm>>) target_semaphore(%run_scoped3A : memref<!tpu.dma_semaphore, #tpu.memory_space<semaphore_mem>>)
        %dma_wait3A_75 = arith.constant 0 : i32
        %dma_wait3A_76 = tpu.memref_slice %arg5[%add3A_70, %dma_wait3A_75] : memref<20000x128xf32, #tpu.memory_space<hbm>> -> memref<640x128xf32, #tpu.memory_space<hbm>>
        %dma_wait3A_77 = arith.constant 0 : i32
        %dma_wait3A_78 = tpu.memref_slice %arg6[%mul3A_61, %dma_wait3A_77] : memref<10000x128xf32, #tpu.memory_space<vmem_shared>> -> memref<640x128xf32, #tpu.memory_space<vmem_shared>>
        tpu.wait_dma2 semaphore(%run_scoped3A : memref<!tpu.dma_semaphore, #tpu.memory_space<semaphore_mem>>) src(%dma_wait3A_78 : memref<640x128xf32, #tpu.memory_space<vmem_shared>>) dst(%dma_wait3A_76 : memref<640x128xf32, #tpu.memory_space<hbm>>)
        tpu.yield
      }) : () -> ()
    } else {
    }
    %eq3A = arith.constant 15 : i32
    %eq3A_64 = arith.cmpi eq, %arg1, %eq3A : i32
    %convert_element_type3A_65 = arith.extui %eq3A_64 : i1 to i32
    %cond3A_66 = arith.constant 0 : i32
    %cond3A_67 = arith.cmpi ne, %convert_element_type3A_65, %cond3A_66 : i32
    scf.if %cond3A_67 {
      %mul3A_68 = arith.constant 10000 : i32
      %mul3A_69 = arith.muli %arg0, %mul3A_68 : i32
      %add3A_70 = arith.constant 9600 : i32
      %add3A_71 = arith.addi %mul3A_69, %add3A_70 : i32
      "tpu.region"() ({
        %run_scoped3A = tpu.sem_alloc : memref<!tpu.dma_semaphore, #tpu.memory_space<semaphore_mem>>
        %dma_start3A_72 = arith.constant 0 : i32
        %dma_start3A_73 = tpu.memref_slice %arg5[%add3A_71, %dma_start3A_72] : memref<20000x128xf32, #tpu.memory_space<hbm>> -> memref<400x128xf32, #tpu.memory_space<hbm>>
        %dma_start3A_74 = arith.constant 9600 : i32
        %dma_start3A_75 = arith.constant 0 : i32
        %dma_start3A_76 = tpu.memref_slice %arg6[%dma_start3A_74, %dma_start3A_75] : memref<10000x128xf32, #tpu.memory_space<vmem_shared>> -> memref<400x128xf32, #tpu.memory_space<vmem_shared>>
        tpu.enqueue_dma source(%dma_start3A_76 : memref<400x128xf32, #tpu.memory_space<vmem_shared>>) target(%dma_start3A_73 : memref<400x128xf32, #tpu.memory_space<hbm>>) target_semaphore(%run_scoped3A : memref<!tpu.dma_semaphore, #tpu.memory_space<semaphore_mem>>)
        %dma_wait3A_77 = arith.constant 0 : i32
        %dma_wait3A_78 = tpu.memref_slice %arg5[%add3A_71, %dma_wait3A_77] : memref<20000x128xf32, #tpu.memory_space<hbm>> -> memref<400x128xf32, #tpu.memory_space<hbm>>
        %dma_wait3A_79 = arith.constant 9600 : i32
        %dma_wait3A_80 = arith.constant 0 : i32
        %dma_wait3A_81 = tpu.memref_slice %arg6[%dma_wait3A_79, %dma_wait3A_80] : memref<10000x128xf32, #tpu.memory_space<vmem_shared>> -> memref<400x128xf32, #tpu.memory_space<vmem_shared>>
        tpu.wait_dma2 semaphore(%run_scoped3A : memref<!tpu.dma_semaphore, #tpu.memory_space<semaphore_mem>>) src(%dma_wait3A_81 : memref<400x128xf32, #tpu.memory_space<vmem_shared>>) dst(%dma_wait3A_78 : memref<400x128xf32, #tpu.memory_space<hbm>>)
        tpu.yield
      }) : () -> ()
    } else {
    }
    return
  }
}

#map = affine_map<(d0, d1) -> (0, 0)>
#map1 = affine_map<(d0, d1) -> (0)>
module attributes {stable_mosaic.version = 14 : i64} {
  func.func @_sc_aggregate_body(%arg0: i32, %arg1: i32, %arg2: memref<10000x128xf32, #tpu.memory_space<hbm>>, %arg3: memref<320000xi32, #tpu.memory_space<hbm>>, %arg4: memref<320000xi32, #tpu.memory_space<hbm>>, %arg5: memref<20000x128xf32, #tpu.memory_space<hbm>>, %arg6: memref<10000x128xf32, #tpu.memory_space<vmem_shared>>, %arg7: memref<10000xi32, #tpu.memory_space<vmem>>, %arg8: memref<10016xi32, #tpu.memory_space<vmem>>, %arg9: memref<40x128xf32, #tpu.memory_space<vmem>>, %arg10: memref<40x128xf32, #tpu.memory_space<vmem>>, %arg11: memref<40x128xf32, #tpu.memory_space<vmem>>, %arg12: memref<40x128xf32, #tpu.memory_space<vmem>>, %arg13: memref<40x128xf32, #tpu.memory_space<vmem>>, %arg14: memref<1x128xi32, #tpu.memory_space<vmem>>, %arg15: memref<1x128xi32, #tpu.memory_space<vmem>>, %arg16: memref<1x128xi32, #tpu.memory_space<vmem>>, %arg17: memref<1x128xi32, #tpu.memory_space<vmem>>, %arg18: memref<1x128xi32, #tpu.memory_space<vmem>>, %arg19: memref<!tpu.dma_semaphore, #tpu.memory_space<semaphore_mem>>, %arg20: memref<!tpu.dma_semaphore, #tpu.memory_space<semaphore_mem>>, %arg21: memref<!tpu.dma_semaphore, #tpu.memory_space<semaphore_mem>>, %arg22: memref<!tpu.dma_semaphore, #tpu.memory_space<semaphore_mem>>, %arg23: memref<!tpu.dma_semaphore, #tpu.memory_space<semaphore_mem>>, %arg24: memref<!tpu.dma_semaphore, #tpu.memory_space<semaphore_mem>>, %arg25: memref<!tpu.dma_semaphore, #tpu.memory_space<semaphore_mem>>, %arg26: memref<!tpu.dma_semaphore, #tpu.memory_space<semaphore_mem>>, %arg27: memref<!tpu.dma_semaphore, #tpu.memory_space<semaphore_mem>>, %arg28: memref<!tpu.dma_semaphore, #tpu.memory_space<semaphore_mem>>, %arg29: memref<!tpu.dma_semaphore, #tpu.memory_space<semaphore_mem>>) attributes {dimension_semantics = [#tpu.dimension_semantics<core_parallel>, #tpu.dimension_semantics<subcore_parallel>], iteration_bounds = array<i64: 2, 16>, scalar_prefetch = 0 : i64, scratch_operands = 24 : i64, tpu.core_type = #tpu.core_type<sc_vector_subcore>, window_params = [{transform_indices = #map}, {transform_indices = #map1}, {transform_indices = #map1}, {transform_indices = #map}]} {
    %mul3A = arith.constant 16 : i32
    %mul3A_0 = arith.muli %arg0, %mul3A : i32
    %add3A = arith.addi %mul3A_0, %arg1 : i32
    %mul3A_1 = arith.constant 10000 : i32
    %mul3A_2 = arith.muli %add3A, %mul3A_1 : i32
    "tpu.region"() ({
      %run_scoped3A = tpu.sem_alloc : memref<!tpu.dma_semaphore, #tpu.memory_space<semaphore_mem>>
      %dma_start3A_68 = tpu.memref_slice %arg3[%mul3A_2] : memref<320000xi32, #tpu.memory_space<hbm>> -> memref<10000xi32, #tpu.memory_space<hbm>>
      %dma_start3A_69 = tpu.memref_slice %arg3[%mul3A_2] : memref<320000xi32, #tpu.memory_space<hbm>> -> memref<10000xi32, #tpu.memory_space<hbm>>
      tpu.enqueue_dma source(%dma_start3A_69 : memref<10000xi32, #tpu.memory_space<hbm>>) target(%arg7 : memref<10000xi32, #tpu.memory_space<vmem>>) target_semaphore(%run_scoped3A : memref<!tpu.dma_semaphore, #tpu.memory_space<semaphore_mem>>)
      %dma_wait3A_70 = tpu.memref_slice %arg3[%mul3A_2] : memref<320000xi32, #tpu.memory_space<hbm>> -> memref<10000xi32, #tpu.memory_space<hbm>>
      %dma_wait3A_71 = tpu.memref_slice %arg3[%mul3A_2] : memref<320000xi32, #tpu.memory_space<hbm>> -> memref<10000xi32, #tpu.memory_space<hbm>>
      tpu.wait_dma2 semaphore(%run_scoped3A : memref<!tpu.dma_semaphore, #tpu.memory_space<semaphore_mem>>) src(%dma_wait3A_71 : memref<10000xi32, #tpu.memory_space<hbm>>) dst(%arg7 : memref<10000xi32, #tpu.memory_space<vmem>>)
      tpu.yield
    }) : () -> ()
    %mul3A_3 = arith.constant 10000 : i32
    %mul3A_4 = arith.muli %add3A, %mul3A_3 : i32
    "tpu.region"() ({
      %run_scoped3A = tpu.sem_alloc : memref<!tpu.dma_semaphore, #tpu.memory_space<semaphore_mem>>
      %dma_start3A_68 = arith.constant 0 : i32
      %dma_start3A_69 = tpu.memref_slice %arg8[%dma_start3A_68] : memref<10016xi32, #tpu.memory_space<vmem>> -> memref<10000xi32, #tpu.memory_space<vmem>>
      %dma_start3A_70 = tpu.memref_slice %arg4[%mul3A_4] : memref<320000xi32, #tpu.memory_space<hbm>> -> memref<10000xi32, #tpu.memory_space<hbm>>
      %dma_start3A_71 = arith.constant 0 : i32
      %dma_start3A_72 = tpu.memref_slice %arg8[%dma_start3A_71] : memref<10016xi32, #tpu.memory_space<vmem>> -> memref<10000xi32, #tpu.memory_space<vmem>>
      %dma_start3A_73 = tpu.memref_slice %arg4[%mul3A_4] : memref<320000xi32, #tpu.memory_space<hbm>> -> memref<10000xi32, #tpu.memory_space<hbm>>
      tpu.enqueue_dma source(%dma_start3A_73 : memref<10000xi32, #tpu.memory_space<hbm>>) target(%dma_start3A_72 : memref<10000xi32, #tpu.memory_space<vmem>>) target_semaphore(%run_scoped3A : memref<!tpu.dma_semaphore, #tpu.memory_space<semaphore_mem>>)
      %dma_wait3A_74 = arith.constant 0 : i32
      %dma_wait3A_75 = tpu.memref_slice %arg8[%dma_wait3A_74] : memref<10016xi32, #tpu.memory_space<vmem>> -> memref<10000xi32, #tpu.memory_space<vmem>>
      %dma_wait3A_76 = tpu.memref_slice %arg4[%mul3A_4] : memref<320000xi32, #tpu.memory_space<hbm>> -> memref<10000xi32, #tpu.memory_space<hbm>>
      %dma_wait3A_77 = arith.constant 0 : i32
      %dma_wait3A_78 = tpu.memref_slice %arg8[%dma_wait3A_77] : memref<10016xi32, #tpu.memory_space<vmem>> -> memref<10000xi32, #tpu.memory_space<vmem>>
      %dma_wait3A_79 = tpu.memref_slice %arg4[%mul3A_4] : memref<320000xi32, #tpu.memory_space<hbm>> -> memref<10000xi32, #tpu.memory_space<hbm>>
      tpu.wait_dma2 semaphore(%run_scoped3A : memref<!tpu.dma_semaphore, #tpu.memory_space<semaphore_mem>>) src(%dma_wait3A_79 : memref<10000xi32, #tpu.memory_space<hbm>>) dst(%dma_wait3A_78 : memref<10000xi32, #tpu.memory_space<vmem>>)
      tpu.yield
    }) : () -> ()
    %scan3A = arith.constant 0 : i32
    %scan3A_5 = arith.constant 0 : i32
    %scan3A_6 = arith.constant 40 : i32
    %scan3A_7 = arith.addi %scan3A_5, %scan3A_6 : i32
    %scan3A_8 = arith.constant 1 : i32
    %scan3A_9 = scf.for %scan3A_68 = %scan3A_5 to %scan3A_7 step %scan3A_8 iter_args(%scan3A_69 = %scan3A) -> (i32)  : i32 {
      %broadcast_in_dim3A = arith.constant 0.000000e+00 : f32
      %broadcast_in_dim3A_70 = vector.broadcast %broadcast_in_dim3A : f32 to vector<16xf32>
      %swap3A = arith.index_cast %scan3A_68 : i32 to index
      %swap3A_71 = arith.constant 0 : index
      %swap3A_72 = tpu.vector_load %arg9[%swap3A, %swap3A_71] {strides = array<i32>} : memref<40x128xf32, #tpu.memory_space<vmem>>, vector<1x16xf32>,
      %swap3A_73 = vector.shape_cast %swap3A_72 : vector<1x16xf32> to vector<16xf32>
      %swap3A_74 = vector.shape_cast %broadcast_in_dim3A_70 : vector<16xf32> to vector<1x16xf32>
      tpu.vector_store %arg9[%swap3A, %swap3A_71], %swap3A_74 {strides = array<i32>} : memref<40x128xf32, #tpu.memory_space<vmem>>, vector<1x16xf32>,
      %broadcast_in_dim3A_75 = arith.constant 0.000000e+00 : f32
      %broadcast_in_dim3A_76 = vector.broadcast %broadcast_in_dim3A_75 : f32 to vector<16xf32>
      %swap3A_77 = arith.index_cast %scan3A_68 : i32 to index
      %swap3A_78 = arith.constant 16 : index
      %swap3A_79 = tpu.vector_load %arg9[%swap3A_77, %swap3A_78] {strides = array<i32>} : memref<40x128xf32, #tpu.memory_space<vmem>>, vector<1x16xf32>,
      %swap3A_80 = vector.shape_cast %swap3A_79 : vector<1x16xf32> to vector<16xf32>
      %swap3A_81 = vector.shape_cast %broadcast_in_dim3A_76 : vector<16xf32> to vector<1x16xf32>
      tpu.vector_store %arg9[%swap3A_77, %swap3A_78], %swap3A_81 {strides = array<i32>} : memref<40x128xf32, #tpu.memory_space<vmem>>, vector<1x16xf32>,
      %broadcast_in_dim3A_82 = arith.constant 0.000000e+00 : f32
      %broadcast_in_dim3A_83 = vector.broadcast %broadcast_in_dim3A_82 : f32 to vector<16xf32>
      %swap3A_84 = arith.index_cast %scan3A_68 : i32 to index
      %swap3A_85 = arith.constant 32 : index
      %swap3A_86 = tpu.vector_load %arg9[%swap3A_84, %swap3A_85] {strides = array<i32>} : memref<40x128xf32, #tpu.memory_space<vmem>>, vector<1x16xf32>,
      %swap3A_87 = vector.shape_cast %swap3A_86 : vector<1x16xf32> to vector<16xf32>
      %swap3A_88 = vector.shape_cast %broadcast_in_dim3A_83 : vector<16xf32> to vector<1x16xf32>
      tpu.vector_store %arg9[%swap3A_84, %swap3A_85], %swap3A_88 {strides = array<i32>} : memref<40x128xf32, #tpu.memory_space<vmem>>, vector<1x16xf32>,
      %broadcast_in_dim3A_89 = arith.constant 0.000000e+00 : f32
      %broadcast_in_dim3A_90 = vector.broadcast %broadcast_in_dim3A_89 : f32 to vector<16xf32>
      %swap3A_91 = arith.index_cast %scan3A_68 : i32 to index
      %swap3A_92 = arith.constant 48 : index
      %swap3A_93 = tpu.vector_load %arg9[%swap3A_91, %swap3A_92] {strides = array<i32>} : memref<40x128xf32, #tpu.memory_space<vmem>>, vector<1x16xf32>,
      %swap3A_94 = vector.shape_cast %swap3A_93 : vector<1x16xf32> to vector<16xf32>
      %swap3A_95 = vector.shape_cast %broadcast_in_dim3A_90 : vector<16xf32> to vector<1x16xf32>
      tpu.vector_store %arg9[%swap3A_91, %swap3A_92], %swap3A_95 {strides = array<i32>} : memref<40x128xf32, #tpu.memory_space<vmem>>, vector<1x16xf32>,
      %broadcast_in_dim3A_96 = arith.constant 0.000000e+00 : f32
      %broadcast_in_dim3A_97 = vector.broadcast %broadcast_in_dim3A_96 : f32 to vector<16xf32>
      %swap3A_98 = arith.index_cast %scan3A_68 : i32 to index
      %swap3A_99 = arith.constant 64 : index
      %swap3A_100 = tpu.vector_load %arg9[%swap3A_98, %swap3A_99] {strides = array<i32>} : memref<40x128xf32, #tpu.memory_space<vmem>>, vector<1x16xf32>,
      %swap3A_101 = vector.shape_cast %swap3A_100 : vector<1x16xf32> to vector<16xf32>
      %swap3A_102 = vector.shape_cast %broadcast_in_dim3A_97 : vector<16xf32> to vector<1x16xf32>
      tpu.vector_store %arg9[%swap3A_98, %swap3A_99], %swap3A_102 {strides = array<i32>} : memref<40x128xf32, #tpu.memory_space<vmem>>, vector<1x16xf32>,
      %broadcast_in_dim3A_103 = arith.constant 0.000000e+00 : f32
      %broadcast_in_dim3A_104 = vector.broadcast %broadcast_in_dim3A_103 : f32 to vector<16xf32>
      %swap3A_105 = arith.index_cast %scan3A_68 : i32 to index
      %swap3A_106 = arith.constant 80 : index
      %swap3A_107 = tpu.vector_load %arg9[%swap3A_105, %swap3A_106] {strides = array<i32>} : memref<40x128xf32, #tpu.memory_space<vmem>>, vector<1x16xf32>,
      %swap3A_108 = vector.shape_cast %swap3A_107 : vector<1x16xf32> to vector<16xf32>
      %swap3A_109 = vector.shape_cast %broadcast_in_dim3A_104 : vector<16xf32> to vector<1x16xf32>
      tpu.vector_store %arg9[%swap3A_105, %swap3A_106], %swap3A_109 {strides = array<i32>} : memref<40x128xf32, #tpu.memory_space<vmem>>, vector<1x16xf32>,
      %broadcast_in_dim3A_110 = arith.constant 0.000000e+00 : f32
      %broadcast_in_dim3A_111 = vector.broadcast %broadcast_in_dim3A_110 : f32 to vector<16xf32>
      %swap3A_112 = arith.index_cast %scan3A_68 : i32 to index
      %swap3A_113 = arith.constant 96 : index
      %swap3A_114 = tpu.vector_load %arg9[%swap3A_112, %swap3A_113] {strides = array<i32>} : memref<40x128xf32, #tpu.memory_space<vmem>>, vector<1x16xf32>,
      %swap3A_115 = vector.shape_cast %swap3A_114 : vector<1x16xf32> to vector<16xf32>
      %swap3A_116 = vector.shape_cast %broadcast_in_dim3A_111 : vector<16xf32> to vector<1x16xf32>
      tpu.vector_store %arg9[%swap3A_112, %swap3A_113], %swap3A_116 {strides = array<i32>} : memref<40x128xf32, #tpu.memory_space<vmem>>, vector<1x16xf32>,
      %broadcast_in_dim3A_117 = arith.constant 0.000000e+00 : f32
      %broadcast_in_dim3A_118 = vector.broadcast %broadcast_in_dim3A_117 : f32 to vector<16xf32>
      %swap3A_119 = arith.index_cast %scan3A_68 : i32 to index
      %swap3A_120 = arith.constant 112 : index
      %swap3A_121 = tpu.vector_load %arg9[%swap3A_119, %swap3A_120] {strides = array<i32>} : memref<40x128xf32, #tpu.memory_space<vmem>>, vector<1x16xf32>,
      %swap3A_122 = vector.shape_cast %swap3A_121 : vector<1x16xf32> to vector<16xf32>
      %swap3A_123 = vector.shape_cast %broadcast_in_dim3A_118 : vector<16xf32> to vector<1x16xf32>
      tpu.vector_store %arg9[%swap3A_119, %swap3A_120], %swap3A_123 {strides = array<i32>} : memref<40x128xf32, #tpu.memory_space<vmem>>, vector<1x16xf32>,
      %scan3A_124 = arith.constant 0 : i32
      scf.yield %scan3A_124 : i32
    }
    %scan3A_10 = arith.constant 40 : i32
    %scan3A_11 = arith.constant 0 : i32
    %scan3A_12 = arith.constant 0 : i32
    %scan3A_13 = arith.constant 16 : i32
    %scan3A_14 = arith.addi %scan3A_12, %scan3A_13 : i32
    %scan3A_15 = arith.constant 1 : i32
    %scan3A_16 = scf.for %scan3A_68 = %scan3A_12 to %scan3A_14 step %scan3A_15 iter_args(%scan3A_69 = %scan3A_11) -> (i32)  : i32 {
      %mul3A_70 = arith.constant 16 : i32
      %mul3A_71 = arith.muli %scan3A_68, %mul3A_70 : i32
      %add3A_72 = arith.addi %arg1, %mul3A_71 : i32
      %lt3A_73 = arith.constant 250 : i32
      %lt3A_74 = arith.cmpi slt, %add3A_72, %lt3A_73 : i32
      %convert_element_type3A_75 = arith.extui %lt3A_74 : i1 to i32
      %cond3A_76 = arith.constant 0 : i32
      %cond3A_77 = arith.cmpi ne, %convert_element_type3A_75, %cond3A_76 : i32
      scf.if %cond3A_77 {
        %mul3A_79 = arith.constant 40 : i32
        %mul3A_80 = arith.muli %add3A_72, %mul3A_79 : i32
        %dma_start3A_81 = arith.constant 0 : i32
        %dma_start3A_82 = tpu.memref_slice %arg6[%mul3A_80, %dma_start3A_81] : memref<10000x128xf32, #tpu.memory_space<vmem_shared>> -> memref<40x128xf32, #tpu.memory_space<vmem_shared>>
        %dma_start3A_83 = arith.constant 0 : i32
        %dma_start3A_84 = tpu.memref_slice %arg6[%mul3A_80, %dma_start3A_83] : memref<10000x128xf32, #tpu.memory_space<vmem_shared>> -> memref<40x128xf32, #tpu.memory_space<vmem_shared>>
        tpu.enqueue_dma source(%arg9 : memref<40x128xf32, #tpu.memory_space<vmem>>) target(%dma_start3A_84 : memref<40x128xf32, #tpu.memory_space<vmem_shared>>) target_semaphore(%arg29 : memref<!tpu.dma_semaphore, #tpu.memory_space<semaphore_mem>>)
      } else {
      }
      %scan3A_78 = arith.constant 0 : i32
      scf.yield %scan3A_78 : i32
    }
    %scan3A_17 = arith.constant 16 : i32
    %scan3A_18 = arith.constant 0 : i32
    %scan3A_19 = arith.constant 0 : i32
    %scan3A_20 = arith.constant 16 : i32
    %scan3A_21 = arith.addi %scan3A_19, %scan3A_20 : i32
    %scan3A_22 = arith.constant 1 : i32
    %scan3A_23 = scf.for %scan3A_68 = %scan3A_19 to %scan3A_21 step %scan3A_22 iter_args(%scan3A_69 = %scan3A_18) -> (i32)  : i32 {
      %mul3A_70 = arith.constant 16 : i32
      %mul3A_71 = arith.muli %scan3A_68, %mul3A_70 : i32
      %add3A_72 = arith.addi %arg1, %mul3A_71 : i32
      %lt3A_73 = arith.constant 250 : i32
      %lt3A_74 = arith.cmpi slt, %add3A_72, %lt3A_73 : i32
      %convert_element_type3A_75 = arith.extui %lt3A_74 : i1 to i32
      %cond3A_76 = arith.constant 0 : i32
      %cond3A_77 = arith.cmpi ne, %convert_element_type3A_75, %cond3A_76 : i32
      scf.if %cond3A_77 {
        %mul3A_79 = arith.constant 40 : i32
        %mul3A_80 = arith.muli %add3A_72, %mul3A_79 : i32
        %dma_wait3A_81 = arith.constant 0 : i32
        %dma_wait3A_82 = tpu.memref_slice %arg6[%mul3A_80, %dma_wait3A_81] : memref<10000x128xf32, #tpu.memory_space<vmem_shared>> -> memref<40x128xf32, #tpu.memory_space<vmem_shared>>
        %dma_wait3A_83 = arith.constant 0 : i32
        %dma_wait3A_84 = tpu.memref_slice %arg6[%mul3A_80, %dma_wait3A_83] : memref<10000x128xf32, #tpu.memory_space<vmem_shared>> -> memref<40x128xf32, #tpu.memory_space<vmem_shared>>
        tpu.wait_dma2 semaphore(%arg29 : memref<!tpu.dma_semaphore, #tpu.memory_space<semaphore_mem>>) src(%arg9 : memref<40x128xf32, #tpu.memory_space<vmem>>) dst(%dma_wait3A_84 : memref<40x128xf32, #tpu.memory_space<vmem_shared>>)
      } else {
      }
      %scan3A_78 = arith.constant 0 : i32
      scf.yield %scan3A_78 : i32
    }
    %scan3A_24 = arith.constant 16 : i32
    %barrier3A = arith.constant 0 : index
    tpu.barrier barrier_id(%barrier3A)
    %dma_start3A = arith.constant 0 : i32
    %dma_start3A_25 = tpu.memref_slice %arg7[%dma_start3A] : memref<10000xi32, #tpu.memory_space<vmem>> -> memref<40xi32, #tpu.memory_space<vmem>>
    %dma_start3A_26 = arith.constant 0 : i32
    %dma_start3A_27 = arith.constant 0 : i32
    %dma_start3A_28 = tpu.memref_slice %arg2[%dma_start3A_26, %dma_start3A_27] : memref<10000x128xf32, #tpu.memory_space<hbm>> -> memref<10000x128xf32, #tpu.memory_space<hbm>>
    tpu.enqueue_indirect_dma source(%dma_start3A_28 : memref<10000x128xf32, #tpu.memory_space<hbm>>) target(%arg9 : memref<40x128xf32, #tpu.memory_space<vmem>>) offsets(%dma_start3A_25 : memref<40xi32, #tpu.memory_space<vmem>>) semaphore(%arg19 : memref<!tpu.dma_semaphore, #tpu.memory_space<semaphore_mem>>)
    %dma_start3A_29 = arith.constant 40 : i32
    %dma_start3A_30 = tpu.memref_slice %arg7[%dma_start3A_29] : memref<10000xi32, #tpu.memory_space<vmem>> -> memref<40xi32, #tpu.memory_space<vmem>>
    %dma_start3A_31 = arith.constant 0 : i32
    %dma_start3A_32 = arith.constant 0 : i32
    %dma_start3A_33 = tpu.memref_slice %arg2[%dma_start3A_31, %dma_start3A_32] : memref<10000x128xf32, #tpu.memory_space<hbm>> -> memref<10000x128xf32, #tpu.memory_space<hbm>>
    tpu.enqueue_indirect_dma source(%dma_start3A_33 : memref<10000x128xf32, #tpu.memory_space<hbm>>) target(%arg10 : memref<40x128xf32, #tpu.memory_space<vmem>>) offsets(%dma_start3A_30 : memref<40xi32, #tpu.memory_space<vmem>>) semaphore(%arg20 : memref<!tpu.dma_semaphore, #tpu.memory_space<semaphore_mem>>)
    %dma_start3A_34 = arith.constant 80 : i32
    %dma_start3A_35 = tpu.memref_slice %arg7[%dma_start3A_34] : memref<10000xi32, #tpu.memory_space<vmem>> -> memref<40xi32, #tpu.memory_space<vmem>>
    %dma_start3A_36 = arith.constant 0 : i32
    %dma_start3A_37 = arith.constant 0 : i32
    %dma_start3A_38 = tpu.memref_slice %arg2[%dma_start3A_36, %dma_start3A_37] : memref<10000x128xf32, #tpu.memory_space<hbm>> -> memref<10000x128xf32, #tpu.memory_space<hbm>>
    tpu.enqueue_indirect_dma source(%dma_start3A_38 : memref<10000x128xf32, #tpu.memory_space<hbm>>) target(%arg11 : memref<40x128xf32, #tpu.memory_space<vmem>>) offsets(%dma_start3A_35 : memref<40xi32, #tpu.memory_space<vmem>>) semaphore(%arg21 : memref<!tpu.dma_semaphore, #tpu.memory_space<semaphore_mem>>)
    %scan3A_39 = arith.constant 0 : i32
    %scan3A_40 = arith.constant 0 : i32
    %scan3A_41 = arith.constant 50 : i32
    %scan3A_42 = arith.addi %scan3A_40, %scan3A_41 : i32
    %scan3A_43 = arith.constant 1 : i32
    %scan3A_44 = scf.for %scan3A_68 = %scan3A_40 to %scan3A_42 step %scan3A_43 iter_args(%scan3A_69 = %scan3A_39) -> (i32)  : i32 {
      %mul3A_70 = arith.constant 5 : i32
      %mul3A_71 = arith.muli %scan3A_68, %mul3A_70 : i32
      %add3A_72 = arith.constant 0 : i32
      %add3A_73 = arith.addi %mul3A_71, %add3A_72 : i32
      %ge3A = arith.constant 2 : i32
      %ge3A_74 = arith.cmpi sge, %add3A_73, %ge3A : i32
      %convert_element_type3A_75 = arith.extui %ge3A_74 : i1 to i32
      %cond3A_76 = arith.constant 0 : i32
      %cond3A_77 = arith.cmpi ne, %convert_element_type3A_75, %cond3A_76 : i32
      scf.if %cond3A_77 {
        %sub3A = arith.constant 2 : i32
        %sub3A_408 = arith.subi %add3A_73, %sub3A : i32
        %dma_wait3A_409 = arith.constant 0 : i32
        %dma_wait3A_410 = arith.constant 0 : i32
        %dma_wait3A_411 = tpu.memref_slice %arg17[%dma_wait3A_409, %dma_wait3A_410] : memref<1x128xi32, #tpu.memory_space<vmem>> -> memref<1x40xi32, #tpu.memory_space<vmem>>
        %dma_wait3A_412 = tpu.memref_squeeze %dma_wait3A_411 : memref<1x40xi32, #tpu.memory_space<vmem>> -> memref<40xi32, #tpu.memory_space<vmem>>
        %dma_wait3A_413 = arith.constant 0 : i32
        %dma_wait3A_414 = arith.constant 0 : i32
        %dma_wait3A_415 = tpu.memref_slice %arg6[%dma_wait3A_413, %dma_wait3A_414] : memref<10000x128xf32, #tpu.memory_space<vmem_shared>> -> memref<10000x128xf32, #tpu.memory_space<vmem_shared>>
        tpu.wait_indirect_dma semaphore(%arg27 : memref<!tpu.dma_semaphore, #tpu.memory_space<semaphore_mem>>) src(%arg12 : memref<40x128xf32, #tpu.memory_space<vmem>>) dst(%dma_wait3A_415 : memref<10000x128xf32, #tpu.memory_space<vmem_shared>>)
      } else {
      }
      %add3A_78 = arith.constant 3 : i32
      %add3A_79 = arith.addi %add3A_73, %add3A_78 : i32
      %lt3A_80 = arith.constant 250 : i32
      %lt3A_81 = arith.cmpi slt, %add3A_79, %lt3A_80 : i32
      %convert_element_type3A_82 = arith.extui %lt3A_81 : i1 to i32
      %cond3A_83 = arith.constant 0 : i32
      %cond3A_84 = arith.cmpi ne, %convert_element_type3A_82, %cond3A_83 : i32
      scf.if %cond3A_84 {
        %add3A_408 = arith.constant 3 : i32
        %add3A_409 = arith.addi %add3A_73, %add3A_408 : i32
        %mul3A_410 = arith.constant 40 : i32
        %mul3A_411 = arith.muli %add3A_409, %mul3A_410 : i32
        %dma_start3A_412 = tpu.memref_slice %arg7[%mul3A_411] : memref<10000xi32, #tpu.memory_space<vmem>> -> memref<40xi32, #tpu.memory_space<vmem>>
        %dma_start3A_413 = arith.constant 0 : i32
        %dma_start3A_414 = arith.constant 0 : i32
        %dma_start3A_415 = tpu.memref_slice %arg2[%dma_start3A_413, %dma_start3A_414] : memref<10000x128xf32, #tpu.memory_space<hbm>> -> memref<10000x128xf32, #tpu.memory_space<hbm>>
        tpu.enqueue_indirect_dma source(%dma_start3A_415 : memref<10000x128xf32, #tpu.memory_space<hbm>>) target(%arg12 : memref<40x128xf32, #tpu.memory_space<vmem>>) offsets(%dma_start3A_412 : memref<40xi32, #tpu.memory_space<vmem>>) semaphore(%arg22 : memref<!tpu.dma_semaphore, #tpu.memory_space<semaphore_mem>>)
      } else {
      }
      %mul3A_85 = arith.constant 40 : i32
      %mul3A_86 = arith.muli %add3A_73, %mul3A_85 : i32
      %dma_wait3A_87 = tpu.memref_slice %arg7[%mul3A_86] : memref<10000xi32, #tpu.memory_space<vmem>> -> memref<40xi32, #tpu.memory_space<vmem>>
      %dma_wait3A_88 = arith.constant 0 : i32
      %dma_wait3A_89 = arith.constant 0 : i32
      %dma_wait3A_90 = tpu.memref_slice %arg2[%dma_wait3A_88, %dma_wait3A_89] : memref<10000x128xf32, #tpu.memory_space<hbm>> -> memref<10000x128xf32, #tpu.memory_space<hbm>>
      tpu.wait_indirect_dma semaphore(%arg19 : memref<!tpu.dma_semaphore, #tpu.memory_space<semaphore_mem>>) src(%dma_wait3A_90 : memref<10000x128xf32, #tpu.memory_space<hbm>>) dst(%arg9 : memref<40x128xf32, #tpu.memory_space<vmem>>)
      %mul3A_91 = arith.constant 40 : i32
      %mul3A_92 = arith.muli %add3A_73, %mul3A_91 : i32
      %add3A_93 = arith.constant 0 : i32
      %add3A_94 = arith.addi %mul3A_92, %add3A_93 : i32
      %get3A = arith.index_cast %add3A_94 : i32 to index
      %get3A_95 = tpu.vector_load %arg8[%get3A] {strides = array<i32>} : memref<10016xi32, #tpu.memory_space<vmem>>, vector<16xi32>,
      %get3A_96 = vector.shape_cast %get3A_95 : vector<16xi32> to vector<16xi32>
      %swap3A = arith.constant 0 : i32
      %swap3A_97 = arith.index_cast %swap3A : i32 to index
      %swap3A_98 = arith.constant 0 : index
      %swap3A_99 = tpu.vector_load %arg14[%swap3A_97, %swap3A_98] {strides = array<i32>} : memref<1x128xi32, #tpu.memory_space<vmem>>, vector<1x16xi32>,
      %swap3A_100 = vector.shape_cast %swap3A_99 : vector<1x16xi32> to vector<16xi32>
      %swap3A_101 = vector.shape_cast %get3A_96 : vector<16xi32> to vector<1x16xi32>
      tpu.vector_store %arg14[%swap3A_97, %swap3A_98], %swap3A_101 {strides = array<i32>} : memref<1x128xi32, #tpu.memory_space<vmem>>, vector<1x16xi32>,
      %mul3A_102 = arith.constant 40 : i32
      %mul3A_103 = arith.muli %add3A_73, %mul3A_102 : i32
      %add3A_104 = arith.constant 16 : i32
      %add3A_105 = arith.addi %mul3A_103, %add3A_104 : i32
      %get3A_106 = arith.index_cast %add3A_105 : i32 to index
      %get3A_107 = tpu.vector_load %arg8[%get3A_106] {strides = array<i32>} : memref<10016xi32, #tpu.memory_space<vmem>>, vector<16xi32>,
      %get3A_108 = vector.shape_cast %get3A_107 : vector<16xi32> to vector<16xi32>
      %swap3A_109 = arith.constant 0 : i32
      %swap3A_110 = arith.index_cast %swap3A_109 : i32 to index
      %swap3A_111 = arith.constant 16 : index
      %swap3A_112 = tpu.vector_load %arg14[%swap3A_110, %swap3A_111] {strides = array<i32>} : memref<1x128xi32, #tpu.memory_space<vmem>>, vector<1x16xi32>,
      %swap3A_113 = vector.shape_cast %swap3A_112 : vector<1x16xi32> to vector<16xi32>
      %swap3A_114 = vector.shape_cast %get3A_108 : vector<16xi32> to vector<1x16xi32>
      tpu.vector_store %arg14[%swap3A_110, %swap3A_111], %swap3A_114 {strides = array<i32>} : memref<1x128xi32, #tpu.memory_space<vmem>>, vector<1x16xi32>,
      %mul3A_115 = arith.constant 40 : i32
      %mul3A_116 = arith.muli %add3A_73, %mul3A_115 : i32
      %add3A_117 = arith.constant 32 : i32
      %add3A_118 = arith.addi %mul3A_116, %add3A_117 : i32
      %get3A_119 = arith.index_cast %add3A_118 : i32 to index
      %get3A_120 = tpu.vector_load %arg8[%get3A_119] {strides = array<i32>} : memref<10016xi32, #tpu.memory_space<vmem>>, vector<16xi32>,
      %get3A_121 = vector.shape_cast %get3A_120 : vector<16xi32> to vector<16xi32>
      %swap3A_122 = arith.constant 0 : i32
      %swap3A_123 = arith.index_cast %swap3A_122 : i32 to index
      %swap3A_124 = arith.constant 32 : index
      %swap3A_125 = tpu.vector_load %arg14[%swap3A_123, %swap3A_124] {strides = array<i32>} : memref<1x128xi32, #tpu.memory_space<vmem>>, vector<1x16xi32>,
      %swap3A_126 = vector.shape_cast %swap3A_125 : vector<1x16xi32> to vector<16xi32>
      %swap3A_127 = vector.shape_cast %get3A_121 : vector<16xi32> to vector<1x16xi32>
      tpu.vector_store %arg14[%swap3A_123, %swap3A_124], %swap3A_127 {strides = array<i32>} : memref<1x128xi32, #tpu.memory_space<vmem>>, vector<1x16xi32>,
      %dma_start3A_128 = arith.constant 0 : i32
      %dma_start3A_129 = arith.constant 0 : i32
      %dma_start3A_130 = tpu.memref_slice %arg14[%dma_start3A_128, %dma_start3A_129] : memref<1x128xi32, #tpu.memory_space<vmem>> -> memref<1x40xi32, #tpu.memory_space<vmem>>
      %dma_start3A_131 = tpu.memref_squeeze %dma_start3A_130 : memref<1x40xi32, #tpu.memory_space<vmem>> -> memref<40xi32, #tpu.memory_space<vmem>>
      %dma_start3A_132 = arith.constant 0 : i32
      %dma_start3A_133 = arith.constant 0 : i32
      %dma_start3A_134 = tpu.memref_slice %arg6[%dma_start3A_132, %dma_start3A_133] : memref<10000x128xf32, #tpu.memory_space<vmem_shared>> -> memref<10000x128xf32, #tpu.memory_space<vmem_shared>>
      tpu.enqueue_indirect_dma source(%arg9 : memref<40x128xf32, #tpu.memory_space<vmem>>) target(%dma_start3A_134 : memref<10000x128xf32, #tpu.memory_space<vmem_shared>>) offsets(%dma_start3A_131 : memref<40xi32, #tpu.memory_space<vmem>>) semaphore(%arg24 : memref<!tpu.dma_semaphore, #tpu.memory_space<semaphore_mem>>) {add = true}
      %mul3A_135 = arith.constant 5 : i32
      %mul3A_136 = arith.muli %scan3A_68, %mul3A_135 : i32
      %add3A_137 = arith.constant 1 : i32
      %add3A_138 = arith.addi %mul3A_136, %add3A_137 : i32
      %ge3A_139 = arith.constant 2 : i32
      %ge3A_140 = arith.cmpi sge, %add3A_138, %ge3A_139 : i32
      %convert_element_type3A_141 = arith.extui %ge3A_140 : i1 to i32
      %cond3A_142 = arith.constant 0 : i32
      %cond3A_143 = arith.cmpi ne, %convert_element_type3A_141, %cond3A_142 : i32
      scf.if %cond3A_143 {
        %sub3A = arith.constant 2 : i32
        %sub3A_408 = arith.subi %add3A_138, %sub3A : i32
        %dma_wait3A_409 = arith.constant 0 : i32
        %dma_wait3A_410 = arith.constant 0 : i32
        %dma_wait3A_411 = tpu.memref_slice %arg18[%dma_wait3A_409, %dma_wait3A_410] : memref<1x128xi32, #tpu.memory_space<vmem>> -> memref<1x40xi32, #tpu.memory_space<vmem>>
        %dma_wait3A_412 = tpu.memref_squeeze %dma_wait3A_411 : memref<1x40xi32, #tpu.memory_space<vmem>> -> memref<40xi32, #tpu.memory_space<vmem>>
        %dma_wait3A_413 = arith.constant 0 : i32
        %dma_wait3A_414 = arith.constant 0 : i32
        %dma_wait3A_415 = tpu.memref_slice %arg6[%dma_wait3A_413, %dma_wait3A_414] : memref<10000x128xf32, #tpu.memory_space<vmem_shared>> -> memref<10000x128xf32, #tpu.memory_space<vmem_shared>>
        tpu.wait_indirect_dma semaphore(%arg28 : memref<!tpu.dma_semaphore, #tpu.memory_space<semaphore_mem>>) src(%arg13 : memref<40x128xf32, #tpu.memory_space<vmem>>) dst(%dma_wait3A_415 : memref<10000x128xf32, #tpu.memory_space<vmem_shared>>)
      } else {
      }
      %add3A_144 = arith.constant 3 : i32
      %add3A_145 = arith.addi %add3A_138, %add3A_144 : i32
      %lt3A_146 = arith.constant 250 : i32
      %lt3A_147 = arith.cmpi slt, %add3A_145, %lt3A_146 : i32
      %convert_element_type3A_148 = arith.extui %lt3A_147 : i1 to i32
      %cond3A_149 = arith.constant 0 : i32
      %cond3A_150 = arith.cmpi ne, %convert_element_type3A_148, %cond3A_149 : i32
      scf.if %cond3A_150 {
        %add3A_408 = arith.constant 3 : i32
        %add3A_409 = arith.addi %add3A_138, %add3A_408 : i32
        %mul3A_410 = arith.constant 40 : i32
        %mul3A_411 = arith.muli %add3A_409, %mul3A_410 : i32
        %dma_start3A_412 = tpu.memref_slice %arg7[%mul3A_411] : memref<10000xi32, #tpu.memory_space<vmem>> -> memref<40xi32, #tpu.memory_space<vmem>>
        %dma_start3A_413 = arith.constant 0 : i32
        %dma_start3A_414 = arith.constant 0 : i32
        %dma_start3A_415 = tpu.memref_slice %arg2[%dma_start3A_413, %dma_start3A_414] : memref<10000x128xf32, #tpu.memory_space<hbm>> -> memref<10000x128xf32, #tpu.memory_space<hbm>>
        tpu.enqueue_indirect_dma source(%dma_start3A_415 : memref<10000x128xf32, #tpu.memory_space<hbm>>) target(%arg13 : memref<40x128xf32, #tpu.memory_space<vmem>>) offsets(%dma_start3A_412 : memref<40xi32, #tpu.memory_space<vmem>>) semaphore(%arg23 : memref<!tpu.dma_semaphore, #tpu.memory_space<semaphore_mem>>)
      } else {
      }
      %mul3A_151 = arith.constant 40 : i32
      %mul3A_152 = arith.muli %add3A_138, %mul3A_151 : i32
      %dma_wait3A_153 = tpu.memref_slice %arg7[%mul3A_152] : memref<10000xi32, #tpu.memory_space<vmem>> -> memref<40xi32, #tpu.memory_space<vmem>>
      %dma_wait3A_154 = arith.constant 0 : i32
      %dma_wait3A_155 = arith.constant 0 : i32
      %dma_wait3A_156 = tpu.memref_slice %arg2[%dma_wait3A_154, %dma_wait3A_155] : memref<10000x128xf32, #tpu.memory_space<hbm>> -> memref<10000x128xf32, #tpu.memory_space<hbm>>
      tpu.wait_indirect_dma semaphore(%arg20 : memref<!tpu.dma_semaphore, #tpu.memory_space<semaphore_mem>>) src(%dma_wait3A_156 : memref<10000x128xf32, #tpu.memory_space<hbm>>) dst(%arg10 : memref<40x128xf32, #tpu.memory_space<vmem>>)
      %mul3A_157 = arith.constant 40 : i32
      %mul3A_158 = arith.muli %add3A_138, %mul3A_157 : i32
      %add3A_159 = arith.constant 0 : i32
      %add3A_160 = arith.addi %mul3A_158, %add3A_159 : i32
      %get3A_161 = arith.index_cast %add3A_160 : i32 to index
      %get3A_162 = tpu.vector_load %arg8[%get3A_161] {strides = array<i32>} : memref<10016xi32, #tpu.memory_space<vmem>>, vector<16xi32>,
      %get3A_163 = vector.shape_cast %get3A_162 : vector<16xi32> to vector<16xi32>
      %swap3A_164 = arith.constant 0 : i32
      %swap3A_165 = arith.index_cast %swap3A_164 : i32 to index
      %swap3A_166 = arith.constant 0 : index
      %swap3A_167 = tpu.vector_load %arg15[%swap3A_165, %swap3A_166] {strides = array<i32>} : memref<1x128xi32, #tpu.memory_space<vmem>>, vector<1x16xi32>,
      %swap3A_168 = vector.shape_cast %swap3A_167 : vector<1x16xi32> to vector<16xi32>
      %swap3A_169 = vector.shape_cast %get3A_163 : vector<16xi32> to vector<1x16xi32>
      tpu.vector_store %arg15[%swap3A_165, %swap3A_166], %swap3A_169 {strides = array<i32>} : memref<1x128xi32, #tpu.memory_space<vmem>>, vector<1x16xi32>,
      %mul3A_170 = arith.constant 40 : i32
      %mul3A_171 = arith.muli %add3A_138, %mul3A_170 : i32
      %add3A_172 = arith.constant 16 : i32
      %add3A_173 = arith.addi %mul3A_171, %add3A_172 : i32
      %get3A_174 = arith.index_cast %add3A_173 : i32 to index
      %get3A_175 = tpu.vector_load %arg8[%get3A_174] {strides = array<i32>} : memref<10016xi32, #tpu.memory_space<vmem>>, vector<16xi32>,
      %get3A_176 = vector.shape_cast %get3A_175 : vector<16xi32> to vector<16xi32>
      %swap3A_177 = arith.constant 0 : i32
      %swap3A_178 = arith.index_cast %swap3A_177 : i32 to index
      %swap3A_179 = arith.constant 16 : index
      %swap3A_180 = tpu.vector_load %arg15[%swap3A_178, %swap3A_179] {strides = array<i32>} : memref<1x128xi32, #tpu.memory_space<vmem>>, vector<1x16xi32>,
      %swap3A_181 = vector.shape_cast %swap3A_180 : vector<1x16xi32> to vector<16xi32>
      %swap3A_182 = vector.shape_cast %get3A_176 : vector<16xi32> to vector<1x16xi32>
      tpu.vector_store %arg15[%swap3A_178, %swap3A_179], %swap3A_182 {strides = array<i32>} : memref<1x128xi32, #tpu.memory_space<vmem>>, vector<1x16xi32>,
      %mul3A_183 = arith.constant 40 : i32
      %mul3A_184 = arith.muli %add3A_138, %mul3A_183 : i32
      %add3A_185 = arith.constant 32 : i32
      %add3A_186 = arith.addi %mul3A_184, %add3A_185 : i32
      %get3A_187 = arith.index_cast %add3A_186 : i32 to index
      %get3A_188 = tpu.vector_load %arg8[%get3A_187] {strides = array<i32>} : memref<10016xi32, #tpu.memory_space<vmem>>, vector<16xi32>,
      %get3A_189 = vector.shape_cast %get3A_188 : vector<16xi32> to vector<16xi32>
      %swap3A_190 = arith.constant 0 : i32
      %swap3A_191 = arith.index_cast %swap3A_190 : i32 to index
      %swap3A_192 = arith.constant 32 : index
      %swap3A_193 = tpu.vector_load %arg15[%swap3A_191, %swap3A_192] {strides = array<i32>} : memref<1x128xi32, #tpu.memory_space<vmem>>, vector<1x16xi32>,
      %swap3A_194 = vector.shape_cast %swap3A_193 : vector<1x16xi32> to vector<16xi32>
      %swap3A_195 = vector.shape_cast %get3A_189 : vector<16xi32> to vector<1x16xi32>
      tpu.vector_store %arg15[%swap3A_191, %swap3A_192], %swap3A_195 {strides = array<i32>} : memref<1x128xi32, #tpu.memory_space<vmem>>, vector<1x16xi32>,
      %dma_start3A_196 = arith.constant 0 : i32
      %dma_start3A_197 = arith.constant 0 : i32
      %dma_start3A_198 = tpu.memref_slice %arg15[%dma_start3A_196, %dma_start3A_197] : memref<1x128xi32, #tpu.memory_space<vmem>> -> memref<1x40xi32, #tpu.memory_space<vmem>>
      %dma_start3A_199 = tpu.memref_squeeze %dma_start3A_198 : memref<1x40xi32, #tpu.memory_space<vmem>> -> memref<40xi32, #tpu.memory_space<vmem>>
      %dma_start3A_200 = arith.constant 0 : i32
      %dma_start3A_201 = arith.constant 0 : i32
      %dma_start3A_202 = tpu.memref_slice %arg6[%dma_start3A_200, %dma_start3A_201] : memref<10000x128xf32, #tpu.memory_space<vmem_shared>> -> memref<10000x128xf32, #tpu.memory_space<vmem_shared>>
      tpu.enqueue_indirect_dma source(%arg10 : memref<40x128xf32, #tpu.memory_space<vmem>>) target(%dma_start3A_202 : memref<10000x128xf32, #tpu.memory_space<vmem_shared>>) offsets(%dma_start3A_199 : memref<40xi32, #tpu.memory_space<vmem>>) semaphore(%arg25 : memref<!tpu.dma_semaphore, #tpu.memory_space<semaphore_mem>>) {add = true}
      %mul3A_203 = arith.constant 5 : i32
      %mul3A_204 = arith.muli %scan3A_68, %mul3A_203 : i32
      %add3A_205 = arith.constant 2 : i32
      %add3A_206 = arith.addi %mul3A_204, %add3A_205 : i32
      %ge3A_207 = arith.constant 2 : i32
      %ge3A_208 = arith.cmpi sge, %add3A_206, %ge3A_207 : i32
      %convert_element_type3A_209 = arith.extui %ge3A_208 : i1 to i32
      %cond3A_210 = arith.constant 0 : i32
      %cond3A_211 = arith.cmpi ne, %convert_element_type3A_209, %cond3A_210 : i32
      scf.if %cond3A_211 {
        %sub3A = arith.constant 2 : i32
        %sub3A_408 = arith.subi %add3A_206, %sub3A : i32
        %dma_wait3A_409 = arith.constant 0 : i32
        %dma_wait3A_410 = arith.constant 0 : i32
        %dma_wait3A_411 = tpu.memref_slice %arg14[%dma_wait3A_409, %dma_wait3A_410] : memref<1x128xi32, #tpu.memory_space<vmem>> -> memref<1x40xi32, #tpu.memory_space<vmem>>
        %dma_wait3A_412 = tpu.memref_squeeze %dma_wait3A_411 : memref<1x40xi32, #tpu.memory_space<vmem>> -> memref<40xi32, #tpu.memory_space<vmem>>
        %dma_wait3A_413 = arith.constant 0 : i32
        %dma_wait3A_414 = arith.constant 0 : i32
        %dma_wait3A_415 = tpu.memref_slice %arg6[%dma_wait3A_413, %dma_wait3A_414] : memref<10000x128xf32, #tpu.memory_space<vmem_shared>> -> memref<10000x128xf32, #tpu.memory_space<vmem_shared>>
        tpu.wait_indirect_dma semaphore(%arg24 : memref<!tpu.dma_semaphore, #tpu.memory_space<semaphore_mem>>) src(%arg9 : memref<40x128xf32, #tpu.memory_space<vmem>>) dst(%dma_wait3A_415 : memref<10000x128xf32, #tpu.memory_space<vmem_shared>>)
      } else {
      }
      %add3A_212 = arith.constant 3 : i32
      %add3A_213 = arith.addi %add3A_206, %add3A_212 : i32
      %lt3A_214 = arith.constant 250 : i32
      %lt3A_215 = arith.cmpi slt, %add3A_213, %lt3A_214 : i32
      %convert_element_type3A_216 = arith.extui %lt3A_215 : i1 to i32
      %cond3A_217 = arith.constant 0 : i32
      %cond3A_218 = arith.cmpi ne, %convert_element_type3A_216, %cond3A_217 : i32
      scf.if %cond3A_218 {
        %add3A_408 = arith.constant 3 : i32
        %add3A_409 = arith.addi %add3A_206, %add3A_408 : i32
        %mul3A_410 = arith.constant 40 : i32
        %mul3A_411 = arith.muli %add3A_409, %mul3A_410 : i32
        %dma_start3A_412 = tpu.memref_slice %arg7[%mul3A_411] : memref<10000xi32, #tpu.memory_space<vmem>> -> memref<40xi32, #tpu.memory_space<vmem>>
        %dma_start3A_413 = arith.constant 0 : i32
        %dma_start3A_414 = arith.constant 0 : i32
        %dma_start3A_415 = tpu.memref_slice %arg2[%dma_start3A_413, %dma_start3A_414] : memref<10000x128xf32, #tpu.memory_space<hbm>> -> memref<10000x128xf32, #tpu.memory_space<hbm>>
        tpu.enqueue_indirect_dma source(%dma_start3A_415 : memref<10000x128xf32, #tpu.memory_space<hbm>>) target(%arg9 : memref<40x128xf32, #tpu.memory_space<vmem>>) offsets(%dma_start3A_412 : memref<40xi32, #tpu.memory_space<vmem>>) semaphore(%arg19 : memref<!tpu.dma_semaphore, #tpu.memory_space<semaphore_mem>>)
      } else {
      }
      %mul3A_219 = arith.constant 40 : i32
      %mul3A_220 = arith.muli %add3A_206, %mul3A_219 : i32
      %dma_wait3A_221 = tpu.memref_slice %arg7[%mul3A_220] : memref<10000xi32, #tpu.memory_space<vmem>> -> memref<40xi32, #tpu.memory_space<vmem>>
      %dma_wait3A_222 = arith.constant 0 : i32
      %dma_wait3A_223 = arith.constant 0 : i32
      %dma_wait3A_224 = tpu.memref_slice %arg2[%dma_wait3A_222, %dma_wait3A_223] : memref<10000x128xf32, #tpu.memory_space<hbm>> -> memref<10000x128xf32, #tpu.memory_space<hbm>>
      tpu.wait_indirect_dma semaphore(%arg21 : memref<!tpu.dma_semaphore, #tpu.memory_space<semaphore_mem>>) src(%dma_wait3A_224 : memref<10000x128xf32, #tpu.memory_space<hbm>>) dst(%arg11 : memref<40x128xf32, #tpu.memory_space<vmem>>)
      %mul3A_225 = arith.constant 40 : i32
      %mul3A_226 = arith.muli %add3A_206, %mul3A_225 : i32
      %add3A_227 = arith.constant 0 : i32
      %add3A_228 = arith.addi %mul3A_226, %add3A_227 : i32
      %get3A_229 = arith.index_cast %add3A_228 : i32 to index
      %get3A_230 = tpu.vector_load %arg8[%get3A_229] {strides = array<i32>} : memref<10016xi32, #tpu.memory_space<vmem>>, vector<16xi32>,
      %get3A_231 = vector.shape_cast %get3A_230 : vector<16xi32> to vector<16xi32>
      %swap3A_232 = arith.constant 0 : i32
      %swap3A_233 = arith.index_cast %swap3A_232 : i32 to index
      %swap3A_234 = arith.constant 0 : index
      %swap3A_235 = tpu.vector_load %arg16[%swap3A_233, %swap3A_234] {strides = array<i32>} : memref<1x128xi32, #tpu.memory_space<vmem>>, vector<1x16xi32>,
      %swap3A_236 = vector.shape_cast %swap3A_235 : vector<1x16xi32> to vector<16xi32>
      %swap3A_237 = vector.shape_cast %get3A_231 : vector<16xi32> to vector<1x16xi32>
      tpu.vector_store %arg16[%swap3A_233, %swap3A_234], %swap3A_237 {strides = array<i32>} : memref<1x128xi32, #tpu.memory_space<vmem>>, vector<1x16xi32>,
      %mul3A_238 = arith.constant 40 : i32
      %mul3A_239 = arith.muli %add3A_206, %mul3A_238 : i32
      %add3A_240 = arith.constant 16 : i32
      %add3A_241 = arith.addi %mul3A_239, %add3A_240 : i32
      %get3A_242 = arith.index_cast %add3A_241 : i32 to index
      %get3A_243 = tpu.vector_load %arg8[%get3A_242] {strides = array<i32>} : memref<10016xi32, #tpu.memory_space<vmem>>, vector<16xi32>,
      %get3A_244 = vector.shape_cast %get3A_243 : vector<16xi32> to vector<16xi32>
      %swap3A_245 = arith.constant 0 : i32
      %swap3A_246 = arith.index_cast %swap3A_245 : i32 to index
      %swap3A_247 = arith.constant 16 : index
      %swap3A_248 = tpu.vector_load %arg16[%swap3A_246, %swap3A_247] {strides = array<i32>} : memref<1x128xi32, #tpu.memory_space<vmem>>, vector<1x16xi32>,
      %swap3A_249 = vector.shape_cast %swap3A_248 : vector<1x16xi32> to vector<16xi32>
      %swap3A_250 = vector.shape_cast %get3A_244 : vector<16xi32> to vector<1x16xi32>
      tpu.vector_store %arg16[%swap3A_246, %swap3A_247], %swap3A_250 {strides = array<i32>} : memref<1x128xi32, #tpu.memory_space<vmem>>, vector<1x16xi32>,
      %mul3A_251 = arith.constant 40 : i32
      %mul3A_252 = arith.muli %add3A_206, %mul3A_251 : i32
      %add3A_253 = arith.constant 32 : i32
      %add3A_254 = arith.addi %mul3A_252, %add3A_253 : i32
      %get3A_255 = arith.index_cast %add3A_254 : i32 to index
      %get3A_256 = tpu.vector_load %arg8[%get3A_255] {strides = array<i32>} : memref<10016xi32, #tpu.memory_space<vmem>>, vector<16xi32>,
      %get3A_257 = vector.shape_cast %get3A_256 : vector<16xi32> to vector<16xi32>
      %swap3A_258 = arith.constant 0 : i32
      %swap3A_259 = arith.index_cast %swap3A_258 : i32 to index
      %swap3A_260 = arith.constant 32 : index
      %swap3A_261 = tpu.vector_load %arg16[%swap3A_259, %swap3A_260] {strides = array<i32>} : memref<1x128xi32, #tpu.memory_space<vmem>>, vector<1x16xi32>,
      %swap3A_262 = vector.shape_cast %swap3A_261 : vector<1x16xi32> to vector<16xi32>
      %swap3A_263 = vector.shape_cast %get3A_257 : vector<16xi32> to vector<1x16xi32>
      tpu.vector_store %arg16[%swap3A_259, %swap3A_260], %swap3A_263 {strides = array<i32>} : memref<1x128xi32, #tpu.memory_space<vmem>>, vector<1x16xi32>,
      %dma_start3A_264 = arith.constant 0 : i32
      %dma_start3A_265 = arith.constant 0 : i32
      %dma_start3A_266 = tpu.memref_slice %arg16[%dma_start3A_264, %dma_start3A_265] : memref<1x128xi32, #tpu.memory_space<vmem>> -> memref<1x40xi32, #tpu.memory_space<vmem>>
      %dma_start3A_267 = tpu.memref_squeeze %dma_start3A_266 : memref<1x40xi32, #tpu.memory_space<vmem>> -> memref<40xi32, #tpu.memory_space<vmem>>
      %dma_start3A_268 = arith.constant 0 : i32
      %dma_start3A_269 = arith.constant 0 : i32
      %dma_start3A_270 = tpu.memref_slice %arg6[%dma_start3A_268, %dma_start3A_269] : memref<10000x128xf32, #tpu.memory_space<vmem_shared>> -> memref<10000x128xf32, #tpu.memory_space<vmem_shared>>
      tpu.enqueue_indirect_dma source(%arg11 : memref<40x128xf32, #tpu.memory_space<vmem>>) target(%dma_start3A_270 : memref<10000x128xf32, #tpu.memory_space<vmem_shared>>) offsets(%dma_start3A_267 : memref<40xi32, #tpu.memory_space<vmem>>) semaphore(%arg26 : memref<!tpu.dma_semaphore, #tpu.memory_space<semaphore_mem>>) {add = true}
      %mul3A_271 = arith.constant 5 : i32
      %mul3A_272 = arith.muli %scan3A_68, %mul3A_271 : i32
      %add3A_273 = arith.constant 3 : i32
      %add3A_274 = arith.addi %mul3A_272, %add3A_273 : i32
      %ge3A_275 = arith.constant 2 : i32
      %ge3A_276 = arith.cmpi sge, %add3A_274, %ge3A_275 : i32
      %convert_element_type3A_277 = arith.extui %ge3A_276 : i1 to i32
      %cond3A_278 = arith.constant 0 : i32
      %cond3A_279 = arith.cmpi ne, %convert_element_type3A_277, %cond3A_278 : i32
      scf.if %cond3A_279 {
        %sub3A = arith.constant 2 : i32
        %sub3A_408 = arith.subi %add3A_274, %sub3A : i32
        %dma_wait3A_409 = arith.constant 0 : i32
        %dma_wait3A_410 = arith.constant 0 : i32
        %dma_wait3A_411 = tpu.memref_slice %arg15[%dma_wait3A_409, %dma_wait3A_410] : memref<1x128xi32, #tpu.memory_space<vmem>> -> memref<1x40xi32, #tpu.memory_space<vmem>>
        %dma_wait3A_412 = tpu.memref_squeeze %dma_wait3A_411 : memref<1x40xi32, #tpu.memory_space<vmem>> -> memref<40xi32, #tpu.memory_space<vmem>>
        %dma_wait3A_413 = arith.constant 0 : i32
        %dma_wait3A_414 = arith.constant 0 : i32
        %dma_wait3A_415 = tpu.memref_slice %arg6[%dma_wait3A_413, %dma_wait3A_414] : memref<10000x128xf32, #tpu.memory_space<vmem_shared>> -> memref<10000x128xf32, #tpu.memory_space<vmem_shared>>
        tpu.wait_indirect_dma semaphore(%arg25 : memref<!tpu.dma_semaphore, #tpu.memory_space<semaphore_mem>>) src(%arg10 : memref<40x128xf32, #tpu.memory_space<vmem>>) dst(%dma_wait3A_415 : memref<10000x128xf32, #tpu.memory_space<vmem_shared>>)
      } else {
      }
      %add3A_280 = arith.constant 3 : i32
      %add3A_281 = arith.addi %add3A_274, %add3A_280 : i32
      %lt3A_282 = arith.constant 250 : i32
      %lt3A_283 = arith.cmpi slt, %add3A_281, %lt3A_282 : i32
      %convert_element_type3A_284 = arith.extui %lt3A_283 : i1 to i32
      %cond3A_285 = arith.constant 0 : i32
      %cond3A_286 = arith.cmpi ne, %convert_element_type3A_284, %cond3A_285 : i32
      scf.if %cond3A_286 {
        %add3A_408 = arith.constant 3 : i32
        %add3A_409 = arith.addi %add3A_274, %add3A_408 : i32
        %mul3A_410 = arith.constant 40 : i32
        %mul3A_411 = arith.muli %add3A_409, %mul3A_410 : i32
        %dma_start3A_412 = tpu.memref_slice %arg7[%mul3A_411] : memref<10000xi32, #tpu.memory_space<vmem>> -> memref<40xi32, #tpu.memory_space<vmem>>
        %dma_start3A_413 = arith.constant 0 : i32
        %dma_start3A_414 = arith.constant 0 : i32
        %dma_start3A_415 = tpu.memref_slice %arg2[%dma_start3A_413, %dma_start3A_414] : memref<10000x128xf32, #tpu.memory_space<hbm>> -> memref<10000x128xf32, #tpu.memory_space<hbm>>
        tpu.enqueue_indirect_dma source(%dma_start3A_415 : memref<10000x128xf32, #tpu.memory_space<hbm>>) target(%arg10 : memref<40x128xf32, #tpu.memory_space<vmem>>) offsets(%dma_start3A_412 : memref<40xi32, #tpu.memory_space<vmem>>) semaphore(%arg20 : memref<!tpu.dma_semaphore, #tpu.memory_space<semaphore_mem>>)
      } else {
      }
      %mul3A_287 = arith.constant 40 : i32
      %mul3A_288 = arith.muli %add3A_274, %mul3A_287 : i32
      %dma_wait3A_289 = tpu.memref_slice %arg7[%mul3A_288] : memref<10000xi32, #tpu.memory_space<vmem>> -> memref<40xi32, #tpu.memory_space<vmem>>
      %dma_wait3A_290 = arith.constant 0 : i32
      %dma_wait3A_291 = arith.constant 0 : i32
      %dma_wait3A_292 = tpu.memref_slice %arg2[%dma_wait3A_290, %dma_wait3A_291] : memref<10000x128xf32, #tpu.memory_space<hbm>> -> memref<10000x128xf32, #tpu.memory_space<hbm>>
      tpu.wait_indirect_dma semaphore(%arg22 : memref<!tpu.dma_semaphore, #tpu.memory_space<semaphore_mem>>) src(%dma_wait3A_292 : memref<10000x128xf32, #tpu.memory_space<hbm>>) dst(%arg12 : memref<40x128xf32, #tpu.memory_space<vmem>>)
      %mul3A_293 = arith.constant 40 : i32
      %mul3A_294 = arith.muli %add3A_274, %mul3A_293 : i32
      %add3A_295 = arith.constant 0 : i32
      %add3A_296 = arith.addi %mul3A_294, %add3A_295 : i32
      %get3A_297 = arith.index_cast %add3A_296 : i32 to index
      %get3A_298 = tpu.vector_load %arg8[%get3A_297] {strides = array<i32>} : memref<10016xi32, #tpu.memory_space<vmem>>, vector<16xi32>,
      %get3A_299 = vector.shape_cast %get3A_298 : vector<16xi32> to vector<16xi32>
      %swap3A_300 = arith.constant 0 : i32
      %swap3A_301 = arith.index_cast %swap3A_300 : i32 to index
      %swap3A_302 = arith.constant 0 : index
      %swap3A_303 = tpu.vector_load %arg17[%swap3A_301, %swap3A_302] {strides = array<i32>} : memref<1x128xi32, #tpu.memory_space<vmem>>, vector<1x16xi32>,
      %swap3A_304 = vector.shape_cast %swap3A_303 : vector<1x16xi32> to vector<16xi32>
      %swap3A_305 = vector.shape_cast %get3A_299 : vector<16xi32> to vector<1x16xi32>
      tpu.vector_store %arg17[%swap3A_301, %swap3A_302], %swap3A_305 {strides = array<i32>} : memref<1x128xi32, #tpu.memory_space<vmem>>, vector<1x16xi32>,
      %mul3A_306 = arith.constant 40 : i32
      %mul3A_307 = arith.muli %add3A_274, %mul3A_306 : i32
      %add3A_308 = arith.constant 16 : i32
      %add3A_309 = arith.addi %mul3A_307, %add3A_308 : i32
      %get3A_310 = arith.index_cast %add3A_309 : i32 to index
      %get3A_311 = tpu.vector_load %arg8[%get3A_310] {strides = array<i32>} : memref<10016xi32, #tpu.memory_space<vmem>>, vector<16xi32>,
      %get3A_312 = vector.shape_cast %get3A_311 : vector<16xi32> to vector<16xi32>
      %swap3A_313 = arith.constant 0 : i32
      %swap3A_314 = arith.index_cast %swap3A_313 : i32 to index
      %swap3A_315 = arith.constant 16 : index
      %swap3A_316 = tpu.vector_load %arg17[%swap3A_314, %swap3A_315] {strides = array<i32>} : memref<1x128xi32, #tpu.memory_space<vmem>>, vector<1x16xi32>,
      %swap3A_317 = vector.shape_cast %swap3A_316 : vector<1x16xi32> to vector<16xi32>
      %swap3A_318 = vector.shape_cast %get3A_312 : vector<16xi32> to vector<1x16xi32>
      tpu.vector_store %arg17[%swap3A_314, %swap3A_315], %swap3A_318 {strides = array<i32>} : memref<1x128xi32, #tpu.memory_space<vmem>>, vector<1x16xi32>,
      %mul3A_319 = arith.constant 40 : i32
      %mul3A_320 = arith.muli %add3A_274, %mul3A_319 : i32
      %add3A_321 = arith.constant 32 : i32
      %add3A_322 = arith.addi %mul3A_320, %add3A_321 : i32
      %get3A_323 = arith.index_cast %add3A_322 : i32 to index
      %get3A_324 = tpu.vector_load %arg8[%get3A_323] {strides = array<i32>} : memref<10016xi32, #tpu.memory_space<vmem>>, vector<16xi32>,
      %get3A_325 = vector.shape_cast %get3A_324 : vector<16xi32> to vector<16xi32>
      %swap3A_326 = arith.constant 0 : i32
      %swap3A_327 = arith.index_cast %swap3A_326 : i32 to index
      %swap3A_328 = arith.constant 32 : index
      %swap3A_329 = tpu.vector_load %arg17[%swap3A_327, %swap3A_328] {strides = array<i32>} : memref<1x128xi32, #tpu.memory_space<vmem>>, vector<1x16xi32>,
      %swap3A_330 = vector.shape_cast %swap3A_329 : vector<1x16xi32> to vector<16xi32>
      %swap3A_331 = vector.shape_cast %get3A_325 : vector<16xi32> to vector<1x16xi32>
      tpu.vector_store %arg17[%swap3A_327, %swap3A_328], %swap3A_331 {strides = array<i32>} : memref<1x128xi32, #tpu.memory_space<vmem>>, vector<1x16xi32>,
      %dma_start3A_332 = arith.constant 0 : i32
      %dma_start3A_333 = arith.constant 0 : i32
      %dma_start3A_334 = tpu.memref_slice %arg17[%dma_start3A_332, %dma_start3A_333] : memref<1x128xi32, #tpu.memory_space<vmem>> -> memref<1x40xi32, #tpu.memory_space<vmem>>
      %dma_start3A_335 = tpu.memref_squeeze %dma_start3A_334 : memref<1x40xi32, #tpu.memory_space<vmem>> -> memref<40xi32, #tpu.memory_space<vmem>>
      %dma_start3A_336 = arith.constant 0 : i32
      %dma_start3A_337 = arith.constant 0 : i32
      %dma_start3A_338 = tpu.memref_slice %arg6[%dma_start3A_336, %dma_start3A_337] : memref<10000x128xf32, #tpu.memory_space<vmem_shared>> -> memref<10000x128xf32, #tpu.memory_space<vmem_shared>>
      tpu.enqueue_indirect_dma source(%arg12 : memref<40x128xf32, #tpu.memory_space<vmem>>) target(%dma_start3A_338 : memref<10000x128xf32, #tpu.memory_space<vmem_shared>>) offsets(%dma_start3A_335 : memref<40xi32, #tpu.memory_space<vmem>>) semaphore(%arg27 : memref<!tpu.dma_semaphore, #tpu.memory_space<semaphore_mem>>) {add = true}
      %mul3A_339 = arith.constant 5 : i32
      %mul3A_340 = arith.muli %scan3A_68, %mul3A_339 : i32
      %add3A_341 = arith.constant 4 : i32
      %add3A_342 = arith.addi %mul3A_340, %add3A_341 : i32
      %ge3A_343 = arith.constant 2 : i32
      %ge3A_344 = arith.cmpi sge, %add3A_342, %ge3A_343 : i32
      %convert_element_type3A_345 = arith.extui %ge3A_344 : i1 to i32
      %cond3A_346 = arith.constant 0 : i32
      %cond3A_347 = arith.cmpi ne, %convert_element_type3A_345, %cond3A_346 : i32
      scf.if %cond3A_347 {
        %sub3A = arith.constant 2 : i32
        %sub3A_408 = arith.subi %add3A_342, %sub3A : i32
        %dma_wait3A_409 = arith.constant 0 : i32
        %dma_wait3A_410 = arith.constant 0 : i32
        %dma_wait3A_411 = tpu.memref_slice %arg16[%dma_wait3A_409, %dma_wait3A_410] : memref<1x128xi32, #tpu.memory_space<vmem>> -> memref<1x40xi32, #tpu.memory_space<vmem>>
        %dma_wait3A_412 = tpu.memref_squeeze %dma_wait3A_411 : memref<1x40xi32, #tpu.memory_space<vmem>> -> memref<40xi32, #tpu.memory_space<vmem>>
        %dma_wait3A_413 = arith.constant 0 : i32
        %dma_wait3A_414 = arith.constant 0 : i32
        %dma_wait3A_415 = tpu.memref_slice %arg6[%dma_wait3A_413, %dma_wait3A_414] : memref<10000x128xf32, #tpu.memory_space<vmem_shared>> -> memref<10000x128xf32, #tpu.memory_space<vmem_shared>>
        tpu.wait_indirect_dma semaphore(%arg26 : memref<!tpu.dma_semaphore, #tpu.memory_space<semaphore_mem>>) src(%arg11 : memref<40x128xf32, #tpu.memory_space<vmem>>) dst(%dma_wait3A_415 : memref<10000x128xf32, #tpu.memory_space<vmem_shared>>)
      } else {
      }
      %add3A_348 = arith.constant 3 : i32
      %add3A_349 = arith.addi %add3A_342, %add3A_348 : i32
      %lt3A_350 = arith.constant 250 : i32
      %lt3A_351 = arith.cmpi slt, %add3A_349, %lt3A_350 : i32
      %convert_element_type3A_352 = arith.extui %lt3A_351 : i1 to i32
      %cond3A_353 = arith.constant 0 : i32
      %cond3A_354 = arith.cmpi ne, %convert_element_type3A_352, %cond3A_353 : i32
      scf.if %cond3A_354 {
        %add3A_408 = arith.constant 3 : i32
        %add3A_409 = arith.addi %add3A_342, %add3A_408 : i32
        %mul3A_410 = arith.constant 40 : i32
        %mul3A_411 = arith.muli %add3A_409, %mul3A_410 : i32
        %dma_start3A_412 = tpu.memref_slice %arg7[%mul3A_411] : memref<10000xi32, #tpu.memory_space<vmem>> -> memref<40xi32, #tpu.memory_space<vmem>>
        %dma_start3A_413 = arith.constant 0 : i32
        %dma_start3A_414 = arith.constant 0 : i32
        %dma_start3A_415 = tpu.memref_slice %arg2[%dma_start3A_413, %dma_start3A_414] : memref<10000x128xf32, #tpu.memory_space<hbm>> -> memref<10000x128xf32, #tpu.memory_space<hbm>>
        tpu.enqueue_indirect_dma source(%dma_start3A_415 : memref<10000x128xf32, #tpu.memory_space<hbm>>) target(%arg11 : memref<40x128xf32, #tpu.memory_space<vmem>>) offsets(%dma_start3A_412 : memref<40xi32, #tpu.memory_space<vmem>>) semaphore(%arg21 : memref<!tpu.dma_semaphore, #tpu.memory_space<semaphore_mem>>)
      } else {
      }
      %mul3A_355 = arith.constant 40 : i32
      %mul3A_356 = arith.muli %add3A_342, %mul3A_355 : i32
      %dma_wait3A_357 = tpu.memref_slice %arg7[%mul3A_356] : memref<10000xi32, #tpu.memory_space<vmem>> -> memref<40xi32, #tpu.memory_space<vmem>>
      %dma_wait3A_358 = arith.constant 0 : i32
      %dma_wait3A_359 = arith.constant 0 : i32
      %dma_wait3A_360 = tpu.memref_slice %arg2[%dma_wait3A_358, %dma_wait3A_359] : memref<10000x128xf32, #tpu.memory_space<hbm>> -> memref<10000x128xf32, #tpu.memory_space<hbm>>
      tpu.wait_indirect_dma semaphore(%arg23 : memref<!tpu.dma_semaphore, #tpu.memory_space<semaphore_mem>>) src(%dma_wait3A_360 : memref<10000x128xf32, #tpu.memory_space<hbm>>) dst(%arg13 : memref<40x128xf32, #tpu.memory_space<vmem>>)
      %mul3A_361 = arith.constant 40 : i32
      %mul3A_362 = arith.muli %add3A_342, %mul3A_361 : i32
      %add3A_363 = arith.constant 0 : i32
      %add3A_364 = arith.addi %mul3A_362, %add3A_363 : i32
      %get3A_365 = arith.index_cast %add3A_364 : i32 to index
      %get3A_366 = tpu.vector_load %arg8[%get3A_365] {strides = array<i32>} : memref<10016xi32, #tpu.memory_space<vmem>>, vector<16xi32>,
      %get3A_367 = vector.shape_cast %get3A_366 : vector<16xi32> to vector<16xi32>
      %swap3A_368 = arith.constant 0 : i32
      %swap3A_369 = arith.index_cast %swap3A_368 : i32 to index
      %swap3A_370 = arith.constant 0 : index
      %swap3A_371 = tpu.vector_load %arg18[%swap3A_369, %swap3A_370] {strides = array<i32>} : memref<1x128xi32, #tpu.memory_space<vmem>>, vector<1x16xi32>,
      %swap3A_372 = vector.shape_cast %swap3A_371 : vector<1x16xi32> to vector<16xi32>
      %swap3A_373 = vector.shape_cast %get3A_367 : vector<16xi32> to vector<1x16xi32>
      tpu.vector_store %arg18[%swap3A_369, %swap3A_370], %swap3A_373 {strides = array<i32>} : memref<1x128xi32, #tpu.memory_space<vmem>>, vector<1x16xi32>,
      %mul3A_374 = arith.constant 40 : i32
      %mul3A_375 = arith.muli %add3A_342, %mul3A_374 : i32
      %add3A_376 = arith.constant 16 : i32
      %add3A_377 = arith.addi %mul3A_375, %add3A_376 : i32
      %get3A_378 = arith.index_cast %add3A_377 : i32 to index
      %get3A_379 = tpu.vector_load %arg8[%get3A_378] {strides = array<i32>} : memref<10016xi32, #tpu.memory_space<vmem>>, vector<16xi32>,
      %get3A_380 = vector.shape_cast %get3A_379 : vector<16xi32> to vector<16xi32>
      %swap3A_381 = arith.constant 0 : i32
      %swap3A_382 = arith.index_cast %swap3A_381 : i32 to index
      %swap3A_383 = arith.constant 16 : index
      %swap3A_384 = tpu.vector_load %arg18[%swap3A_382, %swap3A_383] {strides = array<i32>} : memref<1x128xi32, #tpu.memory_space<vmem>>, vector<1x16xi32>,
      %swap3A_385 = vector.shape_cast %swap3A_384 : vector<1x16xi32> to vector<16xi32>
      %swap3A_386 = vector.shape_cast %get3A_380 : vector<16xi32> to vector<1x16xi32>
      tpu.vector_store %arg18[%swap3A_382, %swap3A_383], %swap3A_386 {strides = array<i32>} : memref<1x128xi32, #tpu.memory_space<vmem>>, vector<1x16xi32>,
      %mul3A_387 = arith.constant 40 : i32
      %mul3A_388 = arith.muli %add3A_342, %mul3A_387 : i32
      %add3A_389 = arith.constant 32 : i32
      %add3A_390 = arith.addi %mul3A_388, %add3A_389 : i32
      %get3A_391 = arith.index_cast %add3A_390 : i32 to index
      %get3A_392 = tpu.vector_load %arg8[%get3A_391] {strides = array<i32>} : memref<10016xi32, #tpu.memory_space<vmem>>, vector<16xi32>,
      %get3A_393 = vector.shape_cast %get3A_392 : vector<16xi32> to vector<16xi32>
      %swap3A_394 = arith.constant 0 : i32
      %swap3A_395 = arith.index_cast %swap3A_394 : i32 to index
      %swap3A_396 = arith.constant 32 : index
      %swap3A_397 = tpu.vector_load %arg18[%swap3A_395, %swap3A_396] {strides = array<i32>} : memref<1x128xi32, #tpu.memory_space<vmem>>, vector<1x16xi32>,
      %swap3A_398 = vector.shape_cast %swap3A_397 : vector<1x16xi32> to vector<16xi32>
      %swap3A_399 = vector.shape_cast %get3A_393 : vector<16xi32> to vector<1x16xi32>
      tpu.vector_store %arg18[%swap3A_395, %swap3A_396], %swap3A_399 {strides = array<i32>} : memref<1x128xi32, #tpu.memory_space<vmem>>, vector<1x16xi32>,
      %dma_start3A_400 = arith.constant 0 : i32
      %dma_start3A_401 = arith.constant 0 : i32
      %dma_start3A_402 = tpu.memref_slice %arg18[%dma_start3A_400, %dma_start3A_401] : memref<1x128xi32, #tpu.memory_space<vmem>> -> memref<1x40xi32, #tpu.memory_space<vmem>>
      %dma_start3A_403 = tpu.memref_squeeze %dma_start3A_402 : memref<1x40xi32, #tpu.memory_space<vmem>> -> memref<40xi32, #tpu.memory_space<vmem>>
      %dma_start3A_404 = arith.constant 0 : i32
      %dma_start3A_405 = arith.constant 0 : i32
      %dma_start3A_406 = tpu.memref_slice %arg6[%dma_start3A_404, %dma_start3A_405] : memref<10000x128xf32, #tpu.memory_space<vmem_shared>> -> memref<10000x128xf32, #tpu.memory_space<vmem_shared>>
      tpu.enqueue_indirect_dma source(%arg13 : memref<40x128xf32, #tpu.memory_space<vmem>>) target(%dma_start3A_406 : memref<10000x128xf32, #tpu.memory_space<vmem_shared>>) offsets(%dma_start3A_403 : memref<40xi32, #tpu.memory_space<vmem>>) semaphore(%arg28 : memref<!tpu.dma_semaphore, #tpu.memory_space<semaphore_mem>>) {add = true}
      %scan3A_407 = arith.constant 0 : i32
      scf.yield %scan3A_407 : i32
    }
    %scan3A_45 = arith.constant 50 : i32
    %dma_wait3A = arith.constant 0 : i32
    %dma_wait3A_46 = arith.constant 0 : i32
    %dma_wait3A_47 = tpu.memref_slice %arg17[%dma_wait3A, %dma_wait3A_46] : memref<1x128xi32, #tpu.memory_space<vmem>> -> memref<1x40xi32, #tpu.memory_space<vmem>>
    %dma_wait3A_48 = tpu.memref_squeeze %dma_wait3A_47 : memref<1x40xi32, #tpu.memory_space<vmem>> -> memref<40xi32, #tpu.memory_space<vmem>>
    %dma_wait3A_49 = arith.constant 0 : i32
    %dma_wait3A_50 = arith.constant 0 : i32
    %dma_wait3A_51 = tpu.memref_slice %arg6[%dma_wait3A_49, %dma_wait3A_50] : memref<10000x128xf32, #tpu.memory_space<vmem_shared>> -> memref<10000x128xf32, #tpu.memory_space<vmem_shared>>
    tpu.wait_indirect_dma semaphore(%arg27 : memref<!tpu.dma_semaphore, #tpu.memory_space<semaphore_mem>>) src(%arg12 : memref<40x128xf32, #tpu.memory_space<vmem>>) dst(%dma_wait3A_51 : memref<10000x128xf32, #tpu.memory_space<vmem_shared>>)
    %dma_wait3A_52 = arith.constant 0 : i32
    %dma_wait3A_53 = arith.constant 0 : i32
    %dma_wait3A_54 = tpu.memref_slice %arg18[%dma_wait3A_52, %dma_wait3A_53] : memref<1x128xi32, #tpu.memory_space<vmem>> -> memref<1x40xi32, #tpu.memory_space<vmem>>
    %dma_wait3A_55 = tpu.memref_squeeze %dma_wait3A_54 : memref<1x40xi32, #tpu.memory_space<vmem>> -> memref<40xi32, #tpu.memory_space<vmem>>
    %dma_wait3A_56 = arith.constant 0 : i32
    %dma_wait3A_57 = arith.constant 0 : i32
    %dma_wait3A_58 = tpu.memref_slice %arg6[%dma_wait3A_56, %dma_wait3A_57] : memref<10000x128xf32, #tpu.memory_space<vmem_shared>> -> memref<10000x128xf32, #tpu.memory_space<vmem_shared>>
    tpu.wait_indirect_dma semaphore(%arg28 : memref<!tpu.dma_semaphore, #tpu.memory_space<semaphore_mem>>) src(%arg13 : memref<40x128xf32, #tpu.memory_space<vmem>>) dst(%dma_wait3A_58 : memref<10000x128xf32, #tpu.memory_space<vmem_shared>>)
    %barrier3A_59 = arith.constant 0 : index
    tpu.barrier barrier_id(%barrier3A_59)
    %mul3A_60 = arith.constant 640 : i32
    %mul3A_61 = arith.muli %arg1, %mul3A_60 : i32
    %lt3A = arith.constant 15 : i32
    %lt3A_62 = arith.cmpi slt, %arg1, %lt3A : i32
    %convert_element_type3A = arith.extui %lt3A_62 : i1 to i32
    %cond3A = arith.constant 0 : i32
    %cond3A_63 = arith.cmpi ne, %convert_element_type3A, %cond3A : i32
    scf.if %cond3A_63 {
      %mul3A_68 = arith.constant 10000 : i32
      %mul3A_69 = arith.muli %arg0, %mul3A_68 : i32
      %add3A_70 = arith.addi %mul3A_69, %mul3A_61 : i32
      "tpu.region"() ({
        %run_scoped3A = tpu.sem_alloc : memref<!tpu.dma_semaphore, #tpu.memory_space<semaphore_mem>>
        %dma_start3A_71 = arith.constant 0 : i32
        %dma_start3A_72 = tpu.memref_slice %arg5[%add3A_70, %dma_start3A_71] : memref<20000x128xf32, #tpu.memory_space<hbm>> -> memref<640x128xf32, #tpu.memory_space<hbm>>
        %dma_start3A_73 = arith.constant 0 : i32
        %dma_start3A_74 = tpu.memref_slice %arg6[%mul3A_61, %dma_start3A_73] : memref<10000x128xf32, #tpu.memory_space<vmem_shared>> -> memref<640x128xf32, #tpu.memory_space<vmem_shared>>
        tpu.enqueue_dma source(%dma_start3A_74 : memref<640x128xf32, #tpu.memory_space<vmem_shared>>) target(%dma_start3A_72 : memref<640x128xf32, #tpu.memory_space<hbm>>) target_semaphore(%run_scoped3A : memref<!tpu.dma_semaphore, #tpu.memory_space<semaphore_mem>>)
        %dma_wait3A_75 = arith.constant 0 : i32
        %dma_wait3A_76 = tpu.memref_slice %arg5[%add3A_70, %dma_wait3A_75] : memref<20000x128xf32, #tpu.memory_space<hbm>> -> memref<640x128xf32, #tpu.memory_space<hbm>>
        %dma_wait3A_77 = arith.constant 0 : i32
        %dma_wait3A_78 = tpu.memref_slice %arg6[%mul3A_61, %dma_wait3A_77] : memref<10000x128xf32, #tpu.memory_space<vmem_shared>> -> memref<640x128xf32, #tpu.memory_space<vmem_shared>>
        tpu.wait_dma2 semaphore(%run_scoped3A : memref<!tpu.dma_semaphore, #tpu.memory_space<semaphore_mem>>) src(%dma_wait3A_78 : memref<640x128xf32, #tpu.memory_space<vmem_shared>>) dst(%dma_wait3A_76 : memref<640x128xf32, #tpu.memory_space<hbm>>)
        tpu.yield
      }) : () -> ()
    } else {
    }
    %eq3A = arith.constant 15 : i32
    %eq3A_64 = arith.cmpi eq, %arg1, %eq3A : i32
    %convert_element_type3A_65 = arith.extui %eq3A_64 : i1 to i32
    %cond3A_66 = arith.constant 0 : i32
    %cond3A_67 = arith.cmpi ne, %convert_element_type3A_65, %cond3A_66 : i32
    scf.if %cond3A_67 {
      %mul3A_68 = arith.constant 10000 : i32
      %mul3A_69 = arith.muli %arg0, %mul3A_68 : i32
      %add3A_70 = arith.constant 9600 : i32
      %add3A_71 = arith.addi %mul3A_69, %add3A_70 : i32
      "tpu.region"() ({
        %run_scoped3A = tpu.sem_alloc : memref<!tpu.dma_semaphore, #tpu.memory_space<semaphore_mem>>
        %dma_start3A_72 = arith.constant 0 : i32
        %dma_start3A_73 = tpu.memref_slice %arg5[%add3A_71, %dma_start3A_72] : memref<20000x128xf32, #tpu.memory_space<hbm>> -> memref<400x128xf32, #tpu.memory_space<hbm>>
        %dma_start3A_74 = arith.constant 9600 : i32
        %dma_start3A_75 = arith.constant 0 : i32
        %dma_start3A_76 = tpu.memref_slice %arg6[%dma_start3A_74, %dma_start3A_75] : memref<10000x128xf32, #tpu.memory_space<vmem_shared>> -> memref<400x128xf32, #tpu.memory_space<vmem_shared>>
        tpu.enqueue_dma source(%dma_start3A_76 : memref<400x128xf32, #tpu.memory_space<vmem_shared>>) target(%dma_start3A_73 : memref<400x128xf32, #tpu.memory_space<hbm>>) target_semaphore(%run_scoped3A : memref<!tpu.dma_semaphore, #tpu.memory_space<semaphore_mem>>)
        %dma_wait3A_77 = arith.constant 0 : i32
        %dma_wait3A_78 = tpu.memref_slice %arg5[%add3A_71, %dma_wait3A_77] : memref<20000x128xf32, #tpu.memory_space<hbm>> -> memref<400x128xf32, #tpu.memory_space<hbm>>
        %dma_wait3A_79 = arith.constant 9600 : i32
        %dma_wait3A_80 = arith.constant 0 : i32
        %dma_wait3A_81 = tpu.memref_slice %arg6[%dma_wait3A_79, %dma_wait3A_80] : memref<10000x128xf32, #tpu.memory_space<vmem_shared>> -> memref<400x128xf32, #tpu.memory_space<vmem_shared>>
        tpu.wait_dma2 semaphore(%run_scoped3A : memref<!tpu.dma_semaphore, #tpu.memory_space<semaphore_mem>>) src(%dma_wait3A_81 : memref<400x128xf32, #tpu.memory_space<vmem_shared>>) dst(%dma_wait3A_78 : memref<400x128xf32, #tpu.memory_space<hbm>>)
        tpu.yield
      }) : () -> ()
    } else {
    }
    return
  }
}

module attributes {stable_mosaic.version = 14 : i64} {
  func.func @_mlp_tc_body(%arg0: memref<10000x128xf32, #tpu.memory_space<vmem>>, %arg1: memref<20000x128xf32, #tpu.memory_space<vmem>>, %arg2: memref<128x128xf32, #tpu.memory_space<vmem>>, %arg3: memref<1x128xf32, #tpu.memory_space<vmem>>, %arg4: memref<1x128xf32, #tpu.memory_space<vmem>>, %arg5: memref<1x128xf32, #tpu.memory_space<vmem>>, %arg6: memref<128x128xf32, #tpu.memory_space<vmem>>, %arg7: memref<1x128xf32, #tpu.memory_space<vmem>>, %arg8: memref<10000x128xf32, #tpu.memory_space<vmem>>) attributes {dimension_semantics = [], scalar_prefetch = 0 : i64, scratch_operands = 0 : i64, tpu.core_type = #tpu.core_type<tc>} {
    %get3A = arith.constant 0 : index
    %get3A_0 = arith.constant 0 : index
    %get3A_1 = vector.load %arg0[%get3A, %get3A_0] : memref<10000x128xf32, #tpu.memory_space<vmem>>, vector<10000x128xf32>
    %get3A_2 = arith.constant 0 : index
    %get3A_3 = arith.constant 0 : index
    %get3A_4 = vector.load %arg1[%get3A_2, %get3A_3] : memref<20000x128xf32, #tpu.memory_space<vmem>>, vector<10000x128xf32>
    %add3A = arith.addf %get3A_1, %get3A_4 : vector<10000x128xf32>
    %get3A_5 = arith.constant 10000 : index
    %get3A_6 = arith.constant 0 : index
    %get3A_7 = vector.load %arg1[%get3A_5, %get3A_6] : memref<20000x128xf32, #tpu.memory_space<vmem>>, vector<10000x128xf32>
    %add3A_8 = arith.addf %add3A, %get3A_7 : vector<10000x128xf32>
    %get3A_9 = arith.constant 0 : index
    %get3A_10 = arith.constant 0 : index
    %get3A_11 = vector.load %arg2[%get3A_9, %get3A_10] : memref<128x128xf32, #tpu.memory_space<vmem>>, vector<128x128xf32>
    %dot_general3A = arith.constant dense<0.000000e+00> : vector<10000x128xf32>
    %dot_general3A_12 = tpu.matmul %add3A_8, %get3A_11, %dot_general3A {dimension_numbers = #tpu.dot_dimension_numbers<[1], [0], [0], [1], [0, 0, 1, 1], [], []>, transpose_lhs_hint = false} : vector<10000x128xf32>, vector<128x128xf32>, vector<10000x128xf32> -> vector<10000x128xf32>
    %get3A_13 = arith.constant 0 : index
    %get3A_14 = arith.constant 0 : index
    %get3A_15 = vector.load %arg3[%get3A_13, %get3A_14] : memref<1x128xf32, #tpu.memory_space<vmem>>, vector<1x128xf32>
    %add3A_16 = vector.broadcast %get3A_15 : vector<1x128xf32> to vector<10000x128xf32>
    %add3A_17 = arith.addf %dot_general3A_12, %add3A_16 : vector<10000x128xf32>
    %reduce_sum3A = arith.constant dense<0.000000e+00> : vector<128xf32>
    %reduce_sum3A_18 = vector.multi_reduction <add>, %add3A_17, %reduce_sum3A [0] : vector<10000x128xf32> to vector<128xf32>
    %broadcast_in_dim3A = vector.shape_cast %reduce_sum3A_18 : vector<128xf32> to vector<1x128xf32>
    %div3A = arith.constant 1.000000e+04 : f32
    %div3A_19 = vector.broadcast %div3A : f32 to vector<1x128xf32>
    %div3A_20 = arith.divf %broadcast_in_dim3A, %div3A_19 : vector<1x128xf32>
    %sub3A = vector.broadcast %div3A_20 : vector<1x128xf32> to vector<10000x128xf32>
    %sub3A_21 = arith.subf %add3A_17, %sub3A : vector<10000x128xf32>
    %sub3A_22 = vector.broadcast %div3A_20 : vector<1x128xf32> to vector<10000x128xf32>
    %sub3A_23 = arith.subf %add3A_17, %sub3A_22 : vector<10000x128xf32>
    %mul3A = arith.mulf %sub3A_21, %sub3A_23 : vector<10000x128xf32>
    %reduce_sum3A_24 = arith.constant dense<0.000000e+00> : vector<128xf32>
    %reduce_sum3A_25 = vector.multi_reduction <add>, %mul3A, %reduce_sum3A_24 [0] : vector<10000x128xf32> to vector<128xf32>
    %broadcast_in_dim3A_26 = vector.shape_cast %reduce_sum3A_25 : vector<128xf32> to vector<1x128xf32>
    %div3A_27 = arith.constant 1.000000e+04 : f32
    %div3A_28 = vector.broadcast %div3A_27 : f32 to vector<1x128xf32>
    %div3A_29 = arith.divf %broadcast_in_dim3A_26, %div3A_28 : vector<1x128xf32>
    %sub3A_30 = vector.broadcast %div3A_20 : vector<1x128xf32> to vector<10000x128xf32>
    %sub3A_31 = arith.subf %add3A_17, %sub3A_30 : vector<10000x128xf32>
    %add3A_32 = arith.constant 9.99999974E-6 : f32
    %add3A_33 = vector.broadcast %add3A_32 : f32 to vector<1x128xf32>
    %add3A_34 = arith.addf %div3A_29, %add3A_33 : vector<1x128xf32>
    %rsqrt3A = math.rsqrt %add3A_34 : vector<1x128xf32>
    %mul3A_35 = vector.broadcast %rsqrt3A : vector<1x128xf32> to vector<10000x128xf32>
    %mul3A_36 = arith.mulf %sub3A_31, %mul3A_35 : vector<10000x128xf32>
    %get3A_37 = arith.constant 0 : index
    %get3A_38 = arith.constant 0 : index
    %get3A_39 = vector.load %arg4[%get3A_37, %get3A_38] : memref<1x128xf32, #tpu.memory_space<vmem>>, vector<1x128xf32>
    %mul3A_40 = vector.broadcast %get3A_39 : vector<1x128xf32> to vector<10000x128xf32>
    %mul3A_41 = arith.mulf %mul3A_36, %mul3A_40 : vector<10000x128xf32>
    %get3A_42 = arith.constant 0 : index
    %get3A_43 = arith.constant 0 : index
    %get3A_44 = vector.load %arg5[%get3A_42, %get3A_43] : memref<1x128xf32, #tpu.memory_space<vmem>>, vector<1x128xf32>
    %add3A_45 = vector.broadcast %get3A_44 : vector<1x128xf32> to vector<10000x128xf32>
    %add3A_46 = arith.addf %mul3A_41, %add3A_45 : vector<10000x128xf32>
    %max3A = arith.constant 0.000000e+00 : f32
    %max3A_47 = vector.broadcast %max3A : f32 to vector<10000x128xf32>
    %max3A_48 = arith.maximumf %add3A_46, %max3A_47 : vector<10000x128xf32>
    %get3A_49 = arith.constant 0 : index
    %get3A_50 = arith.constant 0 : index
    %get3A_51 = vector.load %arg6[%get3A_49, %get3A_50] : memref<128x128xf32, #tpu.memory_space<vmem>>, vector<128x128xf32>
    %dot_general3A_52 = arith.constant dense<0.000000e+00> : vector<10000x128xf32>
    %dot_general3A_53 = tpu.matmul %max3A_48, %get3A_51, %dot_general3A_52 {dimension_numbers = #tpu.dot_dimension_numbers<[1], [0], [0], [1], [0, 0, 1, 1], [], []>, transpose_lhs_hint = false} : vector<10000x128xf32>, vector<128x128xf32>, vector<10000x128xf32> -> vector<10000x128xf32>
    %get3A_54 = arith.constant 0 : index
    %get3A_55 = arith.constant 0 : index
    %get3A_56 = vector.load %arg7[%get3A_54, %get3A_55] : memref<1x128xf32, #tpu.memory_space<vmem>>, vector<1x128xf32>
    %add3A_57 = vector.broadcast %get3A_56 : vector<1x128xf32> to vector<10000x128xf32>
    %add3A_58 = arith.addf %dot_general3A_53, %add3A_57 : vector<10000x128xf32>
    %max3A_59 = arith.constant 0.000000e+00 : f32
    %max3A_60 = vector.broadcast %max3A_59 : f32 to vector<10000x128xf32>
    %max3A_61 = arith.maximumf %add3A_58, %max3A_60 : vector<10000x128xf32>
    %swap3A = arith.constant 0 : index
    %swap3A_62 = arith.constant 0 : index
    %swap3A_63 = vector.load %arg8[%swap3A, %swap3A_62] : memref<10000x128xf32, #tpu.memory_space<vmem>>, vector<10000x128xf32>
    tpu.vector_store %arg8[%swap3A, %swap3A_62], %max3A_61 {strides = array<i32>} : memref<10000x128xf32, #tpu.memory_space<vmem>>, vector<10000x128xf32>,
    return
  }
}

module attributes {stable_mosaic.version = 14 : i64} {
  func.func @_mlp_head_tc_body(%arg0: memref<10000x128xf32, #tpu.memory_space<vmem>>, %arg1: memref<20000x128xf32, #tpu.memory_space<vmem>>, %arg2: memref<128x128xf32, #tpu.memory_space<vmem>>, %arg3: memref<1x128xf32, #tpu.memory_space<vmem>>, %arg4: memref<1x128xf32, #tpu.memory_space<vmem>>, %arg5: memref<1x128xf32, #tpu.memory_space<vmem>>, %arg6: memref<128x128xf32, #tpu.memory_space<vmem>>, %arg7: memref<1x128xf32, #tpu.memory_space<vmem>>, %arg8: memref<10000x1xi32, #tpu.memory_space<vmem>>, %arg9: memref<128x128xf32, #tpu.memory_space<vmem>>, %arg10: memref<1x128xf32, #tpu.memory_space<vmem>>, %arg11: memref<128x2xf32, #tpu.memory_space<vmem>>, %arg12: memref<1x2xf32, #tpu.memory_space<vmem>>, %arg13: memref<128x2xf32, #tpu.memory_space<vmem>>) attributes {dimension_semantics = [], scalar_prefetch = 0 : i64, scratch_operands = 0 : i64, tpu.core_type = #tpu.core_type<tc>} {
    %get3A = arith.constant 0 : index
    %get3A_0 = arith.constant 0 : index
    %get3A_1 = vector.load %arg0[%get3A, %get3A_0] : memref<10000x128xf32, #tpu.memory_space<vmem>>, vector<10000x128xf32>
    %get3A_2 = arith.constant 0 : index
    %get3A_3 = arith.constant 0 : index
    %get3A_4 = vector.load %arg1[%get3A_2, %get3A_3] : memref<20000x128xf32, #tpu.memory_space<vmem>>, vector<10000x128xf32>
    %add3A = arith.addf %get3A_1, %get3A_4 : vector<10000x128xf32>
    %get3A_5 = arith.constant 10000 : index
    %get3A_6 = arith.constant 0 : index
    %get3A_7 = vector.load %arg1[%get3A_5, %get3A_6] : memref<20000x128xf32, #tpu.memory_space<vmem>>, vector<10000x128xf32>
    %add3A_8 = arith.addf %add3A, %get3A_7 : vector<10000x128xf32>
    %get3A_9 = arith.constant 0 : index
    %get3A_10 = arith.constant 0 : index
    %get3A_11 = vector.load %arg2[%get3A_9, %get3A_10] : memref<128x128xf32, #tpu.memory_space<vmem>>, vector<128x128xf32>
    %dot_general3A = arith.constant dense<0.000000e+00> : vector<10000x128xf32>
    %dot_general3A_12 = tpu.matmul %add3A_8, %get3A_11, %dot_general3A {dimension_numbers = #tpu.dot_dimension_numbers<[1], [0], [0], [1], [0, 0, 1, 1], [], []>, transpose_lhs_hint = false} : vector<10000x128xf32>, vector<128x128xf32>, vector<10000x128xf32> -> vector<10000x128xf32>
    %get3A_13 = arith.constant 0 : index
    %get3A_14 = arith.constant 0 : index
    %get3A_15 = vector.load %arg3[%get3A_13, %get3A_14] : memref<1x128xf32, #tpu.memory_space<vmem>>, vector<1x128xf32>
    %add3A_16 = vector.broadcast %get3A_15 : vector<1x128xf32> to vector<10000x128xf32>
    %add3A_17 = arith.addf %dot_general3A_12, %add3A_16 : vector<10000x128xf32>
    %reduce_sum3A = arith.constant dense<0.000000e+00> : vector<128xf32>
    %reduce_sum3A_18 = vector.multi_reduction <add>, %add3A_17, %reduce_sum3A [0] : vector<10000x128xf32> to vector<128xf32>
    %broadcast_in_dim3A = vector.shape_cast %reduce_sum3A_18 : vector<128xf32> to vector<1x128xf32>
    %div3A = arith.constant 1.000000e+04 : f32
    %div3A_19 = vector.broadcast %div3A : f32 to vector<1x128xf32>
    %div3A_20 = arith.divf %broadcast_in_dim3A, %div3A_19 : vector<1x128xf32>
    %sub3A = vector.broadcast %div3A_20 : vector<1x128xf32> to vector<10000x128xf32>
    %sub3A_21 = arith.subf %add3A_17, %sub3A : vector<10000x128xf32>
    %sub3A_22 = vector.broadcast %div3A_20 : vector<1x128xf32> to vector<10000x128xf32>
    %sub3A_23 = arith.subf %add3A_17, %sub3A_22 : vector<10000x128xf32>
    %mul3A = arith.mulf %sub3A_21, %sub3A_23 : vector<10000x128xf32>
    %reduce_sum3A_24 = arith.constant dense<0.000000e+00> : vector<128xf32>
    %reduce_sum3A_25 = vector.multi_reduction <add>, %mul3A, %reduce_sum3A_24 [0] : vector<10000x128xf32> to vector<128xf32>
    %broadcast_in_dim3A_26 = vector.shape_cast %reduce_sum3A_25 : vector<128xf32> to vector<1x128xf32>
    %div3A_27 = arith.constant 1.000000e+04 : f32
    %div3A_28 = vector.broadcast %div3A_27 : f32 to vector<1x128xf32>
    %div3A_29 = arith.divf %broadcast_in_dim3A_26, %div3A_28 : vector<1x128xf32>
    %sub3A_30 = vector.broadcast %div3A_20 : vector<1x128xf32> to vector<10000x128xf32>
    %sub3A_31 = arith.subf %add3A_17, %sub3A_30 : vector<10000x128xf32>
    %add3A_32 = arith.constant 9.99999974E-6 : f32
    %add3A_33 = vector.broadcast %add3A_32 : f32 to vector<1x128xf32>
    %add3A_34 = arith.addf %div3A_29, %add3A_33 : vector<1x128xf32>
    %rsqrt3A = math.rsqrt %add3A_34 : vector<1x128xf32>
    %mul3A_35 = vector.broadcast %rsqrt3A : vector<1x128xf32> to vector<10000x128xf32>
    %mul3A_36 = arith.mulf %sub3A_31, %mul3A_35 : vector<10000x128xf32>
    %get3A_37 = arith.constant 0 : index
    %get3A_38 = arith.constant 0 : index
    %get3A_39 = vector.load %arg4[%get3A_37, %get3A_38] : memref<1x128xf32, #tpu.memory_space<vmem>>, vector<1x128xf32>
    %mul3A_40 = vector.broadcast %get3A_39 : vector<1x128xf32> to vector<10000x128xf32>
    %mul3A_41 = arith.mulf %mul3A_36, %mul3A_40 : vector<10000x128xf32>
    %get3A_42 = arith.constant 0 : index
    %get3A_43 = arith.constant 0 : index
    %get3A_44 = vector.load %arg5[%get3A_42, %get3A_43] : memref<1x128xf32, #tpu.memory_space<vmem>>, vector<1x128xf32>
    %add3A_45 = vector.broadcast %get3A_44 : vector<1x128xf32> to vector<10000x128xf32>
    %add3A_46 = arith.addf %mul3A_41, %add3A_45 : vector<10000x128xf32>
    %max3A = arith.constant 0.000000e+00 : f32
    %max3A_47 = vector.broadcast %max3A : f32 to vector<10000x128xf32>
    %max3A_48 = arith.maximumf %add3A_46, %max3A_47 : vector<10000x128xf32>
    %get3A_49 = arith.constant 0 : index
    %get3A_50 = arith.constant 0 : index
    %get3A_51 = vector.load %arg6[%get3A_49, %get3A_50] : memref<128x128xf32, #tpu.memory_space<vmem>>, vector<128x128xf32>
    %dot_general3A_52 = arith.constant dense<0.000000e+00> : vector<10000x128xf32>
    %dot_general3A_53 = tpu.matmul %max3A_48, %get3A_51, %dot_general3A_52 {dimension_numbers = #tpu.dot_dimension_numbers<[1], [0], [0], [1], [0, 0, 1, 1], [], []>, transpose_lhs_hint = false} : vector<10000x128xf32>, vector<128x128xf32>, vector<10000x128xf32> -> vector<10000x128xf32>
    %get3A_54 = arith.constant 0 : index
    %get3A_55 = arith.constant 0 : index
    %get3A_56 = vector.load %arg7[%get3A_54, %get3A_55] : memref<1x128xf32, #tpu.memory_space<vmem>>, vector<1x128xf32>
    %add3A_57 = vector.broadcast %get3A_56 : vector<1x128xf32> to vector<10000x128xf32>
    %add3A_58 = arith.addf %dot_general3A_53, %add3A_57 : vector<10000x128xf32>
    %max3A_59 = arith.constant 0.000000e+00 : f32
    %max3A_60 = vector.broadcast %max3A_59 : f32 to vector<10000x128xf32>
    %max3A_61 = arith.maximumf %add3A_58, %max3A_60 : vector<10000x128xf32>
    %get3A_62 = arith.constant 0 : index
    %get3A_63 = arith.constant 0 : index
    %get3A_64 = vector.load %arg8[%get3A_62, %get3A_63] : memref<10000x1xi32, #tpu.memory_space<vmem>>, vector<10000x1xi32>
    %iota3A = tpu.iota {dimensions = array<i32: 1>} : vector<1x128xi32>
    %eq3A = vector.broadcast %get3A_64 : vector<10000x1xi32> to vector<10000x128xi32>
    %eq3A_65 = vector.broadcast %iota3A : vector<1x128xi32> to vector<10000x128xi32>
    %eq3A_66 = arith.cmpi eq, %eq3A, %eq3A_65 : vector<10000x128xi32>
    %convert_element_type3A = arith.extui %eq3A_66 : vector<10000x128xi1> to vector<10000x128xi32>
    %convert_element_type3A_67 = arith.sitofp %convert_element_type3A : vector<10000x128xi32> to vector<10000x128xf32>
    %dot_general3A_68 = arith.constant dense<0.000000e+00> : vector<128x128xf32>
    %dot_general3A_69 = tpu.matmul %convert_element_type3A_67, %max3A_61, %dot_general3A_68 {dimension_numbers = #tpu.dot_dimension_numbers<[0], [0], [1], [1], [0, 1, 1, 1], [], []>, transpose_lhs_hint = false} : vector<10000x128xf32>, vector<10000x128xf32>, vector<128x128xf32> -> vector<128x128xf32>
    %get3A_70 = arith.constant 0 : index
    %get3A_71 = arith.constant 0 : index
    %get3A_72 = vector.load %arg9[%get3A_70, %get3A_71] : memref<128x128xf32, #tpu.memory_space<vmem>>, vector<128x128xf32>
    %dot_general3A_73 = arith.constant dense<0.000000e+00> : vector<128x128xf32>
    %dot_general3A_74 = tpu.matmul %dot_general3A_69, %get3A_72, %dot_general3A_73 {dimension_numbers = #tpu.dot_dimension_numbers<[1], [0], [0], [1], [0, 0, 1, 1], [], []>, transpose_lhs_hint = false} : vector<128x128xf32>, vector<128x128xf32>, vector<128x128xf32> -> vector<128x128xf32>
    %get3A_75 = arith.constant 0 : index
    %get3A_76 = arith.constant 0 : index
    %get3A_77 = vector.load %arg10[%get3A_75, %get3A_76] : memref<1x128xf32, #tpu.memory_space<vmem>>, vector<1x128xf32>
    %add3A_78 = vector.broadcast %get3A_77 : vector<1x128xf32> to vector<128x128xf32>
    %add3A_79 = arith.addf %dot_general3A_74, %add3A_78 : vector<128x128xf32>
    %max3A_80 = arith.constant 0.000000e+00 : f32
    %max3A_81 = vector.broadcast %max3A_80 : f32 to vector<128x128xf32>
    %max3A_82 = arith.maximumf %add3A_79, %max3A_81 : vector<128x128xf32>
    %get3A_83 = arith.constant 0 : index
    %get3A_84 = arith.constant 0 : index
    %get3A_85 = vector.load %arg11[%get3A_83, %get3A_84] : memref<128x2xf32, #tpu.memory_space<vmem>>, vector<128x2xf32>
    %dot_general3A_86 = arith.constant dense<0.000000e+00> : vector<128x2xf32>
    %dot_general3A_87 = tpu.matmul %max3A_82, %get3A_85, %dot_general3A_86 {dimension_numbers = #tpu.dot_dimension_numbers<[1], [0], [0], [1], [0, 0, 1, 1], [], []>, transpose_lhs_hint = false} : vector<128x128xf32>, vector<128x2xf32>, vector<128x2xf32> -> vector<128x2xf32>
    %get3A_88 = arith.constant 0 : index
    %get3A_89 = arith.constant 0 : index
    %get3A_90 = vector.load %arg12[%get3A_88, %get3A_89] : memref<1x2xf32, #tpu.memory_space<vmem>>, vector<1x2xf32>
    %add3A_91 = vector.broadcast %get3A_90 : vector<1x2xf32> to vector<128x2xf32>
    %add3A_92 = arith.addf %dot_general3A_87, %add3A_91 : vector<128x2xf32>
    %reduce_max3A = arith.constant dense<0xFF800000> : vector<128xf32>
    %reduce_max3A_93 = vector.multi_reduction <maximumf>, %add3A_92, %reduce_max3A [1] : vector<128x2xf32> to vector<128xf32>
    %broadcast_in_dim3A_94 = vector.shape_cast %reduce_max3A_93 : vector<128xf32> to vector<128x1xf32>
    %sub3A_95 = vector.broadcast %broadcast_in_dim3A_94 : vector<128x1xf32> to vector<128x2xf32>
    %sub3A_96 = arith.subf %add3A_92, %sub3A_95 : vector<128x2xf32>
    %exp3A = math.exp %sub3A_96 : vector<128x2xf32>
    %reduce_sum3A_97 = arith.constant dense<0.000000e+00> : vector<128xf32>
    %reduce_sum3A_98 = vector.multi_reduction <add>, %exp3A, %reduce_sum3A_97 [1] : vector<128x2xf32> to vector<128xf32>
    %broadcast_in_dim3A_99 = vector.shape_cast %reduce_sum3A_98 : vector<128xf32> to vector<128x1xf32>
    %div3A_100 = vector.broadcast %broadcast_in_dim3A_99 : vector<128x1xf32> to vector<128x2xf32>
    %div3A_101 = arith.divf %exp3A, %div3A_100 : vector<128x2xf32>
    %swap3A = arith.constant 0 : index
    %swap3A_102 = arith.constant 0 : index
    %swap3A_103 = vector.load %arg13[%swap3A, %swap3A_102] : memref<128x2xf32, #tpu.memory_space<vmem>>, vector<128x2xf32>
    tpu.vector_store %arg13[%swap3A, %swap3A_102], %div3A_101 {strides = array<i32>} : memref<128x2xf32, #tpu.memory_space<vmem>>, vector<128x2xf32>,
    return
  }
}

</mosaic_0001>

<sc_bundles>
// kernel: kernel.11.cloned.1.call-start
scs
__scs_entry_jumppad:
0x0: {  	(pc) =	sbr.rel $0x88, $3  }
0x1: {  	(tag) =	ssettag $0x0;
	lr =	simm.s32 $0x1  }
0x2: {  	[smem:$0x3F88] =	sst lr;
	_ =	strace $0xD0000000  }
0x3: {  	_ = 	snop  }
0x4: {  	_ = 	snop  }
0x5: {  	_ = 	snop  }
0x6: {  	_ = 	snop  }
0x7: {  	_ = 	snop  }
__scs_overlays_trampoline_lowered:
0x8: {  	[smem:$0x3F97] =	sst s0  }
0x9: {  	[smem:$0x3F98] =	sst s1  }
0xa: {  	[smem:$0x3F99] =	sst s2  }
0xb: {  	[smem:$0x3F9A] =	sst s3  }
0xc: {  	[smem:$0x3F9B] =	sst s4  }
0xd: {  	[smem:$0x3F9C] =	sst s5  }
0xe: {  	[smem:$0x3F9D] =	sst s6  }
0xf: {  	[smem:$0x3F9E] =	sst s7  }
0x10: {  	[smem:$0x3F9F] =	sst s8  }
0x11: {  	[smem:$0x3FA0] =	sst s9;
	s0 =	simm.s32 @!p0 $0x0  }
0x12: {  	s1 =	sld [smem:$0x3F86];
	s0 =	simm.s32 @p0 $0x1  }
0x13: {  	[smem:$0x3FA1] =	sst s0;
	s0 =	simm.s32 @!p1 $0x0  }
0x14: {  	s2 =	sld [smem:$0x3F85];
	s0 =	simm.s32 @p1 $0x1  }
0x15: {  	[smem:$0x3FA2] =	sst s0;
	s0 =	simm.s32 @!p2 $0x0  }
0x16: {  	s3 =	sld [smem:$0x3FDB];
	s0 =	simm.s32 @p2 $0x1  }
0x17: {  	s4 =	simm.s32 $0x1BF5;
	[smem:$0x3FA4] =	sst s0  }
0x18: {  	s0 =	sld [smem:$0x3F87];
	_ =	swait.ge [sflag:s4], $0x0  }
0x19: {  	s7 =	sld [smem:$0x3F88]  }
0x1a: {  	s8 =	sadd.s32 $0xFFFFE003, lr  }
0x1b: {  	s9 =	sadd.s32 $0xFFFFFEF7, lr;
	s5 =	simm.s32 $0xFFFFFFFF;
	p2 =	slt.u32 s8, $0xFFFFF086  }
0x1c: {  	p1 =	slt.u32 s9, $0xF7A;
	s5 =	simm.s32 @!p2 $0x0  }
0x1d: {  	s5 =	simm.s32 @p1 $0x1;
	p0 =	seq.s32 s7, s2  }
0x1e: {  	s7 =	smul.u32 @!p0 $0xF7A, s2;
	p2 =	seq.s32 @!p0 s5, $0x0  }
0x1f: {  	s9 =	smul.u32 $0xF7A, s1;
	s8 =	simm.s32 @!p0 $0x1BF5;
	p2 =	por !p2, p0  }
0x20: {  	[sflag:s8] =	ssyncset.s32 @!p0 $0xFFFFF086;
	s6 =	sadd.s32 @!p0 s3, s7;
	s7 =	simm.s32 @!p0 $0x108  }
0x21: {  	s3 =	sadd.s32 s3, s9;
	s6 =	sadd.s32 @!p0 $0x88, s6;
	s7 =	simm.s32 @p2 $0x1082  }
0x22: {  	[simem:s7], [sflag:s8] =	dma.local @!p0 [hbm:s6], $0xF7A  }
0x23: {  	s9 =	sor.u32 $0xD0000000, s2;
	s6 =	simm.s32 $0x108;
	_ =	swait.ge @!p0 [sflag:s8], $0x0  }
0x24: {  	s3 =	sadd.s32 $0x88, s3;
	s6 =	simm.s32 @!p1 $0x1082;
	[sflag:s4] =	ssyncset.s32 $0xFFFFF086  }
0x25: {  	[simem:s6], [sflag:s4] =	dma.local [hbm:s3], $0xF7A  }
0x26: {  	[smem:$0x3F88] =	sst s1;
	(tag) =	ssettag s2;
	_ =	strace s9  }
0x27: {  	s1 =	sld [smem:$0x3F98]  }
0x28: {  	s2 =	sld [smem:$0x3F99]  }
0x29: {  	s4 =	sld [smem:$0x3F9B]  }
0x2a: {  	p0 =	seq.s32 s5, $0x0;
	s5 =	sld [smem:$0x3F9C]  }
0x2b: {  	s6 =	sld [smem:$0x3F9D]  }
0x2c: {  	s7 =	sld [smem:$0x3F9E]  }
0x2d: {  	s3 =	simm.s32 $0x108;
	s8 =	sld [smem:$0x3F9F]  }
0x2e: {  	s3 =	simm.s32 @!p0 $0x1082;
	s9 =	sld [smem:$0x3FA0]  }
0x2f: {  	lr =	sadd.s32 s0, s3;
	s0 =	sld [smem:$0x3F97]  }
0x30: {  	s3 =	sld [smem:$0x3F9A]  }
0x31: {  	[smem:$0x3FA3] =	sst s10  }
0x32: {  	s10 =	sld [smem:$0x3FA1];
	_ =	sdelay $0x3  }
0x33: {  	p0 =	seq.s32 s10, $0x1;
	s10 =	sld [smem:$0x3FA3];
	_ =	sdelay $0x3  }
0x34: {  	[smem:$0x3FA3] =	sst s10  }
0x35: {  	s10 =	sld [smem:$0x3FA2];
	_ =	sdelay $0x3  }
0x36: {  	p1 =	seq.s32 s10, $0x1;
	s10 =	sld [smem:$0x3FA3];
	_ =	sdelay $0x3  }
0x37: {  	[smem:$0x3FA3] =	sst s10  }
0x38: {  	s10 =	sld [smem:$0x3FA4]  }
0x39: {  	_ = 	snop;
	(pc) =	sbr.ind lr, $3  }
0x3a: {  	_ = 	snop  }
0x3b: {  	_ = 	snop  }
0x3c: {  	p2 =	seq.s32 s10, $0x1;
	s10 =	sld [smem:$0x3FA3]  }
0x3d: {  	_ =	shalt  }
0x3e: {  	_ =	shalt  }
0x3f: {  	_ =	shalt  }
0x40: {  	_ =	shalt  }
0x41: {  	_ =	shalt  }
0x42: {  	_ =	shalt  }
0x43: {  	_ =	shalt  }
0x44: {  	_ =	shalt  }
0x45: {  	_ =	shalt  }
0x46: {  	_ =	shalt  }
0x47: {  	_ =	shalt  }
0x48: {  	_ =	shalt  }
0x49: {  	_ =	shalt  }
0x4a: {  	_ =	shalt  }
0x4b: {  	_ =	shalt  }
0x4c: {  	_ =	shalt  }
0x4d: {  	_ =	shalt  }
0x4e: {  	_ =	shalt  }
0x4f: {  	_ =	shalt  }
0x50: {  	_ =	shalt  }
0x51: {  	_ =	shalt  }
0x52: {  	_ =	shalt  }
0x53: {  	_ =	shalt  }
0x54: {  	_ =	shalt  }
0x55: {  	_ =	shalt  }
0x56: {  	_ =	shalt  }
0x57: {  	_ =	shalt  }
0x58: {  	_ =	shalt  }
0x59: {  	_ =	shalt  }
0x5a: {  	_ =	shalt  }
0x5b: {  	_ =	shalt  }
0x5c: {  	_ =	shalt  }
0x5d: {  	_ =	shalt  }
0x5e: {  	_ =	shalt  }
0x5f: {  	_ =	shalt  }
0x60: {  	_ =	shalt  }
0x61: {  	_ =	shalt  }
0x62: {  	_ =	shalt  }
0x63: {  	_ =	shalt  }
0x64: {  	_ =	shalt  }
0x65: {  	_ =	shalt  }
0x66: {  	_ =	shalt  }
0x67: {  	_ =	shalt  }
0x68: {  	_ =	shalt  }
0x69: {  	_ =	shalt  }
0x6a: {  	_ =	shalt  }
0x6b: {  	_ =	shalt  }
0x6c: {  	_ =	shalt  }
0x6d: {  	_ =	shalt  }
0x6e: {  	_ =	shalt  }
0x6f: {  	_ =	shalt  }
0x70: {  	_ =	shalt  }
0x71: {  	_ =	shalt  }
0x72: {  	_ =	shalt  }
0x73: {  	_ =	shalt  }
0x74: {  	_ =	shalt  }
0x75: {  	_ =	shalt  }
0x76: {  	_ =	shalt  }
0x77: {  	_ =	shalt  }
0x78: {  	_ =	shalt  }
0x79: {  	_ =	shalt  }
0x7a: {  	_ =	shalt  }
0x7b: {  	_ =	shalt  }
0x7c: {  	_ =	shalt  }
0x7d: {  	_ =	shalt  }
0x7e: {  	_ =	shalt  }
0x7f: {  	_ =	shalt  }
0x80: {  	_ =	shalt  }
0x81: {  	_ =	shalt  }
0x82: {  	_ =	shalt  }
0x83: {  	_ =	shalt  }
0x84: {  	_ =	shalt  }
0x85: {  	_ =	shalt  }
0x86: {  	_ =	shalt  }
0x87: {  	_ =	shalt  }
.Lfunc_end0:
.L_simem_size_0:
called_computation.1_lowered:
.L_overlay_start_0:
0x88: {  	s2 =	sld [smem:$0x3FD9]  }
0x89: {  	s3 =	sld [smem:$0x3FFE];
	_ =	sdelay $0x1  }
0x8a: {  	s1 =	srdreg.scid  }
0x8b: {  	s0 =	sand.u32 $0x1, s1  }
0x8c: {  	s16 =	sshll.u32 s0, $0xA;
	s2 =	sadd.s32 s3, s2  }
0x8d: {  	s2 =	sadd.s32 s2, s16  }
0x8e: {  	[smem:$0x3FAF] =	sst s2  }
0x8f: {  	_ = 	snop  }
0x90: {  	(tm) =	ssettm $0x1  }
0x91: {  	s17 =	sld [smem:$0x3FFB];
	_ =	sdelay $0x3  }
0x92: {  	_ =	strace s17  }
0x93: {  	s2 =	sld [smem:$0x3FFC];
	_ =	sdelay $0x3  }
0x94: {  	_ =	strace s2  }
0x95: {  	s2 =	sld [smem:$0x3FFD];
	_ =	sdelay $0x3  }
0x96: {  	_ =	strace s2  }
0x97: {  	_ =	strace $0x8FFFFFFF  }
0x98: {  	s18 =	sld [smem:$0x3FDB];
	_ =	sdelay $0x1  }
0x99: {  	s19 =	simm.s32 $_scs_section_size  }
0x9a: {  	s4 =	simm.s32 $_size__tile_overlayer_lowered;
	s5 =	simm.s32 $_tile_overlayer_lowered  }
0x9b: {  	s22 =	simm.s32 $0x1BFF;
	s21 =	sshll.u32 s5, $0x1;
	s2 =	sadd.s32 s19, s18  }
0x9c: {  	s6 =	simm.s32 $0x0;
	s20 =	sshll.u32 s4, $0x1;
	s4 =	sadd.s32 s21, s2  }
0x9d: {  	[timem:s6], [sflag:s22] =	dma.local [hbm:s4], s20  }
0x9e: {  	_ =	swait.ge [sflag:s22], s20  }
0x9f: {  	s3 =	ssub.s32 $0x0, s20;
	[sflag:s22] =	ssyncset.done $0x0  }
0xa0: {  	[sflag:s22] =	ssyncadd.s32 s3;
	_ =	sdelay $0x1  }
0xa1: {  	s23 =	simm.s32 $0x1B8B  }
0xa2: {  	_ =	swait.ge [sflag:s23], $0x1  }
0xa3: {  	[sflag:s23] =	ssyncset.done $0x0  }
0xa4: {  	s25 =	simm.s32 $0x1B8E;
	s24 =	sld [smem:$0x3FFE];
	[sflag:s23] =	ssyncadd.s32 $0xFFFFFFFF  }
0xa5: {  	s26 =	simm.s32 $execute0_lowered;
	[smem:$0x3FD2] =	sst s25  }
0xa6: {  	s4 =	sshll.u32 s26, $0x1;
	_ =	strace $0x80000049;
	[dreg:$0x1] =	wrdreg $0xFFFFFFFF  }
0xa7: {  	s28 =	simm.s32 $_size_execute0_lowered;
	s2 =	sadd.s32 s2, s4;
	[dreg:$0x0] =	wrdreg $0x0  }
0xa8: {  	s4 =	sshll.u32 s28, $0x1;
	[dreg:$0x2] =	wrdreg s2  }
0xa9: {  	[dreg:$0x3] =	wrdreg s4  }
0xaa: {  	[dreg:$0x4] =	wrdreg $0xC0  }
0xab: {  	_ =	task [dreg:s6], $0x5FFFF  }
0xac: {  	[dreg:$0x1] =	wrdreg $0xFFFFFFFF  }
0xad: {  	[dreg:$0x0] =	wrdreg $0x60  }
0xae: {  	[dreg:$0x2] =	wrdreg s24  }
0xaf: {  	[dreg:$0x3] =	wrdreg $0x0  }
0xb0: {  	[dreg:$0x4] =	wrdreg $0x9  }
0xb1: {  	_ =	task.clear_ibuf [dreg:s6], $0x5FFFF;
	_ =	strace $0x90000049  }
0xb2: {  	s29 =	simm.s32 $0x9;
	_ =	strace $0x8000004B  }
0xb3: {  	_ =	swait.ge [sflag:s29], $0x1  }
0xb4: {  	[sflag:s29] =	ssyncadd.s32 $0xFFFFFFFF  }
0xb5: {  	_ =	strace $0x9000004B  }
0xb6: {  	_ =	sfence  }
0xb7: {  	s30 =	sld [smem:$0x0];
	_ =	sdelay $0x2  }
0xb8: {  	s31 =	sshll.u32 s1, $0xD;
	s1 =	sshrl.u32 s1, $0x2  }
0xb9: {  	s3 =	sand.u32 $0x4000, s31;
	s1 =	sadd.s32 s1, s30  }
0xba: {  	s0 =	sor.u32 s3, s0;
	s1 =	sshll.u32 s1, $0x11  }
0xbb: {  	s0 =	sor.u32 s1, s0  }
0xbc: {  	s0 =	sadd.s32 $0x8F2B, s0  }
0xbd: {  	[sflag:s0] =	ssyncadd.remote.s32 $0x1  }
0xbe: {  	_ =	sfence.sel $0xFFFF  }
0xbf: {  	[dreg:$0x0] =	wrdreg $0xFFFFFFFF;
	(pc) =	sbr.abs _section_cstart, $3  }
0xc0: {  	[dreg:$0x1] =	wrdreg $0xFFFFFFFF  }
0xc1: {  	_ =	task.clear_ibuf [dreg:s6], $0x2FFFF;
	_ =	strace $0x9FFFFFFF  }
0xc2: {  	(tm) =	ssettm $0x7FFFFFFF  }
0xc3: {  	_ =	shalt  }
tec
execute0_lowered:
.L_overlay_start_1:
0x0: {  	(tag) =	ssettag $0x1  }
0x1: {  	s0 =	rddreg [dreg:$0x0]  }
0x2: {  	s1 =	rddreg [dreg:$0x1];
	s2 =	srdreg.scid  }
0x3: {  	s4 =	simm.s32 $0x0;
	s9 =	stileid.u32;
	s19 =	simm.s32 $0x1EB80  }
0x4: {  	s21 =	simm.s32 $0x1EC00;
	s22 =	simm.s32 $0x1EC80;
	s30 =	simm.s32 $0xC  }
0x5: {  	s31 =	simm.s32 $0xB;
	s2 =	sand.u32 $0x1, s2;
	s6 =	smul.u32 $0x50000, s9  }
0x6: {  	[smem:$0x7FF] =	sst s4;
	s4 =	sadd.s32 $0x18400, s0;
	s23 =	smul.u32 $0x2800, s9  }
0x7: {  	s26 =	smul.u32 $0x5000, s9;
	s3 =	sshll.u32 s2, $0x4;
	_ =	strace $0x8000004A  }
0x8: {  	s5 =	ssub.s32 $0x2, s2;
	s8 =	smul.u32 $0x27100, s2;
	[dreg:$0x3] =	wrdreg s19  }
0x9: {  	s2 =	smul.u32 $0x138800, s2;
	[dreg:$0x4] =	wrdreg s21;
	s3 =	sor.u32 s9, s3  }
0xa: {  	[dreg:$0x5] =	wrdreg s22;
	s7 =	sshrl.u32 s5, $0x1;
	s3 =	smul.u32 $0x4E2, s3  }
0xb: {  	s24 =	sshrl.u32 s6, $0x2;
	s28 =	sshrl.u32 s26, $0x2;
	s5 =	ssub.s32 s5, s7  }
0xc: {  	s25 =	sadd.s32 s23, s8;
	s29 =	smax.u32 s5, $0x1;
	s3 =	sadd.s32 s3, s0  }
0xd: {  	s2 =	sshrl.u32 s2, $0x3;
	[dreg:$0xa] =	wrdreg s29;
	s10 =	sadd.s32 $0xE600, s3  }
0xe: {  	s0 =	sadd.s32 $0x3F600, s0;
	s3 =	sadd.s32 $0x4800, s3;
	[dreg:$0x6] =	wrdreg s10  }
0xf: {  	s6 =	sadd.s32 s0, s25;
	s0 =	sadd.s32 s0, s2;
	[dreg:$0x7] =	wrdreg s3  }
0x10: {  	[dreg:$0x8] =	wrdreg s6;
	s0 =	sadd.s32 $0x25800, s0;
	s10 =	sadd.s32 s28, s1  }
0x11: {  	s18 =	sor.u32 $0xF0, s9;
	[dreg:$0x9] =	wrdreg s0;
	s5 =	sadd.s32 $0x14000, s10  }
0x12: {  	p1 =	seq.s32 s9, $0xF;
	s7 =	sadd.s32 $0x28000, s10;
	[dreg:$0xb] =	wrdreg s5  }
0x13: {  	p2 =	sgt.u32 s9, $0x9;
	s8 =	sadd.s32 $0x3C000, s10;
	[dreg:$0xc] =	wrdreg s7  }
0x14: {  	s20 =	smul.u32 $0x5000, s18;
	s11 =	sadd.s32 $0x50000, s10;
	[dreg:$0xd] =	wrdreg s8  }
0x15: {  	p0 =	sgt.u32 s18, $0xF9;
	s12 =	sadd.s32 $0x64000, s10;
	[dreg:$0xe] =	wrdreg s11  }
0x16: {  	s18 =	simm.s32 $0x1ED80;
	s13 =	sadd.s32 $0x78000, s10;
	[dreg:$0xf] =	wrdreg s12  }
0x17: {  	s19 =	simm.s32 $0x9;
	s14 =	sadd.s32 $0x8C000, s10;
	[dreg:$0x10] =	wrdreg s13  }
0x18: {  	s21 =	simm.s32 $0x0;
	s15 =	sadd.s32 $0xA0000, s10;
	[dreg:$0x11] =	wrdreg s14  }
0x19: {  	s9 =	simm.s32 $0x2;
	s16 =	sadd.s32 $0xB4000, s10;
	[dreg:$0x12] =	wrdreg s15  }
0x1a: {  	s2 =	simm.s32 $0x28;
	s17 =	sadd.s32 $0xC8000, s10;
	[dreg:$0x13] =	wrdreg s16  }
0x1b: {  	s3 =	sadd.s32 s24, s1;
	s23 =	sadd.s32 $0xDC000, s10;
	[dreg:$0x14] =	wrdreg s17  }
0x1c: {  	s24 =	sshrl.u32 s20, $0x2;
	s25 =	sadd.s32 $0xF0000, s10;
	[dreg:$0x15] =	wrdreg s23  }
0x1d: {  	s6 =	sadd.s32 $0x12C000, s1;
	s26 =	sadd.s32 s24, s1;
	[dreg:$0x16] =	wrdreg s25  }
0x1e: {  	s20 =	simm.s32 $0xA;
	s0 =	sshrl.u32 @p1 s6, $0x3;
	[dreg:$0x17] =	wrdreg s26  }
0x1f: {  	s28 =	sadd.s32 $0x104000, s10;
	s29 =	sadd.s32 $0x118000, s10;
	[dreg:$0x18] =	wrdreg s0  }
0x20: {  	s24 =	simm.s32 $0x13880;
	s6 =	simm.s32 $0x1C380;
	[dreg:$0x1a] =	wrdreg s28  }
0x21: {  	s0 =	sshrl.u32 @!p1 s3, $0x3;
	[dreg:$0x1b] =	wrdreg s29;
	s3 =	simm.s32 $0x19B80  }
0x22: {  	s5 =	simm.s32 $0x1AF80;
	s7 =	simm.s32 $0x1;
	s8 =	simm.s32 $0x1D780  }
0x23: {  	s11 =	simm.s32 $0x6;
	s12 =	simm.s32 $0x3;
	s13 =	simm.s32 $0x7  }
0x24: {  	s14 =	simm.s32 $0x4;
	s15 =	simm.s32 $0x1ED00;
	s16 =	simm.s32 $0x8  }
0x25: {  	v0 =	vimm.f32 $0.0e+00;
	s17 =	simm.s32 $0x5;
	[dreg:$0x19] =	wrdreg s0;
	s0 =	simm.s32 $0x18780  }
.LBB2_1:
0x26: {  	s22 =	simm.s32 $0x0;
	s23 =	rddreg [dreg:$0x6]  }
0x27: {  	[tilespmem:s24], [sflag:$0xC] =	stream.linear.gather [hbm4b:s23+s22], $0x2710, $0x38;
	[tilespmem:$0x1EE00] =	vst v63  }
0x28: {  	_ =	swait.ge [sflag:s30], $0x2710  }
0x29: {  	[sflag:s30] =	ssyncset.done $0x0  }
0x2a: {  	s25 =	simm.s32 $0x16000;
	s29 =	rddreg [dreg:$0x7];
	[sflag:s30] =	ssyncadd.s32 $0xFFFFD8F0  }
0x2b: {  	[tilespmem:s25], [sflag:$0xC] =	stream.linear.gather [hbm4b:s29+s22], $0x2710, $0x38;
	[tilespmem:$0x1EE00] =	vst v63  }
0x2c: {  	_ =	swait.ge [sflag:s30], $0x2710  }
0x2d: {  	[sflag:s30] =	ssyncset.done $0x0  }
0x2e: {  	s23 =	simm.s32 $0x200;
	s22 =	simm.s32 $0x0;
	[sflag:s30] =	ssyncadd.s32 $0xFFFFD8F0  }
.LBB2_2:
0x2f: {  	p3 =	sne.s32 s23, $0x4E00;
	[tilespmem:s22+$0x187F0] =	vst v0  }
0x30: {  	[tilespmem:s22+$0x18780] =	vst v0  }
0x31: {  	[tilespmem:s22+$0x18790] =	vst v0  }
.Ltmp0:
0x32: {  	[tilespmem:s22+$0x187A0] =	vst v0;
	(pc) =	sbr.rel @p3 .LBB2_2-.Ltmp0, $4  }
0x33: {  	[tilespmem:s22+$0x187B0] =	vst v0  }
0x34: {  	[tilespmem:s22+$0x187C0] =	vst v0  }
0x35: {  	[tilespmem:s22+$0x187D0] =	vst v0  }
0x36: {  	[tilespmem:s22+$0x187E0] =	vst v0;
	s22 =	sshra.s32 s23, $0x2;
	s23 =	sadd.s32 $0x200, s23  }
0x37: {  	[tilespmem:s22+$0x187F0] =	vst v0  }
0x38: {  	[tilespmem:s22+$0x18780] =	vst v0  }
0x39: {  	[tilespmem:s22+$0x18790] =	vst v0  }
0x3a: {  	[tilespmem:s22+$0x187A0] =	vst v0  }
0x3b: {  	[tilespmem:s22+$0x187B0] =	vst v0  }
0x3c: {  	[tilespmem:s22+$0x187C0] =	vst v0  }
0x3d: {  	[tilespmem:s22+$0x187D0] =	vst v0  }
0x3e: {  	[tilespmem:s22+$0x187E0] =	vst v0  }
0x3f: {  	[spmem:s10] =	stream.linear.scatter [tilespmem:s0], [sflag:$0xB], $0x1400, $0x38;
	[tilespmem:$0x1EE00] =	vst v63  }
0x40: {  	s28 =	rddreg [dreg:$0xb]  }
0x41: {  	[spmem:s28] =	stream.linear.scatter [tilespmem:s0], [sflag:$0xB], $0x1400, $0x38;
	[tilespmem:$0x1EE00] =	vst v63  }
0x42: {  	s23 =	rddreg [dreg:$0xc]  }
0x43: {  	[spmem:s23] =	stream.linear.scatter [tilespmem:s0], [sflag:$0xB], $0x1400, $0x38;
	[tilespmem:$0x1EE00] =	vst v63  }
0x44: {  	s25 =	rddreg [dreg:$0xd]  }
0x45: {  	[spmem:s25] =	stream.linear.scatter [tilespmem:s0], [sflag:$0xB], $0x1400, $0x38;
	[tilespmem:$0x1EE00] =	vst v63  }
0x46: {  	s26 =	rddreg [dreg:$0xe]  }
0x47: {  	[spmem:s26] =	stream.linear.scatter [tilespmem:s0], [sflag:$0xB], $0x1400, $0x38;
	[tilespmem:$0x1EE00] =	vst v63  }
0x48: {  	s28 =	rddreg [dreg:$0xf]  }
0x49: {  	[spmem:s28] =	stream.linear.scatter [tilespmem:s0], [sflag:$0xB], $0x1400, $0x38;
	[tilespmem:$0x1EE00] =	vst v63  }
0x4a: {  	s23 =	rddreg [dreg:$0x10]  }
0x4b: {  	[spmem:s23] =	stream.linear.scatter [tilespmem:s0], [sflag:$0xB], $0x1400, $0x38;
	[tilespmem:$0x1EE00] =	vst v63  }
0x4c: {  	s25 =	rddreg [dreg:$0x11]  }
0x4d: {  	[spmem:s25] =	stream.linear.scatter [tilespmem:s0], [sflag:$0xB], $0x1400, $0x38;
	[tilespmem:$0x1EE00] =	vst v63  }
0x4e: {  	s26 =	rddreg [dreg:$0x12]  }
0x4f: {  	[spmem:s26] =	stream.linear.scatter [tilespmem:s0], [sflag:$0xB], $0x1400, $0x38;
	[tilespmem:$0x1EE00] =	vst v63  }
0x50: {  	s28 =	rddreg [dreg:$0x13]  }
0x51: {  	[spmem:s28] =	stream.linear.scatter [tilespmem:s0], [sflag:$0xB], $0x1400, $0x38;
	[tilespmem:$0x1EE00] =	vst v63  }
0x52: {  	s23 =	rddreg [dreg:$0x14]  }
0x53: {  	[spmem:s23] =	stream.linear.scatter [tilespmem:s0], [sflag:$0xB], $0x1400, $0x38;
	[tilespmem:$0x1EE00] =	vst v63  }
0x54: {  	s25 =	rddreg [dreg:$0x15]  }
0x55: {  	[spmem:s25] =	stream.linear.scatter [tilespmem:s0], [sflag:$0xB], $0x1400, $0x38;
	[tilespmem:$0x1EE00] =	vst v63  }
0x56: {  	s26 =	rddreg [dreg:$0x16]  }
0x57: {  	[spmem:s26] =	stream.linear.scatter [tilespmem:s0], [sflag:$0xB], $0x1400, $0x38;
	[tilespmem:$0x1EE00] =	vst v63  }
0x58: {  	s28 =	rddreg [dreg:$0x1a]  }
0x59: {  	[spmem:s28] =	stream.linear.scatter [tilespmem:s0], [sflag:$0xB], $0x1400, $0x38;
	[tilespmem:$0x1EE00] =	vst v63  }
0x5a: {  	s23 =	rddreg [dreg:$0x1b]  }
0x5b: {  	[spmem:s23] =	stream.linear.scatter [tilespmem:s0], [sflag:$0xB], $0x1400, $0x38;
	[tilespmem:$0x1EE00] =	vst v63  }
0x5c: {  	s22 =	simm.s32 @!p0 $0x18780;
	s23 =	rddreg [dreg:$0x17]  }
0x5d: {  	[spmem:s23] =	stream.linear.scatter @!p0 [tilespmem:s22], [sflag:$0xB], $0x1400, $0x38;
	[tilespmem:$0x1EE00] =	vst v63  }
0x5e: {  	_ =	swait.ge [sflag:s31], $0x1400  }
0x5f: {  	[sflag:s31] =	ssyncset.done $0x0  }
0x60: {  	[sflag:s31] =	ssyncadd.s32 $0xFFFFEC00  }
0x61: {  	_ =	swait.ge [sflag:s31], $0x1400  }
0x62: {  	[sflag:s31] =	ssyncset.done $0x0  }
0x63: {  	[sflag:s31] =	ssyncadd.s32 $0xFFFFEC00  }
0x64: {  	_ =	swait.ge [sflag:s31], $0x1400  }
0x65: {  	[sflag:s31] =	ssyncset.done $0x0  }
0x66: {  	[sflag:s31] =	ssyncadd.s32 $0xFFFFEC00  }
0x67: {  	_ =	swait.ge [sflag:s31], $0x1400  }
0x68: {  	[sflag:s31] =	ssyncset.done $0x0  }
0x69: {  	[sflag:s31] =	ssyncadd.s32 $0xFFFFEC00  }
0x6a: {  	_ =	swait.ge [sflag:s31], $0x1400  }
0x6b: {  	[sflag:s31] =	ssyncset.done $0x0  }
0x6c: {  	[sflag:s31] =	ssyncadd.s32 $0xFFFFEC00  }
0x6d: {  	_ =	swait.ge [sflag:s31], $0x1400  }
0x6e: {  	[sflag:s31] =	ssyncset.done $0x0  }
0x6f: {  	[sflag:s31] =	ssyncadd.s32 $0xFFFFEC00  }
0x70: {  	_ =	swait.ge [sflag:s31], $0x1400  }
0x71: {  	[sflag:s31] =	ssyncset.done $0x0  }
0x72: {  	[sflag:s31] =	ssyncadd.s32 $0xFFFFEC00  }
0x73: {  	_ =	swait.ge [sflag:s31], $0x1400  }
0x74: {  	[sflag:s31] =	ssyncset.done $0x0  }
0x75: {  	[sflag:s31] =	ssyncadd.s32 $0xFFFFEC00  }
0x76: {  	_ =	swait.ge [sflag:s31], $0x1400  }
0x77: {  	[sflag:s31] =	ssyncset.done $0x0  }
0x78: {  	[sflag:s31] =	ssyncadd.s32 $0xFFFFEC00  }
0x79: {  	_ =	swait.ge [sflag:s31], $0x1400  }
0x7a: {  	[sflag:s31] =	ssyncset.done $0x0  }
0x7b: {  	[sflag:s31] =	ssyncadd.s32 $0xFFFFEC00  }
0x7c: {  	_ =	swait.ge [sflag:s31], $0x1400  }
0x7d: {  	[sflag:s31] =	ssyncset.done $0x0  }
0x7e: {  	[sflag:s31] =	ssyncadd.s32 $0xFFFFEC00  }
0x7f: {  	_ =	swait.ge [sflag:s31], $0x1400  }
0x80: {  	[sflag:s31] =	ssyncset.done $0x0  }
0x81: {  	[sflag:s31] =	ssyncadd.s32 $0xFFFFEC00  }
0x82: {  	_ =	swait.ge [sflag:s31], $0x1400  }
0x83: {  	[sflag:s31] =	ssyncset.done $0x0  }
0x84: {  	[sflag:s31] =	ssyncadd.s32 $0xFFFFEC00  }
0x85: {  	_ =	swait.ge [sflag:s31], $0x1400  }
0x86: {  	[sflag:s31] =	ssyncset.done $0x0  }
0x87: {  	[sflag:s31] =	ssyncadd.s32 $0xFFFFEC00  }
0x88: {  	_ =	swait.ge [sflag:s31], $0x1400  }
0x89: {  	[sflag:s31] =	ssyncset.done $0x0  }
0x8a: {  	s22 =	simm.s32 @!p2 $0xB;
	[sflag:s31] =	ssyncadd.s32 $0xFFFFEC00  }
0x8b: {  	_ =	swait.ge @!p2 [sflag:s22], $0x1400  }
0x8c: {  	[sflag:s22] =	ssyncset.done @!p2 $0x0  }
0x8d: {  	[sflag:s22] =	ssyncadd.s32 @!p2 $0xFFFFEC00  }
0x8e: {  	[bflag:$0x0] =	sbarrier.arrive $0xFFFF  }
0x8f: {  	[tilespmem:s0], [sflag:$0x1] =	stream.indirect.gather [hbm4b:s4+s2], $0x80, s24, s2, $0xb8;
	[tilespmem:$0x1EE00] =	vst v63  }
0x90: {  	p3 =	por $0x1, $0x1;
	s24 =	simm.s32 $0x138A8  }
0x91: {  	[tilespmem:s3], [sflag:$0x2] =	stream.indirect.gather [hbm4b:s4+s2], $0x80, s24, s2, $0xb8;
	[tilespmem:$0x1EE00] =	vst v63  }
0x92: {  	s25 =	simm.s32 $0x138D0;
	s22 =	simm.s32 @!p3 $0x9  }
0x93: {  	[tilespmem:s5], [sflag:$0x3] =	stream.indirect.gather [hbm4b:s4+s2], $0x80, s25, s2, $0xb8;
	[tilespmem:$0x1EE00] =	vst v63  }
0x94: {  	_ =	swait.ge @!p3 [sflag:s22], $0x1400  }
0x95: {  	[sflag:s22] =	ssyncset.done @!p3 $0x0  }
0x96: {  	s26 =	simm.s32 $0x138F8;
	[sflag:s22] =	ssyncadd.s32 @!p3 $0xFFFFEC00  }
0x97: {  	[tilespmem:s6], [sflag:$0x4] =	stream.indirect.gather [hbm4b:s4+s2], $0x80, s26, s2, $0xb8;
	[tilespmem:$0x1EE00] =	vst v63  }
0x98: {  	_ =	swait.ge [sflag:s7], $0x1400  }
0x99: {  	[sflag:s7] =	ssyncset.done $0x0  }
0x9a: {  	s22 =	simm.s32 $0x0;
	[sflag:s7] =	ssyncadd.s32 $0xFFFFEC00  }
0x9b: {  	v1 =	vld [tilespmem:s22+$0x16000];
	_ =	sdelay $0x4  }
0x9c: {  	[tilespmem:$0x1EB80] =	vst v1  }
0x9d: {  	v1 =	vld [tilespmem:s22+$0x16010];
	_ =	sdelay $0x4  }
0x9e: {  	[tilespmem:$0x1EB90] =	vst v1  }
0x9f: {  	v1 =	vld [tilespmem:s22+$0x16020];
	_ =	sdelay $0x4  }
0xa0: {  	s24 =	simm.s32 @!p3 $0xA;
	s28 =	rddreg [dreg:$0x3];
	[tilespmem:$0x1EBA0] =	vst v1  }
0xa1: {  	[spmem:s1] =	stream.indirect.scatter.add.f32 [tilespmem:s0], [sflag:$0x6], $0x80, s28, s2, $0xb8;
	[tilespmem:$0x1EE00] =	vst v63  }
0xa2: {  	_ =	swait.ge @!p3 [sflag:s24], $0x1400  }
0xa3: {  	[sflag:s24] =	ssyncset.done @!p3 $0x0  }
0xa4: {  	s25 =	simm.s32 $0x13920;
	[sflag:s24] =	ssyncadd.s32 @!p3 $0xFFFFEC00  }
0xa5: {  	[tilespmem:s8], [sflag:$0x5] =	stream.indirect.gather [hbm4b:s4+s2], $0x80, s25, s2, $0xb8;
	[tilespmem:$0x1EE00] =	vst v63  }
0xa6: {  	_ =	swait.ge [sflag:s9], $0x1400  }
0xa7: {  	[sflag:s9] =	ssyncset.done $0x0  }
0xa8: {  	[sflag:s9] =	ssyncadd.s32 $0xFFFFEC00  }
0xa9: {  	v1 =	vld [tilespmem:s22+$0x16028];
	_ =	sdelay $0x4  }
0xaa: {  	[tilespmem:$0x1EC00] =	vst v1  }
0xab: {  	v1 =	vld [tilespmem:s22+$0x16038];
	_ =	sdelay $0x4  }
0xac: {  	[tilespmem:$0x1EC10] =	vst v1  }
0xad: {  	v1 =	vld [tilespmem:s22+$0x16048];
	_ =	sdelay $0x4  }
0xae: {  	s26 =	rddreg [dreg:$0x4];
	[tilespmem:$0x1EC20] =	vst v1  }
0xaf: {  	[spmem:s1] =	stream.indirect.scatter.add.f32 [tilespmem:s3], [sflag:$0x7], $0x80, s26, s2, $0xb8;
	[tilespmem:$0x1EE00] =	vst v63  }
0xb0: {  	p3 =	por $0x0, $0x0;
	_ =	swait.ge [sflag:s11], $0x1400  }
0xb1: {  	s23 =	simm.s32 @!p3 $0x18780;
	[sflag:s11] =	ssyncset.done $0x0  }
0xb2: {  	s24 =	simm.s32 @!p3 $0x13948;
	s25 =	simm.s32 @!p3 $0x28;
	[sflag:s11] =	ssyncadd.s32 $0xFFFFEC00  }
0xb3: {  	[tilespmem:s23], [sflag:$0x1] =	stream.indirect.gather @!p3 [hbm4b:s4+s25], $0x80, s24, s25, $0xb8;
	[tilespmem:$0x1EE00] =	vst v63  }
0xb4: {  	_ =	swait.ge [sflag:s12], $0x1400  }
0xb5: {  	[sflag:s12] =	ssyncset.done $0x0  }
0xb6: {  	[sflag:s12] =	ssyncadd.s32 $0xFFFFEC00  }
0xb7: {  	v1 =	vld [tilespmem:s22+$0x16050];
	_ =	sdelay $0x4  }
0xb8: {  	[tilespmem:$0x1EC80] =	vst v1  }
0xb9: {  	v1 =	vld [tilespmem:s22+$0x16060];
	_ =	sdelay $0x4  }
0xba: {  	[tilespmem:$0x1EC90] =	vst v1  }
0xbb: {  	v1 =	vld [tilespmem:s22+$0x16070];
	_ =	sdelay $0x4  }
0xbc: {  	s28 =	rddreg [dreg:$0x5];
	[tilespmem:$0x1ECA0] =	vst v1  }
0xbd: {  	[spmem:s1] =	stream.indirect.scatter.add.f32 [tilespmem:s5], [sflag:$0x8], $0x80, s28, s2, $0xb8;
	[tilespmem:$0x1EE00] =	vst v63  }
0xbe: {  	_ =	swait.ge [sflag:s13], $0x1400  }
0xbf: {  	[sflag:s13] =	ssyncset.done $0x0  }
0xc0: {  	s23 =	simm.s32 @!p3 $0x13970;
	s24 =	simm.s32 @!p3 $0x19B80;
	[sflag:s13] =	ssyncadd.s32 $0xFFFFEC00  }
0xc1: {  	[tilespmem:s24], [sflag:$0x2] =	stream.indirect.gather @!p3 [hbm4b:s4+s25], $0x80, s23, s25, $0xb8;
	[tilespmem:$0x1EE00] =	vst v63  }
0xc2: {  	_ =	swait.ge [sflag:s14], $0x1400  }
0xc3: {  	[sflag:s14] =	ssyncset.done $0x0  }
0xc4: {  	[sflag:s14] =	ssyncadd.s32 $0xFFFFEC00  }
0xc5: {  	v1 =	vld [tilespmem:s22+$0x16078];
	_ =	sdelay $0x4  }
0xc6: {  	[tilespmem:$0x1ED00] =	vst v1  }
0xc7: {  	v1 =	vld [tilespmem:s22+$0x16088];
	_ =	sdelay $0x4  }
0xc8: {  	[tilespmem:$0x1ED10] =	vst v1  }
0xc9: {  	v1 =	vld [tilespmem:s22+$0x16098];
	_ =	sdelay $0x4  }
0xca: {  	[tilespmem:$0x1ED20] =	vst v1  }
0xcb: {  	[spmem:s1] =	stream.indirect.scatter.add.f32 [tilespmem:s6], [sflag:$0x9], $0x80, s15, s2, $0xb8;
	[tilespmem:$0x1EE00] =	vst v63  }
0xcc: {  	_ =	swait.ge [sflag:s16], $0x1400  }
0xcd: {  	[sflag:s16] =	ssyncset.done $0x0  }
0xce: {  	s23 =	simm.s32 @!p3 $0x13998;
	s24 =	simm.s32 @!p3 $0x1AF80;
	[sflag:s16] =	ssyncadd.s32 $0xFFFFEC00  }
0xcf: {  	[tilespmem:s24], [sflag:$0x3] =	stream.indirect.gather @!p3 [hbm4b:s4+s25], $0x80, s23, s25, $0xb8;
	[tilespmem:$0x1EE00] =	vst v63  }
0xd0: {  	_ =	swait.ge [sflag:s17], $0x1400  }
0xd1: {  	[sflag:s17] =	ssyncset.done $0x0  }
0xd2: {  	[sflag:s17] =	ssyncadd.s32 $0xFFFFEC00  }
0xd3: {  	v1 =	vld [tilespmem:s22+$0x160A0];
	_ =	sdelay $0x4  }
0xd4: {  	[tilespmem:$0x1ED80] =	vst v1  }
0xd5: {  	v1 =	vld [tilespmem:s22+$0x160B0];
	_ =	sdelay $0x4  }
0xd6: {  	[tilespmem:$0x1ED90] =	vst v1  }
0xd7: {  	s29 =	simm.s32 $0x320;
	p4 =	por $0x0, $0x0;
	v1 =	vld [tilespmem:s22+$0x160C0];
	s22 =	simm.s32 $0x640  }
.LBB2_4:
0xd8: {  	_ =	sdelay $0x3  }
0xd9: {  	s25 =	simm.s32 @!p4 $0x9;
	[tilespmem:$0x1EDA0] =	vst v1  }
0xda: {  	[spmem:s1] =	stream.indirect.scatter.add.f32 [tilespmem:s8], [sflag:$0xA], $0x80, s18, s2, $0xb8;
	[tilespmem:$0x1EE00] =	vst v63  }
0xdb: {  	_ =	swait.ge @!p4 [sflag:s25], $0x1400  }
0xdc: {  	s23 =	sshra.s32 s29, $0x2;
	[sflag:s25] =	ssyncset.done @!p4 $0x0  }
0xdd: {  	s26 =	sadd.s32 $0x138F8, s23;
	[sflag:s25] =	ssyncadd.s32 @!p4 $0xFFFFEC00  }
0xde: {  	[tilespmem:s6], [sflag:$0x4] =	stream.indirect.gather [hbm4b:s4+s2], $0x80, s26, s2, $0xb8;
	[tilespmem:$0x1EE00] =	vst v63  }
0xdf: {  	_ =	swait.ge [sflag:s7], $0x1400  }
0xe0: {  	[sflag:s7] =	ssyncset.done $0x0  }
0xe1: {  	[sflag:s7] =	ssyncadd.s32 $0xFFFFEC00  }
0xe2: {  	v1 =	vld [tilespmem:s23+$0x16000];
	_ =	sdelay $0x4  }
0xe3: {  	[tilespmem:$0x1EB80] =	vst v1  }
0xe4: {  	v1 =	vld [tilespmem:s23+$0x16010];
	_ =	sdelay $0x4  }
0xe5: {  	[tilespmem:$0x1EB90] =	vst v1  }
0xe6: {  	v1 =	vld [tilespmem:s23+$0x16020];
	_ =	sdelay $0x4  }
0xe7: {  	s26 =	simm.s32 @!p4 $0xA;
	s28 =	rddreg [dreg:$0x3];
	[tilespmem:$0x1EBA0] =	vst v1  }
0xe8: {  	[spmem:s1] =	stream.indirect.scatter.add.f32 [tilespmem:s0], [sflag:$0x6], $0x80, s28, s2, $0xb8;
	[tilespmem:$0x1EE00] =	vst v63  }
0xe9: {  	_ =	swait.ge @!p4 [sflag:s26], $0x1400  }
0xea: {  	[sflag:s26] =	ssyncset.done @!p4 $0x0  }
0xeb: {  	[sflag:s26] =	ssyncadd.s32 @!p4 $0xFFFFEC00;
	s26 =	sadd.s32 $0x13920, s23  }
0xec: {  	[tilespmem:s8], [sflag:$0x5] =	stream.indirect.gather [hbm4b:s4+s2], $0x80, s26, s2, $0xb8;
	[tilespmem:$0x1EE00] =	vst v63  }
0xed: {  	_ =	swait.ge [sflag:s9], $0x1400  }
0xee: {  	[sflag:s9] =	ssyncset.done $0x0  }
0xef: {  	[sflag:s9] =	ssyncadd.s32 $0xFFFFEC00  }
0xf0: {  	v1 =	vld [tilespmem:s23+$0x16028];
	_ =	sdelay $0x4  }
0xf1: {  	[tilespmem:$0x1EC00] =	vst v1  }
0xf2: {  	v1 =	vld [tilespmem:s23+$0x16038];
	_ =	sdelay $0x4  }
0xf3: {  	[tilespmem:$0x1EC10] =	vst v1  }
0xf4: {  	v1 =	vld [tilespmem:s23+$0x16048];
	_ =	sdelay $0x4  }
0xf5: {  	s28 =	rddreg [dreg:$0x4];
	[tilespmem:$0x1EC20] =	vst v1  }
0xf6: {  	[spmem:s1] =	stream.indirect.scatter.add.f32 [tilespmem:s3], [sflag:$0x7], $0x80, s28, s2, $0xb8;
	[tilespmem:$0x1EE00] =	vst v63  }
0xf7: {  	p4 =	seq.s32 s29, $0x9920;
	_ =	swait.ge [sflag:s11], $0x1400  }
0xf8: {  	s26 =	sshra.s32 @!p4 s29, $0x2;
	s29 =	simm.s32 @!p4 $0x18780;
	[sflag:s11] =	ssyncset.done $0x0  }
0xf9: {  	s25 =	simm.s32 @!p4 $0x28;
	s28 =	sadd.s32 @!p4 $0x13948, s26;
	[sflag:s11] =	ssyncadd.s32 $0xFFFFEC00  }
0xfa: {  	[tilespmem:s29], [sflag:$0x1] =	stream.indirect.gather @!p4 [hbm4b:s4+s25], $0x80, s28, s25, $0xb8;
	[tilespmem:$0x1EE00] =	vst v63  }
0xfb: {  	_ =	swait.ge [sflag:s12], $0x1400  }
0xfc: {  	[sflag:s12] =	ssyncset.done $0x0  }
0xfd: {  	[sflag:s12] =	ssyncadd.s32 $0xFFFFEC00  }
0xfe: {  	v1 =	vld [tilespmem:s23+$0x16050];
	_ =	sdelay $0x4  }
0xff: {  	[tilespmem:$0x1EC80] =	vst v1  }
0x100: {  	v1 =	vld [tilespmem:s23+$0x16060];
	_ =	sdelay $0x4  }
0x101: {  	[tilespmem:$0x1EC90] =	vst v1  }
0x102: {  	v1 =	vld [tilespmem:s23+$0x16070];
	_ =	sdelay $0x3  }
0x103: {  	s24 =	smov.u32 s22  }
0x104: {  	s29 =	smov.u32 s24;
	s24 =	rddreg [dreg:$0x5];
	[tilespmem:$0x1ECA0] =	vst v1  }
0x105: {  	[spmem:s1] =	stream.indirect.scatter.add.f32 [tilespmem:s5], [sflag:$0x8], $0x80, s24, s2, $0xb8;
	[tilespmem:$0x1EE00] =	vst v63  }
0x106: {  	_ =	swait.ge [sflag:s13], $0x1400  }
0x107: {  	[sflag:s13] =	ssyncset.done $0x0  }
0x108: {  	s28 =	sadd.s32 @!p4 $0x13970, s26;
	s24 =	simm.s32 @!p4 $0x19B80;
	[sflag:s13] =	ssyncadd.s32 $0xFFFFEC00  }
0x109: {  	[tilespmem:s24], [sflag:$0x2] =	stream.indirect.gather @!p4 [hbm4b:s4+s25], $0x80, s28, s25, $0xb8;
	[tilespmem:$0x1EE00] =	vst v63  }
0x10a: {  	_ =	swait.ge [sflag:s14], $0x1400  }
0x10b: {  	[sflag:s14] =	ssyncset.done $0x0  }
0x10c: {  	[sflag:s14] =	ssyncadd.s32 $0xFFFFEC00  }
0x10d: {  	v1 =	vld [tilespmem:s23+$0x16078];
	_ =	sdelay $0x4  }
0x10e: {  	[tilespmem:$0x1ED00] =	vst v1  }
0x10f: {  	v1 =	vld [tilespmem:s23+$0x16088];
	_ =	sdelay $0x4  }
0x110: {  	[tilespmem:$0x1ED10] =	vst v1  }
0x111: {  	v1 =	vld [tilespmem:s23+$0x16098];
	_ =	sdelay $0x4  }
0x112: {  	[tilespmem:$0x1ED20] =	vst v1  }
0x113: {  	[spmem:s1] =	stream.indirect.scatter.add.f32 [tilespmem:s6], [sflag:$0x9], $0x80, s15, s2, $0xb8;
	[tilespmem:$0x1EE00] =	vst v63  }
0x114: {  	_ =	swait.ge [sflag:s16], $0x1400  }
0x115: {  	[sflag:s16] =	ssyncset.done $0x0  }
0x116: {  	s26 =	sadd.s32 @!p4 $0x13998, s26;
	s24 =	simm.s32 @!p4 $0x1AF80;
	[sflag:s16] =	ssyncadd.s32 $0xFFFFEC00  }
0x117: {  	[tilespmem:s24], [sflag:$0x3] =	stream.indirect.gather @!p4 [hbm4b:s4+s25], $0x80, s26, s25, $0xb8;
	[tilespmem:$0x1EE00] =	vst v63  }
0x118: {  	_ =	swait.ge [sflag:s17], $0x1400  }
0x119: {  	[sflag:s17] =	ssyncset.done $0x0  }
0x11a: {  	[sflag:s17] =	ssyncadd.s32 $0xFFFFEC00  }
0x11b: {  	v1 =	vld [tilespmem:s23+$0x160A0];
	_ =	sdelay $0x4  }
0x11c: {  	[tilespmem:$0x1ED80] =	vst v1  }
0x11d: {  	s22 =	sadd.s32 $0x320, s22;
	v1 =	vld [tilespmem:s23+$0x160B0]  }
0x11e: {  	p3 =	sne.s32 s22, $0x9C40  }
.Ltmp1:
0x11f: {  	_ = 	snop;
	(pc) =	sbr.rel @p3 .LBB2_4-.Ltmp1, $3  }
0x120: {  	_ =	sdelay $0x1  }
0x121: {  	[tilespmem:$0x1ED90] =	vst v1  }
0x122: {  	p4 =	seq.s32 s29, $0x0;
	v1 =	vld [tilespmem:s23+$0x160C0]  }
0x123: {  	_ =	sdelay $0x3  }
0x124: {  	s23 =	simm.s32 @!p4 $0x9;
	[tilespmem:$0x1EDA0] =	vst v1  }
0x125: {  	[spmem:s1] =	stream.indirect.scatter.add.f32 [tilespmem:s8], [sflag:$0xA], $0x80, s18, s2, $0xb8;
	[tilespmem:$0x1EE00] =	vst v63  }
0x126: {  	_ =	swait.ge @!p4 [sflag:s23], $0x1400  }
0x127: {  	s22 =	sshra.s32 s29, $0x2;
	[sflag:s23] =	ssyncset.done @!p4 $0x0  }
0x128: {  	s26 =	sadd.s32 $0x138F8, s22;
	[sflag:s23] =	ssyncadd.s32 @!p4 $0xFFFFEC00  }
0x129: {  	[tilespmem:s6], [sflag:$0x4] =	stream.indirect.gather [hbm4b:s4+s2], $0x80, s26, s2, $0xb8;
	[tilespmem:$0x1EE00] =	vst v63  }
0x12a: {  	_ =	swait.ge [sflag:s7], $0x1400  }
0x12b: {  	[sflag:s7] =	ssyncset.done $0x0  }
0x12c: {  	[sflag:s7] =	ssyncadd.s32 $0xFFFFEC00  }
0x12d: {  	v1 =	vld [tilespmem:s22+$0x16000];
	_ =	sdelay $0x4  }
0x12e: {  	[tilespmem:$0x1EB80] =	vst v1  }
0x12f: {  	v1 =	vld [tilespmem:s22+$0x16010];
	_ =	sdelay $0x4  }
0x130: {  	[tilespmem:$0x1EB90] =	vst v1  }
0x131: {  	v1 =	vld [tilespmem:s22+$0x16020];
	_ =	sdelay $0x4  }
0x132: {  	s24 =	simm.s32 @!p4 $0xA;
	s28 =	rddreg [dreg:$0x3];
	[tilespmem:$0x1EBA0] =	vst v1  }
0x133: {  	[spmem:s1] =	stream.indirect.scatter.add.f32 [tilespmem:s0], [sflag:$0x6], $0x80, s28, s2, $0xb8;
	[tilespmem:$0x1EE00] =	vst v63  }
0x134: {  	_ =	swait.ge @!p4 [sflag:s24], $0x1400  }
0x135: {  	[sflag:s24] =	ssyncset.done @!p4 $0x0  }
0x136: {  	s25 =	sadd.s32 $0x13920, s22;
	[sflag:s24] =	ssyncadd.s32 @!p4 $0xFFFFEC00  }
0x137: {  	[tilespmem:s8], [sflag:$0x5] =	stream.indirect.gather [hbm4b:s4+s2], $0x80, s25, s2, $0xb8;
	[tilespmem:$0x1EE00] =	vst v63  }
0x138: {  	_ =	swait.ge [sflag:s9], $0x1400  }
0x139: {  	[sflag:s9] =	ssyncset.done $0x0  }
0x13a: {  	[sflag:s9] =	ssyncadd.s32 $0xFFFFEC00  }
0x13b: {  	v1 =	vld [tilespmem:s22+$0x16028];
	_ =	sdelay $0x4  }
0x13c: {  	[tilespmem:$0x1EC00] =	vst v1  }
0x13d: {  	v1 =	vld [tilespmem:s22+$0x16038];
	_ =	sdelay $0x4  }
0x13e: {  	[tilespmem:$0x1EC10] =	vst v1  }
0x13f: {  	v1 =	vld [tilespmem:s22+$0x16048];
	_ =	sdelay $0x4  }
0x140: {  	s26 =	rddreg [dreg:$0x4];
	[tilespmem:$0x1EC20] =	vst v1  }
0x141: {  	[spmem:s1] =	stream.indirect.scatter.add.f32 [tilespmem:s3], [sflag:$0x7], $0x80, s26, s2, $0xb8;
	[tilespmem:$0x1EE00] =	vst v63  }
0x142: {  	p3 =	seq.s32 s29, $0x9920;
	_ =	swait.ge [sflag:s11], $0x1400  }
0x143: {  	s23 =	sshra.s32 @!p3 s29, $0x2;
	s24 =	simm.s32 @!p3 $0x18780;
	[sflag:s11] =	ssyncset.done $0x0  }
0x144: {  	s25 =	sadd.s32 @!p3 $0x13948, s23;
	s26 =	simm.s32 @!p3 $0x28;
	[sflag:s11] =	ssyncadd.s32 $0xFFFFEC00  }
0x145: {  	[tilespmem:s24], [sflag:$0x1] =	stream.indirect.gather @!p3 [hbm4b:s4+s26], $0x80, s25, s26, $0xb8;
	[tilespmem:$0x1EE00] =	vst v63  }
0x146: {  	_ =	swait.ge [sflag:s12], $0x1400  }
0x147: {  	[sflag:s12] =	ssyncset.done $0x0  }
0x148: {  	[sflag:s12] =	ssyncadd.s32 $0xFFFFEC00  }
0x149: {  	v1 =	vld [tilespmem:s22+$0x16050];
	_ =	sdelay $0x4  }
0x14a: {  	[tilespmem:$0x1EC80] =	vst v1  }
0x14b: {  	v1 =	vld [tilespmem:s22+$0x16060];
	_ =	sdelay $0x4  }
0x14c: {  	[tilespmem:$0x1EC90] =	vst v1  }
0x14d: {  	v1 =	vld [tilespmem:s22+$0x16070];
	_ =	sdelay $0x4  }
0x14e: {  	s28 =	rddreg [dreg:$0x5];
	[tilespmem:$0x1ECA0] =	vst v1  }
0x14f: {  	[spmem:s1] =	stream.indirect.scatter.add.f32 [tilespmem:s5], [sflag:$0x8], $0x80, s28, s2, $0xb8;
	[tilespmem:$0x1EE00] =	vst v63  }
0x150: {  	_ =	swait.ge [sflag:s13], $0x1400  }
0x151: {  	[sflag:s13] =	ssyncset.done $0x0  }
0x152: {  	s24 =	sadd.s32 @!p3 $0x13970, s23;
	s25 =	simm.s32 @!p3 $0x19B80;
	[sflag:s13] =	ssyncadd.s32 $0xFFFFEC00  }
0x153: {  	[tilespmem:s25], [sflag:$0x2] =	stream.indirect.gather @!p3 [hbm4b:s4+s26], $0x80, s24, s26, $0xb8;
	[tilespmem:$0x1EE00] =	vst v63  }
0x154: {  	_ =	swait.ge [sflag:s14], $0x1400  }
0x155: {  	[sflag:s14] =	ssyncset.done $0x0  }
0x156: {  	[sflag:s14] =	ssyncadd.s32 $0xFFFFEC00  }
0x157: {  	v1 =	vld [tilespmem:s22+$0x16078];
	_ =	sdelay $0x4  }
0x158: {  	[tilespmem:$0x1ED00] =	vst v1  }
0x159: {  	v1 =	vld [tilespmem:s22+$0x16088];
	_ =	sdelay $0x4  }
0x15a: {  	[tilespmem:$0x1ED10] =	vst v1  }
0x15b: {  	v1 =	vld [tilespmem:s22+$0x16098];
	_ =	sdelay $0x4  }
0x15c: {  	[tilespmem:$0x1ED20] =	vst v1  }
0x15d: {  	[spmem:s1] =	stream.indirect.scatter.add.f32 [tilespmem:s6], [sflag:$0x9], $0x80, s15, s2, $0xb8;
	[tilespmem:$0x1EE00] =	vst v63  }
0x15e: {  	_ =	swait.ge [sflag:s16], $0x1400  }
0x15f: {  	[sflag:s16] =	ssyncset.done $0x0  }
0x160: {  	s23 =	sadd.s32 @!p3 $0x13998, s23;
	s24 =	simm.s32 @!p3 $0x1AF80;
	[sflag:s16] =	ssyncadd.s32 $0xFFFFEC00  }
0x161: {  	[tilespmem:s24], [sflag:$0x3] =	stream.indirect.gather @!p3 [hbm4b:s4+s26], $0x80, s23, s26, $0xb8;
	[tilespmem:$0x1EE00] =	vst v63  }
0x162: {  	_ =	swait.ge [sflag:s17], $0x1400  }
0x163: {  	[sflag:s17] =	ssyncset.done $0x0  }
0x164: {  	[sflag:s17] =	ssyncadd.s32 $0xFFFFEC00  }
0x165: {  	v1 =	vld [tilespmem:s22+$0x160A0];
	_ =	sdelay $0x4  }
0x166: {  	[tilespmem:$0x1ED80] =	vst v1  }
0x167: {  	v1 =	vld [tilespmem:s22+$0x160B0];
	_ =	sdelay $0x4  }
0x168: {  	[tilespmem:$0x1ED90] =	vst v1  }
0x169: {  	v1 =	vld [tilespmem:s22+$0x160C0];
	_ =	sdelay $0x4  }
0x16a: {  	[tilespmem:$0x1EDA0] =	vst v1  }
0x16b: {  	[spmem:s1] =	stream.indirect.scatter.add.f32 [tilespmem:s8], [sflag:$0xA], $0x80, s18, s2, $0xb8;
	[tilespmem:$0x1EE00] =	vst v63  }
0x16c: {  	_ =	swait.ge [sflag:s19], $0x1400  }
0x16d: {  	[sflag:s19] =	ssyncset.done $0x0  }
0x16e: {  	[sflag:s19] =	ssyncadd.s32 $0xFFFFEC00  }
0x16f: {  	_ =	swait.ge [sflag:s20], $0x1400  }
0x170: {  	[sflag:s20] =	ssyncset.done $0x0  }
0x171: {  	[sflag:s20] =	ssyncadd.s32 $0xFFFFEC00  }
0x172: {  	[bflag:$0x0] =	sbarrier.arrive $0xFFFF  }
0x173: {  	s23 =	rddreg [dreg:$0x9]  }
0x174: {  	s22 =	simm.s32 @p1 $0x1FCC;
	s24 =	rddreg [dreg:$0x18]  }
0x175: {  	[hbm:s23], [sflag:s22] =	dma.local @p1 [spmem:s24], $0x1900  }
0x176: {  	s22 =	simm.s32 @p1 $0xC  }
0x177: {  	s23 =	stileid.u32;
	_ =	swait.ge @p1 [sflag:s22], $0x1900  }
0x178: {  	s23 =	sshll.u32 @!p1 s23, $0x6;
	[sflag:s22] =	ssyncset.done @p1 $0x0;
	s24 =	rddreg [dreg:$0x19]  }
0x179: {  	[sflag:s22] =	ssyncadd.s32 @p1 $0xFFFFE700;
	s22 =	sor.u32 @!p1 $0x1C0C, s23;
	s23 =	rddreg [dreg:$0x8]  }
0x17a: {  	[hbm:s23], [sflag:s22] =	dma.local @!p1 [spmem:s24], $0x2800  }
0x17b: {  	s22 =	simm.s32 @!p1 $0xC  }
0x17c: {  	_ =	swait.ge @!p1 [sflag:s22], $0x2800  }
0x17d: {  	s21 =	sadd.s32 $0x1, s21;
	s29 =	rddreg [dreg:$0xa]  }
0x17e: {  	p3 =	sne.s32 s21, s29  }
.Ltmp2:
0x17f: {  	_ = 	snop;
	(pc) =	sbr.rel @p3 .LBB2_1-.Ltmp2, $3  }
0x180: {  	_ =	sdelay $0x1  }
0x181: {  	[sflag:s22] =	ssyncset.done @!p1 $0x0  }
0x182: {  	s24 =	simm.s32 $0x13880;
	[sflag:s22] =	ssyncadd.s32 @!p1 $0xFFFFD800  }
0x183: {  	_ =	sfence.sel $0x180000  }
0x184: {  	[bflag:$0x0] =	sbarrier.arrive $0xFFFF  }
0x185: {  	_ =	strace $0x9000004A  }
0x186: {  	s0 =	stileid.u32;
	[bflag:$0x2] =	sbarrier.arrive $0xFFFF  }
0x187: {  	p0 =	sne.s32 s0, $0x0;
	s0 =	rddreg [dreg:$0x2]  }
0x188: {  	s0 =	sadd.s32 @!p0 $0x100000, s0  }
0x189: {  	[sflag:s0] =	ssyncadd.tile.s32 @!p0 $0x1;
	_ =	shalt  }
.Lfunc_end2:
_tile_overlayer_lowered:
.L_overlay_start_2:
0x18a: {  	(tag) =	ssettag $0x2  }
0x18b: {  	s0 =	rddreg [dreg:$0x0];
	s2 =	stileid.u32  }
0x18c: {  	s1 =	rddreg [dreg:$0x1];
	p0 =	sne.s32 s2, $0x0  }
0x18d: {  	s3 =	rddreg [dreg:$0x2];
	[bflag:$0x3] =	sbarrier.arrive $0xFFFF;
	s2 =	simm.s32 @!p0 $0x1C0C  }
0x18e: {  	[timem:s3], [sflag:s2] =	dma.local @!p0 [hbm:s0], s1  }
0x18f: {  	s0 =	simm.s32 @!p0 $0xC  }
0x190: {  	_ =	swait.ge @!p0 [sflag:s0], s1  }
0x191: {  	s1 =	ssub.s32 @!p0 $0x0, s1;
	[sflag:s0] =	ssyncset.done @!p0 $0x0  }
0x192: {  	[sflag:s0] =	ssyncadd.s32 @!p0 s1  }
0x193: {  	[bflag:$0x3] =	sbarrier.arrive $0xFFFF  }
0x194: {  	_ =	shalt  }

// kernel: kernel.14.cloned.1.call-start
scs
__scs_entry_jumppad:
0x0: {  	(pc) =	sbr.rel $0x88, $3  }
0x1: {  	(tag) =	ssettag $0x0;
	lr =	simm.s32 $0x1  }
0x2: {  	[smem:$0x3F88] =	sst lr;
	_ =	strace $0xD0000000  }
0x3: {  	_ = 	snop  }
0x4: {  	_ = 	snop  }
0x5: {  	_ = 	snop  }
0x6: {  	_ = 	snop  }
0x7: {  	_ = 	snop  }
__scs_overlays_trampoline_lowered:
0x8: {  	[smem:$0x3F97] =	sst s0  }
0x9: {  	[smem:$0x3F98] =	sst s1  }
0xa: {  	[smem:$0x3F99] =	sst s2  }
0xb: {  	[smem:$0x3F9A] =	sst s3  }
0xc: {  	[smem:$0x3F9B] =	sst s4  }
0xd: {  	[smem:$0x3F9C] =	sst s5  }
0xe: {  	[smem:$0x3F9D] =	sst s6  }
0xf: {  	[smem:$0x3F9E] =	sst s7  }
0x10: {  	[smem:$0x3F9F] =	sst s8  }
0x11: {  	[smem:$0x3FA0] =	sst s9;
	s0 =	simm.s32 @!p0 $0x0  }
0x12: {  	s1 =	sld [smem:$0x3F86];
	s0 =	simm.s32 @p0 $0x1  }
0x13: {  	[smem:$0x3FA1] =	sst s0;
	s0 =	simm.s32 @!p1 $0x0  }
0x14: {  	s2 =	sld [smem:$0x3F85];
	s0 =	simm.s32 @p1 $0x1  }
0x15: {  	[smem:$0x3FA2] =	sst s0;
	s0 =	simm.s32 @!p2 $0x0  }
0x16: {  	s3 =	sld [smem:$0x3FDB];
	s0 =	simm.s32 @p2 $0x1  }
0x17: {  	s4 =	simm.s32 $0x1BF5;
	[smem:$0x3FA4] =	sst s0  }
0x18: {  	s0 =	sld [smem:$0x3F87];
	_ =	swait.ge [sflag:s4], $0x0  }
0x19: {  	s7 =	sld [smem:$0x3F88]  }
0x1a: {  	s8 =	sadd.s32 $0xFFFFE003, lr  }
0x1b: {  	s9 =	sadd.s32 $0xFFFFFEF7, lr;
	s5 =	simm.s32 $0xFFFFFFFF;
	p2 =	slt.u32 s8, $0xFFFFF086  }
0x1c: {  	p1 =	slt.u32 s9, $0xF7A;
	s5 =	simm.s32 @!p2 $0x0  }
0x1d: {  	s5 =	simm.s32 @p1 $0x1;
	p0 =	seq.s32 s7, s2  }
0x1e: {  	s7 =	smul.u32 @!p0 $0xF7A, s2;
	p2 =	seq.s32 @!p0 s5, $0x0  }
0x1f: {  	s9 =	smul.u32 $0xF7A, s1;
	s8 =	simm.s32 @!p0 $0x1BF5;
	p2 =	por !p2, p0  }
0x20: {  	[sflag:s8] =	ssyncset.s32 @!p0 $0xFFFFF086;
	s6 =	sadd.s32 @!p0 s3, s7;
	s7 =	simm.s32 @!p0 $0x108  }
0x21: {  	s3 =	sadd.s32 s3, s9;
	s6 =	sadd.s32 @!p0 $0x88, s6;
	s7 =	simm.s32 @p2 $0x1082  }
0x22: {  	[simem:s7], [sflag:s8] =	dma.local @!p0 [hbm:s6], $0xF7A  }
0x23: {  	s9 =	sor.u32 $0xD0000000, s2;
	s6 =	simm.s32 $0x108;
	_ =	swait.ge @!p0 [sflag:s8], $0x0  }
0x24: {  	s3 =	sadd.s32 $0x88, s3;
	s6 =	simm.s32 @!p1 $0x1082;
	[sflag:s4] =	ssyncset.s32 $0xFFFFF086  }
0x25: {  	[simem:s6], [sflag:s4] =	dma.local [hbm:s3], $0xF7A  }
0x26: {  	[smem:$0x3F88] =	sst s1;
	(tag) =	ssettag s2;
	_ =	strace s9  }
0x27: {  	s1 =	sld [smem:$0x3F98]  }
0x28: {  	s2 =	sld [smem:$0x3F99]  }
0x29: {  	s4 =	sld [smem:$0x3F9B]  }
0x2a: {  	p0 =	seq.s32 s5, $0x0;
	s5 =	sld [smem:$0x3F9C]  }
0x2b: {  	s6 =	sld [smem:$0x3F9D]  }
0x2c: {  	s7 =	sld [smem:$0x3F9E]  }
0x2d: {  	s3 =	simm.s32 $0x108;
	s8 =	sld [smem:$0x3F9F]  }
0x2e: {  	s3 =	simm.s32 @!p0 $0x1082;
	s9 =	sld [smem:$0x3FA0]  }
0x2f: {  	lr =	sadd.s32 s0, s3;
	s0 =	sld [smem:$0x3F97]  }
0x30: {  	s3 =	sld [smem:$0x3F9A]  }
0x31: {  	[smem:$0x3FA3] =	sst s10  }
0x32: {  	s10 =	sld [smem:$0x3FA1];
	_ =	sdelay $0x3  }
0x33: {  	p0 =	seq.s32 s10, $0x1;
	s10 =	sld [smem:$0x3FA3];
	_ =	sdelay $0x3  }
0x34: {  	[smem:$0x3FA3] =	sst s10  }
0x35: {  	s10 =	sld [smem:$0x3FA2];
	_ =	sdelay $0x3  }
0x36: {  	p1 =	seq.s32 s10, $0x1;
	s10 =	sld [smem:$0x3FA3];
	_ =	sdelay $0x3  }
0x37: {  	[smem:$0x3FA3] =	sst s10  }
0x38: {  	s10 =	sld [smem:$0x3FA4]  }
0x39: {  	_ = 	snop;
	(pc) =	sbr.ind lr, $3  }
0x3a: {  	_ = 	snop  }
0x3b: {  	_ = 	snop  }
0x3c: {  	p2 =	seq.s32 s10, $0x1;
	s10 =	sld [smem:$0x3FA3]  }
0x3d: {  	_ =	shalt  }
0x3e: {  	_ =	shalt  }
0x3f: {  	_ =	shalt  }
0x40: {  	_ =	shalt  }
0x41: {  	_ =	shalt  }
0x42: {  	_ =	shalt  }
0x43: {  	_ =	shalt  }
0x44: {  	_ =	shalt  }
0x45: {  	_ =	shalt  }
0x46: {  	_ =	shalt  }
0x47: {  	_ =	shalt  }
0x48: {  	_ =	shalt  }
0x49: {  	_ =	shalt  }
0x4a: {  	_ =	shalt  }
0x4b: {  	_ =	shalt  }
0x4c: {  	_ =	shalt  }
0x4d: {  	_ =	shalt  }
0x4e: {  	_ =	shalt  }
0x4f: {  	_ =	shalt  }
0x50: {  	_ =	shalt  }
0x51: {  	_ =	shalt  }
0x52: {  	_ =	shalt  }
0x53: {  	_ =	shalt  }
0x54: {  	_ =	shalt  }
0x55: {  	_ =	shalt  }
0x56: {  	_ =	shalt  }
0x57: {  	_ =	shalt  }
0x58: {  	_ =	shalt  }
0x59: {  	_ =	shalt  }
0x5a: {  	_ =	shalt  }
0x5b: {  	_ =	shalt  }
0x5c: {  	_ =	shalt  }
0x5d: {  	_ =	shalt  }
0x5e: {  	_ =	shalt  }
0x5f: {  	_ =	shalt  }
0x60: {  	_ =	shalt  }
0x61: {  	_ =	shalt  }
0x62: {  	_ =	shalt  }
0x63: {  	_ =	shalt  }
0x64: {  	_ =	shalt  }
0x65: {  	_ =	shalt  }
0x66: {  	_ =	shalt  }
0x67: {  	_ =	shalt  }
0x68: {  	_ =	shalt  }
0x69: {  	_ =	shalt  }
0x6a: {  	_ =	shalt  }
0x6b: {  	_ =	shalt  }
0x6c: {  	_ =	shalt  }
0x6d: {  	_ =	shalt  }
0x6e: {  	_ =	shalt  }
0x6f: {  	_ =	shalt  }
0x70: {  	_ =	shalt  }
0x71: {  	_ =	shalt  }
0x72: {  	_ =	shalt  }
0x73: {  	_ =	shalt  }
0x74: {  	_ =	shalt  }
0x75: {  	_ =	shalt  }
0x76: {  	_ =	shalt  }
0x77: {  	_ =	shalt  }
0x78: {  	_ =	shalt  }
0x79: {  	_ =	shalt  }
0x7a: {  	_ =	shalt  }
0x7b: {  	_ =	shalt  }
0x7c: {  	_ =	shalt  }
0x7d: {  	_ =	shalt  }
0x7e: {  	_ =	shalt  }
0x7f: {  	_ =	shalt  }
0x80: {  	_ =	shalt  }
0x81: {  	_ =	shalt  }
0x82: {  	_ =	shalt  }
0x83: {  	_ =	shalt  }
0x84: {  	_ =	shalt  }
0x85: {  	_ =	shalt  }
0x86: {  	_ =	shalt  }
0x87: {  	_ =	shalt  }
.Lfunc_end0:
.L_simem_size_0:
called_computation.2_lowered:
.L_overlay_start_0:
0x88: {  	s2 =	sld [smem:$0x3FD9]  }
0x89: {  	s3 =	sld [smem:$0x3FFE];
	_ =	sdelay $0x1  }
0x8a: {  	s1 =	srdreg.scid  }
0x8b: {  	s0 =	sand.u32 $0x1, s1  }
0x8c: {  	s16 =	sshll.u32 s0, $0xA;
	s2 =	sadd.s32 s3, s2  }
0x8d: {  	s2 =	sadd.s32 s2, s16  }
0x8e: {  	[smem:$0x3FAF] =	sst s2  }
0x8f: {  	_ = 	snop  }
0x90: {  	(tm) =	ssettm $0x1  }
0x91: {  	s17 =	sld [smem:$0x3FFB];
	_ =	sdelay $0x3  }
0x92: {  	_ =	strace s17  }
0x93: {  	s2 =	sld [smem:$0x3FFC];
	_ =	sdelay $0x3  }
0x94: {  	_ =	strace s2  }
0x95: {  	s2 =	sld [smem:$0x3FFD];
	_ =	sdelay $0x3  }
0x96: {  	_ =	strace s2  }
0x97: {  	_ =	strace $0x8FFFFFFF  }
0x98: {  	s18 =	sld [smem:$0x3FDB];
	_ =	sdelay $0x1  }
0x99: {  	s19 =	simm.s32 $_scs_section_size  }
0x9a: {  	s4 =	simm.s32 $_size__tile_overlayer_lowered;
	s5 =	simm.s32 $_tile_overlayer_lowered  }
0x9b: {  	s22 =	simm.s32 $0x1BFF;
	s21 =	sshll.u32 s5, $0x1;
	s2 =	sadd.s32 s19, s18  }
0x9c: {  	s6 =	simm.s32 $0x0;
	s20 =	sshll.u32 s4, $0x1;
	s4 =	sadd.s32 s21, s2  }
0x9d: {  	[timem:s6], [sflag:s22] =	dma.local [hbm:s4], s20  }
0x9e: {  	_ =	swait.ge [sflag:s22], s20  }
0x9f: {  	s3 =	ssub.s32 $0x0, s20;
	[sflag:s22] =	ssyncset.done $0x0  }
0xa0: {  	[sflag:s22] =	ssyncadd.s32 s3;
	_ =	sdelay $0x1  }
0xa1: {  	s23 =	simm.s32 $0x1B8B  }
0xa2: {  	_ =	swait.ge [sflag:s23], $0x1  }
0xa3: {  	[sflag:s23] =	ssyncset.done $0x0  }
0xa4: {  	s25 =	simm.s32 $0x1B8E;
	s24 =	sld [smem:$0x3FFE];
	[sflag:s23] =	ssyncadd.s32 $0xFFFFFFFF  }
0xa5: {  	s26 =	simm.s32 $execute0_lowered;
	[smem:$0x3FD2] =	sst s25  }
0xa6: {  	s4 =	sshll.u32 s26, $0x1;
	_ =	strace $0x8000004C;
	[dreg:$0x1] =	wrdreg $0xFFFFFFFF  }
0xa7: {  	s28 =	simm.s32 $_size_execute0_lowered;
	s2 =	sadd.s32 s2, s4;
	[dreg:$0x0] =	wrdreg $0x0  }
0xa8: {  	s4 =	sshll.u32 s28, $0x1;
	[dreg:$0x2] =	wrdreg s2  }
0xa9: {  	[dreg:$0x3] =	wrdreg s4  }
0xaa: {  	[dreg:$0x4] =	wrdreg $0xC0  }
0xab: {  	_ =	task [dreg:s6], $0x5FFFF  }
0xac: {  	[dreg:$0x1] =	wrdreg $0xFFFFFFFF  }
0xad: {  	[dreg:$0x0] =	wrdreg $0x60  }
0xae: {  	[dreg:$0x2] =	wrdreg s24  }
0xaf: {  	[dreg:$0x3] =	wrdreg $0x0  }
0xb0: {  	[dreg:$0x4] =	wrdreg $0x9  }
0xb1: {  	_ =	task.clear_ibuf [dreg:s6], $0x5FFFF;
	_ =	strace $0x9000004C  }
0xb2: {  	s29 =	simm.s32 $0x9;
	_ =	strace $0x8000004E  }
0xb3: {  	_ =	swait.ge [sflag:s29], $0x1  }
0xb4: {  	[sflag:s29] =	ssyncadd.s32 $0xFFFFFFFF  }
0xb5: {  	_ =	strace $0x9000004E  }
0xb6: {  	_ =	sfence  }
0xb7: {  	s30 =	sld [smem:$0x0];
	_ =	sdelay $0x2  }
0xb8: {  	s31 =	sshll.u32 s1, $0xD;
	s1 =	sshrl.u32 s1, $0x2  }
0xb9: {  	s3 =	sand.u32 $0x4000, s31;
	s1 =	sadd.s32 s1, s30  }
0xba: {  	s0 =	sor.u32 s3, s0;
	s1 =	sshll.u32 s1, $0x11  }
0xbb: {  	s0 =	sor.u32 s1, s0  }
0xbc: {  	s0 =	sadd.s32 $0x8F2B, s0  }
0xbd: {  	[sflag:s0] =	ssyncadd.remote.s32 $0x1  }
0xbe: {  	_ =	sfence.sel $0xFFFF  }
0xbf: {  	[dreg:$0x0] =	wrdreg $0xFFFFFFFF;
	(pc) =	sbr.abs _section_cstart, $3  }
0xc0: {  	[dreg:$0x1] =	wrdreg $0xFFFFFFFF  }
0xc1: {  	_ =	task.clear_ibuf [dreg:s6], $0x2FFFF;
	_ =	strace $0x9FFFFFFF  }
0xc2: {  	(tm) =	ssettm $0x7FFFFFFF  }
0xc3: {  	_ =	shalt  }
tec
execute0_lowered:
.L_overlay_start_1:
0x0: {  	(tag) =	ssettag $0x1  }
0x1: {  	s0 =	rddreg [dreg:$0x0]  }
0x2: {  	s1 =	rddreg [dreg:$0x1];
	s2 =	srdreg.scid  }
0x3: {  	s4 =	simm.s32 $0x0;
	s9 =	stileid.u32;
	s19 =	simm.s32 $0x1EB80  }
0x4: {  	s21 =	simm.s32 $0x1EC00;
	s22 =	simm.s32 $0x1EC80;
	s30 =	simm.s32 $0xC  }
0x5: {  	s31 =	simm.s32 $0xB;
	s2 =	sand.u32 $0x1, s2;
	s6 =	smul.u32 $0x50000, s9  }
0x6: {  	[smem:$0x7FF] =	sst s4;
	s4 =	sadd.s32 $0x18400, s0;
	s23 =	smul.u32 $0x2800, s9  }
0x7: {  	s26 =	smul.u32 $0x5000, s9;
	s3 =	sshll.u32 s2, $0x4;
	_ =	strace $0x8000004D  }
0x8: {  	s5 =	ssub.s32 $0x2, s2;
	s8 =	smul.u32 $0x27100, s2;
	[dreg:$0x3] =	wrdreg s19  }
0x9: {  	s2 =	smul.u32 $0x138800, s2;
	[dreg:$0x4] =	wrdreg s21;
	s3 =	sor.u32 s9, s3  }
0xa: {  	[dreg:$0x5] =	wrdreg s22;
	s7 =	sshrl.u32 s5, $0x1;
	s3 =	smul.u32 $0x4E2, s3  }
0xb: {  	s24 =	sshrl.u32 s6, $0x2;
	s28 =	sshrl.u32 s26, $0x2;
	s5 =	ssub.s32 s5, s7  }
0xc: {  	s25 =	sadd.s32 s23, s8;
	s29 =	smax.u32 s5, $0x1;
	s3 =	sadd.s32 s3, s0  }
0xd: {  	s2 =	sshrl.u32 s2, $0x3;
	[dreg:$0xa] =	wrdreg s29;
	s10 =	sadd.s32 $0xE600, s3  }
0xe: {  	s0 =	sadd.s32 $0x3F600, s0;
	s3 =	sadd.s32 $0x4800, s3;
	[dreg:$0x6] =	wrdreg s10  }
0xf: {  	s6 =	sadd.s32 s0, s25;
	s0 =	sadd.s32 s0, s2;
	[dreg:$0x7] =	wrdreg s3  }
0x10: {  	[dreg:$0x8] =	wrdreg s6;
	s0 =	sadd.s32 $0x25800, s0;
	s10 =	sadd.s32 s28, s1  }
0x11: {  	s18 =	sor.u32 $0xF0, s9;
	[dreg:$0x9] =	wrdreg s0;
	s5 =	sadd.s32 $0x14000, s10  }
0x12: {  	p1 =	seq.s32 s9, $0xF;
	s7 =	sadd.s32 $0x28000, s10;
	[dreg:$0xb] =	wrdreg s5  }
0x13: {  	p2 =	sgt.u32 s9, $0x9;
	s8 =	sadd.s32 $0x3C000, s10;
	[dreg:$0xc] =	wrdreg s7  }
0x14: {  	s20 =	smul.u32 $0x5000, s18;
	s11 =	sadd.s32 $0x50000, s10;
	[dreg:$0xd] =	wrdreg s8  }
0x15: {  	p0 =	sgt.u32 s18, $0xF9;
	s12 =	sadd.s32 $0x64000, s10;
	[dreg:$0xe] =	wrdreg s11  }
0x16: {  	s18 =	simm.s32 $0x1ED80;
	s13 =	sadd.s32 $0x78000, s10;
	[dreg:$0xf] =	wrdreg s12  }
0x17: {  	s19 =	simm.s32 $0x9;
	s14 =	sadd.s32 $0x8C000, s10;
	[dreg:$0x10] =	wrdreg s13  }
0x18: {  	s21 =	simm.s32 $0x0;
	s15 =	sadd.s32 $0xA0000, s10;
	[dreg:$0x11] =	wrdreg s14  }
0x19: {  	s9 =	simm.s32 $0x2;
	s16 =	sadd.s32 $0xB4000, s10;
	[dreg:$0x12] =	wrdreg s15  }
0x1a: {  	s2 =	simm.s32 $0x28;
	s17 =	sadd.s32 $0xC8000, s10;
	[dreg:$0x13] =	wrdreg s16  }
0x1b: {  	s3 =	sadd.s32 s24, s1;
	s23 =	sadd.s32 $0xDC000, s10;
	[dreg:$0x14] =	wrdreg s17  }
0x1c: {  	s24 =	sshrl.u32 s20, $0x2;
	s25 =	sadd.s32 $0xF0000, s10;
	[dreg:$0x15] =	wrdreg s23  }
0x1d: {  	s6 =	sadd.s32 $0x12C000, s1;
	s26 =	sadd.s32 s24, s1;
	[dreg:$0x16] =	wrdreg s25  }
0x1e: {  	s20 =	simm.s32 $0xA;
	s0 =	sshrl.u32 @p1 s6, $0x3;
	[dreg:$0x17] =	wrdreg s26  }
0x1f: {  	s28 =	sadd.s32 $0x104000, s10;
	s29 =	sadd.s32 $0x118000, s10;
	[dreg:$0x18] =	wrdreg s0  }
0x20: {  	s24 =	simm.s32 $0x13880;
	s6 =	simm.s32 $0x1C380;
	[dreg:$0x1a] =	wrdreg s28  }
0x21: {  	s0 =	sshrl.u32 @!p1 s3, $0x3;
	[dreg:$0x1b] =	wrdreg s29;
	s3 =	simm.s32 $0x19B80  }
0x22: {  	s5 =	simm.s32 $0x1AF80;
	s7 =	simm.s32 $0x1;
	s8 =	simm.s32 $0x1D780  }
0x23: {  	s11 =	simm.s32 $0x6;
	s12 =	simm.s32 $0x3;
	s13 =	simm.s32 $0x7  }
0x24: {  	s14 =	simm.s32 $0x4;
	s15 =	simm.s32 $0x1ED00;
	s16 =	simm.s32 $0x8  }
0x25: {  	v0 =	vimm.f32 $0.0e+00;
	s17 =	simm.s32 $0x5;
	[dreg:$0x19] =	wrdreg s0;
	s0 =	simm.s32 $0x18780  }
.LBB2_1:
0x26: {  	s22 =	simm.s32 $0x0;
	s23 =	rddreg [dreg:$0x6]  }
0x27: {  	[tilespmem:s24], [sflag:$0xC] =	stream.linear.gather [hbm4b:s23+s22], $0x2710, $0x38;
	[tilespmem:$0x1EE00] =	vst v63  }
0x28: {  	_ =	swait.ge [sflag:s30], $0x2710  }
0x29: {  	[sflag:s30] =	ssyncset.done $0x0  }
0x2a: {  	s25 =	simm.s32 $0x16000;
	s29 =	rddreg [dreg:$0x7];
	[sflag:s30] =	ssyncadd.s32 $0xFFFFD8F0  }
0x2b: {  	[tilespmem:s25], [sflag:$0xC] =	stream.linear.gather [hbm4b:s29+s22], $0x2710, $0x38;
	[tilespmem:$0x1EE00] =	vst v63  }
0x2c: {  	_ =	swait.ge [sflag:s30], $0x2710  }
0x2d: {  	[sflag:s30] =	ssyncset.done $0x0  }
0x2e: {  	s23 =	simm.s32 $0x200;
	s22 =	simm.s32 $0x0;
	[sflag:s30] =	ssyncadd.s32 $0xFFFFD8F0  }
.LBB2_2:
0x2f: {  	p3 =	sne.s32 s23, $0x4E00;
	[tilespmem:s22+$0x187F0] =	vst v0  }
0x30: {  	[tilespmem:s22+$0x18780] =	vst v0  }
0x31: {  	[tilespmem:s22+$0x18790] =	vst v0  }
.Ltmp0:
0x32: {  	[tilespmem:s22+$0x187A0] =	vst v0;
	(pc) =	sbr.rel @p3 .LBB2_2-.Ltmp0, $4  }
0x33: {  	[tilespmem:s22+$0x187B0] =	vst v0  }
0x34: {  	[tilespmem:s22+$0x187C0] =	vst v0  }
0x35: {  	[tilespmem:s22+$0x187D0] =	vst v0  }
0x36: {  	[tilespmem:s22+$0x187E0] =	vst v0;
	s22 =	sshra.s32 s23, $0x2;
	s23 =	sadd.s32 $0x200, s23  }
0x37: {  	[tilespmem:s22+$0x187F0] =	vst v0  }
0x38: {  	[tilespmem:s22+$0x18780] =	vst v0  }
0x39: {  	[tilespmem:s22+$0x18790] =	vst v0  }
0x3a: {  	[tilespmem:s22+$0x187A0] =	vst v0  }
0x3b: {  	[tilespmem:s22+$0x187B0] =	vst v0  }
0x3c: {  	[tilespmem:s22+$0x187C0] =	vst v0  }
0x3d: {  	[tilespmem:s22+$0x187D0] =	vst v0  }
0x3e: {  	[tilespmem:s22+$0x187E0] =	vst v0  }
0x3f: {  	[spmem:s10] =	stream.linear.scatter [tilespmem:s0], [sflag:$0xB], $0x1400, $0x38;
	[tilespmem:$0x1EE00] =	vst v63  }
0x40: {  	s28 =	rddreg [dreg:$0xb]  }
0x41: {  	[spmem:s28] =	stream.linear.scatter [tilespmem:s0], [sflag:$0xB], $0x1400, $0x38;
	[tilespmem:$0x1EE00] =	vst v63  }
0x42: {  	s23 =	rddreg [dreg:$0xc]  }
0x43: {  	[spmem:s23] =	stream.linear.scatter [tilespmem:s0], [sflag:$0xB], $0x1400, $0x38;
	[tilespmem:$0x1EE00] =	vst v63  }
0x44: {  	s25 =	rddreg [dreg:$0xd]  }
0x45: {  	[spmem:s25] =	stream.linear.scatter [tilespmem:s0], [sflag:$0xB], $0x1400, $0x38;
	[tilespmem:$0x1EE00] =	vst v63  }
0x46: {  	s26 =	rddreg [dreg:$0xe]  }
0x47: {  	[spmem:s26] =	stream.linear.scatter [tilespmem:s0], [sflag:$0xB], $0x1400, $0x38;
	[tilespmem:$0x1EE00] =	vst v63  }
0x48: {  	s28 =	rddreg [dreg:$0xf]  }
0x49: {  	[spmem:s28] =	stream.linear.scatter [tilespmem:s0], [sflag:$0xB], $0x1400, $0x38;
	[tilespmem:$0x1EE00] =	vst v63  }
0x4a: {  	s23 =	rddreg [dreg:$0x10]  }
0x4b: {  	[spmem:s23] =	stream.linear.scatter [tilespmem:s0], [sflag:$0xB], $0x1400, $0x38;
	[tilespmem:$0x1EE00] =	vst v63  }
0x4c: {  	s25 =	rddreg [dreg:$0x11]  }
0x4d: {  	[spmem:s25] =	stream.linear.scatter [tilespmem:s0], [sflag:$0xB], $0x1400, $0x38;
	[tilespmem:$0x1EE00] =	vst v63  }
0x4e: {  	s26 =	rddreg [dreg:$0x12]  }
0x4f: {  	[spmem:s26] =	stream.linear.scatter [tilespmem:s0], [sflag:$0xB], $0x1400, $0x38;
	[tilespmem:$0x1EE00] =	vst v63  }
0x50: {  	s28 =	rddreg [dreg:$0x13]  }
0x51: {  	[spmem:s28] =	stream.linear.scatter [tilespmem:s0], [sflag:$0xB], $0x1400, $0x38;
	[tilespmem:$0x1EE00] =	vst v63  }
0x52: {  	s23 =	rddreg [dreg:$0x14]  }
0x53: {  	[spmem:s23] =	stream.linear.scatter [tilespmem:s0], [sflag:$0xB], $0x1400, $0x38;
	[tilespmem:$0x1EE00] =	vst v63  }
0x54: {  	s25 =	rddreg [dreg:$0x15]  }
0x55: {  	[spmem:s25] =	stream.linear.scatter [tilespmem:s0], [sflag:$0xB], $0x1400, $0x38;
	[tilespmem:$0x1EE00] =	vst v63  }
0x56: {  	s26 =	rddreg [dreg:$0x16]  }
0x57: {  	[spmem:s26] =	stream.linear.scatter [tilespmem:s0], [sflag:$0xB], $0x1400, $0x38;
	[tilespmem:$0x1EE00] =	vst v63  }
0x58: {  	s28 =	rddreg [dreg:$0x1a]  }
0x59: {  	[spmem:s28] =	stream.linear.scatter [tilespmem:s0], [sflag:$0xB], $0x1400, $0x38;
	[tilespmem:$0x1EE00] =	vst v63  }
0x5a: {  	s23 =	rddreg [dreg:$0x1b]  }
0x5b: {  	[spmem:s23] =	stream.linear.scatter [tilespmem:s0], [sflag:$0xB], $0x1400, $0x38;
	[tilespmem:$0x1EE00] =	vst v63  }
0x5c: {  	s22 =	simm.s32 @!p0 $0x18780;
	s23 =	rddreg [dreg:$0x17]  }
0x5d: {  	[spmem:s23] =	stream.linear.scatter @!p0 [tilespmem:s22], [sflag:$0xB], $0x1400, $0x38;
	[tilespmem:$0x1EE00] =	vst v63  }
0x5e: {  	_ =	swait.ge [sflag:s31], $0x1400  }
0x5f: {  	[sflag:s31] =	ssyncset.done $0x0  }
0x60: {  	[sflag:s31] =	ssyncadd.s32 $0xFFFFEC00  }
0x61: {  	_ =	swait.ge [sflag:s31], $0x1400  }
0x62: {  	[sflag:s31] =	ssyncset.done $0x0  }
0x63: {  	[sflag:s31] =	ssyncadd.s32 $0xFFFFEC00  }
0x64: {  	_ =	swait.ge [sflag:s31], $0x1400  }
0x65: {  	[sflag:s31] =	ssyncset.done $0x0  }
0x66: {  	[sflag:s31] =	ssyncadd.s32 $0xFFFFEC00  }
0x67: {  	_ =	swait.ge [sflag:s31], $0x1400  }
0x68: {  	[sflag:s31] =	ssyncset.done $0x0  }
0x69: {  	[sflag:s31] =	ssyncadd.s32 $0xFFFFEC00  }
0x6a: {  	_ =	swait.ge [sflag:s31], $0x1400  }
0x6b: {  	[sflag:s31] =	ssyncset.done $0x0  }
0x6c: {  	[sflag:s31] =	ssyncadd.s32 $0xFFFFEC00  }
0x6d: {  	_ =	swait.ge [sflag:s31], $0x1400  }
0x6e: {  	[sflag:s31] =	ssyncset.done $0x0  }
0x6f: {  	[sflag:s31] =	ssyncadd.s32 $0xFFFFEC00  }
0x70: {  	_ =	swait.ge [sflag:s31], $0x1400  }
0x71: {  	[sflag:s31] =	ssyncset.done $0x0  }
0x72: {  	[sflag:s31] =	ssyncadd.s32 $0xFFFFEC00  }
0x73: {  	_ =	swait.ge [sflag:s31], $0x1400  }
0x74: {  	[sflag:s31] =	ssyncset.done $0x0  }
0x75: {  	[sflag:s31] =	ssyncadd.s32 $0xFFFFEC00  }
0x76: {  	_ =	swait.ge [sflag:s31], $0x1400  }
0x77: {  	[sflag:s31] =	ssyncset.done $0x0  }
0x78: {  	[sflag:s31] =	ssyncadd.s32 $0xFFFFEC00  }
0x79: {  	_ =	swait.ge [sflag:s31], $0x1400  }
0x7a: {  	[sflag:s31] =	ssyncset.done $0x0  }
0x7b: {  	[sflag:s31] =	ssyncadd.s32 $0xFFFFEC00  }
0x7c: {  	_ =	swait.ge [sflag:s31], $0x1400  }
0x7d: {  	[sflag:s31] =	ssyncset.done $0x0  }
0x7e: {  	[sflag:s31] =	ssyncadd.s32 $0xFFFFEC00  }
0x7f: {  	_ =	swait.ge [sflag:s31], $0x1400  }
0x80: {  	[sflag:s31] =	ssyncset.done $0x0  }
0x81: {  	[sflag:s31] =	ssyncadd.s32 $0xFFFFEC00  }
0x82: {  	_ =	swait.ge [sflag:s31], $0x1400  }
0x83: {  	[sflag:s31] =	ssyncset.done $0x0  }
0x84: {  	[sflag:s31] =	ssyncadd.s32 $0xFFFFEC00  }
0x85: {  	_ =	swait.ge [sflag:s31], $0x1400  }
0x86: {  	[sflag:s31] =	ssyncset.done $0x0  }
0x87: {  	[sflag:s31] =	ssyncadd.s32 $0xFFFFEC00  }
0x88: {  	_ =	swait.ge [sflag:s31], $0x1400  }
0x89: {  	[sflag:s31] =	ssyncset.done $0x0  }
0x8a: {  	s22 =	simm.s32 @!p2 $0xB;
	[sflag:s31] =	ssyncadd.s32 $0xFFFFEC00  }
0x8b: {  	_ =	swait.ge @!p2 [sflag:s22], $0x1400  }
0x8c: {  	[sflag:s22] =	ssyncset.done @!p2 $0x0  }
0x8d: {  	[sflag:s22] =	ssyncadd.s32 @!p2 $0xFFFFEC00  }
0x8e: {  	[bflag:$0x0] =	sbarrier.arrive $0xFFFF  }
0x8f: {  	[tilespmem:s0], [sflag:$0x1] =	stream.indirect.gather [hbm4b:s4+s2], $0x80, s24, s2, $0xb8;
	[tilespmem:$0x1EE00] =	vst v63  }
0x90: {  	p3 =	por $0x1, $0x1;
	s24 =	simm.s32 $0x138A8  }
0x91: {  	[tilespmem:s3], [sflag:$0x2] =	stream.indirect.gather [hbm4b:s4+s2], $0x80, s24, s2, $0xb8;
	[tilespmem:$0x1EE00] =	vst v63  }
0x92: {  	s25 =	simm.s32 $0x138D0;
	s22 =	simm.s32 @!p3 $0x9  }
0x93: {  	[tilespmem:s5], [sflag:$0x3] =	stream.indirect.gather [hbm4b:s4+s2], $0x80, s25, s2, $0xb8;
	[tilespmem:$0x1EE00] =	vst v63  }
0x94: {  	_ =	swait.ge @!p3 [sflag:s22], $0x1400  }
0x95: {  	[sflag:s22] =	ssyncset.done @!p3 $0x0  }
0x96: {  	s26 =	simm.s32 $0x138F8;
	[sflag:s22] =	ssyncadd.s32 @!p3 $0xFFFFEC00  }
0x97: {  	[tilespmem:s6], [sflag:$0x4] =	stream.indirect.gather [hbm4b:s4+s2], $0x80, s26, s2, $0xb8;
	[tilespmem:$0x1EE00] =	vst v63  }
0x98: {  	_ =	swait.ge [sflag:s7], $0x1400  }
0x99: {  	[sflag:s7] =	ssyncset.done $0x0  }
0x9a: {  	s22 =	simm.s32 $0x0;
	[sflag:s7] =	ssyncadd.s32 $0xFFFFEC00  }
0x9b: {  	v1 =	vld [tilespmem:s22+$0x16000];
	_ =	sdelay $0x4  }
0x9c: {  	[tilespmem:$0x1EB80] =	vst v1  }
0x9d: {  	v1 =	vld [tilespmem:s22+$0x16010];
	_ =	sdelay $0x4  }
0x9e: {  	[tilespmem:$0x1EB90] =	vst v1  }
0x9f: {  	v1 =	vld [tilespmem:s22+$0x16020];
	_ =	sdelay $0x4  }
0xa0: {  	s24 =	simm.s32 @!p3 $0xA;
	s28 =	rddreg [dreg:$0x3];
	[tilespmem:$0x1EBA0] =	vst v1  }
0xa1: {  	[spmem:s1] =	stream.indirect.scatter.add.f32 [tilespmem:s0], [sflag:$0x6], $0x80, s28, s2, $0xb8;
	[tilespmem:$0x1EE00] =	vst v63  }
0xa2: {  	_ =	swait.ge @!p3 [sflag:s24], $0x1400  }
0xa3: {  	[sflag:s24] =	ssyncset.done @!p3 $0x0  }
0xa4: {  	s25 =	simm.s32 $0x13920;
	[sflag:s24] =	ssyncadd.s32 @!p3 $0xFFFFEC00  }
0xa5: {  	[tilespmem:s8], [sflag:$0x5] =	stream.indirect.gather [hbm4b:s4+s2], $0x80, s25, s2, $0xb8;
	[tilespmem:$0x1EE00] =	vst v63  }
0xa6: {  	_ =	swait.ge [sflag:s9], $0x1400  }
0xa7: {  	[sflag:s9] =	ssyncset.done $0x0  }
0xa8: {  	[sflag:s9] =	ssyncadd.s32 $0xFFFFEC00  }
0xa9: {  	v1 =	vld [tilespmem:s22+$0x16028];
	_ =	sdelay $0x4  }
0xaa: {  	[tilespmem:$0x1EC00] =	vst v1  }
0xab: {  	v1 =	vld [tilespmem:s22+$0x16038];
	_ =	sdelay $0x4  }
0xac: {  	[tilespmem:$0x1EC10] =	vst v1  }
0xad: {  	v1 =	vld [tilespmem:s22+$0x16048];
	_ =	sdelay $0x4  }
0xae: {  	s26 =	rddreg [dreg:$0x4];
	[tilespmem:$0x1EC20] =	vst v1  }
0xaf: {  	[spmem:s1] =	stream.indirect.scatter.add.f32 [tilespmem:s3], [sflag:$0x7], $0x80, s26, s2, $0xb8;
	[tilespmem:$0x1EE00] =	vst v63  }
0xb0: {  	p3 =	por $0x0, $0x0;
	_ =	swait.ge [sflag:s11], $0x1400  }
0xb1: {  	s23 =	simm.s32 @!p3 $0x18780;
	[sflag:s11] =	ssyncset.done $0x0  }
0xb2: {  	s24 =	simm.s32 @!p3 $0x13948;
	s25 =	simm.s32 @!p3 $0x28;
	[sflag:s11] =	ssyncadd.s32 $0xFFFFEC00  }
0xb3: {  	[tilespmem:s23], [sflag:$0x1] =	stream.indirect.gather @!p3 [hbm4b:s4+s25], $0x80, s24, s25, $0xb8;
	[tilespmem:$0x1EE00] =	vst v63  }
0xb4: {  	_ =	swait.ge [sflag:s12], $0x1400  }
0xb5: {  	[sflag:s12] =	ssyncset.done $0x0  }
0xb6: {  	[sflag:s12] =	ssyncadd.s32 $0xFFFFEC00  }
0xb7: {  	v1 =	vld [tilespmem:s22+$0x16050];
	_ =	sdelay $0x4  }
0xb8: {  	[tilespmem:$0x1EC80] =	vst v1  }
0xb9: {  	v1 =	vld [tilespmem:s22+$0x16060];
	_ =	sdelay $0x4  }
0xba: {  	[tilespmem:$0x1EC90] =	vst v1  }
0xbb: {  	v1 =	vld [tilespmem:s22+$0x16070];
	_ =	sdelay $0x4  }
0xbc: {  	s28 =	rddreg [dreg:$0x5];
	[tilespmem:$0x1ECA0] =	vst v1  }
0xbd: {  	[spmem:s1] =	stream.indirect.scatter.add.f32 [tilespmem:s5], [sflag:$0x8], $0x80, s28, s2, $0xb8;
	[tilespmem:$0x1EE00] =	vst v63  }
0xbe: {  	_ =	swait.ge [sflag:s13], $0x1400  }
0xbf: {  	[sflag:s13] =	ssyncset.done $0x0  }
0xc0: {  	s23 =	simm.s32 @!p3 $0x13970;
	s24 =	simm.s32 @!p3 $0x19B80;
	[sflag:s13] =	ssyncadd.s32 $0xFFFFEC00  }
0xc1: {  	[tilespmem:s24], [sflag:$0x2] =	stream.indirect.gather @!p3 [hbm4b:s4+s25], $0x80, s23, s25, $0xb8;
	[tilespmem:$0x1EE00] =	vst v63  }
0xc2: {  	_ =	swait.ge [sflag:s14], $0x1400  }
0xc3: {  	[sflag:s14] =	ssyncset.done $0x0  }
0xc4: {  	[sflag:s14] =	ssyncadd.s32 $0xFFFFEC00  }
0xc5: {  	v1 =	vld [tilespmem:s22+$0x16078];
	_ =	sdelay $0x4  }
0xc6: {  	[tilespmem:$0x1ED00] =	vst v1  }
0xc7: {  	v1 =	vld [tilespmem:s22+$0x16088];
	_ =	sdelay $0x4  }
0xc8: {  	[tilespmem:$0x1ED10] =	vst v1  }
0xc9: {  	v1 =	vld [tilespmem:s22+$0x16098];
	_ =	sdelay $0x4  }
0xca: {  	[tilespmem:$0x1ED20] =	vst v1  }
0xcb: {  	[spmem:s1] =	stream.indirect.scatter.add.f32 [tilespmem:s6], [sflag:$0x9], $0x80, s15, s2, $0xb8;
	[tilespmem:$0x1EE00] =	vst v63  }
0xcc: {  	_ =	swait.ge [sflag:s16], $0x1400  }
0xcd: {  	[sflag:s16] =	ssyncset.done $0x0  }
0xce: {  	s23 =	simm.s32 @!p3 $0x13998;
	s24 =	simm.s32 @!p3 $0x1AF80;
	[sflag:s16] =	ssyncadd.s32 $0xFFFFEC00  }
0xcf: {  	[tilespmem:s24], [sflag:$0x3] =	stream.indirect.gather @!p3 [hbm4b:s4+s25], $0x80, s23, s25, $0xb8;
	[tilespmem:$0x1EE00] =	vst v63  }
0xd0: {  	_ =	swait.ge [sflag:s17], $0x1400  }
0xd1: {  	[sflag:s17] =	ssyncset.done $0x0  }
0xd2: {  	[sflag:s17] =	ssyncadd.s32 $0xFFFFEC00  }
0xd3: {  	v1 =	vld [tilespmem:s22+$0x160A0];
	_ =	sdelay $0x4  }
0xd4: {  	[tilespmem:$0x1ED80] =	vst v1  }
0xd5: {  	v1 =	vld [tilespmem:s22+$0x160B0];
	_ =	sdelay $0x4  }
0xd6: {  	[tilespmem:$0x1ED90] =	vst v1  }
0xd7: {  	s29 =	simm.s32 $0x320;
	p4 =	por $0x0, $0x0;
	v1 =	vld [tilespmem:s22+$0x160C0];
	s22 =	simm.s32 $0x640  }
.LBB2_4:
0xd8: {  	_ =	sdelay $0x3  }
0xd9: {  	s25 =	simm.s32 @!p4 $0x9;
	[tilespmem:$0x1EDA0] =	vst v1  }
0xda: {  	[spmem:s1] =	stream.indirect.scatter.add.f32 [tilespmem:s8], [sflag:$0xA], $0x80, s18, s2, $0xb8;
	[tilespmem:$0x1EE00] =	vst v63  }
0xdb: {  	_ =	swait.ge @!p4 [sflag:s25], $0x1400  }
0xdc: {  	s23 =	sshra.s32 s29, $0x2;
	[sflag:s25] =	ssyncset.done @!p4 $0x0  }
0xdd: {  	s26 =	sadd.s32 $0x138F8, s23;
	[sflag:s25] =	ssyncadd.s32 @!p4 $0xFFFFEC00  }
0xde: {  	[tilespmem:s6], [sflag:$0x4] =	stream.indirect.gather [hbm4b:s4+s2], $0x80, s26, s2, $0xb8;
	[tilespmem:$0x1EE00] =	vst v63  }
0xdf: {  	_ =	swait.ge [sflag:s7], $0x1400  }
0xe0: {  	[sflag:s7] =	ssyncset.done $0x0  }
0xe1: {  	[sflag:s7] =	ssyncadd.s32 $0xFFFFEC00  }
0xe2: {  	v1 =	vld [tilespmem:s23+$0x16000];
	_ =	sdelay $0x4  }
0xe3: {  	[tilespmem:$0x1EB80] =	vst v1  }
0xe4: {  	v1 =	vld [tilespmem:s23+$0x16010];
	_ =	sdelay $0x4  }
0xe5: {  	[tilespmem:$0x1EB90] =	vst v1  }
0xe6: {  	v1 =	vld [tilespmem:s23+$0x16020];
	_ =	sdelay $0x4  }
0xe7: {  	s26 =	simm.s32 @!p4 $0xA;
	s28 =	rddreg [dreg:$0x3];
	[tilespmem:$0x1EBA0] =	vst v1  }
0xe8: {  	[spmem:s1] =	stream.indirect.scatter.add.f32 [tilespmem:s0], [sflag:$0x6], $0x80, s28, s2, $0xb8;
	[tilespmem:$0x1EE00] =	vst v63  }
0xe9: {  	_ =	swait.ge @!p4 [sflag:s26], $0x1400  }
0xea: {  	[sflag:s26] =	ssyncset.done @!p4 $0x0  }
0xeb: {  	[sflag:s26] =	ssyncadd.s32 @!p4 $0xFFFFEC00;
	s26 =	sadd.s32 $0x13920, s23  }
0xec: {  	[tilespmem:s8], [sflag:$0x5] =	stream.indirect.gather [hbm4b:s4+s2], $0x80, s26, s2, $0xb8;
	[tilespmem:$0x1EE00] =	vst v63  }
0xed: {  	_ =	swait.ge [sflag:s9], $0x1400  }
0xee: {  	[sflag:s9] =	ssyncset.done $0x0  }
0xef: {  	[sflag:s9] =	ssyncadd.s32 $0xFFFFEC00  }
0xf0: {  	v1 =	vld [tilespmem:s23+$0x16028];
	_ =	sdelay $0x4  }
0xf1: {  	[tilespmem:$0x1EC00] =	vst v1  }
0xf2: {  	v1 =	vld [tilespmem:s23+$0x16038];
	_ =	sdelay $0x4  }
0xf3: {  	[tilespmem:$0x1EC10] =	vst v1  }
0xf4: {  	v1 =	vld [tilespmem:s23+$0x16048];
	_ =	sdelay $0x4  }
0xf5: {  	s28 =	rddreg [dreg:$0x4];
	[tilespmem:$0x1EC20] =	vst v1  }
0xf6: {  	[spmem:s1] =	stream.indirect.scatter.add.f32 [tilespmem:s3], [sflag:$0x7], $0x80, s28, s2, $0xb8;
	[tilespmem:$0x1EE00] =	vst v63  }
0xf7: {  	p4 =	seq.s32 s29, $0x9920;
	_ =	swait.ge [sflag:s11], $0x1400  }
0xf8: {  	s26 =	sshra.s32 @!p4 s29, $0x2;
	s29 =	simm.s32 @!p4 $0x18780;
	[sflag:s11] =	ssyncset.done $0x0  }
0xf9: {  	s25 =	simm.s32 @!p4 $0x28;
	s28 =	sadd.s32 @!p4 $0x13948, s26;
	[sflag:s11] =	ssyncadd.s32 $0xFFFFEC00  }
0xfa: {  	[tilespmem:s29], [sflag:$0x1] =	stream.indirect.gather @!p4 [hbm4b:s4+s25], $0x80, s28, s25, $0xb8;
	[tilespmem:$0x1EE00] =	vst v63  }
0xfb: {  	_ =	swait.ge [sflag:s12], $0x1400  }
0xfc: {  	[sflag:s12] =	ssyncset.done $0x0  }
0xfd: {  	[sflag:s12] =	ssyncadd.s32 $0xFFFFEC00  }
0xfe: {  	v1 =	vld [tilespmem:s23+$0x16050];
	_ =	sdelay $0x4  }
0xff: {  	[tilespmem:$0x1EC80] =	vst v1  }
0x100: {  	v1 =	vld [tilespmem:s23+$0x16060];
	_ =	sdelay $0x4  }
0x101: {  	[tilespmem:$0x1EC90] =	vst v1  }
0x102: {  	v1 =	vld [tilespmem:s23+$0x16070];
	_ =	sdelay $0x3  }
0x103: {  	s24 =	smov.u32 s22  }
0x104: {  	s29 =	smov.u32 s24;
	s24 =	rddreg [dreg:$0x5];
	[tilespmem:$0x1ECA0] =	vst v1  }
0x105: {  	[spmem:s1] =	stream.indirect.scatter.add.f32 [tilespmem:s5], [sflag:$0x8], $0x80, s24, s2, $0xb8;
	[tilespmem:$0x1EE00] =	vst v63  }
0x106: {  	_ =	swait.ge [sflag:s13], $0x1400  }
0x107: {  	[sflag:s13] =	ssyncset.done $0x0  }
0x108: {  	s28 =	sadd.s32 @!p4 $0x13970, s26;
	s24 =	simm.s32 @!p4 $0x19B80;
	[sflag:s13] =	ssyncadd.s32 $0xFFFFEC00  }
0x109: {  	[tilespmem:s24], [sflag:$0x2] =	stream.indirect.gather @!p4 [hbm4b:s4+s25], $0x80, s28, s25, $0xb8;
	[tilespmem:$0x1EE00] =	vst v63  }
0x10a: {  	_ =	swait.ge [sflag:s14], $0x1400  }
0x10b: {  	[sflag:s14] =	ssyncset.done $0x0  }
0x10c: {  	[sflag:s14] =	ssyncadd.s32 $0xFFFFEC00  }
0x10d: {  	v1 =	vld [tilespmem:s23+$0x16078];
	_ =	sdelay $0x4  }
0x10e: {  	[tilespmem:$0x1ED00] =	vst v1  }
0x10f: {  	v1 =	vld [tilespmem:s23+$0x16088];
	_ =	sdelay $0x4  }
0x110: {  	[tilespmem:$0x1ED10] =	vst v1  }
0x111: {  	v1 =	vld [tilespmem:s23+$0x16098];
	_ =	sdelay $0x4  }
0x112: {  	[tilespmem:$0x1ED20] =	vst v1  }
0x113: {  	[spmem:s1] =	stream.indirect.scatter.add.f32 [tilespmem:s6], [sflag:$0x9], $0x80, s15, s2, $0xb8;
	[tilespmem:$0x1EE00] =	vst v63  }
0x114: {  	_ =	swait.ge [sflag:s16], $0x1400  }
0x115: {  	[sflag:s16] =	ssyncset.done $0x0  }
0x116: {  	s26 =	sadd.s32 @!p4 $0x13998, s26;
	s24 =	simm.s32 @!p4 $0x1AF80;
	[sflag:s16] =	ssyncadd.s32 $0xFFFFEC00  }
0x117: {  	[tilespmem:s24], [sflag:$0x3] =	stream.indirect.gather @!p4 [hbm4b:s4+s25], $0x80, s26, s25, $0xb8;
	[tilespmem:$0x1EE00] =	vst v63  }
0x118: {  	_ =	swait.ge [sflag:s17], $0x1400  }
0x119: {  	[sflag:s17] =	ssyncset.done $0x0  }
0x11a: {  	[sflag:s17] =	ssyncadd.s32 $0xFFFFEC00  }
0x11b: {  	v1 =	vld [tilespmem:s23+$0x160A0];
	_ =	sdelay $0x4  }
0x11c: {  	[tilespmem:$0x1ED80] =	vst v1  }
0x11d: {  	s22 =	sadd.s32 $0x320, s22;
	v1 =	vld [tilespmem:s23+$0x160B0]  }
0x11e: {  	p3 =	sne.s32 s22, $0x9C40  }
.Ltmp1:
0x11f: {  	_ = 	snop;
	(pc) =	sbr.rel @p3 .LBB2_4-.Ltmp1, $3  }
0x120: {  	_ =	sdelay $0x1  }
0x121: {  	[tilespmem:$0x1ED90] =	vst v1  }
0x122: {  	p4 =	seq.s32 s29, $0x0;
	v1 =	vld [tilespmem:s23+$0x160C0]  }
0x123: {  	_ =	sdelay $0x3  }
0x124: {  	s23 =	simm.s32 @!p4 $0x9;
	[tilespmem:$0x1EDA0] =	vst v1  }
0x125: {  	[spmem:s1] =	stream.indirect.scatter.add.f32 [tilespmem:s8], [sflag:$0xA], $0x80, s18, s2, $0xb8;
	[tilespmem:$0x1EE00] =	vst v63  }
0x126: {  	_ =	swait.ge @!p4 [sflag:s23], $0x1400  }
0x127: {  	s22 =	sshra.s32 s29, $0x2;
	[sflag:s23] =	ssyncset.done @!p4 $0x0  }
0x128: {  	s26 =	sadd.s32 $0x138F8, s22;
	[sflag:s23] =	ssyncadd.s32 @!p4 $0xFFFFEC00  }
0x129: {  	[tilespmem:s6], [sflag:$0x4] =	stream.indirect.gather [hbm4b:s4+s2], $0x80, s26, s2, $0xb8;
	[tilespmem:$0x1EE00] =	vst v63  }
0x12a: {  	_ =	swait.ge [sflag:s7], $0x1400  }
0x12b: {  	[sflag:s7] =	ssyncset.done $0x0  }
0x12c: {  	[sflag:s7] =	ssyncadd.s32 $0xFFFFEC00  }
0x12d: {  	v1 =	vld [tilespmem:s22+$0x16000];
	_ =	sdelay $0x4  }
0x12e: {  	[tilespmem:$0x1EB80] =	vst v1  }
0x12f: {  	v1 =	vld [tilespmem:s22+$0x16010];
	_ =	sdelay $0x4  }
0x130: {  	[tilespmem:$0x1EB90] =	vst v1  }
0x131: {  	v1 =	vld [tilespmem:s22+$0x16020];
	_ =	sdelay $0x4  }
0x132: {  	s24 =	simm.s32 @!p4 $0xA;
	s28 =	rddreg [dreg:$0x3];
	[tilespmem:$0x1EBA0] =	vst v1  }
0x133: {  	[spmem:s1] =	stream.indirect.scatter.add.f32 [tilespmem:s0], [sflag:$0x6], $0x80, s28, s2, $0xb8;
	[tilespmem:$0x1EE00] =	vst v63  }
0x134: {  	_ =	swait.ge @!p4 [sflag:s24], $0x1400  }
0x135: {  	[sflag:s24] =	ssyncset.done @!p4 $0x0  }
0x136: {  	s25 =	sadd.s32 $0x13920, s22;
	[sflag:s24] =	ssyncadd.s32 @!p4 $0xFFFFEC00  }
0x137: {  	[tilespmem:s8], [sflag:$0x5] =	stream.indirect.gather [hbm4b:s4+s2], $0x80, s25, s2, $0xb8;
	[tilespmem:$0x1EE00] =	vst v63  }
0x138: {  	_ =	swait.ge [sflag:s9], $0x1400  }
0x139: {  	[sflag:s9] =	ssyncset.done $0x0  }
0x13a: {  	[sflag:s9] =	ssyncadd.s32 $0xFFFFEC00  }
0x13b: {  	v1 =	vld [tilespmem:s22+$0x16028];
	_ =	sdelay $0x4  }
0x13c: {  	[tilespmem:$0x1EC00] =	vst v1  }
0x13d: {  	v1 =	vld [tilespmem:s22+$0x16038];
	_ =	sdelay $0x4  }
0x13e: {  	[tilespmem:$0x1EC10] =	vst v1  }
0x13f: {  	v1 =	vld [tilespmem:s22+$0x16048];
	_ =	sdelay $0x4  }
0x140: {  	s26 =	rddreg [dreg:$0x4];
	[tilespmem:$0x1EC20] =	vst v1  }
0x141: {  	[spmem:s1] =	stream.indirect.scatter.add.f32 [tilespmem:s3], [sflag:$0x7], $0x80, s26, s2, $0xb8;
	[tilespmem:$0x1EE00] =	vst v63  }
0x142: {  	p3 =	seq.s32 s29, $0x9920;
	_ =	swait.ge [sflag:s11], $0x1400  }
0x143: {  	s23 =	sshra.s32 @!p3 s29, $0x2;
	s24 =	simm.s32 @!p3 $0x18780;
	[sflag:s11] =	ssyncset.done $0x0  }
0x144: {  	s25 =	sadd.s32 @!p3 $0x13948, s23;
	s26 =	simm.s32 @!p3 $0x28;
	[sflag:s11] =	ssyncadd.s32 $0xFFFFEC00  }
0x145: {  	[tilespmem:s24], [sflag:$0x1] =	stream.indirect.gather @!p3 [hbm4b:s4+s26], $0x80, s25, s26, $0xb8;
	[tilespmem:$0x1EE00] =	vst v63  }
0x146: {  	_ =	swait.ge [sflag:s12], $0x1400  }
0x147: {  	[sflag:s12] =	ssyncset.done $0x0  }
0x148: {  	[sflag:s12] =	ssyncadd.s32 $0xFFFFEC00  }
0x149: {  	v1 =	vld [tilespmem:s22+$0x16050];
	_ =	sdelay $0x4  }
0x14a: {  	[tilespmem:$0x1EC80] =	vst v1  }
0x14b: {  	v1 =	vld [tilespmem:s22+$0x16060];
	_ =	sdelay $0x4  }
0x14c: {  	[tilespmem:$0x1EC90] =	vst v1  }
0x14d: {  	v1 =	vld [tilespmem:s22+$0x16070];
	_ =	sdelay $0x4  }
0x14e: {  	s28 =	rddreg [dreg:$0x5];
	[tilespmem:$0x1ECA0] =	vst v1  }
0x14f: {  	[spmem:s1] =	stream.indirect.scatter.add.f32 [tilespmem:s5], [sflag:$0x8], $0x80, s28, s2, $0xb8;
	[tilespmem:$0x1EE00] =	vst v63  }
0x150: {  	_ =	swait.ge [sflag:s13], $0x1400  }
0x151: {  	[sflag:s13] =	ssyncset.done $0x0  }
0x152: {  	s24 =	sadd.s32 @!p3 $0x13970, s23;
	s25 =	simm.s32 @!p3 $0x19B80;
	[sflag:s13] =	ssyncadd.s32 $0xFFFFEC00  }
0x153: {  	[tilespmem:s25], [sflag:$0x2] =	stream.indirect.gather @!p3 [hbm4b:s4+s26], $0x80, s24, s26, $0xb8;
	[tilespmem:$0x1EE00] =	vst v63  }
0x154: {  	_ =	swait.ge [sflag:s14], $0x1400  }
0x155: {  	[sflag:s14] =	ssyncset.done $0x0  }
0x156: {  	[sflag:s14] =	ssyncadd.s32 $0xFFFFEC00  }
0x157: {  	v1 =	vld [tilespmem:s22+$0x16078];
	_ =	sdelay $0x4  }
0x158: {  	[tilespmem:$0x1ED00] =	vst v1  }
0x159: {  	v1 =	vld [tilespmem:s22+$0x16088];
	_ =	sdelay $0x4  }
0x15a: {  	[tilespmem:$0x1ED10] =	vst v1  }
0x15b: {  	v1 =	vld [tilespmem:s22+$0x16098];
	_ =	sdelay $0x4  }
0x15c: {  	[tilespmem:$0x1ED20] =	vst v1  }
0x15d: {  	[spmem:s1] =	stream.indirect.scatter.add.f32 [tilespmem:s6], [sflag:$0x9], $0x80, s15, s2, $0xb8;
	[tilespmem:$0x1EE00] =	vst v63  }
0x15e: {  	_ =	swait.ge [sflag:s16], $0x1400  }
0x15f: {  	[sflag:s16] =	ssyncset.done $0x0  }
0x160: {  	s23 =	sadd.s32 @!p3 $0x13998, s23;
	s24 =	simm.s32 @!p3 $0x1AF80;
	[sflag:s16] =	ssyncadd.s32 $0xFFFFEC00  }
0x161: {  	[tilespmem:s24], [sflag:$0x3] =	stream.indirect.gather @!p3 [hbm4b:s4+s26], $0x80, s23, s26, $0xb8;
	[tilespmem:$0x1EE00] =	vst v63  }
0x162: {  	_ =	swait.ge [sflag:s17], $0x1400  }
0x163: {  	[sflag:s17] =	ssyncset.done $0x0  }
0x164: {  	[sflag:s17] =	ssyncadd.s32 $0xFFFFEC00  }
0x165: {  	v1 =	vld [tilespmem:s22+$0x160A0];
	_ =	sdelay $0x4  }
0x166: {  	[tilespmem:$0x1ED80] =	vst v1  }
0x167: {  	v1 =	vld [tilespmem:s22+$0x160B0];
	_ =	sdelay $0x4  }
0x168: {  	[tilespmem:$0x1ED90] =	vst v1  }
0x169: {  	v1 =	vld [tilespmem:s22+$0x160C0];
	_ =	sdelay $0x4  }
0x16a: {  	[tilespmem:$0x1EDA0] =	vst v1  }
0x16b: {  	[spmem:s1] =	stream.indirect.scatter.add.f32 [tilespmem:s8], [sflag:$0xA], $0x80, s18, s2, $0xb8;
	[tilespmem:$0x1EE00] =	vst v63  }
0x16c: {  	_ =	swait.ge [sflag:s19], $0x1400  }
0x16d: {  	[sflag:s19] =	ssyncset.done $0x0  }
0x16e: {  	[sflag:s19] =	ssyncadd.s32 $0xFFFFEC00  }
0x16f: {  	_ =	swait.ge [sflag:s20], $0x1400  }
0x170: {  	[sflag:s20] =	ssyncset.done $0x0  }
0x171: {  	[sflag:s20] =	ssyncadd.s32 $0xFFFFEC00  }
0x172: {  	[bflag:$0x0] =	sbarrier.arrive $0xFFFF  }
0x173: {  	s23 =	rddreg [dreg:$0x9]  }
0x174: {  	s22 =	simm.s32 @p1 $0x1FCC;
	s24 =	rddreg [dreg:$0x18]  }
0x175: {  	[hbm:s23], [sflag:s22] =	dma.local @p1 [spmem:s24], $0x1900  }
0x176: {  	s22 =	simm.s32 @p1 $0xC  }
0x177: {  	s23 =	stileid.u32;
	_ =	swait.ge @p1 [sflag:s22], $0x1900  }
0x178: {  	s23 =	sshll.u32 @!p1 s23, $0x6;
	[sflag:s22] =	ssyncset.done @p1 $0x0;
	s24 =	rddreg [dreg:$0x19]  }
0x179: {  	[sflag:s22] =	ssyncadd.s32 @p1 $0xFFFFE700;
	s22 =	sor.u32 @!p1 $0x1C0C, s23;
	s23 =	rddreg [dreg:$0x8]  }
0x17a: {  	[hbm:s23], [sflag:s22] =	dma.local @!p1 [spmem:s24], $0x2800  }
0x17b: {  	s22 =	simm.s32 @!p1 $0xC  }
0x17c: {  	_ =	swait.ge @!p1 [sflag:s22], $0x2800  }
0x17d: {  	s21 =	sadd.s32 $0x1, s21;
	s29 =	rddreg [dreg:$0xa]  }
0x17e: {  	p3 =	sne.s32 s21, s29  }
.Ltmp2:
0x17f: {  	_ = 	snop;
	(pc) =	sbr.rel @p3 .LBB2_1-.Ltmp2, $3  }
0x180: {  	_ =	sdelay $0x1  }
0x181: {  	[sflag:s22] =	ssyncset.done @!p1 $0x0  }
0x182: {  	s24 =	simm.s32 $0x13880;
	[sflag:s22] =	ssyncadd.s32 @!p1 $0xFFFFD800  }
0x183: {  	_ =	sfence.sel $0x180000  }
0x184: {  	[bflag:$0x0] =	sbarrier.arrive $0xFFFF  }
0x185: {  	_ =	strace $0x9000004D  }
0x186: {  	s0 =	stileid.u32;
	[bflag:$0x2] =	sbarrier.arrive $0xFFFF  }
0x187: {  	p0 =	sne.s32 s0, $0x0;
	s0 =	rddreg [dreg:$0x2]  }
0x188: {  	s0 =	sadd.s32 @!p0 $0x100000, s0  }
0x189: {  	[sflag:s0] =	ssyncadd.tile.s32 @!p0 $0x1;
	_ =	shalt  }
.Lfunc_end2:
_tile_overlayer_lowered:
.L_overlay_start_2:
0x18a: {  	(tag) =	ssettag $0x2  }
0x18b: {  	s0 =	rddreg [dreg:$0x0];
	s2 =	stileid.u32  }
0x18c: {  	s1 =	rddreg [dreg:$0x1];
	p0 =	sne.s32 s2, $0x0  }
0x18d: {  	s3 =	rddreg [dreg:$0x2];
	[bflag:$0x3] =	sbarrier.arrive $0xFFFF;
	s2 =	simm.s32 @!p0 $0x1C0C  }
0x18e: {  	[timem:s3], [sflag:s2] =	dma.local @!p0 [hbm:s0], s1  }
0x18f: {  	s0 =	simm.s32 @!p0 $0xC  }
0x190: {  	_ =	swait.ge @!p0 [sflag:s0], s1  }
0x191: {  	s1 =	ssub.s32 @!p0 $0x0, s1;
	[sflag:s0] =	ssyncset.done @!p0 $0x0  }
0x192: {  	[sflag:s0] =	ssyncadd.s32 @!p0 s1  }
0x193: {  	[bflag:$0x3] =	sbarrier.arrive $0xFFFF  }
0x194: {  	_ =	shalt  }

// kernel: kernel.8.cloned.1.call-start
scs
__scs_entry_jumppad:
0x0: {  	(pc) =	sbr.rel $0x88, $3  }
0x1: {  	(tag) =	ssettag $0x0;
	lr =	simm.s32 $0x1  }
0x2: {  	[smem:$0x3F88] =	sst lr;
	_ =	strace $0xD0000000  }
0x3: {  	_ = 	snop  }
0x4: {  	_ = 	snop  }
0x5: {  	_ = 	snop  }
0x6: {  	_ = 	snop  }
0x7: {  	_ = 	snop  }
__scs_overlays_trampoline_lowered:
0x8: {  	[smem:$0x3F97] =	sst s0  }
0x9: {  	[smem:$0x3F98] =	sst s1  }
0xa: {  	[smem:$0x3F99] =	sst s2  }
0xb: {  	[smem:$0x3F9A] =	sst s3  }
0xc: {  	[smem:$0x3F9B] =	sst s4  }
0xd: {  	[smem:$0x3F9C] =	sst s5  }
0xe: {  	[smem:$0x3F9D] =	sst s6  }
0xf: {  	[smem:$0x3F9E] =	sst s7  }
0x10: {  	[smem:$0x3F9F] =	sst s8  }
0x11: {  	[smem:$0x3FA0] =	sst s9;
	s0 =	simm.s32 @!p0 $0x0  }
0x12: {  	s1 =	sld [smem:$0x3F86];
	s0 =	simm.s32 @p0 $0x1  }
0x13: {  	[smem:$0x3FA1] =	sst s0;
	s0 =	simm.s32 @!p1 $0x0  }
0x14: {  	s2 =	sld [smem:$0x3F85];
	s0 =	simm.s32 @p1 $0x1  }
0x15: {  	[smem:$0x3FA2] =	sst s0;
	s0 =	simm.s32 @!p2 $0x0  }
0x16: {  	s3 =	sld [smem:$0x3FDB];
	s0 =	simm.s32 @p2 $0x1  }
0x17: {  	s4 =	simm.s32 $0x1BF5;
	[smem:$0x3FA4] =	sst s0  }
0x18: {  	s0 =	sld [smem:$0x3F87];
	_ =	swait.ge [sflag:s4], $0x0  }
0x19: {  	s7 =	sld [smem:$0x3F88]  }
0x1a: {  	s8 =	sadd.s32 $0xFFFFE003, lr  }
0x1b: {  	s9 =	sadd.s32 $0xFFFFFEF7, lr;
	s5 =	simm.s32 $0xFFFFFFFF;
	p2 =	slt.u32 s8, $0xFFFFF086  }
0x1c: {  	p1 =	slt.u32 s9, $0xF7A;
	s5 =	simm.s32 @!p2 $0x0  }
0x1d: {  	s5 =	simm.s32 @p1 $0x1;
	p0 =	seq.s32 s7, s2  }
0x1e: {  	s7 =	smul.u32 @!p0 $0xF7A, s2;
	p2 =	seq.s32 @!p0 s5, $0x0  }
0x1f: {  	s9 =	smul.u32 $0xF7A, s1;
	s8 =	simm.s32 @!p0 $0x1BF5;
	p2 =	por !p2, p0  }
0x20: {  	[sflag:s8] =	ssyncset.s32 @!p0 $0xFFFFF086;
	s6 =	sadd.s32 @!p0 s3, s7;
	s7 =	simm.s32 @!p0 $0x108  }
0x21: {  	s3 =	sadd.s32 s3, s9;
	s6 =	sadd.s32 @!p0 $0x88, s6;
	s7 =	simm.s32 @p2 $0x1082  }
0x22: {  	[simem:s7], [sflag:s8] =	dma.local @!p0 [hbm:s6], $0xF7A  }
0x23: {  	s9 =	sor.u32 $0xD0000000, s2;
	s6 =	simm.s32 $0x108;
	_ =	swait.ge @!p0 [sflag:s8], $0x0  }
0x24: {  	s3 =	sadd.s32 $0x88, s3;
	s6 =	simm.s32 @!p1 $0x1082;
	[sflag:s4] =	ssyncset.s32 $0xFFFFF086  }
0x25: {  	[simem:s6], [sflag:s4] =	dma.local [hbm:s3], $0xF7A  }
0x26: {  	[smem:$0x3F88] =	sst s1;
	(tag) =	ssettag s2;
	_ =	strace s9  }
0x27: {  	s1 =	sld [smem:$0x3F98]  }
0x28: {  	s2 =	sld [smem:$0x3F99]  }
0x29: {  	s4 =	sld [smem:$0x3F9B]  }
0x2a: {  	p0 =	seq.s32 s5, $0x0;
	s5 =	sld [smem:$0x3F9C]  }
0x2b: {  	s6 =	sld [smem:$0x3F9D]  }
0x2c: {  	s7 =	sld [smem:$0x3F9E]  }
0x2d: {  	s3 =	simm.s32 $0x108;
	s8 =	sld [smem:$0x3F9F]  }
0x2e: {  	s3 =	simm.s32 @!p0 $0x1082;
	s9 =	sld [smem:$0x3FA0]  }
0x2f: {  	lr =	sadd.s32 s0, s3;
	s0 =	sld [smem:$0x3F97]  }
0x30: {  	s3 =	sld [smem:$0x3F9A]  }
0x31: {  	[smem:$0x3FA3] =	sst s10  }
0x32: {  	s10 =	sld [smem:$0x3FA1];
	_ =	sdelay $0x3  }
0x33: {  	p0 =	seq.s32 s10, $0x1;
	s10 =	sld [smem:$0x3FA3];
	_ =	sdelay $0x3  }
0x34: {  	[smem:$0x3FA3] =	sst s10  }
0x35: {  	s10 =	sld [smem:$0x3FA2];
	_ =	sdelay $0x3  }
0x36: {  	p1 =	seq.s32 s10, $0x1;
	s10 =	sld [smem:$0x3FA3];
	_ =	sdelay $0x3  }
0x37: {  	[smem:$0x3FA3] =	sst s10  }
0x38: {  	s10 =	sld [smem:$0x3FA4]  }
0x39: {  	_ = 	snop;
	(pc) =	sbr.ind lr, $3  }
0x3a: {  	_ = 	snop  }
0x3b: {  	_ = 	snop  }
0x3c: {  	p2 =	seq.s32 s10, $0x1;
	s10 =	sld [smem:$0x3FA3]  }
0x3d: {  	_ =	shalt  }
0x3e: {  	_ =	shalt  }
0x3f: {  	_ =	shalt  }
0x40: {  	_ =	shalt  }
0x41: {  	_ =	shalt  }
0x42: {  	_ =	shalt  }
0x43: {  	_ =	shalt  }
0x44: {  	_ =	shalt  }
0x45: {  	_ =	shalt  }
0x46: {  	_ =	shalt  }
0x47: {  	_ =	shalt  }
0x48: {  	_ =	shalt  }
0x49: {  	_ =	shalt  }
0x4a: {  	_ =	shalt  }
0x4b: {  	_ =	shalt  }
0x4c: {  	_ =	shalt  }
0x4d: {  	_ =	shalt  }
0x4e: {  	_ =	shalt  }
0x4f: {  	_ =	shalt  }
0x50: {  	_ =	shalt  }
0x51: {  	_ =	shalt  }
0x52: {  	_ =	shalt  }
0x53: {  	_ =	shalt  }
0x54: {  	_ =	shalt  }
0x55: {  	_ =	shalt  }
0x56: {  	_ =	shalt  }
0x57: {  	_ =	shalt  }
0x58: {  	_ =	shalt  }
0x59: {  	_ =	shalt  }
0x5a: {  	_ =	shalt  }
0x5b: {  	_ =	shalt  }
0x5c: {  	_ =	shalt  }
0x5d: {  	_ =	shalt  }
0x5e: {  	_ =	shalt  }
0x5f: {  	_ =	shalt  }
0x60: {  	_ =	shalt  }
0x61: {  	_ =	shalt  }
0x62: {  	_ =	shalt  }
0x63: {  	_ =	shalt  }
0x64: {  	_ =	shalt  }
0x65: {  	_ =	shalt  }
0x66: {  	_ =	shalt  }
0x67: {  	_ =	shalt  }
0x68: {  	_ =	shalt  }
0x69: {  	_ =	shalt  }
0x6a: {  	_ =	shalt  }
0x6b: {  	_ =	shalt  }
0x6c: {  	_ =	shalt  }
0x6d: {  	_ =	shalt  }
0x6e: {  	_ =	shalt  }
0x6f: {  	_ =	shalt  }
0x70: {  	_ =	shalt  }
0x71: {  	_ =	shalt  }
0x72: {  	_ =	shalt  }
0x73: {  	_ =	shalt  }
0x74: {  	_ =	shalt  }
0x75: {  	_ =	shalt  }
0x76: {  	_ =	shalt  }
0x77: {  	_ =	shalt  }
0x78: {  	_ =	shalt  }
0x79: {  	_ =	shalt  }
0x7a: {  	_ =	shalt  }
0x7b: {  	_ =	shalt  }
0x7c: {  	_ =	shalt  }
0x7d: {  	_ =	shalt  }
0x7e: {  	_ =	shalt  }
0x7f: {  	_ =	shalt  }
0x80: {  	_ =	shalt  }
0x81: {  	_ =	shalt  }
0x82: {  	_ =	shalt  }
0x83: {  	_ =	shalt  }
0x84: {  	_ =	shalt  }
0x85: {  	_ =	shalt  }
0x86: {  	_ =	shalt  }
0x87: {  	_ =	shalt  }
.Lfunc_end0:
.L_simem_size_0:
called_computation_lowered:
.L_overlay_start_0:
0x88: {  	s2 =	sld [smem:$0x3FD9]  }
0x89: {  	s3 =	sld [smem:$0x3FFE];
	_ =	sdelay $0x1  }
0x8a: {  	s1 =	srdreg.scid  }
0x8b: {  	s0 =	sand.u32 $0x1, s1  }
0x8c: {  	s17 =	sshll.u32 s0, $0xA;
	s2 =	sadd.s32 s3, s2  }
0x8d: {  	s2 =	sadd.s32 s2, s17  }
0x8e: {  	[smem:$0x3FAF] =	sst s2  }
0x8f: {  	_ = 	snop  }
0x90: {  	s2 =	sld [smem:$0x3FC9];
	(tm) =	ssettm $0x1  }
0x91: {  	s18 =	sld [smem:$0x3FFB];
	_ =	sdelay $0x3  }
0x92: {  	_ =	strace s18  }
0x93: {  	s3 =	sld [smem:$0x3FFC];
	_ =	sdelay $0x3  }
0x94: {  	_ =	strace s3  }
0x95: {  	s3 =	sld [smem:$0x3FFD];
	_ =	sdelay $0x3  }
0x96: {  	_ =	strace s3  }
0x97: {  	_ =	strace $0x8FFFFFFF  }
0x98: {  	s19 =	sld [smem:$0x3FDB];
	_ =	sdelay $0x1  }
0x99: {  	s4 =	simm.s32 $_scs_section_size  }
0x9a: {  	s5 =	simm.s32 $_size__tile_overlayer_lowered;
	s6 =	simm.s32 $_tile_overlayer_lowered  }
0x9b: {  	s22 =	simm.s32 $0x1BFF;
	s21 =	sshll.u32 s6, $0x1;
	s3 =	sadd.s32 s4, s19  }
0x9c: {  	s7 =	simm.s32 $0x0;
	s20 =	sshll.u32 s5, $0x1;
	s5 =	sadd.s32 s21, s3  }
0x9d: {  	[timem:s7], [sflag:s22] =	dma.local [hbm:s5], s20  }
0x9e: {  	_ =	swait.ge [sflag:s22], s20  }
0x9f: {  	s4 =	ssub.s32 $0x0, s20;
	[sflag:s22] =	ssyncset.done $0x0  }
0xa0: {  	[sflag:s22] =	ssyncadd.s32 s4;
	_ =	sdelay $0x1  }
0xa1: {  	s23 =	simm.s32 $0x1B8B  }
0xa2: {  	_ =	swait.ge [sflag:s23], $0x1  }
0xa3: {  	[sflag:s23] =	ssyncset.done $0x0  }
0xa4: {  	s25 =	simm.s32 $0x1B8E;
	s24 =	sld [smem:$0x3FFE];
	[sflag:s23] =	ssyncadd.s32 $0xFFFFFFFF  }
0xa5: {  	s26 =	simm.s32 $execute0_lowered;
	[smem:$0x3FD2] =	sst s25  }
0xa6: {  	s5 =	sshll.u32 s26, $0x1;
	_ =	strace $0x80000046;
	[dreg:$0x1] =	wrdreg $0xFFFFFFFF  }
0xa7: {  	s28 =	simm.s32 $_size_execute0_lowered;
	s3 =	sadd.s32 s3, s5;
	[dreg:$0x0] =	wrdreg $0x0  }
0xa8: {  	s5 =	sshll.u32 s28, $0x1;
	[dreg:$0x2] =	wrdreg s3  }
0xa9: {  	[dreg:$0x3] =	wrdreg s5  }
0xaa: {  	[dreg:$0x4] =	wrdreg $0xC0  }
0xab: {  	_ =	task [dreg:s7], $0x5FFFF  }
0xac: {  	[dreg:$0x1] =	wrdreg $0xFFFFFFFF  }
0xad: {  	[dreg:$0x0] =	wrdreg $0x60  }
0xae: {  	[dreg:$0x2] =	wrdreg s2  }
0xaf: {  	[dreg:$0x3] =	wrdreg s24  }
0xb0: {  	[dreg:$0x4] =	wrdreg $0x0  }
0xb1: {  	[dreg:$0x5] =	wrdreg $0x9  }
0xb2: {  	_ =	task.clear_ibuf [dreg:s7], $0x6FFFF;
	_ =	strace $0x90000046  }
0xb3: {  	s29 =	simm.s32 $0x9;
	_ =	strace $0x80000048  }
0xb4: {  	_ =	swait.ge [sflag:s29], $0x1  }
0xb5: {  	[sflag:s29] =	ssyncadd.s32 $0xFFFFFFFF  }
0xb6: {  	_ =	strace $0x90000048  }
0xb7: {  	_ =	sfence  }
0xb8: {  	s30 =	sld [smem:$0x0];
	_ =	sdelay $0x2  }
0xb9: {  	s31 =	sshll.u32 s1, $0xD;
	s1 =	sshrl.u32 s1, $0x2  }
0xba: {  	s3 =	sand.u32 $0x4000, s31;
	s1 =	sadd.s32 s1, s30  }
0xbb: {  	s0 =	sor.u32 s3, s0;
	s1 =	sshll.u32 s1, $0x11  }
0xbc: {  	s0 =	sor.u32 s1, s0  }
0xbd: {  	s0 =	sadd.s32 $0x8F2B, s0  }
0xbe: {  	[sflag:s0] =	ssyncadd.remote.s32 $0x1  }
0xbf: {  	_ =	sfence.sel $0xFFFF  }
0xc0: {  	[dreg:$0x0] =	wrdreg $0xFFFFFFFF;
	(pc) =	sbr.abs _section_cstart, $3  }
0xc1: {  	[dreg:$0x1] =	wrdreg $0xFFFFFFFF  }
0xc2: {  	_ =	task.clear_ibuf [dreg:s7], $0x2FFFF;
	_ =	strace $0x9FFFFFFF  }
0xc3: {  	(tm) =	ssettm $0x7FFFFFFF  }
tec
execute0_lowered:
.L_overlay_start_1:
0x0: {  	(tag) =	ssettag $0x1  }
0x1: {  	s0 =	rddreg [dreg:$0x0]  }
0x2: {  	s1 =	srdreg.scid;
	s2 =	rddreg [dreg:$0x1]  }
0x3: {  	s3 =	rddreg [dreg:$0x2];
	s9 =	stileid.u32;
	s5 =	simm.s32 $0x0  }
0x4: {  	s19 =	simm.s32 $0x1EB80;
	s21 =	simm.s32 $0x1EC00;
	s6 =	smul.u32 $0x50000, s9  }
0x5: {  	s30 =	simm.s32 $0xC;
	s31 =	simm.s32 $0xB;
	s23 =	smul.u32 $0x2800, s9  }
0x6: {  	s1 =	sand.u32 $0x1, s1;
	[smem:$0x7FF] =	sst s5;
	s26 =	smul.u32 $0x5000, s9  }
0x7: {  	s4 =	sshll.u32 s1, $0x4;
	_ =	strace $0x80000047;
	s8 =	smul.u32 $0x27100, s1  }
0x8: {  	s22 =	ssub.s32 $0x2, s1;
	s1 =	smul.u32 $0x138800, s1;
	[dreg:$0x4] =	wrdreg s19  }
0x9: {  	[dreg:$0x5] =	wrdreg s21;
	s4 =	sor.u32 s9, s4;
	s7 =	sshrl.u32 s22, $0x1  }
0xa: {  	s24 =	sshrl.u32 s6, $0x2;
	s28 =	sshrl.u32 s26, $0x2;
	s4 =	smul.u32 $0x4E2, s4  }
0xb: {  	s5 =	ssub.s32 s22, s7;
	s25 =	sadd.s32 s23, s8;
	s22 =	simm.s32 $0x1EC80  }
0xc: {  	s29 =	smax.u32 s5, $0x1;
	[dreg:$0x6] =	wrdreg s22;
	s4 =	sadd.s32 s4, s2  }
0xd: {  	s1 =	sshrl.u32 s1, $0x3;
	[dreg:$0xb] =	wrdreg s29;
	s10 =	sadd.s32 $0xE600, s4  }
0xe: {  	s2 =	sadd.s32 $0x18400, s2;
	s4 =	sadd.s32 $0x4800, s4;
	[dreg:$0x7] =	wrdreg s10  }
0xf: {  	s6 =	sadd.s32 s2, s25;
	s1 =	sadd.s32 s2, s1;
	[dreg:$0x8] =	wrdreg s4  }
0x10: {  	[dreg:$0x9] =	wrdreg s6;
	s1 =	sadd.s32 $0x25800, s1;
	s10 =	sadd.s32 s28, s3  }
0x11: {  	s18 =	sor.u32 $0xF0, s9;
	[dreg:$0xa] =	wrdreg s1;
	s5 =	sadd.s32 $0x14000, s10  }
0x12: {  	p1 =	seq.s32 s9, $0xF;
	s7 =	sadd.s32 $0x28000, s10;
	[dreg:$0xc] =	wrdreg s5  }
0x13: {  	p2 =	sgt.u32 s9, $0x9;
	s8 =	sadd.s32 $0x3C000, s10;
	[dreg:$0xd] =	wrdreg s7  }
0x14: {  	s20 =	smul.u32 $0x5000, s18;
	s11 =	sadd.s32 $0x50000, s10;
	[dreg:$0xe] =	wrdreg s8  }
0x15: {  	p0 =	sgt.u32 s18, $0xF9;
	s12 =	sadd.s32 $0x64000, s10;
	[dreg:$0xf] =	wrdreg s11  }
0x16: {  	s18 =	simm.s32 $0x1ED80;
	s13 =	sadd.s32 $0x78000, s10;
	[dreg:$0x10] =	wrdreg s12  }
0x17: {  	s19 =	simm.s32 $0x9;
	s14 =	sadd.s32 $0x8C000, s10;
	[dreg:$0x11] =	wrdreg s13  }
0x18: {  	s21 =	simm.s32 $0x0;
	s15 =	sadd.s32 $0xA0000, s10;
	[dreg:$0x12] =	wrdreg s14  }
0x19: {  	s9 =	simm.s32 $0x2;
	s16 =	sadd.s32 $0xB4000, s10;
	[dreg:$0x13] =	wrdreg s15  }
0x1a: {  	s2 =	simm.s32 $0x28;
	s17 =	sadd.s32 $0xC8000, s10;
	[dreg:$0x14] =	wrdreg s16  }
0x1b: {  	s4 =	sadd.s32 s24, s3;
	s23 =	sadd.s32 $0xDC000, s10;
	[dreg:$0x15] =	wrdreg s17  }
0x1c: {  	s24 =	sshrl.u32 s20, $0x2;
	s25 =	sadd.s32 $0xF0000, s10;
	[dreg:$0x16] =	wrdreg s23  }
0x1d: {  	s6 =	sadd.s32 $0x12C000, s3;
	s26 =	sadd.s32 s24, s3;
	[dreg:$0x17] =	wrdreg s25  }
0x1e: {  	s20 =	simm.s32 $0xA;
	s1 =	sshrl.u32 @p1 s6, $0x3;
	[dreg:$0x18] =	wrdreg s26  }
0x1f: {  	s28 =	sadd.s32 $0x104000, s10;
	s29 =	sadd.s32 $0x118000, s10;
	[dreg:$0x19] =	wrdreg s1  }
0x20: {  	s24 =	simm.s32 $0x13880;
	s6 =	simm.s32 $0x1C380;
	[dreg:$0x1b] =	wrdreg s28  }
0x21: {  	s1 =	sshrl.u32 @!p1 s4, $0x3;
	[dreg:$0x1c] =	wrdreg s29;
	s4 =	simm.s32 $0x19B80  }
0x22: {  	s5 =	simm.s32 $0x1AF80;
	s7 =	simm.s32 $0x1;
	s8 =	simm.s32 $0x1D780  }
0x23: {  	s11 =	simm.s32 $0x6;
	s12 =	simm.s32 $0x3;
	s13 =	simm.s32 $0x7  }
0x24: {  	s14 =	simm.s32 $0x4;
	s15 =	simm.s32 $0x1ED00;
	s16 =	simm.s32 $0x8  }
0x25: {  	v0 =	vimm.f32 $0.0e+00;
	s17 =	simm.s32 $0x5;
	[dreg:$0x1a] =	wrdreg s1;
	s1 =	simm.s32 $0x18780  }
.LBB2_1:
0x26: {  	s22 =	simm.s32 $0x0;
	s23 =	rddreg [dreg:$0x7]  }
0x27: {  	[tilespmem:s24], [sflag:$0xC] =	stream.linear.gather [hbm4b:s23+s22], $0x2710, $0x38;
	[tilespmem:$0x1EE00] =	vst v63  }
0x28: {  	_ =	swait.ge [sflag:s30], $0x2710  }
0x29: {  	[sflag:s30] =	ssyncset.done $0x0  }
0x2a: {  	s25 =	simm.s32 $0x16000;
	s29 =	rddreg [dreg:$0x8];
	[sflag:s30] =	ssyncadd.s32 $0xFFFFD8F0  }
0x2b: {  	[tilespmem:s25], [sflag:$0xC] =	stream.linear.gather [hbm4b:s29+s22], $0x2710, $0x38;
	[tilespmem:$0x1EE00] =	vst v63  }
0x2c: {  	_ =	swait.ge [sflag:s30], $0x2710  }
0x2d: {  	[sflag:s30] =	ssyncset.done $0x0  }
0x2e: {  	s23 =	simm.s32 $0x200;
	s22 =	simm.s32 $0x0;
	[sflag:s30] =	ssyncadd.s32 $0xFFFFD8F0  }
.LBB2_2:
0x2f: {  	p3 =	sne.s32 s23, $0x4E00;
	[tilespmem:s22+$0x187F0] =	vst v0  }
0x30: {  	[tilespmem:s22+$0x18780] =	vst v0  }
0x31: {  	[tilespmem:s22+$0x18790] =	vst v0  }
.Ltmp0:
0x32: {  	[tilespmem:s22+$0x187A0] =	vst v0;
	(pc) =	sbr.rel @p3 .LBB2_2-.Ltmp0, $4  }
0x33: {  	[tilespmem:s22+$0x187B0] =	vst v0  }
0x34: {  	[tilespmem:s22+$0x187C0] =	vst v0  }
0x35: {  	[tilespmem:s22+$0x187D0] =	vst v0  }
0x36: {  	[tilespmem:s22+$0x187E0] =	vst v0;
	s22 =	sshra.s32 s23, $0x2;
	s23 =	sadd.s32 $0x200, s23  }
0x37: {  	[tilespmem:s22+$0x187F0] =	vst v0  }
0x38: {  	[tilespmem:s22+$0x18780] =	vst v0  }
0x39: {  	[tilespmem:s22+$0x18790] =	vst v0  }
0x3a: {  	[tilespmem:s22+$0x187A0] =	vst v0  }
0x3b: {  	[tilespmem:s22+$0x187B0] =	vst v0  }
0x3c: {  	[tilespmem:s22+$0x187C0] =	vst v0  }
0x3d: {  	[tilespmem:s22+$0x187D0] =	vst v0  }
0x3e: {  	[tilespmem:s22+$0x187E0] =	vst v0  }
0x3f: {  	[spmem:s10] =	stream.linear.scatter [tilespmem:s1], [sflag:$0xB], $0x1400, $0x38;
	[tilespmem:$0x1EE00] =	vst v63  }
0x40: {  	s28 =	rddreg [dreg:$0xc]  }
0x41: {  	[spmem:s28] =	stream.linear.scatter [tilespmem:s1], [sflag:$0xB], $0x1400, $0x38;
	[tilespmem:$0x1EE00] =	vst v63  }
0x42: {  	s23 =	rddreg [dreg:$0xd]  }
0x43: {  	[spmem:s23] =	stream.linear.scatter [tilespmem:s1], [sflag:$0xB], $0x1400, $0x38;
	[tilespmem:$0x1EE00] =	vst v63  }
0x44: {  	s25 =	rddreg [dreg:$0xe]  }
0x45: {  	[spmem:s25] =	stream.linear.scatter [tilespmem:s1], [sflag:$0xB], $0x1400, $0x38;
	[tilespmem:$0x1EE00] =	vst v63  }
0x46: {  	s26 =	rddreg [dreg:$0xf]  }
0x47: {  	[spmem:s26] =	stream.linear.scatter [tilespmem:s1], [sflag:$0xB], $0x1400, $0x38;
	[tilespmem:$0x1EE00] =	vst v63  }
0x48: {  	s28 =	rddreg [dreg:$0x10]  }
0x49: {  	[spmem:s28] =	stream.linear.scatter [tilespmem:s1], [sflag:$0xB], $0x1400, $0x38;
	[tilespmem:$0x1EE00] =	vst v63  }
0x4a: {  	s23 =	rddreg [dreg:$0x11]  }
0x4b: {  	[spmem:s23] =	stream.linear.scatter [tilespmem:s1], [sflag:$0xB], $0x1400, $0x38;
	[tilespmem:$0x1EE00] =	vst v63  }
0x4c: {  	s25 =	rddreg [dreg:$0x12]  }
0x4d: {  	[spmem:s25] =	stream.linear.scatter [tilespmem:s1], [sflag:$0xB], $0x1400, $0x38;
	[tilespmem:$0x1EE00] =	vst v63  }
0x4e: {  	s26 =	rddreg [dreg:$0x13]  }
0x4f: {  	[spmem:s26] =	stream.linear.scatter [tilespmem:s1], [sflag:$0xB], $0x1400, $0x38;
	[tilespmem:$0x1EE00] =	vst v63  }
0x50: {  	s28 =	rddreg [dreg:$0x14]  }
0x51: {  	[spmem:s28] =	stream.linear.scatter [tilespmem:s1], [sflag:$0xB], $0x1400, $0x38;
	[tilespmem:$0x1EE00] =	vst v63  }
0x52: {  	s23 =	rddreg [dreg:$0x15]  }
0x53: {  	[spmem:s23] =	stream.linear.scatter [tilespmem:s1], [sflag:$0xB], $0x1400, $0x38;
	[tilespmem:$0x1EE00] =	vst v63  }
0x54: {  	s25 =	rddreg [dreg:$0x16]  }
0x55: {  	[spmem:s25] =	stream.linear.scatter [tilespmem:s1], [sflag:$0xB], $0x1400, $0x38;
	[tilespmem:$0x1EE00] =	vst v63  }
0x56: {  	s26 =	rddreg [dreg:$0x17]  }
0x57: {  	[spmem:s26] =	stream.linear.scatter [tilespmem:s1], [sflag:$0xB], $0x1400, $0x38;
	[tilespmem:$0x1EE00] =	vst v63  }
0x58: {  	s28 =	rddreg [dreg:$0x1b]  }
0x59: {  	[spmem:s28] =	stream.linear.scatter [tilespmem:s1], [sflag:$0xB], $0x1400, $0x38;
	[tilespmem:$0x1EE00] =	vst v63  }
0x5a: {  	s23 =	rddreg [dreg:$0x1c]  }
0x5b: {  	[spmem:s23] =	stream.linear.scatter [tilespmem:s1], [sflag:$0xB], $0x1400, $0x38;
	[tilespmem:$0x1EE00] =	vst v63  }
0x5c: {  	s22 =	simm.s32 @!p0 $0x18780;
	s23 =	rddreg [dreg:$0x18]  }
0x5d: {  	[spmem:s23] =	stream.linear.scatter @!p0 [tilespmem:s22], [sflag:$0xB], $0x1400, $0x38;
	[tilespmem:$0x1EE00] =	vst v63  }
0x5e: {  	_ =	swait.ge [sflag:s31], $0x1400  }
0x5f: {  	[sflag:s31] =	ssyncset.done $0x0  }
0x60: {  	[sflag:s31] =	ssyncadd.s32 $0xFFFFEC00  }
0x61: {  	_ =	swait.ge [sflag:s31], $0x1400  }
0x62: {  	[sflag:s31] =	ssyncset.done $0x0  }
0x63: {  	[sflag:s31] =	ssyncadd.s32 $0xFFFFEC00  }
0x64: {  	_ =	swait.ge [sflag:s31], $0x1400  }
0x65: {  	[sflag:s31] =	ssyncset.done $0x0  }
0x66: {  	[sflag:s31] =	ssyncadd.s32 $0xFFFFEC00  }
0x67: {  	_ =	swait.ge [sflag:s31], $0x1400  }
0x68: {  	[sflag:s31] =	ssyncset.done $0x0  }
0x69: {  	[sflag:s31] =	ssyncadd.s32 $0xFFFFEC00  }
0x6a: {  	_ =	swait.ge [sflag:s31], $0x1400  }
0x6b: {  	[sflag:s31] =	ssyncset.done $0x0  }
0x6c: {  	[sflag:s31] =	ssyncadd.s32 $0xFFFFEC00  }
0x6d: {  	_ =	swait.ge [sflag:s31], $0x1400  }
0x6e: {  	[sflag:s31] =	ssyncset.done $0x0  }
0x6f: {  	[sflag:s31] =	ssyncadd.s32 $0xFFFFEC00  }
0x70: {  	_ =	swait.ge [sflag:s31], $0x1400  }
0x71: {  	[sflag:s31] =	ssyncset.done $0x0  }
0x72: {  	[sflag:s31] =	ssyncadd.s32 $0xFFFFEC00  }
0x73: {  	_ =	swait.ge [sflag:s31], $0x1400  }
0x74: {  	[sflag:s31] =	ssyncset.done $0x0  }
0x75: {  	[sflag:s31] =	ssyncadd.s32 $0xFFFFEC00  }
0x76: {  	_ =	swait.ge [sflag:s31], $0x1400  }
0x77: {  	[sflag:s31] =	ssyncset.done $0x0  }
0x78: {  	[sflag:s31] =	ssyncadd.s32 $0xFFFFEC00  }
0x79: {  	_ =	swait.ge [sflag:s31], $0x1400  }
0x7a: {  	[sflag:s31] =	ssyncset.done $0x0  }
0x7b: {  	[sflag:s31] =	ssyncadd.s32 $0xFFFFEC00  }
0x7c: {  	_ =	swait.ge [sflag:s31], $0x1400  }
0x7d: {  	[sflag:s31] =	ssyncset.done $0x0  }
0x7e: {  	[sflag:s31] =	ssyncadd.s32 $0xFFFFEC00  }
0x7f: {  	_ =	swait.ge [sflag:s31], $0x1400  }
0x80: {  	[sflag:s31] =	ssyncset.done $0x0  }
0x81: {  	[sflag:s31] =	ssyncadd.s32 $0xFFFFEC00  }
0x82: {  	_ =	swait.ge [sflag:s31], $0x1400  }
0x83: {  	[sflag:s31] =	ssyncset.done $0x0  }
0x84: {  	[sflag:s31] =	ssyncadd.s32 $0xFFFFEC00  }
0x85: {  	_ =	swait.ge [sflag:s31], $0x1400  }
0x86: {  	[sflag:s31] =	ssyncset.done $0x0  }
0x87: {  	[sflag:s31] =	ssyncadd.s32 $0xFFFFEC00  }
0x88: {  	_ =	swait.ge [sflag:s31], $0x1400  }
0x89: {  	[sflag:s31] =	ssyncset.done $0x0  }
0x8a: {  	s22 =	simm.s32 @!p2 $0xB;
	[sflag:s31] =	ssyncadd.s32 $0xFFFFEC00  }
0x8b: {  	_ =	swait.ge @!p2 [sflag:s22], $0x1400  }
0x8c: {  	[sflag:s22] =	ssyncset.done @!p2 $0x0  }
0x8d: {  	[sflag:s22] =	ssyncadd.s32 @!p2 $0xFFFFEC00  }
0x8e: {  	[bflag:$0x0] =	sbarrier.arrive $0xFFFF  }
0x8f: {  	[tilespmem:s1], [sflag:$0x1] =	stream.indirect.gather [hbm4b:s0+s2], $0x80, s24, s2, $0xb8;
	[tilespmem:$0x1EE00] =	vst v63  }
0x90: {  	p3 =	por $0x1, $0x1;
	s24 =	simm.s32 $0x138A8  }
0x91: {  	[tilespmem:s4], [sflag:$0x2] =	stream.indirect.gather [hbm4b:s0+s2], $0x80, s24, s2, $0xb8;
	[tilespmem:$0x1EE00] =	vst v63  }
0x92: {  	s25 =	simm.s32 $0x138D0;
	s22 =	simm.s32 @!p3 $0x9  }
0x93: {  	[tilespmem:s5], [sflag:$0x3] =	stream.indirect.gather [hbm4b:s0+s2], $0x80, s25, s2, $0xb8;
	[tilespmem:$0x1EE00] =	vst v63  }
0x94: {  	_ =	swait.ge @!p3 [sflag:s22], $0x1400  }
0x95: {  	[sflag:s22] =	ssyncset.done @!p3 $0x0  }
0x96: {  	s26 =	simm.s32 $0x138F8;
	[sflag:s22] =	ssyncadd.s32 @!p3 $0xFFFFEC00  }
0x97: {  	[tilespmem:s6], [sflag:$0x4] =	stream.indirect.gather [hbm4b:s0+s2], $0x80, s26, s2, $0xb8;
	[tilespmem:$0x1EE00] =	vst v63  }
0x98: {  	_ =	swait.ge [sflag:s7], $0x1400  }
0x99: {  	[sflag:s7] =	ssyncset.done $0x0  }
0x9a: {  	s22 =	simm.s32 $0x0;
	[sflag:s7] =	ssyncadd.s32 $0xFFFFEC00  }
0x9b: {  	v1 =	vld [tilespmem:s22+$0x16000];
	_ =	sdelay $0x4  }
0x9c: {  	[tilespmem:$0x1EB80] =	vst v1  }
0x9d: {  	v1 =	vld [tilespmem:s22+$0x16010];
	_ =	sdelay $0x4  }
0x9e: {  	[tilespmem:$0x1EB90] =	vst v1  }
0x9f: {  	v1 =	vld [tilespmem:s22+$0x16020];
	_ =	sdelay $0x4  }
0xa0: {  	s24 =	simm.s32 @!p3 $0xA;
	s28 =	rddreg [dreg:$0x4];
	[tilespmem:$0x1EBA0] =	vst v1  }
0xa1: {  	[spmem:s3] =	stream.indirect.scatter.add.f32 [tilespmem:s1], [sflag:$0x6], $0x80, s28, s2, $0xb8;
	[tilespmem:$0x1EE00] =	vst v63  }
0xa2: {  	_ =	swait.ge @!p3 [sflag:s24], $0x1400  }
0xa3: {  	[sflag:s24] =	ssyncset.done @!p3 $0x0  }
0xa4: {  	s25 =	simm.s32 $0x13920;
	[sflag:s24] =	ssyncadd.s32 @!p3 $0xFFFFEC00  }
0xa5: {  	[tilespmem:s8], [sflag:$0x5] =	stream.indirect.gather [hbm4b:s0+s2], $0x80, s25, s2, $0xb8;
	[tilespmem:$0x1EE00] =	vst v63  }
0xa6: {  	_ =	swait.ge [sflag:s9], $0x1400  }
0xa7: {  	[sflag:s9] =	ssyncset.done $0x0  }
0xa8: {  	[sflag:s9] =	ssyncadd.s32 $0xFFFFEC00  }
0xa9: {  	v1 =	vld [tilespmem:s22+$0x16028];
	_ =	sdelay $0x4  }
0xaa: {  	[tilespmem:$0x1EC00] =	vst v1  }
0xab: {  	v1 =	vld [tilespmem:s22+$0x16038];
	_ =	sdelay $0x4  }
0xac: {  	[tilespmem:$0x1EC10] =	vst v1  }
0xad: {  	v1 =	vld [tilespmem:s22+$0x16048];
	_ =	sdelay $0x4  }
0xae: {  	s26 =	rddreg [dreg:$0x5];
	[tilespmem:$0x1EC20] =	vst v1  }
0xaf: {  	[spmem:s3] =	stream.indirect.scatter.add.f32 [tilespmem:s4], [sflag:$0x7], $0x80, s26, s2, $0xb8;
	[tilespmem:$0x1EE00] =	vst v63  }
0xb0: {  	p3 =	por $0x0, $0x0;
	_ =	swait.ge [sflag:s11], $0x1400  }
0xb1: {  	s23 =	simm.s32 @!p3 $0x18780;
	[sflag:s11] =	ssyncset.done $0x0  }
0xb2: {  	s24 =	simm.s32 @!p3 $0x13948;
	s25 =	simm.s32 @!p3 $0x28;
	[sflag:s11] =	ssyncadd.s32 $0xFFFFEC00  }
0xb3: {  	[tilespmem:s23], [sflag:$0x1] =	stream.indirect.gather @!p3 [hbm4b:s0+s25], $0x80, s24, s25, $0xb8;
	[tilespmem:$0x1EE00] =	vst v63  }
0xb4: {  	_ =	swait.ge [sflag:s12], $0x1400  }
0xb5: {  	[sflag:s12] =	ssyncset.done $0x0  }
0xb6: {  	[sflag:s12] =	ssyncadd.s32 $0xFFFFEC00  }
0xb7: {  	v1 =	vld [tilespmem:s22+$0x16050];
	_ =	sdelay $0x4  }
0xb8: {  	[tilespmem:$0x1EC80] =	vst v1  }
0xb9: {  	v1 =	vld [tilespmem:s22+$0x16060];
	_ =	sdelay $0x4  }
0xba: {  	[tilespmem:$0x1EC90] =	vst v1  }
0xbb: {  	v1 =	vld [tilespmem:s22+$0x16070];
	_ =	sdelay $0x4  }
0xbc: {  	s28 =	rddreg [dreg:$0x6];
	[tilespmem:$0x1ECA0] =	vst v1  }
0xbd: {  	[spmem:s3] =	stream.indirect.scatter.add.f32 [tilespmem:s5], [sflag:$0x8], $0x80, s28, s2, $0xb8;
	[tilespmem:$0x1EE00] =	vst v63  }
0xbe: {  	_ =	swait.ge [sflag:s13], $0x1400  }
0xbf: {  	[sflag:s13] =	ssyncset.done $0x0  }
0xc0: {  	s23 =	simm.s32 @!p3 $0x13970;
	s24 =	simm.s32 @!p3 $0x19B80;
	[sflag:s13] =	ssyncadd.s32 $0xFFFFEC00  }
0xc1: {  	[tilespmem:s24], [sflag:$0x2] =	stream.indirect.gather @!p3 [hbm4b:s0+s25], $0x80, s23, s25, $0xb8;
	[tilespmem:$0x1EE00] =	vst v63  }
0xc2: {  	_ =	swait.ge [sflag:s14], $0x1400  }
0xc3: {  	[sflag:s14] =	ssyncset.done $0x0  }
0xc4: {  	[sflag:s14] =	ssyncadd.s32 $0xFFFFEC00  }
0xc5: {  	v1 =	vld [tilespmem:s22+$0x16078];
	_ =	sdelay $0x4  }
0xc6: {  	[tilespmem:$0x1ED00] =	vst v1  }
0xc7: {  	v1 =	vld [tilespmem:s22+$0x16088];
	_ =	sdelay $0x4  }
0xc8: {  	[tilespmem:$0x1ED10] =	vst v1  }
0xc9: {  	v1 =	vld [tilespmem:s22+$0x16098];
	_ =	sdelay $0x4  }
0xca: {  	[tilespmem:$0x1ED20] =	vst v1  }
0xcb: {  	[spmem:s3] =	stream.indirect.scatter.add.f32 [tilespmem:s6], [sflag:$0x9], $0x80, s15, s2, $0xb8;
	[tilespmem:$0x1EE00] =	vst v63  }
0xcc: {  	_ =	swait.ge [sflag:s16], $0x1400  }
0xcd: {  	[sflag:s16] =	ssyncset.done $0x0  }
0xce: {  	s23 =	simm.s32 @!p3 $0x13998;
	s24 =	simm.s32 @!p3 $0x1AF80;
	[sflag:s16] =	ssyncadd.s32 $0xFFFFEC00  }
0xcf: {  	[tilespmem:s24], [sflag:$0x3] =	stream.indirect.gather @!p3 [hbm4b:s0+s25], $0x80, s23, s25, $0xb8;
	[tilespmem:$0x1EE00] =	vst v63  }
0xd0: {  	_ =	swait.ge [sflag:s17], $0x1400  }
0xd1: {  	[sflag:s17] =	ssyncset.done $0x0  }
0xd2: {  	[sflag:s17] =	ssyncadd.s32 $0xFFFFEC00  }
0xd3: {  	v1 =	vld [tilespmem:s22+$0x160A0];
	_ =	sdelay $0x4  }
0xd4: {  	[tilespmem:$0x1ED80] =	vst v1  }
0xd5: {  	v1 =	vld [tilespmem:s22+$0x160B0];
	_ =	sdelay $0x4  }
0xd6: {  	[tilespmem:$0x1ED90] =	vst v1  }
0xd7: {  	s29 =	simm.s32 $0x320;
	p4 =	por $0x0, $0x0;
	v1 =	vld [tilespmem:s22+$0x160C0];
	s22 =	simm.s32 $0x640  }
.LBB2_4:
0xd8: {  	_ =	sdelay $0x3  }
0xd9: {  	s25 =	simm.s32 @!p4 $0x9;
	[tilespmem:$0x1EDA0] =	vst v1  }
0xda: {  	[spmem:s3] =	stream.indirect.scatter.add.f32 [tilespmem:s8], [sflag:$0xA], $0x80, s18, s2, $0xb8;
	[tilespmem:$0x1EE00] =	vst v63  }
0xdb: {  	_ =	swait.ge @!p4 [sflag:s25], $0x1400  }
0xdc: {  	s23 =	sshra.s32 s29, $0x2;
	[sflag:s25] =	ssyncset.done @!p4 $0x0  }
0xdd: {  	s26 =	sadd.s32 $0x138F8, s23;
	[sflag:s25] =	ssyncadd.s32 @!p4 $0xFFFFEC00  }
0xde: {  	[tilespmem:s6], [sflag:$0x4] =	stream.indirect.gather [hbm4b:s0+s2], $0x80, s26, s2, $0xb8;
	[tilespmem:$0x1EE00] =	vst v63  }
0xdf: {  	_ =	swait.ge [sflag:s7], $0x1400  }
0xe0: {  	[sflag:s7] =	ssyncset.done $0x0  }
0xe1: {  	[sflag:s7] =	ssyncadd.s32 $0xFFFFEC00  }
0xe2: {  	v1 =	vld [tilespmem:s23+$0x16000];
	_ =	sdelay $0x4  }
0xe3: {  	[tilespmem:$0x1EB80] =	vst v1  }
0xe4: {  	v1 =	vld [tilespmem:s23+$0x16010];
	_ =	sdelay $0x4  }
0xe5: {  	[tilespmem:$0x1EB90] =	vst v1  }
0xe6: {  	v1 =	vld [tilespmem:s23+$0x16020];
	_ =	sdelay $0x4  }
0xe7: {  	s26 =	simm.s32 @!p4 $0xA;
	s28 =	rddreg [dreg:$0x4];
	[tilespmem:$0x1EBA0] =	vst v1  }
0xe8: {  	[spmem:s3] =	stream.indirect.scatter.add.f32 [tilespmem:s1], [sflag:$0x6], $0x80, s28, s2, $0xb8;
	[tilespmem:$0x1EE00] =	vst v63  }
0xe9: {  	_ =	swait.ge @!p4 [sflag:s26], $0x1400  }
0xea: {  	[sflag:s26] =	ssyncset.done @!p4 $0x0  }
0xeb: {  	[sflag:s26] =	ssyncadd.s32 @!p4 $0xFFFFEC00;
	s26 =	sadd.s32 $0x13920, s23  }
0xec: {  	[tilespmem:s8], [sflag:$0x5] =	stream.indirect.gather [hbm4b:s0+s2], $0x80, s26, s2, $0xb8;
	[tilespmem:$0x1EE00] =	vst v63  }
0xed: {  	_ =	swait.ge [sflag:s9], $0x1400  }
0xee: {  	[sflag:s9] =	ssyncset.done $0x0  }
0xef: {  	[sflag:s9] =	ssyncadd.s32 $0xFFFFEC00  }
0xf0: {  	v1 =	vld [tilespmem:s23+$0x16028];
	_ =	sdelay $0x4  }
0xf1: {  	[tilespmem:$0x1EC00] =	vst v1  }
0xf2: {  	v1 =	vld [tilespmem:s23+$0x16038];
	_ =	sdelay $0x4  }
0xf3: {  	[tilespmem:$0x1EC10] =	vst v1  }
0xf4: {  	v1 =	vld [tilespmem:s23+$0x16048];
	_ =	sdelay $0x4  }
0xf5: {  	s28 =	rddreg [dreg:$0x5];
	[tilespmem:$0x1EC20] =	vst v1  }
0xf6: {  	[spmem:s3] =	stream.indirect.scatter.add.f32 [tilespmem:s4], [sflag:$0x7], $0x80, s28, s2, $0xb8;
	[tilespmem:$0x1EE00] =	vst v63  }
0xf7: {  	p4 =	seq.s32 s29, $0x9920;
	_ =	swait.ge [sflag:s11], $0x1400  }
0xf8: {  	s26 =	sshra.s32 @!p4 s29, $0x2;
	s29 =	simm.s32 @!p4 $0x18780;
	[sflag:s11] =	ssyncset.done $0x0  }
0xf9: {  	s25 =	simm.s32 @!p4 $0x28;
	s28 =	sadd.s32 @!p4 $0x13948, s26;
	[sflag:s11] =	ssyncadd.s32 $0xFFFFEC00  }
0xfa: {  	[tilespmem:s29], [sflag:$0x1] =	stream.indirect.gather @!p4 [hbm4b:s0+s25], $0x80, s28, s25, $0xb8;
	[tilespmem:$0x1EE00] =	vst v63  }
0xfb: {  	_ =	swait.ge [sflag:s12], $0x1400  }
0xfc: {  	[sflag:s12] =	ssyncset.done $0x0  }
0xfd: {  	[sflag:s12] =	ssyncadd.s32 $0xFFFFEC00  }
0xfe: {  	v1 =	vld [tilespmem:s23+$0x16050];
	_ =	sdelay $0x4  }
0xff: {  	[tilespmem:$0x1EC80] =	vst v1  }
0x100: {  	v1 =	vld [tilespmem:s23+$0x16060];
	_ =	sdelay $0x4  }
0x101: {  	[tilespmem:$0x1EC90] =	vst v1  }
0x102: {  	v1 =	vld [tilespmem:s23+$0x16070];
	_ =	sdelay $0x3  }
0x103: {  	s24 =	smov.u32 s22  }
0x104: {  	s29 =	smov.u32 s24;
	s24 =	rddreg [dreg:$0x6];
	[tilespmem:$0x1ECA0] =	vst v1  }
0x105: {  	[spmem:s3] =	stream.indirect.scatter.add.f32 [tilespmem:s5], [sflag:$0x8], $0x80, s24, s2, $0xb8;
	[tilespmem:$0x1EE00] =	vst v63  }
0x106: {  	_ =	swait.ge [sflag:s13], $0x1400  }
0x107: {  	[sflag:s13] =	ssyncset.done $0x0  }
0x108: {  	s28 =	sadd.s32 @!p4 $0x13970, s26;
	s24 =	simm.s32 @!p4 $0x19B80;
	[sflag:s13] =	ssyncadd.s32 $0xFFFFEC00  }
0x109: {  	[tilespmem:s24], [sflag:$0x2] =	stream.indirect.gather @!p4 [hbm4b:s0+s25], $0x80, s28, s25, $0xb8;
	[tilespmem:$0x1EE00] =	vst v63  }
0x10a: {  	_ =	swait.ge [sflag:s14], $0x1400  }
0x10b: {  	[sflag:s14] =	ssyncset.done $0x0  }
0x10c: {  	[sflag:s14] =	ssyncadd.s32 $0xFFFFEC00  }
0x10d: {  	v1 =	vld [tilespmem:s23+$0x16078];
	_ =	sdelay $0x4  }
0x10e: {  	[tilespmem:$0x1ED00] =	vst v1  }
0x10f: {  	v1 =	vld [tilespmem:s23+$0x16088];
	_ =	sdelay $0x4  }
0x110: {  	[tilespmem:$0x1ED10] =	vst v1  }
0x111: {  	v1 =	vld [tilespmem:s23+$0x16098];
	_ =	sdelay $0x4  }
0x112: {  	[tilespmem:$0x1ED20] =	vst v1  }
0x113: {  	[spmem:s3] =	stream.indirect.scatter.add.f32 [tilespmem:s6], [sflag:$0x9], $0x80, s15, s2, $0xb8;
	[tilespmem:$0x1EE00] =	vst v63  }
0x114: {  	_ =	swait.ge [sflag:s16], $0x1400  }
0x115: {  	[sflag:s16] =	ssyncset.done $0x0  }
0x116: {  	s26 =	sadd.s32 @!p4 $0x13998, s26;
	s24 =	simm.s32 @!p4 $0x1AF80;
	[sflag:s16] =	ssyncadd.s32 $0xFFFFEC00  }
0x117: {  	[tilespmem:s24], [sflag:$0x3] =	stream.indirect.gather @!p4 [hbm4b:s0+s25], $0x80, s26, s25, $0xb8;
	[tilespmem:$0x1EE00] =	vst v63  }
0x118: {  	_ =	swait.ge [sflag:s17], $0x1400  }
0x119: {  	[sflag:s17] =	ssyncset.done $0x0  }
0x11a: {  	[sflag:s17] =	ssyncadd.s32 $0xFFFFEC00  }
0x11b: {  	v1 =	vld [tilespmem:s23+$0x160A0];
	_ =	sdelay $0x4  }
0x11c: {  	[tilespmem:$0x1ED80] =	vst v1  }
0x11d: {  	s22 =	sadd.s32 $0x320, s22;
	v1 =	vld [tilespmem:s23+$0x160B0]  }
0x11e: {  	p3 =	sne.s32 s22, $0x9C40  }
.Ltmp1:
0x11f: {  	_ = 	snop;
	(pc) =	sbr.rel @p3 .LBB2_4-.Ltmp1, $3  }
0x120: {  	_ =	sdelay $0x1  }
0x121: {  	[tilespmem:$0x1ED90] =	vst v1  }
0x122: {  	p4 =	seq.s32 s29, $0x0;
	v1 =	vld [tilespmem:s23+$0x160C0]  }
0x123: {  	_ =	sdelay $0x3  }
0x124: {  	s23 =	simm.s32 @!p4 $0x9;
	[tilespmem:$0x1EDA0] =	vst v1  }
0x125: {  	[spmem:s3] =	stream.indirect.scatter.add.f32 [tilespmem:s8], [sflag:$0xA], $0x80, s18, s2, $0xb8;
	[tilespmem:$0x1EE00] =	vst v63  }
0x126: {  	_ =	swait.ge @!p4 [sflag:s23], $0x1400  }
0x127: {  	s22 =	sshra.s32 s29, $0x2;
	[sflag:s23] =	ssyncset.done @!p4 $0x0  }
0x128: {  	s26 =	sadd.s32 $0x138F8, s22;
	[sflag:s23] =	ssyncadd.s32 @!p4 $0xFFFFEC00  }
0x129: {  	[tilespmem:s6], [sflag:$0x4] =	stream.indirect.gather [hbm4b:s0+s2], $0x80, s26, s2, $0xb8;
	[tilespmem:$0x1EE00] =	vst v63  }
0x12a: {  	_ =	swait.ge [sflag:s7], $0x1400  }
0x12b: {  	[sflag:s7] =	ssyncset.done $0x0  }
0x12c: {  	[sflag:s7] =	ssyncadd.s32 $0xFFFFEC00  }
0x12d: {  	v1 =	vld [tilespmem:s22+$0x16000];
	_ =	sdelay $0x4  }
0x12e: {  	[tilespmem:$0x1EB80] =	vst v1  }
0x12f: {  	v1 =	vld [tilespmem:s22+$0x16010];
	_ =	sdelay $0x4  }
0x130: {  	[tilespmem:$0x1EB90] =	vst v1  }
0x131: {  	v1 =	vld [tilespmem:s22+$0x16020];
	_ =	sdelay $0x4  }
0x132: {  	s24 =	simm.s32 @!p4 $0xA;
	s28 =	rddreg [dreg:$0x4];
	[tilespmem:$0x1EBA0] =	vst v1  }
0x133: {  	[spmem:s3] =	stream.indirect.scatter.add.f32 [tilespmem:s1], [sflag:$0x6], $0x80, s28, s2, $0xb8;
	[tilespmem:$0x1EE00] =	vst v63  }
0x134: {  	_ =	swait.ge @!p4 [sflag:s24], $0x1400  }
0x135: {  	[sflag:s24] =	ssyncset.done @!p4 $0x0  }
0x136: {  	s25 =	sadd.s32 $0x13920, s22;
	[sflag:s24] =	ssyncadd.s32 @!p4 $0xFFFFEC00  }
0x137: {  	[tilespmem:s8], [sflag:$0x5] =	stream.indirect.gather [hbm4b:s0+s2], $0x80, s25, s2, $0xb8;
	[tilespmem:$0x1EE00] =	vst v63  }
0x138: {  	_ =	swait.ge [sflag:s9], $0x1400  }
0x139: {  	[sflag:s9] =	ssyncset.done $0x0  }
0x13a: {  	[sflag:s9] =	ssyncadd.s32 $0xFFFFEC00  }
0x13b: {  	v1 =	vld [tilespmem:s22+$0x16028];
	_ =	sdelay $0x4  }
0x13c: {  	[tilespmem:$0x1EC00] =	vst v1  }
0x13d: {  	v1 =	vld [tilespmem:s22+$0x16038];
	_ =	sdelay $0x4  }
0x13e: {  	[tilespmem:$0x1EC10] =	vst v1  }
0x13f: {  	v1 =	vld [tilespmem:s22+$0x16048];
	_ =	sdelay $0x4  }
0x140: {  	s26 =	rddreg [dreg:$0x5];
	[tilespmem:$0x1EC20] =	vst v1  }
0x141: {  	[spmem:s3] =	stream.indirect.scatter.add.f32 [tilespmem:s4], [sflag:$0x7], $0x80, s26, s2, $0xb8;
	[tilespmem:$0x1EE00] =	vst v63  }
0x142: {  	p3 =	seq.s32 s29, $0x9920;
	_ =	swait.ge [sflag:s11], $0x1400  }
0x143: {  	s23 =	sshra.s32 @!p3 s29, $0x2;
	s24 =	simm.s32 @!p3 $0x18780;
	[sflag:s11] =	ssyncset.done $0x0  }
0x144: {  	s25 =	sadd.s32 @!p3 $0x13948, s23;
	s26 =	simm.s32 @!p3 $0x28;
	[sflag:s11] =	ssyncadd.s32 $0xFFFFEC00  }
0x145: {  	[tilespmem:s24], [sflag:$0x1] =	stream.indirect.gather @!p3 [hbm4b:s0+s26], $0x80, s25, s26, $0xb8;
	[tilespmem:$0x1EE00] =	vst v63  }
0x146: {  	_ =	swait.ge [sflag:s12], $0x1400  }
0x147: {  	[sflag:s12] =	ssyncset.done $0x0  }
0x148: {  	[sflag:s12] =	ssyncadd.s32 $0xFFFFEC00  }
0x149: {  	v1 =	vld [tilespmem:s22+$0x16050];
	_ =	sdelay $0x4  }
0x14a: {  	[tilespmem:$0x1EC80] =	vst v1  }
0x14b: {  	v1 =	vld [tilespmem:s22+$0x16060];
	_ =	sdelay $0x4  }
0x14c: {  	[tilespmem:$0x1EC90] =	vst v1  }
0x14d: {  	v1 =	vld [tilespmem:s22+$0x16070];
	_ =	sdelay $0x4  }
0x14e: {  	s28 =	rddreg [dreg:$0x6];
	[tilespmem:$0x1ECA0] =	vst v1  }
0x14f: {  	[spmem:s3] =	stream.indirect.scatter.add.f32 [tilespmem:s5], [sflag:$0x8], $0x80, s28, s2, $0xb8;
	[tilespmem:$0x1EE00] =	vst v63  }
0x150: {  	_ =	swait.ge [sflag:s13], $0x1400  }
0x151: {  	[sflag:s13] =	ssyncset.done $0x0  }
0x152: {  	s24 =	sadd.s32 @!p3 $0x13970, s23;
	s25 =	simm.s32 @!p3 $0x19B80;
	[sflag:s13] =	ssyncadd.s32 $0xFFFFEC00  }
0x153: {  	[tilespmem:s25], [sflag:$0x2] =	stream.indirect.gather @!p3 [hbm4b:s0+s26], $0x80, s24, s26, $0xb8;
	[tilespmem:$0x1EE00] =	vst v63  }
0x154: {  	_ =	swait.ge [sflag:s14], $0x1400  }
0x155: {  	[sflag:s14] =	ssyncset.done $0x0  }
0x156: {  	[sflag:s14] =	ssyncadd.s32 $0xFFFFEC00  }
0x157: {  	v1 =	vld [tilespmem:s22+$0x16078];
	_ =	sdelay $0x4  }
0x158: {  	[tilespmem:$0x1ED00] =	vst v1  }
0x159: {  	v1 =	vld [tilespmem:s22+$0x16088];
	_ =	sdelay $0x4  }
0x15a: {  	[tilespmem:$0x1ED10] =	vst v1  }
0x15b: {  	v1 =	vld [tilespmem:s22+$0x16098];
	_ =	sdelay $0x4  }
0x15c: {  	[tilespmem:$0x1ED20] =	vst v1  }
0x15d: {  	[spmem:s3] =	stream.indirect.scatter.add.f32 [tilespmem:s6], [sflag:$0x9], $0x80, s15, s2, $0xb8;
	[tilespmem:$0x1EE00] =	vst v63  }
0x15e: {  	_ =	swait.ge [sflag:s16], $0x1400  }
0x15f: {  	[sflag:s16] =	ssyncset.done $0x0  }
0x160: {  	s23 =	sadd.s32 @!p3 $0x13998, s23;
	s24 =	simm.s32 @!p3 $0x1AF80;
	[sflag:s16] =	ssyncadd.s32 $0xFFFFEC00  }
0x161: {  	[tilespmem:s24], [sflag:$0x3] =	stream.indirect.gather @!p3 [hbm4b:s0+s26], $0x80, s23, s26, $0xb8;
	[tilespmem:$0x1EE00] =	vst v63  }
0x162: {  	_ =	swait.ge [sflag:s17], $0x1400  }
0x163: {  	[sflag:s17] =	ssyncset.done $0x0  }
0x164: {  	[sflag:s17] =	ssyncadd.s32 $0xFFFFEC00  }
0x165: {  	v1 =	vld [tilespmem:s22+$0x160A0];
	_ =	sdelay $0x4  }
0x166: {  	[tilespmem:$0x1ED80] =	vst v1  }
0x167: {  	v1 =	vld [tilespmem:s22+$0x160B0];
	_ =	sdelay $0x4  }
0x168: {  	[tilespmem:$0x1ED90] =	vst v1  }
0x169: {  	v1 =	vld [tilespmem:s22+$0x160C0];
	_ =	sdelay $0x4  }
0x16a: {  	[tilespmem:$0x1EDA0] =	vst v1  }
0x16b: {  	[spmem:s3] =	stream.indirect.scatter.add.f32 [tilespmem:s8], [sflag:$0xA], $0x80, s18, s2, $0xb8;
	[tilespmem:$0x1EE00] =	vst v63  }
0x16c: {  	_ =	swait.ge [sflag:s19], $0x1400  }
0x16d: {  	[sflag:s19] =	ssyncset.done $0x0  }
0x16e: {  	[sflag:s19] =	ssyncadd.s32 $0xFFFFEC00  }
0x16f: {  	_ =	swait.ge [sflag:s20], $0x1400  }
0x170: {  	[sflag:s20] =	ssyncset.done $0x0  }
0x171: {  	[sflag:s20] =	ssyncadd.s32 $0xFFFFEC00  }
0x172: {  	[bflag:$0x0] =	sbarrier.arrive $0xFFFF  }
0x173: {  	s23 =	rddreg [dreg:$0xa]  }
0x174: {  	s22 =	simm.s32 @p1 $0x1FCC;
	s24 =	rddreg [dreg:$0x19]  }
0x175: {  	[hbm:s23], [sflag:s22] =	dma.local @p1 [spmem:s24], $0x1900  }
0x176: {  	s22 =	simm.s32 @p1 $0xC  }
0x177: {  	s23 =	stileid.u32;
	_ =	swait.ge @p1 [sflag:s22], $0x1900  }
0x178: {  	s23 =	sshll.u32 @!p1 s23, $0x6;
	[sflag:s22] =	ssyncset.done @p1 $0x0;
	s24 =	rddreg [dreg:$0x1a]  }
0x179: {  	[sflag:s22] =	ssyncadd.s32 @p1 $0xFFFFE700;
	s22 =	sor.u32 @!p1 $0x1C0C, s23;
	s23 =	rddreg [dreg:$0x9]  }
0x17a: {  	[hbm:s23], [sflag:s22] =	dma.local @!p1 [spmem:s24], $0x2800  }
0x17b: {  	s22 =	simm.s32 @!p1 $0xC  }
0x17c: {  	_ =	swait.ge @!p1 [sflag:s22], $0x2800  }
0x17d: {  	s21 =	sadd.s32 $0x1, s21;
	s29 =	rddreg [dreg:$0xb]  }
0x17e: {  	p3 =	sne.s32 s21, s29  }
.Ltmp2:
0x17f: {  	_ = 	snop;
	(pc) =	sbr.rel @p3 .LBB2_1-.Ltmp2, $3  }
0x180: {  	_ =	sdelay $0x1  }
0x181: {  	[sflag:s22] =	ssyncset.done @!p1 $0x0  }
0x182: {  	s24 =	simm.s32 $0x13880;
	[sflag:s22] =	ssyncadd.s32 @!p1 $0xFFFFD800  }
0x183: {  	_ =	sfence.sel $0x180000  }
0x184: {  	[bflag:$0x0] =	sbarrier.arrive $0xFFFF  }
0x185: {  	_ =	strace $0x90000047  }
0x186: {  	s0 =	stileid.u32;
	[bflag:$0x2] =	sbarrier.arrive $0xFFFF  }
0x187: {  	p0 =	sne.s32 s0, $0x0;
	s0 =	rddreg [dreg:$0x3]  }
0x188: {  	s0 =	sadd.s32 @!p0 $0x100000, s0  }
0x189: {  	[sflag:s0] =	ssyncadd.tile.s32 @!p0 $0x1;
	_ =	shalt  }
.Lfunc_end2:
_tile_overlayer_lowered:
.L_overlay_start_2:
0x18a: {  	(tag) =	ssettag $0x2  }
0x18b: {  	s0 =	rddreg [dreg:$0x0];
	s2 =	stileid.u32  }
0x18c: {  	s1 =	rddreg [dreg:$0x1];
	p0 =	sne.s32 s2, $0x0  }
0x18d: {  	s3 =	rddreg [dreg:$0x2];
	[bflag:$0x3] =	sbarrier.arrive $0xFFFF;
	s2 =	simm.s32 @!p0 $0x1C0C  }
0x18e: {  	[timem:s3], [sflag:s2] =	dma.local @!p0 [hbm:s0], s1  }
0x18f: {  	s0 =	simm.s32 @!p0 $0xC  }
0x190: {  	_ =	swait.ge @!p0 [sflag:s0], s1  }
0x191: {  	s1 =	ssub.s32 @!p0 $0x0, s1;
	[sflag:s0] =	ssyncset.done @!p0 $0x0  }
0x192: {  	[sflag:s0] =	ssyncadd.s32 @!p0 s1  }
0x193: {  	[bflag:$0x3] =	sbarrier.arrive $0xFFFF  }
0x194: {  	_ =	shalt  }

</sc_bundles>
